<compile_context>
chip_gen: v7x
topology: tpu7x:2x2x1
jax: 0.10.2.dev20260603
libtpu: 0.0.44.dev20260713+nightly
codegen_flags: <defaults>
</compile_context>

<pallas_src>
import dataclasses
import functools

import jax
import jax.numpy as jnp
from jax import lax
from jax.experimental import pallas as pl
from jax.experimental.pallas import tpu as pltpu
from jax.experimental.pallas import tpu_sc as plsc

N_EMBED = 16
BATCH = 16384
NUM_CORES = 2
NUM_SUBCORES = 16
NUM_WORKERS = NUM_CORES * NUM_SUBCORES
B_PER_W = BATCH // NUM_WORKERS
LANES = 16
N_ROWS = 1000000
N_TILE_COLS = (N_ROWS + 127) // 128
PLANE = N_TILE_COLS * 1024
N_LINES = 2 * N_TILE_COLS * 8
FLAT = N_LINES * 128
CHUNK_COLS = 76928
LINES_PER_STEP = CHUNK_COLS // 16


def _tc_repack(wu_t, wi_t):

    def body(u_ref, i_ref, ou_ref, oi_ref):
        ou_ref[...] = pltpu.einshape("a(bc)->(ba)c", u_ref[...], c=128)
        oi_ref[...] = pltpu.einshape("a(bc)->(ba)c", i_ref[...], c=128)

    in_spec = pl.BlockSpec((8, CHUNK_COLS), lambda e, i: (e, i))
    out_spec = pl.BlockSpec(
        (LINES_PER_STEP, 128), lambda e, i: (e * 13 + i, 0)
    )
    return pl.pallas_call(
        body,
        grid=(2, 13),
        in_specs=[in_spec, in_spec],
        out_specs=[out_spec, out_spec],
        out_shape=[
            jax.ShapeDtypeStruct((N_LINES, 128), jnp.float32),
            jax.ShapeDtypeStruct((N_LINES, 128), jnp.float32),
        ],
        compiler_params=pltpu.CompilerParams(
            dimension_semantics=("parallel", "arbitrary"),
        ),
    )(wu_t, wi_t)


def _sc_embed_dot(u_idx, i_idx, mu, bias, wu_flat, wi_flat):
    mesh = plsc.VectorSubcoreMesh(core_axis_name="c", subcore_axis_name="s")

    cp = pltpu.CompilerParams()
    fields = pltpu.CompilerParams.__dataclass_fields__
    if "needs_layout_passes" in fields:
        cp = dataclasses.replace(cp, needs_layout_passes=False)

    @functools.partial(
        pl.kernel,
        compiler_params=cp,
        out_type=jax.ShapeDtypeStruct((BATCH,), jnp.float32),
        mesh=mesh,
        scratch_types=[
            pltpu.VMEM((B_PER_W,), jnp.int32),
            pltpu.VMEM((B_PER_W,), jnp.int32),
            pltpu.VMEM((N_EMBED * B_PER_W,), jnp.int32),
            pltpu.VMEM((N_EMBED * B_PER_W,), jnp.int32),
            pltpu.VMEM((N_EMBED * B_PER_W,), jnp.float32),
            pltpu.VMEM((N_EMBED * B_PER_W,), jnp.float32),
            pltpu.VMEM((B_PER_W,), jnp.float32),
            pltpu.VMEM((B_PER_W,), jnp.float32),
            pltpu.VMEM((B_PER_W,), jnp.float32),
            pltpu.SemaphoreType.DMA,
        ],
    )
    def k(u_hbm, i_hbm, mu_hbm, b_hbm, wu_hbm, wi_hbm, out_hbm,
          uidx_v, iidx_v, pu_v, pi_v, uval_v, ival_v, mu_v, b_v, out_v,
          sem):
        wid = lax.axis_index("s") * NUM_CORES + lax.axis_index("c")
        base = wid * B_PER_W
        sl = pl.ds(base, B_PER_W)

        pltpu.sync_copy(u_hbm.at[sl], uidx_v)
        pltpu.sync_copy(i_hbm.at[sl], iidx_v)

        @pl.loop(0, B_PER_W, step=LANES)
        def _(c):
            u16 = uidx_v[pl.ds(c, LANES)]
            ub = ((u16 >> 7) << 10) + (u16 & 127)
            for e in range(N_EMBED):
                off = (e // 8) * PLANE + (e % 8) * 128
                pu_v[pl.ds(e * B_PER_W + c, LANES)] = ub + off

        cp_u = pltpu.async_copy(wu_hbm.at[pu_v], uval_v, sem)

        @pl.loop(0, B_PER_W, step=LANES)
        def _(c):
            i16 = iidx_v[pl.ds(c, LANES)]
            ib = ((i16 >> 7) << 10) + (i16 & 127)
            for e in range(N_EMBED):
                off = (e // 8) * PLANE + (e % 8) * 128
                pi_v[pl.ds(e * B_PER_W + c, LANES)] = ib + off

        cp_i = pltpu.async_copy(wi_hbm.at[pi_v], ival_v, sem)
        pltpu.sync_copy(mu_hbm.at[sl], mu_v)
        pltpu.sync_copy(b_hbm.at[sl], b_v)
        cp_u.wait()
        cp_i.wait()

        @pl.loop(0, B_PER_W, step=LANES)
        def _(c):
            acc = mu_v[pl.ds(c, LANES)] + 2.0 * b_v[pl.ds(c, LANES)]
            for e in range(N_EMBED):
                uv = uval_v[pl.ds(e * B_PER_W + c, LANES)]
                iv = ival_v[pl.ds(e * B_PER_W + c, LANES)]
                acc = acc + uv * iv
            out_v[pl.ds(c, LANES)] = acc

        pltpu.sync_copy(out_v, out_hbm.at[sl])

    return k(u_idx, i_idx, mu, bias, wu_flat, wi_flat)


def kernel(x, W_user, W_item):
    u_idx = x[:, 0].astype(jnp.int32)
    i_idx = x[:, 1].astype(jnp.int32)
    mu = x[:, 2]
    bias = x[:, 3]
    wu_c, wi_c = _tc_repack(W_user.T, W_item.T)
    return _sc_embed_dot(u_idx, i_idx, mu, bias,
                         wu_c.reshape(-1), wi_c.reshape(-1))

# --- scband reference (transcript-rebuilt; emitter-appended) ---
"""Pipeline reference for scband-embedding-34153579938140 (READ-ONLY COPY).

The authoritative reference and input builder live on the scoring server;
editing this copy changes nothing except your own understanding.
"""

import jax, jax.numpy as jnp
import numpy as np

N_USER = 1000000
N_ITEM = 1000000
N_EMBED = 16
BATCH = 16384

def setup_inputs(seed: int = 0) -> dict:
    key = jax.random.key(seed)
    k1, k2, k3 = jax.random.split(key, 3)
    # x packs [user_idx, item_idx, mu, bias] as floats; indices drawn in-range
    x = jax.random.randint(k1, (BATCH, 4), 0, N_USER).astype(jnp.float32)
    W_user = jax.random.normal(k2, (N_USER, N_EMBED), dtype=jnp.float32) * 0.02
    W_item = jax.random.normal(k3, (N_ITEM, N_EMBED), dtype=jnp.float32) * 0.02
    return {"x": x, "W_user": W_user, "W_item": W_item}

def reference(x, W_user, W_item):
    u = x[:, 0].astype(jnp.int32)
    i = x[:, 1].astype(jnp.int32)
    x_user = jnp.take(W_user, u, axis=0)
    x_item = jnp.take(W_item, i, axis=0)
    mu = x[:, 2]
    b_user = x[:, 3]
    b_item = x[:, 3]  # faithful to original module: both biases read column 3
    out = mu + b_user + b_item + jnp.sum(x_user * x_item, axis=1)
    return out

if __name__ == "__main__":
    import jax
    _d = setup_inputs()
    print(jax.jit(kernel)(*tuple(_d.values())))

</pallas_src>

<mosaic_0001>
#map = affine_map<(d0, d1) -> (0)>
module attributes {stable_mosaic.version = 14 : i64} {
  func.func @k(%arg0: i32, %arg1: i32, %arg2: memref<16384xi32, #tpu.memory_space<hbm>>, %arg3: memref<16384xi32, #tpu.memory_space<hbm>>, %arg4: memref<16384xf32, #tpu.memory_space<hbm>>, %arg5: memref<16384xf32, #tpu.memory_space<hbm>>, %arg6: memref<16001024xf32, #tpu.memory_space<hbm>>, %arg7: memref<16001024xf32, #tpu.memory_space<hbm>>, %arg8: memref<16384xf32, #tpu.memory_space<hbm>>, %arg9: memref<512xi32, #tpu.memory_space<vmem>>, %arg10: memref<512xi32, #tpu.memory_space<vmem>>, %arg11: memref<8192xi32, #tpu.memory_space<vmem>>, %arg12: memref<8192xi32, #tpu.memory_space<vmem>>, %arg13: memref<8192xf32, #tpu.memory_space<vmem>>, %arg14: memref<8192xf32, #tpu.memory_space<vmem>>, %arg15: memref<512xf32, #tpu.memory_space<vmem>>, %arg16: memref<512xf32, #tpu.memory_space<vmem>>, %arg17: memref<512xf32, #tpu.memory_space<vmem>>, %arg18: memref<!tpu.dma_semaphore, #tpu.memory_space<semaphore_mem>>) attributes {dimension_semantics = [#tpu.dimension_semantics<core_parallel>, #tpu.dimension_semantics<subcore_parallel>], iteration_bounds = array<i64: 2, 16>, scalar_prefetch = 0 : i64, scratch_operands = 10 : i64, tpu.core_type = #tpu.core_type<sc_vector_subcore>, window_params = [{transform_indices = #map}, {transform_indices = #map}, {transform_indices = #map}, {transform_indices = #map}, {transform_indices = #map}, {transform_indices = #map}, {transform_indices = #map}]} {
    %mul3A = arith.constant 2 : i32
    %mul3A_0 = arith.muli %arg1, %mul3A : i32
    %add3A = arith.addi %mul3A_0, %arg0 : i32
    %mul3A_1 = arith.constant 512 : i32
    %mul3A_2 = arith.muli %add3A, %mul3A_1 : i32
    "tpu.region"() ({
      %run_scoped3A = tpu.sem_alloc : memref<!tpu.dma_semaphore, #tpu.memory_space<semaphore_mem>>
      %dma_start3A_23 = tpu.memref_slice %arg2[%mul3A_2] : memref<16384xi32, #tpu.memory_space<hbm>> -> memref<512xi32, #tpu.memory_space<hbm>>
      %dma_start3A_24 = tpu.memref_slice %arg2[%mul3A_2] : memref<16384xi32, #tpu.memory_space<hbm>> -> memref<512xi32, #tpu.memory_space<hbm>>
      tpu.enqueue_dma source(%dma_start3A_24 : memref<512xi32, #tpu.memory_space<hbm>>) target(%arg9 : memref<512xi32, #tpu.memory_space<vmem>>) target_semaphore(%run_scoped3A : memref<!tpu.dma_semaphore, #tpu.memory_space<semaphore_mem>>)
      %dma_wait3A_25 = tpu.memref_slice %arg2[%mul3A_2] : memref<16384xi32, #tpu.memory_space<hbm>> -> memref<512xi32, #tpu.memory_space<hbm>>
      %dma_wait3A_26 = tpu.memref_slice %arg2[%mul3A_2] : memref<16384xi32, #tpu.memory_space<hbm>> -> memref<512xi32, #tpu.memory_space<hbm>>
      tpu.wait_dma2 semaphore(%run_scoped3A : memref<!tpu.dma_semaphore, #tpu.memory_space<semaphore_mem>>) src(%dma_wait3A_26 : memref<512xi32, #tpu.memory_space<hbm>>) dst(%arg9 : memref<512xi32, #tpu.memory_space<vmem>>)
      tpu.yield
    }) : () -> ()
    "tpu.region"() ({
      %run_scoped3A = tpu.sem_alloc : memref<!tpu.dma_semaphore, #tpu.memory_space<semaphore_mem>>
      %dma_start3A_23 = tpu.memref_slice %arg3[%mul3A_2] : memref<16384xi32, #tpu.memory_space<hbm>> -> memref<512xi32, #tpu.memory_space<hbm>>
      %dma_start3A_24 = tpu.memref_slice %arg3[%mul3A_2] : memref<16384xi32, #tpu.memory_space<hbm>> -> memref<512xi32, #tpu.memory_space<hbm>>
      tpu.enqueue_dma source(%dma_start3A_24 : memref<512xi32, #tpu.memory_space<hbm>>) target(%arg10 : memref<512xi32, #tpu.memory_space<vmem>>) target_semaphore(%run_scoped3A : memref<!tpu.dma_semaphore, #tpu.memory_space<semaphore_mem>>)
      %dma_wait3A_25 = tpu.memref_slice %arg3[%mul3A_2] : memref<16384xi32, #tpu.memory_space<hbm>> -> memref<512xi32, #tpu.memory_space<hbm>>
      %dma_wait3A_26 = tpu.memref_slice %arg3[%mul3A_2] : memref<16384xi32, #tpu.memory_space<hbm>> -> memref<512xi32, #tpu.memory_space<hbm>>
      tpu.wait_dma2 semaphore(%run_scoped3A : memref<!tpu.dma_semaphore, #tpu.memory_space<semaphore_mem>>) src(%dma_wait3A_26 : memref<512xi32, #tpu.memory_space<hbm>>) dst(%arg10 : memref<512xi32, #tpu.memory_space<vmem>>)
      tpu.yield
    }) : () -> ()
    %scan3A = arith.constant 0 : i32
    %scan3A_3 = arith.constant 32 : i32
    %scan3A_4 = arith.addi %scan3A, %scan3A_3 : i32
    %scan3A_5 = arith.constant 1 : i32
    scf.for %scan3A_23 = %scan3A to %scan3A_4 step %scan3A_5  : i32 {
      %mul3A_24 = arith.constant 16 : i32
      %mul3A_25 = arith.muli %scan3A_23, %mul3A_24 : i32
      %add3A_26 = arith.constant 0 : i32
      %add3A_27 = arith.addi %add3A_26, %mul3A_25 : i32
      %get3A = arith.index_cast %add3A_27 : i32 to index
      %get3A_28 = tpu.vector_load %arg9[%get3A] {strides = array<i32>} : memref<512xi32, #tpu.memory_space<vmem>>, vector<16xi32>,
      %shift_right_arithmetic3A = arith.constant 7 : i32
      %shift_right_arithmetic3A_29 = vector.broadcast %shift_right_arithmetic3A : i32 to vector<16xi32>
      %shift_right_arithmetic3A_30 = arith.shrsi %get3A_28, %shift_right_arithmetic3A_29 : vector<16xi32>
      %shift_left3A = arith.constant 10 : i32
      %shift_left3A_31 = vector.broadcast %shift_left3A : i32 to vector<16xi32>
      %shift_left3A_32 = arith.shli %shift_right_arithmetic3A_30, %shift_left3A_31 : vector<16xi32>
      %and3A = arith.constant 127 : i32
      %and3A_33 = vector.broadcast %and3A : i32 to vector<16xi32>
      %and3A_34 = arith.andi %get3A_28, %and3A_33 : vector<16xi32>
      %add3A_35 = arith.addi %shift_left3A_32, %and3A_34 : vector<16xi32>
      %add3A_36 = arith.constant 0 : i32
      %add3A_37 = vector.broadcast %add3A_36 : i32 to vector<16xi32>
      %add3A_38 = arith.addi %add3A_35, %add3A_37 : vector<16xi32>
      %add3A_39 = arith.constant 0 : i32
      %add3A_40 = arith.addi %add3A_39, %add3A_27 : i32
      %swap3A = arith.index_cast %add3A_40 : i32 to index
      %swap3A_41 = tpu.vector_load %arg11[%swap3A] {strides = array<i32>} : memref<8192xi32, #tpu.memory_space<vmem>>, vector<16xi32>,
      tpu.vector_store %arg11[%swap3A], %add3A_38 {strides = array<i32>} : memref<8192xi32, #tpu.memory_space<vmem>>, vector<16xi32>,
      %add3A_42 = arith.constant 128 : i32
      %add3A_43 = vector.broadcast %add3A_42 : i32 to vector<16xi32>
      %add3A_44 = arith.addi %add3A_35, %add3A_43 : vector<16xi32>
      %add3A_45 = arith.constant 512 : i32
      %add3A_46 = arith.addi %add3A_45, %add3A_27 : i32
      %swap3A_47 = arith.index_cast %add3A_46 : i32 to index
      %swap3A_48 = tpu.vector_load %arg11[%swap3A_47] {strides = array<i32>} : memref<8192xi32, #tpu.memory_space<vmem>>, vector<16xi32>,
      tpu.vector_store %arg11[%swap3A_47], %add3A_44 {strides = array<i32>} : memref<8192xi32, #tpu.memory_space<vmem>>, vector<16xi32>,
      %add3A_49 = arith.constant 256 : i32
      %add3A_50 = vector.broadcast %add3A_49 : i32 to vector<16xi32>
      %add3A_51 = arith.addi %add3A_35, %add3A_50 : vector<16xi32>
      %add3A_52 = arith.constant 1024 : i32
      %add3A_53 = arith.addi %add3A_52, %add3A_27 : i32
      %swap3A_54 = arith.index_cast %add3A_53 : i32 to index
      %swap3A_55 = tpu.vector_load %arg11[%swap3A_54] {strides = array<i32>} : memref<8192xi32, #tpu.memory_space<vmem>>, vector<16xi32>,
      tpu.vector_store %arg11[%swap3A_54], %add3A_51 {strides = array<i32>} : memref<8192xi32, #tpu.memory_space<vmem>>, vector<16xi32>,
      %add3A_56 = arith.constant 384 : i32
      %add3A_57 = vector.broadcast %add3A_56 : i32 to vector<16xi32>
      %add3A_58 = arith.addi %add3A_35, %add3A_57 : vector<16xi32>
      %add3A_59 = arith.constant 1536 : i32
      %add3A_60 = arith.addi %add3A_59, %add3A_27 : i32
      %swap3A_61 = arith.index_cast %add3A_60 : i32 to index
      %swap3A_62 = tpu.vector_load %arg11[%swap3A_61] {strides = array<i32>} : memref<8192xi32, #tpu.memory_space<vmem>>, vector<16xi32>,
      tpu.vector_store %arg11[%swap3A_61], %add3A_58 {strides = array<i32>} : memref<8192xi32, #tpu.memory_space<vmem>>, vector<16xi32>,
      %add3A_63 = arith.constant 512 : i32
      %add3A_64 = vector.broadcast %add3A_63 : i32 to vector<16xi32>
      %add3A_65 = arith.addi %add3A_35, %add3A_64 : vector<16xi32>
      %add3A_66 = arith.constant 2048 : i32
      %add3A_67 = arith.addi %add3A_66, %add3A_27 : i32
      %swap3A_68 = arith.index_cast %add3A_67 : i32 to index
      %swap3A_69 = tpu.vector_load %arg11[%swap3A_68] {strides = array<i32>} : memref<8192xi32, #tpu.memory_space<vmem>>, vector<16xi32>,
      tpu.vector_store %arg11[%swap3A_68], %add3A_65 {strides = array<i32>} : memref<8192xi32, #tpu.memory_space<vmem>>, vector<16xi32>,
      %add3A_70 = arith.constant 640 : i32
      %add3A_71 = vector.broadcast %add3A_70 : i32 to vector<16xi32>
      %add3A_72 = arith.addi %add3A_35, %add3A_71 : vector<16xi32>
      %add3A_73 = arith.constant 2560 : i32
      %add3A_74 = arith.addi %add3A_73, %add3A_27 : i32
      %swap3A_75 = arith.index_cast %add3A_74 : i32 to index
      %swap3A_76 = tpu.vector_load %arg11[%swap3A_75] {strides = array<i32>} : memref<8192xi32, #tpu.memory_space<vmem>>, vector<16xi32>,
      tpu.vector_store %arg11[%swap3A_75], %add3A_72 {strides = array<i32>} : memref<8192xi32, #tpu.memory_space<vmem>>, vector<16xi32>,
      %add3A_77 = arith.constant 768 : i32
      %add3A_78 = vector.broadcast %add3A_77 : i32 to vector<16xi32>
      %add3A_79 = arith.addi %add3A_35, %add3A_78 : vector<16xi32>
      %add3A_80 = arith.constant 3072 : i32
      %add3A_81 = arith.addi %add3A_80, %add3A_27 : i32
      %swap3A_82 = arith.index_cast %add3A_81 : i32 to index
      %swap3A_83 = tpu.vector_load %arg11[%swap3A_82] {strides = array<i32>} : memref<8192xi32, #tpu.memory_space<vmem>>, vector<16xi32>,
      tpu.vector_store %arg11[%swap3A_82], %add3A_79 {strides = array<i32>} : memref<8192xi32, #tpu.memory_space<vmem>>, vector<16xi32>,
      %add3A_84 = arith.constant 896 : i32
      %add3A_85 = vector.broadcast %add3A_84 : i32 to vector<16xi32>
      %add3A_86 = arith.addi %add3A_35, %add3A_85 : vector<16xi32>
      %add3A_87 = arith.constant 3584 : i32
      %add3A_88 = arith.addi %add3A_87, %add3A_27 : i32
      %swap3A_89 = arith.index_cast %add3A_88 : i32 to index
      %swap3A_90 = tpu.vector_load %arg11[%swap3A_89] {strides = array<i32>} : memref<8192xi32, #tpu.memory_space<vmem>>, vector<16xi32>,
      tpu.vector_store %arg11[%swap3A_89], %add3A_86 {strides = array<i32>} : memref<8192xi32, #tpu.memory_space<vmem>>, vector<16xi32>,
      %add3A_91 = arith.constant 8000512 : i32
      %add3A_92 = vector.broadcast %add3A_91 : i32 to vector<16xi32>
      %add3A_93 = arith.addi %add3A_35, %add3A_92 : vector<16xi32>
      %add3A_94 = arith.constant 4096 : i32
      %add3A_95 = arith.addi %add3A_94, %add3A_27 : i32
      %swap3A_96 = arith.index_cast %add3A_95 : i32 to index
      %swap3A_97 = tpu.vector_load %arg11[%swap3A_96] {strides = array<i32>} : memref<8192xi32, #tpu.memory_space<vmem>>, vector<16xi32>,
      tpu.vector_store %arg11[%swap3A_96], %add3A_93 {strides = array<i32>} : memref<8192xi32, #tpu.memory_space<vmem>>, vector<16xi32>,
      %add3A_98 = arith.constant 8000640 : i32
      %add3A_99 = vector.broadcast %add3A_98 : i32 to vector<16xi32>
      %add3A_100 = arith.addi %add3A_35, %add3A_99 : vector<16xi32>
      %add3A_101 = arith.constant 4608 : i32
      %add3A_102 = arith.addi %add3A_101, %add3A_27 : i32
      %swap3A_103 = arith.index_cast %add3A_102 : i32 to index
      %swap3A_104 = tpu.vector_load %arg11[%swap3A_103] {strides = array<i32>} : memref<8192xi32, #tpu.memory_space<vmem>>, vector<16xi32>,
      tpu.vector_store %arg11[%swap3A_103], %add3A_100 {strides = array<i32>} : memref<8192xi32, #tpu.memory_space<vmem>>, vector<16xi32>,
      %add3A_105 = arith.constant 8000768 : i32
      %add3A_106 = vector.broadcast %add3A_105 : i32 to vector<16xi32>
      %add3A_107 = arith.addi %add3A_35, %add3A_106 : vector<16xi32>
      %add3A_108 = arith.constant 5120 : i32
      %add3A_109 = arith.addi %add3A_108, %add3A_27 : i32
      %swap3A_110 = arith.index_cast %add3A_109 : i32 to index
      %swap3A_111 = tpu.vector_load %arg11[%swap3A_110] {strides = array<i32>} : memref<8192xi32, #tpu.memory_space<vmem>>, vector<16xi32>,
      tpu.vector_store %arg11[%swap3A_110], %add3A_107 {strides = array<i32>} : memref<8192xi32, #tpu.memory_space<vmem>>, vector<16xi32>,
      %add3A_112 = arith.constant 8000896 : i32
      %add3A_113 = vector.broadcast %add3A_112 : i32 to vector<16xi32>
      %add3A_114 = arith.addi %add3A_35, %add3A_113 : vector<16xi32>
      %add3A_115 = arith.constant 5632 : i32
      %add3A_116 = arith.addi %add3A_115, %add3A_27 : i32
      %swap3A_117 = arith.index_cast %add3A_116 : i32 to index
      %swap3A_118 = tpu.vector_load %arg11[%swap3A_117] {strides = array<i32>} : memref<8192xi32, #tpu.memory_space<vmem>>, vector<16xi32>,
      tpu.vector_store %arg11[%swap3A_117], %add3A_114 {strides = array<i32>} : memref<8192xi32, #tpu.memory_space<vmem>>, vector<16xi32>,
      %add3A_119 = arith.constant 8001024 : i32
      %add3A_120 = vector.broadcast %add3A_119 : i32 to vector<16xi32>
      %add3A_121 = arith.addi %add3A_35, %add3A_120 : vector<16xi32>
      %add3A_122 = arith.constant 6144 : i32
      %add3A_123 = arith.addi %add3A_122, %add3A_27 : i32
      %swap3A_124 = arith.index_cast %add3A_123 : i32 to index
      %swap3A_125 = tpu.vector_load %arg11[%swap3A_124] {strides = array<i32>} : memref<8192xi32, #tpu.memory_space<vmem>>, vector<16xi32>,
      tpu.vector_store %arg11[%swap3A_124], %add3A_121 {strides = array<i32>} : memref<8192xi32, #tpu.memory_space<vmem>>, vector<16xi32>,
      %add3A_126 = arith.constant 8001152 : i32
      %add3A_127 = vector.broadcast %add3A_126 : i32 to vector<16xi32>
      %add3A_128 = arith.addi %add3A_35, %add3A_127 : vector<16xi32>
      %add3A_129 = arith.constant 6656 : i32
      %add3A_130 = arith.addi %add3A_129, %add3A_27 : i32
      %swap3A_131 = arith.index_cast %add3A_130 : i32 to index
      %swap3A_132 = tpu.vector_load %arg11[%swap3A_131] {strides = array<i32>} : memref<8192xi32, #tpu.memory_space<vmem>>, vector<16xi32>,
      tpu.vector_store %arg11[%swap3A_131], %add3A_128 {strides = array<i32>} : memref<8192xi32, #tpu.memory_space<vmem>>, vector<16xi32>,
      %add3A_133 = arith.constant 8001280 : i32
      %add3A_134 = vector.broadcast %add3A_133 : i32 to vector<16xi32>
      %add3A_135 = arith.addi %add3A_35, %add3A_134 : vector<16xi32>
      %add3A_136 = arith.constant 7168 : i32
      %add3A_137 = arith.addi %add3A_136, %add3A_27 : i32
      %swap3A_138 = arith.index_cast %add3A_137 : i32 to index
      %swap3A_139 = tpu.vector_load %arg11[%swap3A_138] {strides = array<i32>} : memref<8192xi32, #tpu.memory_space<vmem>>, vector<16xi32>,
      tpu.vector_store %arg11[%swap3A_138], %add3A_135 {strides = array<i32>} : memref<8192xi32, #tpu.memory_space<vmem>>, vector<16xi32>,
      %add3A_140 = arith.constant 8001408 : i32
      %add3A_141 = vector.broadcast %add3A_140 : i32 to vector<16xi32>
      %add3A_142 = arith.addi %add3A_35, %add3A_141 : vector<16xi32>
      %add3A_143 = arith.constant 7680 : i32
      %add3A_144 = arith.addi %add3A_143, %add3A_27 : i32
      %swap3A_145 = arith.index_cast %add3A_144 : i32 to index
      %swap3A_146 = tpu.vector_load %arg11[%swap3A_145] {strides = array<i32>} : memref<8192xi32, #tpu.memory_space<vmem>>, vector<16xi32>,
      tpu.vector_store %arg11[%swap3A_145], %add3A_142 {strides = array<i32>} : memref<8192xi32, #tpu.memory_space<vmem>>, vector<16xi32>,
    }
    %scan3A_6 = arith.constant 32 : i32
    %dma_start3A = arith.constant 0 : i32
    %dma_start3A_7 = tpu.memref_slice %arg6[%dma_start3A] : memref<16001024xf32, #tpu.memory_space<hbm>> -> memref<16001024xf32, #tpu.memory_space<hbm>>
    tpu.enqueue_indirect_dma source(%dma_start3A_7 : memref<16001024xf32, #tpu.memory_space<hbm>>) target(%arg13 : memref<8192xf32, #tpu.memory_space<vmem>>) offsets(%arg11 : memref<8192xi32, #tpu.memory_space<vmem>>) semaphore(%arg18 : memref<!tpu.dma_semaphore, #tpu.memory_space<semaphore_mem>>)
    %scan3A_8 = arith.constant 0 : i32
    %scan3A_9 = arith.constant 32 : i32
    %scan3A_10 = arith.addi %scan3A_8, %scan3A_9 : i32
    %scan3A_11 = arith.constant 1 : i32
    scf.for %scan3A_23 = %scan3A_8 to %scan3A_10 step %scan3A_11  : i32 {
      %mul3A_24 = arith.constant 16 : i32
      %mul3A_25 = arith.muli %scan3A_23, %mul3A_24 : i32
      %add3A_26 = arith.constant 0 : i32
      %add3A_27 = arith.addi %add3A_26, %mul3A_25 : i32
      %get3A = arith.index_cast %add3A_27 : i32 to index
      %get3A_28 = tpu.vector_load %arg10[%get3A] {strides = array<i32>} : memref<512xi32, #tpu.memory_space<vmem>>, vector<16xi32>,
      %shift_right_arithmetic3A = arith.constant 7 : i32
      %shift_right_arithmetic3A_29 = vector.broadcast %shift_right_arithmetic3A : i32 to vector<16xi32>
      %shift_right_arithmetic3A_30 = arith.shrsi %get3A_28, %shift_right_arithmetic3A_29 : vector<16xi32>
      %shift_left3A = arith.constant 10 : i32
      %shift_left3A_31 = vector.broadcast %shift_left3A : i32 to vector<16xi32>
      %shift_left3A_32 = arith.shli %shift_right_arithmetic3A_30, %shift_left3A_31 : vector<16xi32>
      %and3A = arith.constant 127 : i32
      %and3A_33 = vector.broadcast %and3A : i32 to vector<16xi32>
      %and3A_34 = arith.andi %get3A_28, %and3A_33 : vector<16xi32>
      %add3A_35 = arith.addi %shift_left3A_32, %and3A_34 : vector<16xi32>
      %add3A_36 = arith.constant 0 : i32
      %add3A_37 = vector.broadcast %add3A_36 : i32 to vector<16xi32>
      %add3A_38 = arith.addi %add3A_35, %add3A_37 : vector<16xi32>
      %add3A_39 = arith.constant 0 : i32
      %add3A_40 = arith.addi %add3A_39, %add3A_27 : i32
      %swap3A = arith.index_cast %add3A_40 : i32 to index
      %swap3A_41 = tpu.vector_load %arg12[%swap3A] {strides = array<i32>} : memref<8192xi32, #tpu.memory_space<vmem>>, vector<16xi32>,
      tpu.vector_store %arg12[%swap3A], %add3A_38 {strides = array<i32>} : memref<8192xi32, #tpu.memory_space<vmem>>, vector<16xi32>,
      %add3A_42 = arith.constant 128 : i32
      %add3A_43 = vector.broadcast %add3A_42 : i32 to vector<16xi32>
      %add3A_44 = arith.addi %add3A_35, %add3A_43 : vector<16xi32>
      %add3A_45 = arith.constant 512 : i32
      %add3A_46 = arith.addi %add3A_45, %add3A_27 : i32
      %swap3A_47 = arith.index_cast %add3A_46 : i32 to index
      %swap3A_48 = tpu.vector_load %arg12[%swap3A_47] {strides = array<i32>} : memref<8192xi32, #tpu.memory_space<vmem>>, vector<16xi32>,
      tpu.vector_store %arg12[%swap3A_47], %add3A_44 {strides = array<i32>} : memref<8192xi32, #tpu.memory_space<vmem>>, vector<16xi32>,
      %add3A_49 = arith.constant 256 : i32
      %add3A_50 = vector.broadcast %add3A_49 : i32 to vector<16xi32>
      %add3A_51 = arith.addi %add3A_35, %add3A_50 : vector<16xi32>
      %add3A_52 = arith.constant 1024 : i32
      %add3A_53 = arith.addi %add3A_52, %add3A_27 : i32
      %swap3A_54 = arith.index_cast %add3A_53 : i32 to index
      %swap3A_55 = tpu.vector_load %arg12[%swap3A_54] {strides = array<i32>} : memref<8192xi32, #tpu.memory_space<vmem>>, vector<16xi32>,
      tpu.vector_store %arg12[%swap3A_54], %add3A_51 {strides = array<i32>} : memref<8192xi32, #tpu.memory_space<vmem>>, vector<16xi32>,
      %add3A_56 = arith.constant 384 : i32
      %add3A_57 = vector.broadcast %add3A_56 : i32 to vector<16xi32>
      %add3A_58 = arith.addi %add3A_35, %add3A_57 : vector<16xi32>
      %add3A_59 = arith.constant 1536 : i32
      %add3A_60 = arith.addi %add3A_59, %add3A_27 : i32
      %swap3A_61 = arith.index_cast %add3A_60 : i32 to index
      %swap3A_62 = tpu.vector_load %arg12[%swap3A_61] {strides = array<i32>} : memref<8192xi32, #tpu.memory_space<vmem>>, vector<16xi32>,
      tpu.vector_store %arg12[%swap3A_61], %add3A_58 {strides = array<i32>} : memref<8192xi32, #tpu.memory_space<vmem>>, vector<16xi32>,
      %add3A_63 = arith.constant 512 : i32
      %add3A_64 = vector.broadcast %add3A_63 : i32 to vector<16xi32>
      %add3A_65 = arith.addi %add3A_35, %add3A_64 : vector<16xi32>
      %add3A_66 = arith.constant 2048 : i32
      %add3A_67 = arith.addi %add3A_66, %add3A_27 : i32
      %swap3A_68 = arith.index_cast %add3A_67 : i32 to index
      %swap3A_69 = tpu.vector_load %arg12[%swap3A_68] {strides = array<i32>} : memref<8192xi32, #tpu.memory_space<vmem>>, vector<16xi32>,
      tpu.vector_store %arg12[%swap3A_68], %add3A_65 {strides = array<i32>} : memref<8192xi32, #tpu.memory_space<vmem>>, vector<16xi32>,
      %add3A_70 = arith.constant 640 : i32
      %add3A_71 = vector.broadcast %add3A_70 : i32 to vector<16xi32>
      %add3A_72 = arith.addi %add3A_35, %add3A_71 : vector<16xi32>
      %add3A_73 = arith.constant 2560 : i32
      %add3A_74 = arith.addi %add3A_73, %add3A_27 : i32
      %swap3A_75 = arith.index_cast %add3A_74 : i32 to index
      %swap3A_76 = tpu.vector_load %arg12[%swap3A_75] {strides = array<i32>} : memref<8192xi32, #tpu.memory_space<vmem>>, vector<16xi32>,
      tpu.vector_store %arg12[%swap3A_75], %add3A_72 {strides = array<i32>} : memref<8192xi32, #tpu.memory_space<vmem>>, vector<16xi32>,
      %add3A_77 = arith.constant 768 : i32
      %add3A_78 = vector.broadcast %add3A_77 : i32 to vector<16xi32>
      %add3A_79 = arith.addi %add3A_35, %add3A_78 : vector<16xi32>
      %add3A_80 = arith.constant 3072 : i32
      %add3A_81 = arith.addi %add3A_80, %add3A_27 : i32
      %swap3A_82 = arith.index_cast %add3A_81 : i32 to index
      %swap3A_83 = tpu.vector_load %arg12[%swap3A_82] {strides = array<i32>} : memref<8192xi32, #tpu.memory_space<vmem>>, vector<16xi32>,
      tpu.vector_store %arg12[%swap3A_82], %add3A_79 {strides = array<i32>} : memref<8192xi32, #tpu.memory_space<vmem>>, vector<16xi32>,
      %add3A_84 = arith.constant 896 : i32
      %add3A_85 = vector.broadcast %add3A_84 : i32 to vector<16xi32>
      %add3A_86 = arith.addi %add3A_35, %add3A_85 : vector<16xi32>
      %add3A_87 = arith.constant 3584 : i32
      %add3A_88 = arith.addi %add3A_87, %add3A_27 : i32
      %swap3A_89 = arith.index_cast %add3A_88 : i32 to index
      %swap3A_90 = tpu.vector_load %arg12[%swap3A_89] {strides = array<i32>} : memref<8192xi32, #tpu.memory_space<vmem>>, vector<16xi32>,
      tpu.vector_store %arg12[%swap3A_89], %add3A_86 {strides = array<i32>} : memref<8192xi32, #tpu.memory_space<vmem>>, vector<16xi32>,
      %add3A_91 = arith.constant 8000512 : i32
      %add3A_92 = vector.broadcast %add3A_91 : i32 to vector<16xi32>
      %add3A_93 = arith.addi %add3A_35, %add3A_92 : vector<16xi32>
      %add3A_94 = arith.constant 4096 : i32
      %add3A_95 = arith.addi %add3A_94, %add3A_27 : i32
      %swap3A_96 = arith.index_cast %add3A_95 : i32 to index
      %swap3A_97 = tpu.vector_load %arg12[%swap3A_96] {strides = array<i32>} : memref<8192xi32, #tpu.memory_space<vmem>>, vector<16xi32>,
      tpu.vector_store %arg12[%swap3A_96], %add3A_93 {strides = array<i32>} : memref<8192xi32, #tpu.memory_space<vmem>>, vector<16xi32>,
      %add3A_98 = arith.constant 8000640 : i32
      %add3A_99 = vector.broadcast %add3A_98 : i32 to vector<16xi32>
      %add3A_100 = arith.addi %add3A_35, %add3A_99 : vector<16xi32>
      %add3A_101 = arith.constant 4608 : i32
      %add3A_102 = arith.addi %add3A_101, %add3A_27 : i32
      %swap3A_103 = arith.index_cast %add3A_102 : i32 to index
      %swap3A_104 = tpu.vector_load %arg12[%swap3A_103] {strides = array<i32>} : memref<8192xi32, #tpu.memory_space<vmem>>, vector<16xi32>,
      tpu.vector_store %arg12[%swap3A_103], %add3A_100 {strides = array<i32>} : memref<8192xi32, #tpu.memory_space<vmem>>, vector<16xi32>,
      %add3A_105 = arith.constant 8000768 : i32
      %add3A_106 = vector.broadcast %add3A_105 : i32 to vector<16xi32>
      %add3A_107 = arith.addi %add3A_35, %add3A_106 : vector<16xi32>
      %add3A_108 = arith.constant 5120 : i32
      %add3A_109 = arith.addi %add3A_108, %add3A_27 : i32
      %swap3A_110 = arith.index_cast %add3A_109 : i32 to index
      %swap3A_111 = tpu.vector_load %arg12[%swap3A_110] {strides = array<i32>} : memref<8192xi32, #tpu.memory_space<vmem>>, vector<16xi32>,
      tpu.vector_store %arg12[%swap3A_110], %add3A_107 {strides = array<i32>} : memref<8192xi32, #tpu.memory_space<vmem>>, vector<16xi32>,
      %add3A_112 = arith.constant 8000896 : i32
      %add3A_113 = vector.broadcast %add3A_112 : i32 to vector<16xi32>
      %add3A_114 = arith.addi %add3A_35, %add3A_113 : vector<16xi32>
      %add3A_115 = arith.constant 5632 : i32
      %add3A_116 = arith.addi %add3A_115, %add3A_27 : i32
      %swap3A_117 = arith.index_cast %add3A_116 : i32 to index
      %swap3A_118 = tpu.vector_load %arg12[%swap3A_117] {strides = array<i32>} : memref<8192xi32, #tpu.memory_space<vmem>>, vector<16xi32>,
      tpu.vector_store %arg12[%swap3A_117], %add3A_114 {strides = array<i32>} : memref<8192xi32, #tpu.memory_space<vmem>>, vector<16xi32>,
      %add3A_119 = arith.constant 8001024 : i32
      %add3A_120 = vector.broadcast %add3A_119 : i32 to vector<16xi32>
      %add3A_121 = arith.addi %add3A_35, %add3A_120 : vector<16xi32>
      %add3A_122 = arith.constant 6144 : i32
      %add3A_123 = arith.addi %add3A_122, %add3A_27 : i32
      %swap3A_124 = arith.index_cast %add3A_123 : i32 to index
      %swap3A_125 = tpu.vector_load %arg12[%swap3A_124] {strides = array<i32>} : memref<8192xi32, #tpu.memory_space<vmem>>, vector<16xi32>,
      tpu.vector_store %arg12[%swap3A_124], %add3A_121 {strides = array<i32>} : memref<8192xi32, #tpu.memory_space<vmem>>, vector<16xi32>,
      %add3A_126 = arith.constant 8001152 : i32
      %add3A_127 = vector.broadcast %add3A_126 : i32 to vector<16xi32>
      %add3A_128 = arith.addi %add3A_35, %add3A_127 : vector<16xi32>
      %add3A_129 = arith.constant 6656 : i32
      %add3A_130 = arith.addi %add3A_129, %add3A_27 : i32
      %swap3A_131 = arith.index_cast %add3A_130 : i32 to index
      %swap3A_132 = tpu.vector_load %arg12[%swap3A_131] {strides = array<i32>} : memref<8192xi32, #tpu.memory_space<vmem>>, vector<16xi32>,
      tpu.vector_store %arg12[%swap3A_131], %add3A_128 {strides = array<i32>} : memref<8192xi32, #tpu.memory_space<vmem>>, vector<16xi32>,
      %add3A_133 = arith.constant 8001280 : i32
      %add3A_134 = vector.broadcast %add3A_133 : i32 to vector<16xi32>
      %add3A_135 = arith.addi %add3A_35, %add3A_134 : vector<16xi32>
      %add3A_136 = arith.constant 7168 : i32
      %add3A_137 = arith.addi %add3A_136, %add3A_27 : i32
      %swap3A_138 = arith.index_cast %add3A_137 : i32 to index
      %swap3A_139 = tpu.vector_load %arg12[%swap3A_138] {strides = array<i32>} : memref<8192xi32, #tpu.memory_space<vmem>>, vector<16xi32>,
      tpu.vector_store %arg12[%swap3A_138], %add3A_135 {strides = array<i32>} : memref<8192xi32, #tpu.memory_space<vmem>>, vector<16xi32>,
      %add3A_140 = arith.constant 8001408 : i32
      %add3A_141 = vector.broadcast %add3A_140 : i32 to vector<16xi32>
      %add3A_142 = arith.addi %add3A_35, %add3A_141 : vector<16xi32>
      %add3A_143 = arith.constant 7680 : i32
      %add3A_144 = arith.addi %add3A_143, %add3A_27 : i32
      %swap3A_145 = arith.index_cast %add3A_144 : i32 to index
      %swap3A_146 = tpu.vector_load %arg12[%swap3A_145] {strides = array<i32>} : memref<8192xi32, #tpu.memory_space<vmem>>, vector<16xi32>,
      tpu.vector_store %arg12[%swap3A_145], %add3A_142 {strides = array<i32>} : memref<8192xi32, #tpu.memory_space<vmem>>, vector<16xi32>,
    }
    %scan3A_12 = arith.constant 32 : i32
    %dma_start3A_13 = arith.constant 0 : i32
    %dma_start3A_14 = tpu.memref_slice %arg7[%dma_start3A_13] : memref<16001024xf32, #tpu.memory_space<hbm>> -> memref<16001024xf32, #tpu.memory_space<hbm>>
    tpu.enqueue_indirect_dma source(%dma_start3A_14 : memref<16001024xf32, #tpu.memory_space<hbm>>) target(%arg14 : memref<8192xf32, #tpu.memory_space<vmem>>) offsets(%arg12 : memref<8192xi32, #tpu.memory_space<vmem>>) semaphore(%arg18 : memref<!tpu.dma_semaphore, #tpu.memory_space<semaphore_mem>>)
    "tpu.region"() ({
      %run_scoped3A = tpu.sem_alloc : memref<!tpu.dma_semaphore, #tpu.memory_space<semaphore_mem>>
      %dma_start3A_23 = tpu.memref_slice %arg4[%mul3A_2] : memref<16384xf32, #tpu.memory_space<hbm>> -> memref<512xf32, #tpu.memory_space<hbm>>
      %dma_start3A_24 = tpu.memref_slice %arg4[%mul3A_2] : memref<16384xf32, #tpu.memory_space<hbm>> -> memref<512xf32, #tpu.memory_space<hbm>>
      tpu.enqueue_dma source(%dma_start3A_24 : memref<512xf32, #tpu.memory_space<hbm>>) target(%arg15 : memref<512xf32, #tpu.memory_space<vmem>>) target_semaphore(%run_scoped3A : memref<!tpu.dma_semaphore, #tpu.memory_space<semaphore_mem>>)
      %dma_wait3A_25 = tpu.memref_slice %arg4[%mul3A_2] : memref<16384xf32, #tpu.memory_space<hbm>> -> memref<512xf32, #tpu.memory_space<hbm>>
      %dma_wait3A_26 = tpu.memref_slice %arg4[%mul3A_2] : memref<16384xf32, #tpu.memory_space<hbm>> -> memref<512xf32, #tpu.memory_space<hbm>>
      tpu.wait_dma2 semaphore(%run_scoped3A : memref<!tpu.dma_semaphore, #tpu.memory_space<semaphore_mem>>) src(%dma_wait3A_26 : memref<512xf32, #tpu.memory_space<hbm>>) dst(%arg15 : memref<512xf32, #tpu.memory_space<vmem>>)
      tpu.yield
    }) : () -> ()
    "tpu.region"() ({
      %run_scoped3A = tpu.sem_alloc : memref<!tpu.dma_semaphore, #tpu.memory_space<semaphore_mem>>
      %dma_start3A_23 = tpu.memref_slice %arg5[%mul3A_2] : memref<16384xf32, #tpu.memory_space<hbm>> -> memref<512xf32, #tpu.memory_space<hbm>>
      %dma_start3A_24 = tpu.memref_slice %arg5[%mul3A_2] : memref<16384xf32, #tpu.memory_space<hbm>> -> memref<512xf32, #tpu.memory_space<hbm>>
      tpu.enqueue_dma source(%dma_start3A_24 : memref<512xf32, #tpu.memory_space<hbm>>) target(%arg16 : memref<512xf32, #tpu.memory_space<vmem>>) target_semaphore(%run_scoped3A : memref<!tpu.dma_semaphore, #tpu.memory_space<semaphore_mem>>)
      %dma_wait3A_25 = tpu.memref_slice %arg5[%mul3A_2] : memref<16384xf32, #tpu.memory_space<hbm>> -> memref<512xf32, #tpu.memory_space<hbm>>
      %dma_wait3A_26 = tpu.memref_slice %arg5[%mul3A_2] : memref<16384xf32, #tpu.memory_space<hbm>> -> memref<512xf32, #tpu.memory_space<hbm>>
      tpu.wait_dma2 semaphore(%run_scoped3A : memref<!tpu.dma_semaphore, #tpu.memory_space<semaphore_mem>>) src(%dma_wait3A_26 : memref<512xf32, #tpu.memory_space<hbm>>) dst(%arg16 : memref<512xf32, #tpu.memory_space<vmem>>)
      tpu.yield
    }) : () -> ()
    %dma_wait3A = arith.constant 0 : i32
    %dma_wait3A_15 = tpu.memref_slice %arg6[%dma_wait3A] : memref<16001024xf32, #tpu.memory_space<hbm>> -> memref<16001024xf32, #tpu.memory_space<hbm>>
    tpu.wait_indirect_dma semaphore(%arg18 : memref<!tpu.dma_semaphore, #tpu.memory_space<semaphore_mem>>) src(%dma_wait3A_15 : memref<16001024xf32, #tpu.memory_space<hbm>>) dst(%arg13 : memref<8192xf32, #tpu.memory_space<vmem>>)
    %dma_wait3A_16 = arith.constant 0 : i32
    %dma_wait3A_17 = tpu.memref_slice %arg7[%dma_wait3A_16] : memref<16001024xf32, #tpu.memory_space<hbm>> -> memref<16001024xf32, #tpu.memory_space<hbm>>
    tpu.wait_indirect_dma semaphore(%arg18 : memref<!tpu.dma_semaphore, #tpu.memory_space<semaphore_mem>>) src(%dma_wait3A_17 : memref<16001024xf32, #tpu.memory_space<hbm>>) dst(%arg14 : memref<8192xf32, #tpu.memory_space<vmem>>)
    %scan3A_18 = arith.constant 0 : i32
    %scan3A_19 = arith.constant 32 : i32
    %scan3A_20 = arith.addi %scan3A_18, %scan3A_19 : i32
    %scan3A_21 = arith.constant 1 : i32
    scf.for %scan3A_23 = %scan3A_18 to %scan3A_20 step %scan3A_21  : i32 {
      %mul3A_24 = arith.constant 16 : i32
      %mul3A_25 = arith.muli %scan3A_23, %mul3A_24 : i32
      %add3A_26 = arith.constant 0 : i32
      %add3A_27 = arith.addi %add3A_26, %mul3A_25 : i32
      %get3A = arith.index_cast %add3A_27 : i32 to index
      %get3A_28 = tpu.vector_load %arg15[%get3A] {strides = array<i32>} : memref<512xf32, #tpu.memory_space<vmem>>, vector<16xf32>,
      %get3A_29 = arith.index_cast %add3A_27 : i32 to index
      %get3A_30 = tpu.vector_load %arg16[%get3A_29] {strides = array<i32>} : memref<512xf32, #tpu.memory_space<vmem>>, vector<16xf32>,
      %mul3A_31 = arith.constant 2.000000e+00 : f32
      %mul3A_32 = vector.broadcast %mul3A_31 : f32 to vector<16xf32>
      %mul3A_33 = arith.mulf %mul3A_32, %get3A_30 : vector<16xf32>
      %add3A_34 = arith.addf %get3A_28, %mul3A_33 : vector<16xf32>
      %add3A_35 = arith.constant 0 : i32
      %add3A_36 = arith.addi %add3A_35, %add3A_27 : i32
      %get3A_37 = arith.index_cast %add3A_36 : i32 to index
      %get3A_38 = tpu.vector_load %arg13[%get3A_37] {strides = array<i32>} : memref<8192xf32, #tpu.memory_space<vmem>>, vector<16xf32>,
      %add3A_39 = arith.constant 0 : i32
      %add3A_40 = arith.addi %add3A_39, %add3A_27 : i32
      %get3A_41 = arith.index_cast %add3A_40 : i32 to index
      %get3A_42 = tpu.vector_load %arg14[%get3A_41] {strides = array<i32>} : memref<8192xf32, #tpu.memory_space<vmem>>, vector<16xf32>,
      %mul3A_43 = arith.mulf %get3A_38, %get3A_42 : vector<16xf32>
      %add3A_44 = arith.addf %add3A_34, %mul3A_43 : vector<16xf32>
      %add3A_45 = arith.constant 512 : i32
      %add3A_46 = arith.addi %add3A_45, %add3A_27 : i32
      %get3A_47 = arith.index_cast %add3A_46 : i32 to index
      %get3A_48 = tpu.vector_load %arg13[%get3A_47] {strides = array<i32>} : memref<8192xf32, #tpu.memory_space<vmem>>, vector<16xf32>,
      %add3A_49 = arith.constant 512 : i32
      %add3A_50 = arith.addi %add3A_49, %add3A_27 : i32
      %get3A_51 = arith.index_cast %add3A_50 : i32 to index
      %get3A_52 = tpu.vector_load %arg14[%get3A_51] {strides = array<i32>} : memref<8192xf32, #tpu.memory_space<vmem>>, vector<16xf32>,
      %mul3A_53 = arith.mulf %get3A_48, %get3A_52 : vector<16xf32>
      %add3A_54 = arith.addf %add3A_44, %mul3A_53 : vector<16xf32>
      %add3A_55 = arith.constant 1024 : i32
      %add3A_56 = arith.addi %add3A_55, %add3A_27 : i32
      %get3A_57 = arith.index_cast %add3A_56 : i32 to index
      %get3A_58 = tpu.vector_load %arg13[%get3A_57] {strides = array<i32>} : memref<8192xf32, #tpu.memory_space<vmem>>, vector<16xf32>,
      %add3A_59 = arith.constant 1024 : i32
      %add3A_60 = arith.addi %add3A_59, %add3A_27 : i32
      %get3A_61 = arith.index_cast %add3A_60 : i32 to index
      %get3A_62 = tpu.vector_load %arg14[%get3A_61] {strides = array<i32>} : memref<8192xf32, #tpu.memory_space<vmem>>, vector<16xf32>,
      %mul3A_63 = arith.mulf %get3A_58, %get3A_62 : vector<16xf32>
      %add3A_64 = arith.addf %add3A_54, %mul3A_63 : vector<16xf32>
      %add3A_65 = arith.constant 1536 : i32
      %add3A_66 = arith.addi %add3A_65, %add3A_27 : i32
      %get3A_67 = arith.index_cast %add3A_66 : i32 to index
      %get3A_68 = tpu.vector_load %arg13[%get3A_67] {strides = array<i32>} : memref<8192xf32, #tpu.memory_space<vmem>>, vector<16xf32>,
      %add3A_69 = arith.constant 1536 : i32
      %add3A_70 = arith.addi %add3A_69, %add3A_27 : i32
      %get3A_71 = arith.index_cast %add3A_70 : i32 to index
      %get3A_72 = tpu.vector_load %arg14[%get3A_71] {strides = array<i32>} : memref<8192xf32, #tpu.memory_space<vmem>>, vector<16xf32>,
      %mul3A_73 = arith.mulf %get3A_68, %get3A_72 : vector<16xf32>
      %add3A_74 = arith.addf %add3A_64, %mul3A_73 : vector<16xf32>
      %add3A_75 = arith.constant 2048 : i32
      %add3A_76 = arith.addi %add3A_75, %add3A_27 : i32
      %get3A_77 = arith.index_cast %add3A_76 : i32 to index
      %get3A_78 = tpu.vector_load %arg13[%get3A_77] {strides = array<i32>} : memref<8192xf32, #tpu.memory_space<vmem>>, vector<16xf32>,
      %add3A_79 = arith.constant 2048 : i32
      %add3A_80 = arith.addi %add3A_79, %add3A_27 : i32
      %get3A_81 = arith.index_cast %add3A_80 : i32 to index
      %get3A_82 = tpu.vector_load %arg14[%get3A_81] {strides = array<i32>} : memref<8192xf32, #tpu.memory_space<vmem>>, vector<16xf32>,
      %mul3A_83 = arith.mulf %get3A_78, %get3A_82 : vector<16xf32>
      %add3A_84 = arith.addf %add3A_74, %mul3A_83 : vector<16xf32>
      %add3A_85 = arith.constant 2560 : i32
      %add3A_86 = arith.addi %add3A_85, %add3A_27 : i32
      %get3A_87 = arith.index_cast %add3A_86 : i32 to index
      %get3A_88 = tpu.vector_load %arg13[%get3A_87] {strides = array<i32>} : memref<8192xf32, #tpu.memory_space<vmem>>, vector<16xf32>,
      %add3A_89 = arith.constant 2560 : i32
      %add3A_90 = arith.addi %add3A_89, %add3A_27 : i32
      %get3A_91 = arith.index_cast %add3A_90 : i32 to index
      %get3A_92 = tpu.vector_load %arg14[%get3A_91] {strides = array<i32>} : memref<8192xf32, #tpu.memory_space<vmem>>, vector<16xf32>,
      %mul3A_93 = arith.mulf %get3A_88, %get3A_92 : vector<16xf32>
      %add3A_94 = arith.addf %add3A_84, %mul3A_93 : vector<16xf32>
      %add3A_95 = arith.constant 3072 : i32
      %add3A_96 = arith.addi %add3A_95, %add3A_27 : i32
      %get3A_97 = arith.index_cast %add3A_96 : i32 to index
      %get3A_98 = tpu.vector_load %arg13[%get3A_97] {strides = array<i32>} : memref<8192xf32, #tpu.memory_space<vmem>>, vector<16xf32>,
      %add3A_99 = arith.constant 3072 : i32
      %add3A_100 = arith.addi %add3A_99, %add3A_27 : i32
      %get3A_101 = arith.index_cast %add3A_100 : i32 to index
      %get3A_102 = tpu.vector_load %arg14[%get3A_101] {strides = array<i32>} : memref<8192xf32, #tpu.memory_space<vmem>>, vector<16xf32>,
      %mul3A_103 = arith.mulf %get3A_98, %get3A_102 : vector<16xf32>
      %add3A_104 = arith.addf %add3A_94, %mul3A_103 : vector<16xf32>
      %add3A_105 = arith.constant 3584 : i32
      %add3A_106 = arith.addi %add3A_105, %add3A_27 : i32
      %get3A_107 = arith.index_cast %add3A_106 : i32 to index
      %get3A_108 = tpu.vector_load %arg13[%get3A_107] {strides = array<i32>} : memref<8192xf32, #tpu.memory_space<vmem>>, vector<16xf32>,
      %add3A_109 = arith.constant 3584 : i32
      %add3A_110 = arith.addi %add3A_109, %add3A_27 : i32
      %get3A_111 = arith.index_cast %add3A_110 : i32 to index
      %get3A_112 = tpu.vector_load %arg14[%get3A_111] {strides = array<i32>} : memref<8192xf32, #tpu.memory_space<vmem>>, vector<16xf32>,
      %mul3A_113 = arith.mulf %get3A_108, %get3A_112 : vector<16xf32>
      %add3A_114 = arith.addf %add3A_104, %mul3A_113 : vector<16xf32>
      %add3A_115 = arith.constant 4096 : i32
      %add3A_116 = arith.addi %add3A_115, %add3A_27 : i32
      %get3A_117 = arith.index_cast %add3A_116 : i32 to index
      %get3A_118 = tpu.vector_load %arg13[%get3A_117] {strides = array<i32>} : memref<8192xf32, #tpu.memory_space<vmem>>, vector<16xf32>,
      %add3A_119 = arith.constant 4096 : i32
      %add3A_120 = arith.addi %add3A_119, %add3A_27 : i32
      %get3A_121 = arith.index_cast %add3A_120 : i32 to index
      %get3A_122 = tpu.vector_load %arg14[%get3A_121] {strides = array<i32>} : memref<8192xf32, #tpu.memory_space<vmem>>, vector<16xf32>,
      %mul3A_123 = arith.mulf %get3A_118, %get3A_122 : vector<16xf32>
      %add3A_124 = arith.addf %add3A_114, %mul3A_123 : vector<16xf32>
      %add3A_125 = arith.constant 4608 : i32
      %add3A_126 = arith.addi %add3A_125, %add3A_27 : i32
      %get3A_127 = arith.index_cast %add3A_126 : i32 to index
      %get3A_128 = tpu.vector_load %arg13[%get3A_127] {strides = array<i32>} : memref<8192xf32, #tpu.memory_space<vmem>>, vector<16xf32>,
      %add3A_129 = arith.constant 4608 : i32
      %add3A_130 = arith.addi %add3A_129, %add3A_27 : i32
      %get3A_131 = arith.index_cast %add3A_130 : i32 to index
      %get3A_132 = tpu.vector_load %arg14[%get3A_131] {strides = array<i32>} : memref<8192xf32, #tpu.memory_space<vmem>>, vector<16xf32>,
      %mul3A_133 = arith.mulf %get3A_128, %get3A_132 : vector<16xf32>
      %add3A_134 = arith.addf %add3A_124, %mul3A_133 : vector<16xf32>
      %add3A_135 = arith.constant 5120 : i32
      %add3A_136 = arith.addi %add3A_135, %add3A_27 : i32
      %get3A_137 = arith.index_cast %add3A_136 : i32 to index
      %get3A_138 = tpu.vector_load %arg13[%get3A_137] {strides = array<i32>} : memref<8192xf32, #tpu.memory_space<vmem>>, vector<16xf32>,
      %add3A_139 = arith.constant 5120 : i32
      %add3A_140 = arith.addi %add3A_139, %add3A_27 : i32
      %get3A_141 = arith.index_cast %add3A_140 : i32 to index
      %get3A_142 = tpu.vector_load %arg14[%get3A_141] {strides = array<i32>} : memref<8192xf32, #tpu.memory_space<vmem>>, vector<16xf32>,
      %mul3A_143 = arith.mulf %get3A_138, %get3A_142 : vector<16xf32>
      %add3A_144 = arith.addf %add3A_134, %mul3A_143 : vector<16xf32>
      %add3A_145 = arith.constant 5632 : i32
      %add3A_146 = arith.addi %add3A_145, %add3A_27 : i32
      %get3A_147 = arith.index_cast %add3A_146 : i32 to index
      %get3A_148 = tpu.vector_load %arg13[%get3A_147] {strides = array<i32>} : memref<8192xf32, #tpu.memory_space<vmem>>, vector<16xf32>,
      %add3A_149 = arith.constant 5632 : i32
      %add3A_150 = arith.addi %add3A_149, %add3A_27 : i32
      %get3A_151 = arith.index_cast %add3A_150 : i32 to index
      %get3A_152 = tpu.vector_load %arg14[%get3A_151] {strides = array<i32>} : memref<8192xf32, #tpu.memory_space<vmem>>, vector<16xf32>,
      %mul3A_153 = arith.mulf %get3A_148, %get3A_152 : vector<16xf32>
      %add3A_154 = arith.addf %add3A_144, %mul3A_153 : vector<16xf32>
      %add3A_155 = arith.constant 6144 : i32
      %add3A_156 = arith.addi %add3A_155, %add3A_27 : i32
      %get3A_157 = arith.index_cast %add3A_156 : i32 to index
      %get3A_158 = tpu.vector_load %arg13[%get3A_157] {strides = array<i32>} : memref<8192xf32, #tpu.memory_space<vmem>>, vector<16xf32>,
      %add3A_159 = arith.constant 6144 : i32
      %add3A_160 = arith.addi %add3A_159, %add3A_27 : i32
      %get3A_161 = arith.index_cast %add3A_160 : i32 to index
      %get3A_162 = tpu.vector_load %arg14[%get3A_161] {strides = array<i32>} : memref<8192xf32, #tpu.memory_space<vmem>>, vector<16xf32>,
      %mul3A_163 = arith.mulf %get3A_158, %get3A_162 : vector<16xf32>
      %add3A_164 = arith.addf %add3A_154, %mul3A_163 : vector<16xf32>
      %add3A_165 = arith.constant 6656 : i32
      %add3A_166 = arith.addi %add3A_165, %add3A_27 : i32
      %get3A_167 = arith.index_cast %add3A_166 : i32 to index
      %get3A_168 = tpu.vector_load %arg13[%get3A_167] {strides = array<i32>} : memref<8192xf32, #tpu.memory_space<vmem>>, vector<16xf32>,
      %add3A_169 = arith.constant 6656 : i32
      %add3A_170 = arith.addi %add3A_169, %add3A_27 : i32
      %get3A_171 = arith.index_cast %add3A_170 : i32 to index
      %get3A_172 = tpu.vector_load %arg14[%get3A_171] {strides = array<i32>} : memref<8192xf32, #tpu.memory_space<vmem>>, vector<16xf32>,
      %mul3A_173 = arith.mulf %get3A_168, %get3A_172 : vector<16xf32>
      %add3A_174 = arith.addf %add3A_164, %mul3A_173 : vector<16xf32>
      %add3A_175 = arith.constant 7168 : i32
      %add3A_176 = arith.addi %add3A_175, %add3A_27 : i32
      %get3A_177 = arith.index_cast %add3A_176 : i32 to index
      %get3A_178 = tpu.vector_load %arg13[%get3A_177] {strides = array<i32>} : memref<8192xf32, #tpu.memory_space<vmem>>, vector<16xf32>,
      %add3A_179 = arith.constant 7168 : i32
      %add3A_180 = arith.addi %add3A_179, %add3A_27 : i32
      %get3A_181 = arith.index_cast %add3A_180 : i32 to index
      %get3A_182 = tpu.vector_load %arg14[%get3A_181] {strides = array<i32>} : memref<8192xf32, #tpu.memory_space<vmem>>, vector<16xf32>,
      %mul3A_183 = arith.mulf %get3A_178, %get3A_182 : vector<16xf32>
      %add3A_184 = arith.addf %add3A_174, %mul3A_183 : vector<16xf32>
      %add3A_185 = arith.constant 7680 : i32
      %add3A_186 = arith.addi %add3A_185, %add3A_27 : i32
      %get3A_187 = arith.index_cast %add3A_186 : i32 to index
      %get3A_188 = tpu.vector_load %arg13[%get3A_187] {strides = array<i32>} : memref<8192xf32, #tpu.memory_space<vmem>>, vector<16xf32>,
      %add3A_189 = arith.constant 7680 : i32
      %add3A_190 = arith.addi %add3A_189, %add3A_27 : i32
      %get3A_191 = arith.index_cast %add3A_190 : i32 to index
      %get3A_192 = tpu.vector_load %arg14[%get3A_191] {strides = array<i32>} : memref<8192xf32, #tpu.memory_space<vmem>>, vector<16xf32>,
      %mul3A_193 = arith.mulf %get3A_188, %get3A_192 : vector<16xf32>
      %add3A_194 = arith.addf %add3A_184, %mul3A_193 : vector<16xf32>
      %swap3A = arith.index_cast %add3A_27 : i32 to index
      %swap3A_195 = tpu.vector_load %arg17[%swap3A] {strides = array<i32>} : memref<512xf32, #tpu.memory_space<vmem>>, vector<16xf32>,
      tpu.vector_store %arg17[%swap3A], %add3A_194 {strides = array<i32>} : memref<512xf32, #tpu.memory_space<vmem>>, vector<16xf32>,
    }
    %scan3A_22 = arith.constant 32 : i32
    "tpu.region"() ({
      %run_scoped3A = tpu.sem_alloc : memref<!tpu.dma_semaphore, #tpu.memory_space<semaphore_mem>>
      %dma_start3A_23 = tpu.memref_slice %arg8[%mul3A_2] : memref<16384xf32, #tpu.memory_space<hbm>> -> memref<512xf32, #tpu.memory_space<hbm>>
      %dma_start3A_24 = tpu.memref_slice %arg8[%mul3A_2] : memref<16384xf32, #tpu.memory_space<hbm>> -> memref<512xf32, #tpu.memory_space<hbm>>
      tpu.enqueue_dma source(%arg17 : memref<512xf32, #tpu.memory_space<vmem>>) target(%dma_start3A_24 : memref<512xf32, #tpu.memory_space<hbm>>) target_semaphore(%run_scoped3A : memref<!tpu.dma_semaphore, #tpu.memory_space<semaphore_mem>>)
      %dma_wait3A_25 = tpu.memref_slice %arg8[%mul3A_2] : memref<16384xf32, #tpu.memory_space<hbm>> -> memref<512xf32, #tpu.memory_space<hbm>>
      %dma_wait3A_26 = tpu.memref_slice %arg8[%mul3A_2] : memref<16384xf32, #tpu.memory_space<hbm>> -> memref<512xf32, #tpu.memory_space<hbm>>
      tpu.wait_dma2 semaphore(%run_scoped3A : memref<!tpu.dma_semaphore, #tpu.memory_space<semaphore_mem>>) src(%arg17 : memref<512xf32, #tpu.memory_space<vmem>>) dst(%dma_wait3A_26 : memref<512xf32, #tpu.memory_space<hbm>>)
      tpu.yield
    }) : () -> ()
    return
  }
}

module attributes {stable_mosaic.version = 14 : i64} {
  func.func @body(%arg0: i32, %arg1: i32, %arg2: memref<8x76928xf32, #tpu.memory_space<vmem>>, %arg3: memref<8x76928xf32, #tpu.memory_space<vmem>>, %arg4: memref<4808x128xf32, #tpu.memory_space<vmem>>, %arg5: memref<4808x128xf32, #tpu.memory_space<vmem>>) attributes {dimension_semantics = [#tpu.dimension_semantics<parallel>, #tpu.dimension_semantics<arbitrary>], iteration_bounds = array<i64: 2, 13>, scalar_prefetch = 0 : i64, scratch_operands = 0 : i64, tpu.core_type = #tpu.core_type<tc>, window_params = [{transform_indices = @transform_0, window_bounds = array<i64: 8, 76928>}, {transform_indices = @transform_1, window_bounds = array<i64: 8, 76928>}, {transform_indices = @transform_2, window_bounds = array<i64: 4808, 128>}, {transform_indices = @transform_3, window_bounds = array<i64: 4808, 128>}]} {
    %get3A = arith.constant 0 : index
    %get3A_0 = arith.constant 0 : index
    %get3A_1 = vector.load %arg2[%get3A, %get3A_0] : memref<8x76928xf32, #tpu.memory_space<vmem>>, vector<8x76928xf32>
    %einshape_lo3A = vector.extract_strided_slice %get3A_1 {offsets = [0, 0], sizes = [8, 128], strides = [1, 1]} : vector<8x76928xf32> to vector<8x128xf32>
    %einshape_lo3A_2 = vector.extract_strided_slice %get3A_1 {offsets = [0, 128], sizes = [8, 128], strides = [1, 1]} : vector<8x76928xf32> to vector<8x128xf32>
    %einshape_lo3A_3 = vector.extract_strided_slice %get3A_1 {offsets = [0, 256], sizes = [8, 128], strides = [1, 1]} : vector<8x76928xf32> to vector<8x128xf32>
    %einshape_lo3A_4 = vector.extract_strided_slice %get3A_1 {offsets = [0, 384], sizes = [8, 128], strides = [1, 1]} : vector<8x76928xf32> to vector<8x128xf32>
    %einshape_lo3A_5 = vector.extract_strided_slice %get3A_1 {offsets = [0, 512], sizes = [8, 128], strides = [1, 1]} : vector<8x76928xf32> to vector<8x128xf32>
    %einshape_lo3A_6 = vector.extract_strided_slice %get3A_1 {offsets = [0, 640], sizes = [8, 128], strides = [1, 1]} : vector<8x76928xf32> to vector<8x128xf32>
    %einshape_lo3A_7 = vector.extract_strided_slice %get3A_1 {offsets = [0, 768], sizes = [8, 128], strides = [1, 1]} : vector<8x76928xf32> to vector<8x128xf32>
    %einshape_lo3A_8 = vector.extract_strided_slice %get3A_1 {offsets = [0, 896], sizes = [8, 128], strides = [1, 1]} : vector<8x76928xf32> to vector<8x128xf32>
    %einshape_lo3A_9 = vector.extract_strided_slice %get3A_1 {offsets = [0, 1024], sizes = [8, 128], strides = [1, 1]} : vector<8x76928xf32> to vector<8x128xf32>
    %einshape_lo3A_10 = vector.extract_strided_slice %get3A_1 {offsets = [0, 1152], sizes = [8, 128], strides = [1, 1]} : vector<8x76928xf32> to vector<8x128xf32>
    %einshape_lo3A_11 = vector.extract_strided_slice %get3A_1 {offsets = [0, 1280], sizes = [8, 128], strides = [1, 1]} : vector<8x76928xf32> to vector<8x128xf32>
    %einshape_lo3A_12 = vector.extract_strided_slice %get3A_1 {offsets = [0, 1408], sizes = [8, 128], strides = [1, 1]} : vector<8x76928xf32> to vector<8x128xf32>
    %einshape_lo3A_13 = vector.extract_strided_slice %get3A_1 {offsets = [0, 1536], sizes = [8, 128], strides = [1, 1]} : vector<8x76928xf32> to vector<8x128xf32>
    %einshape_lo3A_14 = vector.extract_strided_slice %get3A_1 {offsets = [0, 1664], sizes = [8, 128], strides = [1, 1]} : vector<8x76928xf32> to vector<8x128xf32>
    %einshape_lo3A_15 = vector.extract_strided_slice %get3A_1 {offsets = [0, 1792], sizes = [8, 128], strides = [1, 1]} : vector<8x76928xf32> to vector<8x128xf32>
    %einshape_lo3A_16 = vector.extract_strided_slice %get3A_1 {offsets = [0, 1920], sizes = [8, 128], strides = [1, 1]} : vector<8x76928xf32> to vector<8x128xf32>
    %einshape_lo3A_17 = vector.extract_strided_slice %get3A_1 {offsets = [0, 2048], sizes = [8, 128], strides = [1, 1]} : vector<8x76928xf32> to vector<8x128xf32>
    %einshape_lo3A_18 = vector.extract_strided_slice %get3A_1 {offsets = [0, 2176], sizes = [8, 128], strides = [1, 1]} : vector<8x76928xf32> to vector<8x128xf32>
    %einshape_lo3A_19 = vector.extract_strided_slice %get3A_1 {offsets = [0, 2304], sizes = [8, 128], strides = [1, 1]} : vector<8x76928xf32> to vector<8x128xf32>
    %einshape_lo3A_20 = vector.extract_strided_slice %get3A_1 {offsets = [0, 2432], sizes = [8, 128], strides = [1, 1]} : vector<8x76928xf32> to vector<8x128xf32>
    %einshape_lo3A_21 = vector.extract_strided_slice %get3A_1 {offsets = [0, 2560], sizes = [8, 128], strides = [1, 1]} : vector<8x76928xf32> to vector<8x128xf32>
    %einshape_lo3A_22 = vector.extract_strided_slice %get3A_1 {offsets = [0, 2688], sizes = [8, 128], strides = [1, 1]} : vector<8x76928xf32> to vector<8x128xf32>
    %einshape_lo3A_23 = vector.extract_strided_slice %get3A_1 {offsets = [0, 2816], sizes = [8, 128], strides = [1, 1]} : vector<8x76928xf32> to vector<8x128xf32>
    %einshape_lo3A_24 = vector.extract_strided_slice %get3A_1 {offsets = [0, 2944], sizes = [8, 128], strides = [1, 1]} : vector<8x76928xf32> to vector<8x128xf32>
    %einshape_lo3A_25 = vector.extract_strided_slice %get3A_1 {offsets = [0, 3072], sizes = [8, 128], strides = [1, 1]} : vector<8x76928xf32> to vector<8x128xf32>
    %einshape_lo3A_26 = vector.extract_strided_slice %get3A_1 {offsets = [0, 3200], sizes = [8, 128], strides = [1, 1]} : vector<8x76928xf32> to vector<8x128xf32>
    %einshape_lo3A_27 = vector.extract_strided_slice %get3A_1 {offsets = [0, 3328], sizes = [8, 128], strides = [1, 1]} : vector<8x76928xf32> to vector<8x128xf32>
    %einshape_lo3A_28 = vector.extract_strided_slice %get3A_1 {offsets = [0, 3456], sizes = [8, 128], strides = [1, 1]} : vector<8x76928xf32> to vector<8x128xf32>
    %einshape_lo3A_29 = vector.extract_strided_slice %get3A_1 {offsets = [0, 3584], sizes = [8, 128], strides = [1, 1]} : vector<8x76928xf32> to vector<8x128xf32>
    %einshape_lo3A_30 = vector.extract_strided_slice %get3A_1 {offsets = [0, 3712], sizes = [8, 128], strides = [1, 1]} : vector<8x76928xf32> to vector<8x128xf32>
    %einshape_lo3A_31 = vector.extract_strided_slice %get3A_1 {offsets = [0, 3840], sizes = [8, 128], strides = [1, 1]} : vector<8x76928xf32> to vector<8x128xf32>
    %einshape_lo3A_32 = vector.extract_strided_slice %get3A_1 {offsets = [0, 3968], sizes = [8, 128], strides = [1, 1]} : vector<8x76928xf32> to vector<8x128xf32>
    %einshape_lo3A_33 = vector.extract_strided_slice %get3A_1 {offsets = [0, 4096], sizes = [8, 128], strides = [1, 1]} : vector<8x76928xf32> to vector<8x128xf32>
    %einshape_lo3A_34 = vector.extract_strided_slice %get3A_1 {offsets = [0, 4224], sizes = [8, 128], strides = [1, 1]} : vector<8x76928xf32> to vector<8x128xf32>
    %einshape_lo3A_35 = vector.extract_strided_slice %get3A_1 {offsets = [0, 4352], sizes = [8, 128], strides = [1, 1]} : vector<8x76928xf32> to vector<8x128xf32>
    %einshape_lo3A_36 = vector.extract_strided_slice %get3A_1 {offsets = [0, 4480], sizes = [8, 128], strides = [1, 1]} : vector<8x76928xf32> to vector<8x128xf32>
    %einshape_lo3A_37 = vector.extract_strided_slice %get3A_1 {offsets = [0, 4608], sizes = [8, 128], strides = [1, 1]} : vector<8x76928xf32> to vector<8x128xf32>
    %einshape_lo3A_38 = vector.extract_strided_slice %get3A_1 {offsets = [0, 4736], sizes = [8, 128], strides = [1, 1]} : vector<8x76928xf32> to vector<8x128xf32>
    %einshape_lo3A_39 = vector.extract_strided_slice %get3A_1 {offsets = [0, 4864], sizes = [8, 128], strides = [1, 1]} : vector<8x76928xf32> to vector<8x128xf32>
    %einshape_lo3A_40 = vector.extract_strided_slice %get3A_1 {offsets = [0, 4992], sizes = [8, 128], strides = [1, 1]} : vector<8x76928xf32> to vector<8x128xf32>
    %einshape_lo3A_41 = vector.extract_strided_slice %get3A_1 {offsets = [0, 5120], sizes = [8, 128], strides = [1, 1]} : vector<8x76928xf32> to vector<8x128xf32>
    %einshape_lo3A_42 = vector.extract_strided_slice %get3A_1 {offsets = [0, 5248], sizes = [8, 128], strides = [1, 1]} : vector<8x76928xf32> to vector<8x128xf32>
    %einshape_lo3A_43 = vector.extract_strided_slice %get3A_1 {offsets = [0, 5376], sizes = [8, 128], strides = [1, 1]} : vector<8x76928xf32> to vector<8x128xf32>
    %einshape_lo3A_44 = vector.extract_strided_slice %get3A_1 {offsets = [0, 5504], sizes = [8, 128], strides = [1, 1]} : vector<8x76928xf32> to vector<8x128xf32>
    %einshape_lo3A_45 = vector.extract_strided_slice %get3A_1 {offsets = [0, 5632], sizes = [8, 128], strides = [1, 1]} : vector<8x76928xf32> to vector<8x128xf32>
    %einshape_lo3A_46 = vector.extract_strided_slice %get3A_1 {offsets = [0, 5760], sizes = [8, 128], strides = [1, 1]} : vector<8x76928xf32> to vector<8x128xf32>
    %einshape_lo3A_47 = vector.extract_strided_slice %get3A_1 {offsets = [0, 5888], sizes = [8, 128], strides = [1, 1]} : vector<8x76928xf32> to vector<8x128xf32>
    %einshape_lo3A_48 = vector.extract_strided_slice %get3A_1 {offsets = [0, 6016], sizes = [8, 128], strides = [1, 1]} : vector<8x76928xf32> to vector<8x128xf32>
    %einshape_lo3A_49 = vector.extract_strided_slice %get3A_1 {offsets = [0, 6144], sizes = [8, 128], strides = [1, 1]} : vector<8x76928xf32> to vector<8x128xf32>
    %einshape_lo3A_50 = vector.extract_strided_slice %get3A_1 {offsets = [0, 6272], sizes = [8, 128], strides = [1, 1]} : vector<8x76928xf32> to vector<8x128xf32>
    %einshape_lo3A_51 = vector.extract_strided_slice %get3A_1 {offsets = [0, 6400], sizes = [8, 128], strides = [1, 1]} : vector<8x76928xf32> to vector<8x128xf32>
    %einshape_lo3A_52 = vector.extract_strided_slice %get3A_1 {offsets = [0, 6528], sizes = [8, 128], strides = [1, 1]} : vector<8x76928xf32> to vector<8x128xf32>
    %einshape_lo3A_53 = vector.extract_strided_slice %get3A_1 {offsets = [0, 6656], sizes = [8, 128], strides = [1, 1]} : vector<8x76928xf32> to vector<8x128xf32>
    %einshape_lo3A_54 = vector.extract_strided_slice %get3A_1 {offsets = [0, 6784], sizes = [8, 128], strides = [1, 1]} : vector<8x76928xf32> to vector<8x128xf32>
    %einshape_lo3A_55 = vector.extract_strided_slice %get3A_1 {offsets = [0, 6912], sizes = [8, 128], strides = [1, 1]} : vector<8x76928xf32> to vector<8x128xf32>
    %einshape_lo3A_56 = vector.extract_strided_slice %get3A_1 {offsets = [0, 7040], sizes = [8, 128], strides = [1, 1]} : vector<8x76928xf32> to vector<8x128xf32>
    %einshape_lo3A_57 = vector.extract_strided_slice %get3A_1 {offsets = [0, 7168], sizes = [8, 128], strides = [1, 1]} : vector<8x76928xf32> to vector<8x128xf32>
    %einshape_lo3A_58 = vector.extract_strided_slice %get3A_1 {offsets = [0, 7296], sizes = [8, 128], strides = [1, 1]} : vector<8x76928xf32> to vector<8x128xf32>
    %einshape_lo3A_59 = vector.extract_strided_slice %get3A_1 {offsets = [0, 7424], sizes = [8, 128], strides = [1, 1]} : vector<8x76928xf32> to vector<8x128xf32>
    %einshape_lo3A_60 = vector.extract_strided_slice %get3A_1 {offsets = [0, 7552], sizes = [8, 128], strides = [1, 1]} : vector<8x76928xf32> to vector<8x128xf32>
    %einshape_lo3A_61 = vector.extract_strided_slice %get3A_1 {offsets = [0, 7680], sizes = [8, 128], strides = [1, 1]} : vector<8x76928xf32> to vector<8x128xf32>
    %einshape_lo3A_62 = vector.extract_strided_slice %get3A_1 {offsets = [0, 7808], sizes = [8, 128], strides = [1, 1]} : vector<8x76928xf32> to vector<8x128xf32>
    %einshape_lo3A_63 = vector.extract_strided_slice %get3A_1 {offsets = [0, 7936], sizes = [8, 128], strides = [1, 1]} : vector<8x76928xf32> to vector<8x128xf32>
    %einshape_lo3A_64 = vector.extract_strided_slice %get3A_1 {offsets = [0, 8064], sizes = [8, 128], strides = [1, 1]} : vector<8x76928xf32> to vector<8x128xf32>
    %einshape_lo3A_65 = vector.extract_strided_slice %get3A_1 {offsets = [0, 8192], sizes = [8, 128], strides = [1, 1]} : vector<8x76928xf32> to vector<8x128xf32>
    %einshape_lo3A_66 = vector.extract_strided_slice %get3A_1 {offsets = [0, 8320], sizes = [8, 128], strides = [1, 1]} : vector<8x76928xf32> to vector<8x128xf32>
    %einshape_lo3A_67 = vector.extract_strided_slice %get3A_1 {offsets = [0, 8448], sizes = [8, 128], strides = [1, 1]} : vector<8x76928xf32> to vector<8x128xf32>
    %einshape_lo3A_68 = vector.extract_strided_slice %get3A_1 {offsets = [0, 8576], sizes = [8, 128], strides = [1, 1]} : vector<8x76928xf32> to vector<8x128xf32>
    %einshape_lo3A_69 = vector.extract_strided_slice %get3A_1 {offsets = [0, 8704], sizes = [8, 128], strides = [1, 1]} : vector<8x76928xf32> to vector<8x128xf32>
    %einshape_lo3A_70 = vector.extract_strided_slice %get3A_1 {offsets = [0, 8832], sizes = [8, 128], strides = [1, 1]} : vector<8x76928xf32> to vector<8x128xf32>
    %einshape_lo3A_71 = vector.extract_strided_slice %get3A_1 {offsets = [0, 8960], sizes = [8, 128], strides = [1, 1]} : vector<8x76928xf32> to vector<8x128xf32>
    %einshape_lo3A_72 = vector.extract_strided_slice %get3A_1 {offsets = [0, 9088], sizes = [8, 128], strides = [1, 1]} : vector<8x76928xf32> to vector<8x128xf32>
    %einshape_lo3A_73 = vector.extract_strided_slice %get3A_1 {offsets = [0, 9216], sizes = [8, 128], strides = [1, 1]} : vector<8x76928xf32> to vector<8x128xf32>
    %einshape_lo3A_74 = vector.extract_strided_slice %get3A_1 {offsets = [0, 9344], sizes = [8, 128], strides = [1, 1]} : vector<8x76928xf32> to vector<8x128xf32>
    %einshape_lo3A_75 = vector.extract_strided_slice %get3A_1 {offsets = [0, 9472], sizes = [8, 128], strides = [1, 1]} : vector<8x76928xf32> to vector<8x128xf32>
    %einshape_lo3A_76 = vector.extract_strided_slice %get3A_1 {offsets = [0, 9600], sizes = [8, 128], strides = [1, 1]} : vector<8x76928xf32> to vector<8x128xf32>
    %einshape_lo3A_77 = vector.extract_strided_slice %get3A_1 {offsets = [0, 9728], sizes = [8, 128], strides = [1, 1]} : vector<8x76928xf32> to vector<8x128xf32>
    %einshape_lo3A_78 = vector.extract_strided_slice %get3A_1 {offsets = [0, 9856], sizes = [8, 128], strides = [1, 1]} : vector<8x76928xf32> to vector<8x128xf32>
    %einshape_lo3A_79 = vector.extract_strided_slice %get3A_1 {offsets = [0, 9984], sizes = [8, 128], strides = [1, 1]} : vector<8x76928xf32> to vector<8x128xf32>
    %einshape_lo3A_80 = vector.extract_strided_slice %get3A_1 {offsets = [0, 10112], sizes = [8, 128], strides = [1, 1]} : vector<8x76928xf32> to vector<8x128xf32>
    %einshape_lo3A_81 = vector.extract_strided_slice %get3A_1 {offsets = [0, 10240], sizes = [8, 128], strides = [1, 1]} : vector<8x76928xf32> to vector<8x128xf32>
    %einshape_lo3A_82 = vector.extract_strided_slice %get3A_1 {offsets = [0, 10368], sizes = [8, 128], strides = [1, 1]} : vector<8x76928xf32> to vector<8x128xf32>
    %einshape_lo3A_83 = vector.extract_strided_slice %get3A_1 {offsets = [0, 10496], sizes = [8, 128], strides = [1, 1]} : vector<8x76928xf32> to vector<8x128xf32>
    %einshape_lo3A_84 = vector.extract_strided_slice %get3A_1 {offsets = [0, 10624], sizes = [8, 128], strides = [1, 1]} : vector<8x76928xf32> to vector<8x128xf32>
    %einshape_lo3A_85 = vector.extract_strided_slice %get3A_1 {offsets = [0, 10752], sizes = [8, 128], strides = [1, 1]} : vector<8x76928xf32> to vector<8x128xf32>
    %einshape_lo3A_86 = vector.extract_strided_slice %get3A_1 {offsets = [0, 10880], sizes = [8, 128], strides = [1, 1]} : vector<8x76928xf32> to vector<8x128xf32>
    %einshape_lo3A_87 = vector.extract_strided_slice %get3A_1 {offsets = [0, 11008], sizes = [8, 128], strides = [1, 1]} : vector<8x76928xf32> to vector<8x128xf32>
    %einshape_lo3A_88 = vector.extract_strided_slice %get3A_1 {offsets = [0, 11136], sizes = [8, 128], strides = [1, 1]} : vector<8x76928xf32> to vector<8x128xf32>
    %einshape_lo3A_89 = vector.extract_strided_slice %get3A_1 {offsets = [0, 11264], sizes = [8, 128], strides = [1, 1]} : vector<8x76928xf32> to vector<8x128xf32>
    %einshape_lo3A_90 = vector.extract_strided_slice %get3A_1 {offsets = [0, 11392], sizes = [8, 128], strides = [1, 1]} : vector<8x76928xf32> to vector<8x128xf32>
    %einshape_lo3A_91 = vector.extract_strided_slice %get3A_1 {offsets = [0, 11520], sizes = [8, 128], strides = [1, 1]} : vector<8x76928xf32> to vector<8x128xf32>
    %einshape_lo3A_92 = vector.extract_strided_slice %get3A_1 {offsets = [0, 11648], sizes = [8, 128], strides = [1, 1]} : vector<8x76928xf32> to vector<8x128xf32>
    %einshape_lo3A_93 = vector.extract_strided_slice %get3A_1 {offsets = [0, 11776], sizes = [8, 128], strides = [1, 1]} : vector<8x76928xf32> to vector<8x128xf32>
    %einshape_lo3A_94 = vector.extract_strided_slice %get3A_1 {offsets = [0, 11904], sizes = [8, 128], strides = [1, 1]} : vector<8x76928xf32> to vector<8x128xf32>
    %einshape_lo3A_95 = vector.extract_strided_slice %get3A_1 {offsets = [0, 12032], sizes = [8, 128], strides = [1, 1]} : vector<8x76928xf32> to vector<8x128xf32>
    %einshape_lo3A_96 = vector.extract_strided_slice %get3A_1 {offsets = [0, 12160], sizes = [8, 128], strides = [1, 1]} : vector<8x76928xf32> to vector<8x128xf32>
    %einshape_lo3A_97 = vector.extract_strided_slice %get3A_1 {offsets = [0, 12288], sizes = [8, 128], strides = [1, 1]} : vector<8x76928xf32> to vector<8x128xf32>
    %einshape_lo3A_98 = vector.extract_strided_slice %get3A_1 {offsets = [0, 12416], sizes = [8, 128], strides = [1, 1]} : vector<8x76928xf32> to vector<8x128xf32>
    %einshape_lo3A_99 = vector.extract_strided_slice %get3A_1 {offsets = [0, 12544], sizes = [8, 128], strides = [1, 1]} : vector<8x76928xf32> to vector<8x128xf32>
    %einshape_lo3A_100 = vector.extract_strided_slice %get3A_1 {offsets = [0, 12672], sizes = [8, 128], strides = [1, 1]} : vector<8x76928xf32> to vector<8x128xf32>
    %einshape_lo3A_101 = vector.extract_strided_slice %get3A_1 {offsets = [0, 12800], sizes = [8, 128], strides = [1, 1]} : vector<8x76928xf32> to vector<8x128xf32>
    %einshape_lo3A_102 = vector.extract_strided_slice %get3A_1 {offsets = [0, 12928], sizes = [8, 128], strides = [1, 1]} : vector<8x76928xf32> to vector<8x128xf32>
    %einshape_lo3A_103 = vector.extract_strided_slice %get3A_1 {offsets = [0, 13056], sizes = [8, 128], strides = [1, 1]} : vector<8x76928xf32> to vector<8x128xf32>
    %einshape_lo3A_104 = vector.extract_strided_slice %get3A_1 {offsets = [0, 13184], sizes = [8, 128], strides = [1, 1]} : vector<8x76928xf32> to vector<8x128xf32>
    %einshape_lo3A_105 = vector.extract_strided_slice %get3A_1 {offsets = [0, 13312], sizes = [8, 128], strides = [1, 1]} : vector<8x76928xf32> to vector<8x128xf32>
    %einshape_lo3A_106 = vector.extract_strided_slice %get3A_1 {offsets = [0, 13440], sizes = [8, 128], strides = [1, 1]} : vector<8x76928xf32> to vector<8x128xf32>
    %einshape_lo3A_107 = vector.extract_strided_slice %get3A_1 {offsets = [0, 13568], sizes = [8, 128], strides = [1, 1]} : vector<8x76928xf32> to vector<8x128xf32>
    %einshape_lo3A_108 = vector.extract_strided_slice %get3A_1 {offsets = [0, 13696], sizes = [8, 128], strides = [1, 1]} : vector<8x76928xf32> to vector<8x128xf32>
    %einshape_lo3A_109 = vector.extract_strided_slice %get3A_1 {offsets = [0, 13824], sizes = [8, 128], strides = [1, 1]} : vector<8x76928xf32> to vector<8x128xf32>
    %einshape_lo3A_110 = vector.extract_strided_slice %get3A_1 {offsets = [0, 13952], sizes = [8, 128], strides = [1, 1]} : vector<8x76928xf32> to vector<8x128xf32>
    %einshape_lo3A_111 = vector.extract_strided_slice %get3A_1 {offsets = [0, 14080], sizes = [8, 128], strides = [1, 1]} : vector<8x76928xf32> to vector<8x128xf32>
    %einshape_lo3A_112 = vector.extract_strided_slice %get3A_1 {offsets = [0, 14208], sizes = [8, 128], strides = [1, 1]} : vector<8x76928xf32> to vector<8x128xf32>
    %einshape_lo3A_113 = vector.extract_strided_slice %get3A_1 {offsets = [0, 14336], sizes = [8, 128], strides = [1, 1]} : vector<8x76928xf32> to vector<8x128xf32>
    %einshape_lo3A_114 = vector.extract_strided_slice %get3A_1 {offsets = [0, 14464], sizes = [8, 128], strides = [1, 1]} : vector<8x76928xf32> to vector<8x128xf32>
    %einshape_lo3A_115 = vector.extract_strided_slice %get3A_1 {offsets = [0, 14592], sizes = [8, 128], strides = [1, 1]} : vector<8x76928xf32> to vector<8x128xf32>
    %einshape_lo3A_116 = vector.extract_strided_slice %get3A_1 {offsets = [0, 14720], sizes = [8, 128], strides = [1, 1]} : vector<8x76928xf32> to vector<8x128xf32>
    %einshape_lo3A_117 = vector.extract_strided_slice %get3A_1 {offsets = [0, 14848], sizes = [8, 128], strides = [1, 1]} : vector<8x76928xf32> to vector<8x128xf32>
    %einshape_lo3A_118 = vector.extract_strided_slice %get3A_1 {offsets = [0, 14976], sizes = [8, 128], strides = [1, 1]} : vector<8x76928xf32> to vector<8x128xf32>
    %einshape_lo3A_119 = vector.extract_strided_slice %get3A_1 {offsets = [0, 15104], sizes = [8, 128], strides = [1, 1]} : vector<8x76928xf32> to vector<8x128xf32>
    %einshape_lo3A_120 = vector.extract_strided_slice %get3A_1 {offsets = [0, 15232], sizes = [8, 128], strides = [1, 1]} : vector<8x76928xf32> to vector<8x128xf32>
    %einshape_lo3A_121 = vector.extract_strided_slice %get3A_1 {offsets = [0, 15360], sizes = [8, 128], strides = [1, 1]} : vector<8x76928xf32> to vector<8x128xf32>
    %einshape_lo3A_122 = vector.extract_strided_slice %get3A_1 {offsets = [0, 15488], sizes = [8, 128], strides = [1, 1]} : vector<8x76928xf32> to vector<8x128xf32>
    %einshape_lo3A_123 = vector.extract_strided_slice %get3A_1 {offsets = [0, 15616], sizes = [8, 128], strides = [1, 1]} : vector<8x76928xf32> to vector<8x128xf32>
    %einshape_lo3A_124 = vector.extract_strided_slice %get3A_1 {offsets = [0, 15744], sizes = [8, 128], strides = [1, 1]} : vector<8x76928xf32> to vector<8x128xf32>
    %einshape_lo3A_125 = vector.extract_strided_slice %get3A_1 {offsets = [0, 15872], sizes = [8, 128], strides = [1, 1]} : vector<8x76928xf32> to vector<8x128xf32>
    %einshape_lo3A_126 = vector.extract_strided_slice %get3A_1 {offsets = [0, 16000], sizes = [8, 128], strides = [1, 1]} : vector<8x76928xf32> to vector<8x128xf32>
    %einshape_lo3A_127 = vector.extract_strided_slice %get3A_1 {offsets = [0, 16128], sizes = [8, 128], strides = [1, 1]} : vector<8x76928xf32> to vector<8x128xf32>
    %einshape_lo3A_128 = vector.extract_strided_slice %get3A_1 {offsets = [0, 16256], sizes = [8, 128], strides = [1, 1]} : vector<8x76928xf32> to vector<8x128xf32>
    %einshape_lo3A_129 = vector.extract_strided_slice %get3A_1 {offsets = [0, 16384], sizes = [8, 128], strides = [1, 1]} : vector<8x76928xf32> to vector<8x128xf32>
    %einshape_lo3A_130 = vector.extract_strided_slice %get3A_1 {offsets = [0, 16512], sizes = [8, 128], strides = [1, 1]} : vector<8x76928xf32> to vector<8x128xf32>
    %einshape_lo3A_131 = vector.extract_strided_slice %get3A_1 {offsets = [0, 16640], sizes = [8, 128], strides = [1, 1]} : vector<8x76928xf32> to vector<8x128xf32>
    %einshape_lo3A_132 = vector.extract_strided_slice %get3A_1 {offsets = [0, 16768], sizes = [8, 128], strides = [1, 1]} : vector<8x76928xf32> to vector<8x128xf32>
    %einshape_lo3A_133 = vector.extract_strided_slice %get3A_1 {offsets = [0, 16896], sizes = [8, 128], strides = [1, 1]} : vector<8x76928xf32> to vector<8x128xf32>
    %einshape_lo3A_134 = vector.extract_strided_slice %get3A_1 {offsets = [0, 17024], sizes = [8, 128], strides = [1, 1]} : vector<8x76928xf32> to vector<8x128xf32>
    %einshape_lo3A_135 = vector.extract_strided_slice %get3A_1 {offsets = [0, 17152], sizes = [8, 128], strides = [1, 1]} : vector<8x76928xf32> to vector<8x128xf32>
    %einshape_lo3A_136 = vector.extract_strided_slice %get3A_1 {offsets = [0, 17280], sizes = [8, 128], strides = [1, 1]} : vector<8x76928xf32> to vector<8x128xf32>
    %einshape_lo3A_137 = vector.extract_strided_slice %get3A_1 {offsets = [0, 17408], sizes = [8, 128], strides = [1, 1]} : vector<8x76928xf32> to vector<8x128xf32>
    %einshape_lo3A_138 = vector.extract_strided_slice %get3A_1 {offsets = [0, 17536], sizes = [8, 128], strides = [1, 1]} : vector<8x76928xf32> to vector<8x128xf32>
    %einshape_lo3A_139 = vector.extract_strided_slice %get3A_1 {offsets = [0, 17664], sizes = [8, 128], strides = [1, 1]} : vector<8x76928xf32> to vector<8x128xf32>
    %einshape_lo3A_140 = vector.extract_strided_slice %get3A_1 {offsets = [0, 17792], sizes = [8, 128], strides = [1, 1]} : vector<8x76928xf32> to vector<8x128xf32>
    %einshape_lo3A_141 = vector.extract_strided_slice %get3A_1 {offsets = [0, 17920], sizes = [8, 128], strides = [1, 1]} : vector<8x76928xf32> to vector<8x128xf32>
    %einshape_lo3A_142 = vector.extract_strided_slice %get3A_1 {offsets = [0, 18048], sizes = [8, 128], strides = [1, 1]} : vector<8x76928xf32> to vector<8x128xf32>
    %einshape_lo3A_143 = vector.extract_strided_slice %get3A_1 {offsets = [0, 18176], sizes = [8, 128], strides = [1, 1]} : vector<8x76928xf32> to vector<8x128xf32>
    %einshape_lo3A_144 = vector.extract_strided_slice %get3A_1 {offsets = [0, 18304], sizes = [8, 128], strides = [1, 1]} : vector<8x76928xf32> to vector<8x128xf32>
    %einshape_lo3A_145 = vector.extract_strided_slice %get3A_1 {offsets = [0, 18432], sizes = [8, 128], strides = [1, 1]} : vector<8x76928xf32> to vector<8x128xf32>
    %einshape_lo3A_146 = vector.extract_strided_slice %get3A_1 {offsets = [0, 18560], sizes = [8, 128], strides = [1, 1]} : vector<8x76928xf32> to vector<8x128xf32>
    %einshape_lo3A_147 = vector.extract_strided_slice %get3A_1 {offsets = [0, 18688], sizes = [8, 128], strides = [1, 1]} : vector<8x76928xf32> to vector<8x128xf32>
    %einshape_lo3A_148 = vector.extract_strided_slice %get3A_1 {offsets = [0, 18816], sizes = [8, 128], strides = [1, 1]} : vector<8x76928xf32> to vector<8x128xf32>
    %einshape_lo3A_149 = vector.extract_strided_slice %get3A_1 {offsets = [0, 18944], sizes = [8, 128], strides = [1, 1]} : vector<8x76928xf32> to vector<8x128xf32>
    %einshape_lo3A_150 = vector.extract_strided_slice %get3A_1 {offsets = [0, 19072], sizes = [8, 128], strides = [1, 1]} : vector<8x76928xf32> to vector<8x128xf32>
    %einshape_lo3A_151 = vector.extract_strided_slice %get3A_1 {offsets = [0, 19200], sizes = [8, 128], strides = [1, 1]} : vector<8x76928xf32> to vector<8x128xf32>
    %einshape_lo3A_152 = vector.extract_strided_slice %get3A_1 {offsets = [0, 19328], sizes = [8, 128], strides = [1, 1]} : vector<8x76928xf32> to vector<8x128xf32>
    %einshape_lo3A_153 = vector.extract_strided_slice %get3A_1 {offsets = [0, 19456], sizes = [8, 128], strides = [1, 1]} : vector<8x76928xf32> to vector<8x128xf32>
    %einshape_lo3A_154 = vector.extract_strided_slice %get3A_1 {offsets = [0, 19584], sizes = [8, 128], strides = [1, 1]} : vector<8x76928xf32> to vector<8x128xf32>
    %einshape_lo3A_155 = vector.extract_strided_slice %get3A_1 {offsets = [0, 19712], sizes = [8, 128], strides = [1, 1]} : vector<8x76928xf32> to vector<8x128xf32>
    %einshape_lo3A_156 = vector.extract_strided_slice %get3A_1 {offsets = [0, 19840], sizes = [8, 128], strides = [1, 1]} : vector<8x76928xf32> to vector<8x128xf32>
    %einshape_lo3A_157 = vector.extract_strided_slice %get3A_1 {offsets = [0, 19968], sizes = [8, 128], strides = [1, 1]} : vector<8x76928xf32> to vector<8x128xf32>
    %einshape_lo3A_158 = vector.extract_strided_slice %get3A_1 {offsets = [0, 20096], sizes = [8, 128], strides = [1, 1]} : vector<8x76928xf32> to vector<8x128xf32>
    %einshape_lo3A_159 = vector.extract_strided_slice %get3A_1 {offsets = [0, 20224], sizes = [8, 128], strides = [1, 1]} : vector<8x76928xf32> to vector<8x128xf32>
    %einshape_lo3A_160 = vector.extract_strided_slice %get3A_1 {offsets = [0, 20352], sizes = [8, 128], strides = [1, 1]} : vector<8x76928xf32> to vector<8x128xf32>
    %einshape_lo3A_161 = vector.extract_strided_slice %get3A_1 {offsets = [0, 20480], sizes = [8, 128], strides = [1, 1]} : vector<8x76928xf32> to vector<8x128xf32>
    %einshape_lo3A_162 = vector.extract_strided_slice %get3A_1 {offsets = [0, 20608], sizes = [8, 128], strides = [1, 1]} : vector<8x76928xf32> to vector<8x128xf32>
    %einshape_lo3A_163 = vector.extract_strided_slice %get3A_1 {offsets = [0, 20736], sizes = [8, 128], strides = [1, 1]} : vector<8x76928xf32> to vector<8x128xf32>
    %einshape_lo3A_164 = vector.extract_strided_slice %get3A_1 {offsets = [0, 20864], sizes = [8, 128], strides = [1, 1]} : vector<8x76928xf32> to vector<8x128xf32>
    %einshape_lo3A_165 = vector.extract_strided_slice %get3A_1 {offsets = [0, 20992], sizes = [8, 128], strides = [1, 1]} : vector<8x76928xf32> to vector<8x128xf32>
    %einshape_lo3A_166 = vector.extract_strided_slice %get3A_1 {offsets = [0, 21120], sizes = [8, 128], strides = [1, 1]} : vector<8x76928xf32> to vector<8x128xf32>
    %einshape_lo3A_167 = vector.extract_strided_slice %get3A_1 {offsets = [0, 21248], sizes = [8, 128], strides = [1, 1]} : vector<8x76928xf32> to vector<8x128xf32>
    %einshape_lo3A_168 = vector.extract_strided_slice %get3A_1 {offsets = [0, 21376], sizes = [8, 128], strides = [1, 1]} : vector<8x76928xf32> to vector<8x128xf32>
    %einshape_lo3A_169 = vector.extract_strided_slice %get3A_1 {offsets = [0, 21504], sizes = [8, 128], strides = [1, 1]} : vector<8x76928xf32> to vector<8x128xf32>
    %einshape_lo3A_170 = vector.extract_strided_slice %get3A_1 {offsets = [0, 21632], sizes = [8, 128], strides = [1, 1]} : vector<8x76928xf32> to vector<8x128xf32>
    %einshape_lo3A_171 = vector.extract_strided_slice %get3A_1 {offsets = [0, 21760], sizes = [8, 128], strides = [1, 1]} : vector<8x76928xf32> to vector<8x128xf32>
    %einshape_lo3A_172 = vector.extract_strided_slice %get3A_1 {offsets = [0, 21888], sizes = [8, 128], strides = [1, 1]} : vector<8x76928xf32> to vector<8x128xf32>
    %einshape_lo3A_173 = vector.extract_strided_slice %get3A_1 {offsets = [0, 22016], sizes = [8, 128], strides = [1, 1]} : vector<8x76928xf32> to vector<8x128xf32>
    %einshape_lo3A_174 = vector.extract_strided_slice %get3A_1 {offsets = [0, 22144], sizes = [8, 128], strides = [1, 1]} : vector<8x76928xf32> to vector<8x128xf32>
    %einshape_lo3A_175 = vector.extract_strided_slice %get3A_1 {offsets = [0, 22272], sizes = [8, 128], strides = [1, 1]} : vector<8x76928xf32> to vector<8x128xf32>
    %einshape_lo3A_176 = vector.extract_strided_slice %get3A_1 {offsets = [0, 22400], sizes = [8, 128], strides = [1, 1]} : vector<8x76928xf32> to vector<8x128xf32>
    %einshape_lo3A_177 = vector.extract_strided_slice %get3A_1 {offsets = [0, 22528], sizes = [8, 128], strides = [1, 1]} : vector<8x76928xf32> to vector<8x128xf32>
    %einshape_lo3A_178 = vector.extract_strided_slice %get3A_1 {offsets = [0, 22656], sizes = [8, 128], strides = [1, 1]} : vector<8x76928xf32> to vector<8x128xf32>
    %einshape_lo3A_179 = vector.extract_strided_slice %get3A_1 {offsets = [0, 22784], sizes = [8, 128], strides = [1, 1]} : vector<8x76928xf32> to vector<8x128xf32>
    %einshape_lo3A_180 = vector.extract_strided_slice %get3A_1 {offsets = [0, 22912], sizes = [8, 128], strides = [1, 1]} : vector<8x76928xf32> to vector<8x128xf32>
    %einshape_lo3A_181 = vector.extract_strided_slice %get3A_1 {offsets = [0, 23040], sizes = [8, 128], strides = [1, 1]} : vector<8x76928xf32> to vector<8x128xf32>
    %einshape_lo3A_182 = vector.extract_strided_slice %get3A_1 {offsets = [0, 23168], sizes = [8, 128], strides = [1, 1]} : vector<8x76928xf32> to vector<8x128xf32>
    %einshape_lo3A_183 = vector.extract_strided_slice %get3A_1 {offsets = [0, 23296], sizes = [8, 128], strides = [1, 1]} : vector<8x76928xf32> to vector<8x128xf32>
    %einshape_lo3A_184 = vector.extract_strided_slice %get3A_1 {offsets = [0, 23424], sizes = [8, 128], strides = [1, 1]} : vector<8x76928xf32> to vector<8x128xf32>
    %einshape_lo3A_185 = vector.extract_strided_slice %get3A_1 {offsets = [0, 23552], sizes = [8, 128], strides = [1, 1]} : vector<8x76928xf32> to vector<8x128xf32>
    %einshape_lo3A_186 = vector.extract_strided_slice %get3A_1 {offsets = [0, 23680], sizes = [8, 128], strides = [1, 1]} : vector<8x76928xf32> to vector<8x128xf32>
    %einshape_lo3A_187 = vector.extract_strided_slice %get3A_1 {offsets = [0, 23808], sizes = [8, 128], strides = [1, 1]} : vector<8x76928xf32> to vector<8x128xf32>
    %einshape_lo3A_188 = vector.extract_strided_slice %get3A_1 {offsets = [0, 23936], sizes = [8, 128], strides = [1, 1]} : vector<8x76928xf32> to vector<8x128xf32>
    %einshape_lo3A_189 = vector.extract_strided_slice %get3A_1 {offsets = [0, 24064], sizes = [8, 128], strides = [1, 1]} : vector<8x76928xf32> to vector<8x128xf32>
    %einshape_lo3A_190 = vector.extract_strided_slice %get3A_1 {offsets = [0, 24192], sizes = [8, 128], strides = [1, 1]} : vector<8x76928xf32> to vector<8x128xf32>
    %einshape_lo3A_191 = vector.extract_strided_slice %get3A_1 {offsets = [0, 24320], sizes = [8, 128], strides = [1, 1]} : vector<8x76928xf32> to vector<8x128xf32>
    %einshape_lo3A_192 = vector.extract_strided_slice %get3A_1 {offsets = [0, 24448], sizes = [8, 128], strides = [1, 1]} : vector<8x76928xf32> to vector<8x128xf32>
    %einshape_lo3A_193 = vector.extract_strided_slice %get3A_1 {offsets = [0, 24576], sizes = [8, 128], strides = [1, 1]} : vector<8x76928xf32> to vector<8x128xf32>
    %einshape_lo3A_194 = vector.extract_strided_slice %get3A_1 {offsets = [0, 24704], sizes = [8, 128], strides = [1, 1]} : vector<8x76928xf32> to vector<8x128xf32>
    %einshape_lo3A_195 = vector.extract_strided_slice %get3A_1 {offsets = [0, 24832], sizes = [8, 128], strides = [1, 1]} : vector<8x76928xf32> to vector<8x128xf32>
    %einshape_lo3A_196 = vector.extract_strided_slice %get3A_1 {offsets = [0, 24960], sizes = [8, 128], strides = [1, 1]} : vector<8x76928xf32> to vector<8x128xf32>
    %einshape_lo3A_197 = vector.extract_strided_slice %get3A_1 {offsets = [0, 25088], sizes = [8, 128], strides = [1, 1]} : vector<8x76928xf32> to vector<8x128xf32>
    %einshape_lo3A_198 = vector.extract_strided_slice %get3A_1 {offsets = [0, 25216], sizes = [8, 128], strides = [1, 1]} : vector<8x76928xf32> to vector<8x128xf32>
    %einshape_lo3A_199 = vector.extract_strided_slice %get3A_1 {offsets = [0, 25344], sizes = [8, 128], strides = [1, 1]} : vector<8x76928xf32> to vector<8x128xf32>
    %einshape_lo3A_200 = vector.extract_strided_slice %get3A_1 {offsets = [0, 25472], sizes = [8, 128], strides = [1, 1]} : vector<8x76928xf32> to vector<8x128xf32>
    %einshape_lo3A_201 = vector.extract_strided_slice %get3A_1 {offsets = [0, 25600], sizes = [8, 128], strides = [1, 1]} : vector<8x76928xf32> to vector<8x128xf32>
    %einshape_lo3A_202 = vector.extract_strided_slice %get3A_1 {offsets = [0, 25728], sizes = [8, 128], strides = [1, 1]} : vector<8x76928xf32> to vector<8x128xf32>
    %einshape_lo3A_203 = vector.extract_strided_slice %get3A_1 {offsets = [0, 25856], sizes = [8, 128], strides = [1, 1]} : vector<8x76928xf32> to vector<8x128xf32>
    %einshape_lo3A_204 = vector.extract_strided_slice %get3A_1 {offsets = [0, 25984], sizes = [8, 128], strides = [1, 1]} : vector<8x76928xf32> to vector<8x128xf32>
    %einshape_lo3A_205 = vector.extract_strided_slice %get3A_1 {offsets = [0, 26112], sizes = [8, 128], strides = [1, 1]} : vector<8x76928xf32> to vector<8x128xf32>
    %einshape_lo3A_206 = vector.extract_strided_slice %get3A_1 {offsets = [0, 26240], sizes = [8, 128], strides = [1, 1]} : vector<8x76928xf32> to vector<8x128xf32>
    %einshape_lo3A_207 = vector.extract_strided_slice %get3A_1 {offsets = [0, 26368], sizes = [8, 128], strides = [1, 1]} : vector<8x76928xf32> to vector<8x128xf32>
    %einshape_lo3A_208 = vector.extract_strided_slice %get3A_1 {offsets = [0, 26496], sizes = [8, 128], strides = [1, 1]} : vector<8x76928xf32> to vector<8x128xf32>
    %einshape_lo3A_209 = vector.extract_strided_slice %get3A_1 {offsets = [0, 26624], sizes = [8, 128], strides = [1, 1]} : vector<8x76928xf32> to vector<8x128xf32>
    %einshape_lo3A_210 = vector.extract_strided_slice %get3A_1 {offsets = [0, 26752], sizes = [8, 128], strides = [1, 1]} : vector<8x76928xf32> to vector<8x128xf32>
    %einshape_lo3A_211 = vector.extract_strided_slice %get3A_1 {offsets = [0, 26880], sizes = [8, 128], strides = [1, 1]} : vector<8x76928xf32> to vector<8x128xf32>
    %einshape_lo3A_212 = vector.extract_strided_slice %get3A_1 {offsets = [0, 27008], sizes = [8, 128], strides = [1, 1]} : vector<8x76928xf32> to vector<8x128xf32>
    %einshape_lo3A_213 = vector.extract_strided_slice %get3A_1 {offsets = [0, 27136], sizes = [8, 128], strides = [1, 1]} : vector<8x76928xf32> to vector<8x128xf32>
    %einshape_lo3A_214 = vector.extract_strided_slice %get3A_1 {offsets = [0, 27264], sizes = [8, 128], strides = [1, 1]} : vector<8x76928xf32> to vector<8x128xf32>
    %einshape_lo3A_215 = vector.extract_strided_slice %get3A_1 {offsets = [0, 27392], sizes = [8, 128], strides = [1, 1]} : vector<8x76928xf32> to vector<8x128xf32>
    %einshape_lo3A_216 = vector.extract_strided_slice %get3A_1 {offsets = [0, 27520], sizes = [8, 128], strides = [1, 1]} : vector<8x76928xf32> to vector<8x128xf32>
    %einshape_lo3A_217 = vector.extract_strided_slice %get3A_1 {offsets = [0, 27648], sizes = [8, 128], strides = [1, 1]} : vector<8x76928xf32> to vector<8x128xf32>
    %einshape_lo3A_218 = vector.extract_strided_slice %get3A_1 {offsets = [0, 27776], sizes = [8, 128], strides = [1, 1]} : vector<8x76928xf32> to vector<8x128xf32>
    %einshape_lo3A_219 = vector.extract_strided_slice %get3A_1 {offsets = [0, 27904], sizes = [8, 128], strides = [1, 1]} : vector<8x76928xf32> to vector<8x128xf32>
    %einshape_lo3A_220 = vector.extract_strided_slice %get3A_1 {offsets = [0, 28032], sizes = [8, 128], strides = [1, 1]} : vector<8x76928xf32> to vector<8x128xf32>
    %einshape_lo3A_221 = vector.extract_strided_slice %get3A_1 {offsets = [0, 28160], sizes = [8, 128], strides = [1, 1]} : vector<8x76928xf32> to vector<8x128xf32>
    %einshape_lo3A_222 = vector.extract_strided_slice %get3A_1 {offsets = [0, 28288], sizes = [8, 128], strides = [1, 1]} : vector<8x76928xf32> to vector<8x128xf32>
    %einshape_lo3A_223 = vector.extract_strided_slice %get3A_1 {offsets = [0, 28416], sizes = [8, 128], strides = [1, 1]} : vector<8x76928xf32> to vector<8x128xf32>
    %einshape_lo3A_224 = vector.extract_strided_slice %get3A_1 {offsets = [0, 28544], sizes = [8, 128], strides = [1, 1]} : vector<8x76928xf32> to vector<8x128xf32>
    %einshape_lo3A_225 = vector.extract_strided_slice %get3A_1 {offsets = [0, 28672], sizes = [8, 128], strides = [1, 1]} : vector<8x76928xf32> to vector<8x128xf32>
    %einshape_lo3A_226 = vector.extract_strided_slice %get3A_1 {offsets = [0, 28800], sizes = [8, 128], strides = [1, 1]} : vector<8x76928xf32> to vector<8x128xf32>
    %einshape_lo3A_227 = vector.extract_strided_slice %get3A_1 {offsets = [0, 28928], sizes = [8, 128], strides = [1, 1]} : vector<8x76928xf32> to vector<8x128xf32>
    %einshape_lo3A_228 = vector.extract_strided_slice %get3A_1 {offsets = [0, 29056], sizes = [8, 128], strides = [1, 1]} : vector<8x76928xf32> to vector<8x128xf32>
    %einshape_lo3A_229 = vector.extract_strided_slice %get3A_1 {offsets = [0, 29184], sizes = [8, 128], strides = [1, 1]} : vector<8x76928xf32> to vector<8x128xf32>
    %einshape_lo3A_230 = vector.extract_strided_slice %get3A_1 {offsets = [0, 29312], sizes = [8, 128], strides = [1, 1]} : vector<8x76928xf32> to vector<8x128xf32>
    %einshape_lo3A_231 = vector.extract_strided_slice %get3A_1 {offsets = [0, 29440], sizes = [8, 128], strides = [1, 1]} : vector<8x76928xf32> to vector<8x128xf32>
    %einshape_lo3A_232 = vector.extract_strided_slice %get3A_1 {offsets = [0, 29568], sizes = [8, 128], strides = [1, 1]} : vector<8x76928xf32> to vector<8x128xf32>
    %einshape_lo3A_233 = vector.extract_strided_slice %get3A_1 {offsets = [0, 29696], sizes = [8, 128], strides = [1, 1]} : vector<8x76928xf32> to vector<8x128xf32>
    %einshape_lo3A_234 = vector.extract_strided_slice %get3A_1 {offsets = [0, 29824], sizes = [8, 128], strides = [1, 1]} : vector<8x76928xf32> to vector<8x128xf32>
    %einshape_lo3A_235 = vector.extract_strided_slice %get3A_1 {offsets = [0, 29952], sizes = [8, 128], strides = [1, 1]} : vector<8x76928xf32> to vector<8x128xf32>
    %einshape_lo3A_236 = vector.extract_strided_slice %get3A_1 {offsets = [0, 30080], sizes = [8, 128], strides = [1, 1]} : vector<8x76928xf32> to vector<8x128xf32>
    %einshape_lo3A_237 = vector.extract_strided_slice %get3A_1 {offsets = [0, 30208], sizes = [8, 128], strides = [1, 1]} : vector<8x76928xf32> to vector<8x128xf32>
    %einshape_lo3A_238 = vector.extract_strided_slice %get3A_1 {offsets = [0, 30336], sizes = [8, 128], strides = [1, 1]} : vector<8x76928xf32> to vector<8x128xf32>
    %einshape_lo3A_239 = vector.extract_strided_slice %get3A_1 {offsets = [0, 30464], sizes = [8, 128], strides = [1, 1]} : vector<8x76928xf32> to vector<8x128xf32>
    %einshape_lo3A_240 = vector.extract_strided_slice %get3A_1 {offsets = [0, 30592], sizes = [8, 128], strides = [1, 1]} : vector<8x76928xf32> to vector<8x128xf32>
    %einshape_lo3A_241 = vector.extract_strided_slice %get3A_1 {offsets = [0, 30720], sizes = [8, 128], strides = [1, 1]} : vector<8x76928xf32> to vector<8x128xf32>
    %einshape_lo3A_242 = vector.extract_strided_slice %get3A_1 {offsets = [0, 30848], sizes = [8, 128], strides = [1, 1]} : vector<8x76928xf32> to vector<8x128xf32>
    %einshape_lo3A_243 = vector.extract_strided_slice %get3A_1 {offsets = [0, 30976], sizes = [8, 128], strides = [1, 1]} : vector<8x76928xf32> to vector<8x128xf32>
    %einshape_lo3A_244 = vector.extract_strided_slice %get3A_1 {offsets = [0, 31104], sizes = [8, 128], strides = [1, 1]} : vector<8x76928xf32> to vector<8x128xf32>
    %einshape_lo3A_245 = vector.extract_strided_slice %get3A_1 {offsets = [0, 31232], sizes = [8, 128], strides = [1, 1]} : vector<8x76928xf32> to vector<8x128xf32>
    %einshape_lo3A_246 = vector.extract_strided_slice %get3A_1 {offsets = [0, 31360], sizes = [8, 128], strides = [1, 1]} : vector<8x76928xf32> to vector<8x128xf32>
    %einshape_lo3A_247 = vector.extract_strided_slice %get3A_1 {offsets = [0, 31488], sizes = [8, 128], strides = [1, 1]} : vector<8x76928xf32> to vector<8x128xf32>
    %einshape_lo3A_248 = vector.extract_strided_slice %get3A_1 {offsets = [0, 31616], sizes = [8, 128], strides = [1, 1]} : vector<8x76928xf32> to vector<8x128xf32>
    %einshape_lo3A_249 = vector.extract_strided_slice %get3A_1 {offsets = [0, 31744], sizes = [8, 128], strides = [1, 1]} : vector<8x76928xf32> to vector<8x128xf32>
    %einshape_lo3A_250 = vector.extract_strided_slice %get3A_1 {offsets = [0, 31872], sizes = [8, 128], strides = [1, 1]} : vector<8x76928xf32> to vector<8x128xf32>
    %einshape_lo3A_251 = vector.extract_strided_slice %get3A_1 {offsets = [0, 32000], sizes = [8, 128], strides = [1, 1]} : vector<8x76928xf32> to vector<8x128xf32>
    %einshape_lo3A_252 = vector.extract_strided_slice %get3A_1 {offsets = [0, 32128], sizes = [8, 128], strides = [1, 1]} : vector<8x76928xf32> to vector<8x128xf32>
    %einshape_lo3A_253 = vector.extract_strided_slice %get3A_1 {offsets = [0, 32256], sizes = [8, 128], strides = [1, 1]} : vector<8x76928xf32> to vector<8x128xf32>
    %einshape_lo3A_254 = vector.extract_strided_slice %get3A_1 {offsets = [0, 32384], sizes = [8, 128], strides = [1, 1]} : vector<8x76928xf32> to vector<8x128xf32>
    %einshape_lo3A_255 = vector.extract_strided_slice %get3A_1 {offsets = [0, 32512], sizes = [8, 128], strides = [1, 1]} : vector<8x76928xf32> to vector<8x128xf32>
    %einshape_lo3A_256 = vector.extract_strided_slice %get3A_1 {offsets = [0, 32640], sizes = [8, 128], strides = [1, 1]} : vector<8x76928xf32> to vector<8x128xf32>
    %einshape_lo3A_257 = vector.extract_strided_slice %get3A_1 {offsets = [0, 32768], sizes = [8, 128], strides = [1, 1]} : vector<8x76928xf32> to vector<8x128xf32>
    %einshape_lo3A_258 = vector.extract_strided_slice %get3A_1 {offsets = [0, 32896], sizes = [8, 128], strides = [1, 1]} : vector<8x76928xf32> to vector<8x128xf32>
    %einshape_lo3A_259 = vector.extract_strided_slice %get3A_1 {offsets = [0, 33024], sizes = [8, 128], strides = [1, 1]} : vector<8x76928xf32> to vector<8x128xf32>
    %einshape_lo3A_260 = vector.extract_strided_slice %get3A_1 {offsets = [0, 33152], sizes = [8, 128], strides = [1, 1]} : vector<8x76928xf32> to vector<8x128xf32>
    %einshape_lo3A_261 = vector.extract_strided_slice %get3A_1 {offsets = [0, 33280], sizes = [8, 128], strides = [1, 1]} : vector<8x76928xf32> to vector<8x128xf32>
    %einshape_lo3A_262 = vector.extract_strided_slice %get3A_1 {offsets = [0, 33408], sizes = [8, 128], strides = [1, 1]} : vector<8x76928xf32> to vector<8x128xf32>
    %einshape_lo3A_263 = vector.extract_strided_slice %get3A_1 {offsets = [0, 33536], sizes = [8, 128], strides = [1, 1]} : vector<8x76928xf32> to vector<8x128xf32>
    %einshape_lo3A_264 = vector.extract_strided_slice %get3A_1 {offsets = [0, 33664], sizes = [8, 128], strides = [1, 1]} : vector<8x76928xf32> to vector<8x128xf32>
    %einshape_lo3A_265 = vector.extract_strided_slice %get3A_1 {offsets = [0, 33792], sizes = [8, 128], strides = [1, 1]} : vector<8x76928xf32> to vector<8x128xf32>
    %einshape_lo3A_266 = vector.extract_strided_slice %get3A_1 {offsets = [0, 33920], sizes = [8, 128], strides = [1, 1]} : vector<8x76928xf32> to vector<8x128xf32>
    %einshape_lo3A_267 = vector.extract_strided_slice %get3A_1 {offsets = [0, 34048], sizes = [8, 128], strides = [1, 1]} : vector<8x76928xf32> to vector<8x128xf32>
    %einshape_lo3A_268 = vector.extract_strided_slice %get3A_1 {offsets = [0, 34176], sizes = [8, 128], strides = [1, 1]} : vector<8x76928xf32> to vector<8x128xf32>
    %einshape_lo3A_269 = vector.extract_strided_slice %get3A_1 {offsets = [0, 34304], sizes = [8, 128], strides = [1, 1]} : vector<8x76928xf32> to vector<8x128xf32>
    %einshape_lo3A_270 = vector.extract_strided_slice %get3A_1 {offsets = [0, 34432], sizes = [8, 128], strides = [1, 1]} : vector<8x76928xf32> to vector<8x128xf32>
    %einshape_lo3A_271 = vector.extract_strided_slice %get3A_1 {offsets = [0, 34560], sizes = [8, 128], strides = [1, 1]} : vector<8x76928xf32> to vector<8x128xf32>
    %einshape_lo3A_272 = vector.extract_strided_slice %get3A_1 {offsets = [0, 34688], sizes = [8, 128], strides = [1, 1]} : vector<8x76928xf32> to vector<8x128xf32>
    %einshape_lo3A_273 = vector.extract_strided_slice %get3A_1 {offsets = [0, 34816], sizes = [8, 128], strides = [1, 1]} : vector<8x76928xf32> to vector<8x128xf32>
    %einshape_lo3A_274 = vector.extract_strided_slice %get3A_1 {offsets = [0, 34944], sizes = [8, 128], strides = [1, 1]} : vector<8x76928xf32> to vector<8x128xf32>
    %einshape_lo3A_275 = vector.extract_strided_slice %get3A_1 {offsets = [0, 35072], sizes = [8, 128], strides = [1, 1]} : vector<8x76928xf32> to vector<8x128xf32>
    %einshape_lo3A_276 = vector.extract_strided_slice %get3A_1 {offsets = [0, 35200], sizes = [8, 128], strides = [1, 1]} : vector<8x76928xf32> to vector<8x128xf32>
    %einshape_lo3A_277 = vector.extract_strided_slice %get3A_1 {offsets = [0, 35328], sizes = [8, 128], strides = [1, 1]} : vector<8x76928xf32> to vector<8x128xf32>
    %einshape_lo3A_278 = vector.extract_strided_slice %get3A_1 {offsets = [0, 35456], sizes = [8, 128], strides = [1, 1]} : vector<8x76928xf32> to vector<8x128xf32>
    %einshape_lo3A_279 = vector.extract_strided_slice %get3A_1 {offsets = [0, 35584], sizes = [8, 128], strides = [1, 1]} : vector<8x76928xf32> to vector<8x128xf32>
    %einshape_lo3A_280 = vector.extract_strided_slice %get3A_1 {offsets = [0, 35712], sizes = [8, 128], strides = [1, 1]} : vector<8x76928xf32> to vector<8x128xf32>
    %einshape_lo3A_281 = vector.extract_strided_slice %get3A_1 {offsets = [0, 35840], sizes = [8, 128], strides = [1, 1]} : vector<8x76928xf32> to vector<8x128xf32>
    %einshape_lo3A_282 = vector.extract_strided_slice %get3A_1 {offsets = [0, 35968], sizes = [8, 128], strides = [1, 1]} : vector<8x76928xf32> to vector<8x128xf32>
    %einshape_lo3A_283 = vector.extract_strided_slice %get3A_1 {offsets = [0, 36096], sizes = [8, 128], strides = [1, 1]} : vector<8x76928xf32> to vector<8x128xf32>
    %einshape_lo3A_284 = vector.extract_strided_slice %get3A_1 {offsets = [0, 36224], sizes = [8, 128], strides = [1, 1]} : vector<8x76928xf32> to vector<8x128xf32>
    %einshape_lo3A_285 = vector.extract_strided_slice %get3A_1 {offsets = [0, 36352], sizes = [8, 128], strides = [1, 1]} : vector<8x76928xf32> to vector<8x128xf32>
    %einshape_lo3A_286 = vector.extract_strided_slice %get3A_1 {offsets = [0, 36480], sizes = [8, 128], strides = [1, 1]} : vector<8x76928xf32> to vector<8x128xf32>
    %einshape_lo3A_287 = vector.extract_strided_slice %get3A_1 {offsets = [0, 36608], sizes = [8, 128], strides = [1, 1]} : vector<8x76928xf32> to vector<8x128xf32>
    %einshape_lo3A_288 = vector.extract_strided_slice %get3A_1 {offsets = [0, 36736], sizes = [8, 128], strides = [1, 1]} : vector<8x76928xf32> to vector<8x128xf32>
    %einshape_lo3A_289 = vector.extract_strided_slice %get3A_1 {offsets = [0, 36864], sizes = [8, 128], strides = [1, 1]} : vector<8x76928xf32> to vector<8x128xf32>
    %einshape_lo3A_290 = vector.extract_strided_slice %get3A_1 {offsets = [0, 36992], sizes = [8, 128], strides = [1, 1]} : vector<8x76928xf32> to vector<8x128xf32>
    %einshape_lo3A_291 = vector.extract_strided_slice %get3A_1 {offsets = [0, 37120], sizes = [8, 128], strides = [1, 1]} : vector<8x76928xf32> to vector<8x128xf32>
    %einshape_lo3A_292 = vector.extract_strided_slice %get3A_1 {offsets = [0, 37248], sizes = [8, 128], strides = [1, 1]} : vector<8x76928xf32> to vector<8x128xf32>
    %einshape_lo3A_293 = vector.extract_strided_slice %get3A_1 {offsets = [0, 37376], sizes = [8, 128], strides = [1, 1]} : vector<8x76928xf32> to vector<8x128xf32>
    %einshape_lo3A_294 = vector.extract_strided_slice %get3A_1 {offsets = [0, 37504], sizes = [8, 128], strides = [1, 1]} : vector<8x76928xf32> to vector<8x128xf32>
    %einshape_lo3A_295 = vector.extract_strided_slice %get3A_1 {offsets = [0, 37632], sizes = [8, 128], strides = [1, 1]} : vector<8x76928xf32> to vector<8x128xf32>
    %einshape_lo3A_296 = vector.extract_strided_slice %get3A_1 {offsets = [0, 37760], sizes = [8, 128], strides = [1, 1]} : vector<8x76928xf32> to vector<8x128xf32>
    %einshape_lo3A_297 = vector.extract_strided_slice %get3A_1 {offsets = [0, 37888], sizes = [8, 128], strides = [1, 1]} : vector<8x76928xf32> to vector<8x128xf32>
    %einshape_lo3A_298 = vector.extract_strided_slice %get3A_1 {offsets = [0, 38016], sizes = [8, 128], strides = [1, 1]} : vector<8x76928xf32> to vector<8x128xf32>
    %einshape_lo3A_299 = vector.extract_strided_slice %get3A_1 {offsets = [0, 38144], sizes = [8, 128], strides = [1, 1]} : vector<8x76928xf32> to vector<8x128xf32>
    %einshape_lo3A_300 = vector.extract_strided_slice %get3A_1 {offsets = [0, 38272], sizes = [8, 128], strides = [1, 1]} : vector<8x76928xf32> to vector<8x128xf32>
    %einshape_lo3A_301 = vector.extract_strided_slice %get3A_1 {offsets = [0, 38400], sizes = [8, 128], strides = [1, 1]} : vector<8x76928xf32> to vector<8x128xf32>
    %einshape_lo3A_302 = vector.extract_strided_slice %get3A_1 {offsets = [0, 38528], sizes = [8, 128], strides = [1, 1]} : vector<8x76928xf32> to vector<8x128xf32>
    %einshape_lo3A_303 = vector.extract_strided_slice %get3A_1 {offsets = [0, 38656], sizes = [8, 128], strides = [1, 1]} : vector<8x76928xf32> to vector<8x128xf32>
    %einshape_lo3A_304 = vector.extract_strided_slice %get3A_1 {offsets = [0, 38784], sizes = [8, 128], strides = [1, 1]} : vector<8x76928xf32> to vector<8x128xf32>
    %einshape_lo3A_305 = vector.extract_strided_slice %get3A_1 {offsets = [0, 38912], sizes = [8, 128], strides = [1, 1]} : vector<8x76928xf32> to vector<8x128xf32>
    %einshape_lo3A_306 = vector.extract_strided_slice %get3A_1 {offsets = [0, 39040], sizes = [8, 128], strides = [1, 1]} : vector<8x76928xf32> to vector<8x128xf32>
    %einshape_lo3A_307 = vector.extract_strided_slice %get3A_1 {offsets = [0, 39168], sizes = [8, 128], strides = [1, 1]} : vector<8x76928xf32> to vector<8x128xf32>
    %einshape_lo3A_308 = vector.extract_strided_slice %get3A_1 {offsets = [0, 39296], sizes = [8, 128], strides = [1, 1]} : vector<8x76928xf32> to vector<8x128xf32>
    %einshape_lo3A_309 = vector.extract_strided_slice %get3A_1 {offsets = [0, 39424], sizes = [8, 128], strides = [1, 1]} : vector<8x76928xf32> to vector<8x128xf32>
    %einshape_lo3A_310 = vector.extract_strided_slice %get3A_1 {offsets = [0, 39552], sizes = [8, 128], strides = [1, 1]} : vector<8x76928xf32> to vector<8x128xf32>
    %einshape_lo3A_311 = vector.extract_strided_slice %get3A_1 {offsets = [0, 39680], sizes = [8, 128], strides = [1, 1]} : vector<8x76928xf32> to vector<8x128xf32>
    %einshape_lo3A_312 = vector.extract_strided_slice %get3A_1 {offsets = [0, 39808], sizes = [8, 128], strides = [1, 1]} : vector<8x76928xf32> to vector<8x128xf32>
    %einshape_lo3A_313 = vector.extract_strided_slice %get3A_1 {offsets = [0, 39936], sizes = [8, 128], strides = [1, 1]} : vector<8x76928xf32> to vector<8x128xf32>
    %einshape_lo3A_314 = vector.extract_strided_slice %get3A_1 {offsets = [0, 40064], sizes = [8, 128], strides = [1, 1]} : vector<8x76928xf32> to vector<8x128xf32>
    %einshape_lo3A_315 = vector.extract_strided_slice %get3A_1 {offsets = [0, 40192], sizes = [8, 128], strides = [1, 1]} : vector<8x76928xf32> to vector<8x128xf32>
    %einshape_lo3A_316 = vector.extract_strided_slice %get3A_1 {offsets = [0, 40320], sizes = [8, 128], strides = [1, 1]} : vector<8x76928xf32> to vector<8x128xf32>
    %einshape_lo3A_317 = vector.extract_strided_slice %get3A_1 {offsets = [0, 40448], sizes = [8, 128], strides = [1, 1]} : vector<8x76928xf32> to vector<8x128xf32>
    %einshape_lo3A_318 = vector.extract_strided_slice %get3A_1 {offsets = [0, 40576], sizes = [8, 128], strides = [1, 1]} : vector<8x76928xf32> to vector<8x128xf32>
    %einshape_lo3A_319 = vector.extract_strided_slice %get3A_1 {offsets = [0, 40704], sizes = [8, 128], strides = [1, 1]} : vector<8x76928xf32> to vector<8x128xf32>
    %einshape_lo3A_320 = vector.extract_strided_slice %get3A_1 {offsets = [0, 40832], sizes = [8, 128], strides = [1, 1]} : vector<8x76928xf32> to vector<8x128xf32>
    %einshape_lo3A_321 = vector.extract_strided_slice %get3A_1 {offsets = [0, 40960], sizes = [8, 128], strides = [1, 1]} : vector<8x76928xf32> to vector<8x128xf32>
    %einshape_lo3A_322 = vector.extract_strided_slice %get3A_1 {offsets = [0, 41088], sizes = [8, 128], strides = [1, 1]} : vector<8x76928xf32> to vector<8x128xf32>
    %einshape_lo3A_323 = vector.extract_strided_slice %get3A_1 {offsets = [0, 41216], sizes = [8, 128], strides = [1, 1]} : vector<8x76928xf32> to vector<8x128xf32>
    %einshape_lo3A_324 = vector.extract_strided_slice %get3A_1 {offsets = [0, 41344], sizes = [8, 128], strides = [1, 1]} : vector<8x76928xf32> to vector<8x128xf32>
    %einshape_lo3A_325 = vector.extract_strided_slice %get3A_1 {offsets = [0, 41472], sizes = [8, 128], strides = [1, 1]} : vector<8x76928xf32> to vector<8x128xf32>
    %einshape_lo3A_326 = vector.extract_strided_slice %get3A_1 {offsets = [0, 41600], sizes = [8, 128], strides = [1, 1]} : vector<8x76928xf32> to vector<8x128xf32>
    %einshape_lo3A_327 = vector.extract_strided_slice %get3A_1 {offsets = [0, 41728], sizes = [8, 128], strides = [1, 1]} : vector<8x76928xf32> to vector<8x128xf32>
    %einshape_lo3A_328 = vector.extract_strided_slice %get3A_1 {offsets = [0, 41856], sizes = [8, 128], strides = [1, 1]} : vector<8x76928xf32> to vector<8x128xf32>
    %einshape_lo3A_329 = vector.extract_strided_slice %get3A_1 {offsets = [0, 41984], sizes = [8, 128], strides = [1, 1]} : vector<8x76928xf32> to vector<8x128xf32>
    %einshape_lo3A_330 = vector.extract_strided_slice %get3A_1 {offsets = [0, 42112], sizes = [8, 128], strides = [1, 1]} : vector<8x76928xf32> to vector<8x128xf32>
    %einshape_lo3A_331 = vector.extract_strided_slice %get3A_1 {offsets = [0, 42240], sizes = [8, 128], strides = [1, 1]} : vector<8x76928xf32> to vector<8x128xf32>
    %einshape_lo3A_332 = vector.extract_strided_slice %get3A_1 {offsets = [0, 42368], sizes = [8, 128], strides = [1, 1]} : vector<8x76928xf32> to vector<8x128xf32>
    %einshape_lo3A_333 = vector.extract_strided_slice %get3A_1 {offsets = [0, 42496], sizes = [8, 128], strides = [1, 1]} : vector<8x76928xf32> to vector<8x128xf32>
    %einshape_lo3A_334 = vector.extract_strided_slice %get3A_1 {offsets = [0, 42624], sizes = [8, 128], strides = [1, 1]} : vector<8x76928xf32> to vector<8x128xf32>
    %einshape_lo3A_335 = vector.extract_strided_slice %get3A_1 {offsets = [0, 42752], sizes = [8, 128], strides = [1, 1]} : vector<8x76928xf32> to vector<8x128xf32>
    %einshape_lo3A_336 = vector.extract_strided_slice %get3A_1 {offsets = [0, 42880], sizes = [8, 128], strides = [1, 1]} : vector<8x76928xf32> to vector<8x128xf32>
    %einshape_lo3A_337 = vector.extract_strided_slice %get3A_1 {offsets = [0, 43008], sizes = [8, 128], strides = [1, 1]} : vector<8x76928xf32> to vector<8x128xf32>
    %einshape_lo3A_338 = vector.extract_strided_slice %get3A_1 {offsets = [0, 43136], sizes = [8, 128], strides = [1, 1]} : vector<8x76928xf32> to vector<8x128xf32>
    %einshape_lo3A_339 = vector.extract_strided_slice %get3A_1 {offsets = [0, 43264], sizes = [8, 128], strides = [1, 1]} : vector<8x76928xf32> to vector<8x128xf32>
    %einshape_lo3A_340 = vector.extract_strided_slice %get3A_1 {offsets = [0, 43392], sizes = [8, 128], strides = [1, 1]} : vector<8x76928xf32> to vector<8x128xf32>
    %einshape_lo3A_341 = vector.extract_strided_slice %get3A_1 {offsets = [0, 43520], sizes = [8, 128], strides = [1, 1]} : vector<8x76928xf32> to vector<8x128xf32>
    %einshape_lo3A_342 = vector.extract_strided_slice %get3A_1 {offsets = [0, 43648], sizes = [8, 128], strides = [1, 1]} : vector<8x76928xf32> to vector<8x128xf32>
    %einshape_lo3A_343 = vector.extract_strided_slice %get3A_1 {offsets = [0, 43776], sizes = [8, 128], strides = [1, 1]} : vector<8x76928xf32> to vector<8x128xf32>
    %einshape_lo3A_344 = vector.extract_strided_slice %get3A_1 {offsets = [0, 43904], sizes = [8, 128], strides = [1, 1]} : vector<8x76928xf32> to vector<8x128xf32>
    %einshape_lo3A_345 = vector.extract_strided_slice %get3A_1 {offsets = [0, 44032], sizes = [8, 128], strides = [1, 1]} : vector<8x76928xf32> to vector<8x128xf32>
    %einshape_lo3A_346 = vector.extract_strided_slice %get3A_1 {offsets = [0, 44160], sizes = [8, 128], strides = [1, 1]} : vector<8x76928xf32> to vector<8x128xf32>
    %einshape_lo3A_347 = vector.extract_strided_slice %get3A_1 {offsets = [0, 44288], sizes = [8, 128], strides = [1, 1]} : vector<8x76928xf32> to vector<8x128xf32>
    %einshape_lo3A_348 = vector.extract_strided_slice %get3A_1 {offsets = [0, 44416], sizes = [8, 128], strides = [1, 1]} : vector<8x76928xf32> to vector<8x128xf32>
    %einshape_lo3A_349 = vector.extract_strided_slice %get3A_1 {offsets = [0, 44544], sizes = [8, 128], strides = [1, 1]} : vector<8x76928xf32> to vector<8x128xf32>
    %einshape_lo3A_350 = vector.extract_strided_slice %get3A_1 {offsets = [0, 44672], sizes = [8, 128], strides = [1, 1]} : vector<8x76928xf32> to vector<8x128xf32>
    %einshape_lo3A_351 = vector.extract_strided_slice %get3A_1 {offsets = [0, 44800], sizes = [8, 128], strides = [1, 1]} : vector<8x76928xf32> to vector<8x128xf32>
    %einshape_lo3A_352 = vector.extract_strided_slice %get3A_1 {offsets = [0, 44928], sizes = [8, 128], strides = [1, 1]} : vector<8x76928xf32> to vector<8x128xf32>
    %einshape_lo3A_353 = vector.extract_strided_slice %get3A_1 {offsets = [0, 45056], sizes = [8, 128], strides = [1, 1]} : vector<8x76928xf32> to vector<8x128xf32>
    %einshape_lo3A_354 = vector.extract_strided_slice %get3A_1 {offsets = [0, 45184], sizes = [8, 128], strides = [1, 1]} : vector<8x76928xf32> to vector<8x128xf32>
    %einshape_lo3A_355 = vector.extract_strided_slice %get3A_1 {offsets = [0, 45312], sizes = [8, 128], strides = [1, 1]} : vector<8x76928xf32> to vector<8x128xf32>
    %einshape_lo3A_356 = vector.extract_strided_slice %get3A_1 {offsets = [0, 45440], sizes = [8, 128], strides = [1, 1]} : vector<8x76928xf32> to vector<8x128xf32>
    %einshape_lo3A_357 = vector.extract_strided_slice %get3A_1 {offsets = [0, 45568], sizes = [8, 128], strides = [1, 1]} : vector<8x76928xf32> to vector<8x128xf32>
    %einshape_lo3A_358 = vector.extract_strided_slice %get3A_1 {offsets = [0, 45696], sizes = [8, 128], strides = [1, 1]} : vector<8x76928xf32> to vector<8x128xf32>
    %einshape_lo3A_359 = vector.extract_strided_slice %get3A_1 {offsets = [0, 45824], sizes = [8, 128], strides = [1, 1]} : vector<8x76928xf32> to vector<8x128xf32>
    %einshape_lo3A_360 = vector.extract_strided_slice %get3A_1 {offsets = [0, 45952], sizes = [8, 128], strides = [1, 1]} : vector<8x76928xf32> to vector<8x128xf32>
    %einshape_lo3A_361 = vector.extract_strided_slice %get3A_1 {offsets = [0, 46080], sizes = [8, 128], strides = [1, 1]} : vector<8x76928xf32> to vector<8x128xf32>
    %einshape_lo3A_362 = vector.extract_strided_slice %get3A_1 {offsets = [0, 46208], sizes = [8, 128], strides = [1, 1]} : vector<8x76928xf32> to vector<8x128xf32>
    %einshape_lo3A_363 = vector.extract_strided_slice %get3A_1 {offsets = [0, 46336], sizes = [8, 128], strides = [1, 1]} : vector<8x76928xf32> to vector<8x128xf32>
    %einshape_lo3A_364 = vector.extract_strided_slice %get3A_1 {offsets = [0, 46464], sizes = [8, 128], strides = [1, 1]} : vector<8x76928xf32> to vector<8x128xf32>
    %einshape_lo3A_365 = vector.extract_strided_slice %get3A_1 {offsets = [0, 46592], sizes = [8, 128], strides = [1, 1]} : vector<8x76928xf32> to vector<8x128xf32>
    %einshape_lo3A_366 = vector.extract_strided_slice %get3A_1 {offsets = [0, 46720], sizes = [8, 128], strides = [1, 1]} : vector<8x76928xf32> to vector<8x128xf32>
    %einshape_lo3A_367 = vector.extract_strided_slice %get3A_1 {offsets = [0, 46848], sizes = [8, 128], strides = [1, 1]} : vector<8x76928xf32> to vector<8x128xf32>
    %einshape_lo3A_368 = vector.extract_strided_slice %get3A_1 {offsets = [0, 46976], sizes = [8, 128], strides = [1, 1]} : vector<8x76928xf32> to vector<8x128xf32>
    %einshape_lo3A_369 = vector.extract_strided_slice %get3A_1 {offsets = [0, 47104], sizes = [8, 128], strides = [1, 1]} : vector<8x76928xf32> to vector<8x128xf32>
    %einshape_lo3A_370 = vector.extract_strided_slice %get3A_1 {offsets = [0, 47232], sizes = [8, 128], strides = [1, 1]} : vector<8x76928xf32> to vector<8x128xf32>
    %einshape_lo3A_371 = vector.extract_strided_slice %get3A_1 {offsets = [0, 47360], sizes = [8, 128], strides = [1, 1]} : vector<8x76928xf32> to vector<8x128xf32>
    %einshape_lo3A_372 = vector.extract_strided_slice %get3A_1 {offsets = [0, 47488], sizes = [8, 128], strides = [1, 1]} : vector<8x76928xf32> to vector<8x128xf32>
    %einshape_lo3A_373 = vector.extract_strided_slice %get3A_1 {offsets = [0, 47616], sizes = [8, 128], strides = [1, 1]} : vector<8x76928xf32> to vector<8x128xf32>
    %einshape_lo3A_374 = vector.extract_strided_slice %get3A_1 {offsets = [0, 47744], sizes = [8, 128], strides = [1, 1]} : vector<8x76928xf32> to vector<8x128xf32>
    %einshape_lo3A_375 = vector.extract_strided_slice %get3A_1 {offsets = [0, 47872], sizes = [8, 128], strides = [1, 1]} : vector<8x76928xf32> to vector<8x128xf32>
    %einshape_lo3A_376 = vector.extract_strided_slice %get3A_1 {offsets = [0, 48000], sizes = [8, 128], strides = [1, 1]} : vector<8x76928xf32> to vector<8x128xf32>
    %einshape_lo3A_377 = vector.extract_strided_slice %get3A_1 {offsets = [0, 48128], sizes = [8, 128], strides = [1, 1]} : vector<8x76928xf32> to vector<8x128xf32>
    %einshape_lo3A_378 = vector.extract_strided_slice %get3A_1 {offsets = [0, 48256], sizes = [8, 128], strides = [1, 1]} : vector<8x76928xf32> to vector<8x128xf32>
    %einshape_lo3A_379 = vector.extract_strided_slice %get3A_1 {offsets = [0, 48384], sizes = [8, 128], strides = [1, 1]} : vector<8x76928xf32> to vector<8x128xf32>
    %einshape_lo3A_380 = vector.extract_strided_slice %get3A_1 {offsets = [0, 48512], sizes = [8, 128], strides = [1, 1]} : vector<8x76928xf32> to vector<8x128xf32>
    %einshape_lo3A_381 = vector.extract_strided_slice %get3A_1 {offsets = [0, 48640], sizes = [8, 128], strides = [1, 1]} : vector<8x76928xf32> to vector<8x128xf32>
    %einshape_lo3A_382 = vector.extract_strided_slice %get3A_1 {offsets = [0, 48768], sizes = [8, 128], strides = [1, 1]} : vector<8x76928xf32> to vector<8x128xf32>
    %einshape_lo3A_383 = vector.extract_strided_slice %get3A_1 {offsets = [0, 48896], sizes = [8, 128], strides = [1, 1]} : vector<8x76928xf32> to vector<8x128xf32>
    %einshape_lo3A_384 = vector.extract_strided_slice %get3A_1 {offsets = [0, 49024], sizes = [8, 128], strides = [1, 1]} : vector<8x76928xf32> to vector<8x128xf32>
    %einshape_lo3A_385 = vector.extract_strided_slice %get3A_1 {offsets = [0, 49152], sizes = [8, 128], strides = [1, 1]} : vector<8x76928xf32> to vector<8x128xf32>
    %einshape_lo3A_386 = vector.extract_strided_slice %get3A_1 {offsets = [0, 49280], sizes = [8, 128], strides = [1, 1]} : vector<8x76928xf32> to vector<8x128xf32>
    %einshape_lo3A_387 = vector.extract_strided_slice %get3A_1 {offsets = [0, 49408], sizes = [8, 128], strides = [1, 1]} : vector<8x76928xf32> to vector<8x128xf32>
    %einshape_lo3A_388 = vector.extract_strided_slice %get3A_1 {offsets = [0, 49536], sizes = [8, 128], strides = [1, 1]} : vector<8x76928xf32> to vector<8x128xf32>
    %einshape_lo3A_389 = vector.extract_strided_slice %get3A_1 {offsets = [0, 49664], sizes = [8, 128], strides = [1, 1]} : vector<8x76928xf32> to vector<8x128xf32>
    %einshape_lo3A_390 = vector.extract_strided_slice %get3A_1 {offsets = [0, 49792], sizes = [8, 128], strides = [1, 1]} : vector<8x76928xf32> to vector<8x128xf32>
    %einshape_lo3A_391 = vector.extract_strided_slice %get3A_1 {offsets = [0, 49920], sizes = [8, 128], strides = [1, 1]} : vector<8x76928xf32> to vector<8x128xf32>
    %einshape_lo3A_392 = vector.extract_strided_slice %get3A_1 {offsets = [0, 50048], sizes = [8, 128], strides = [1, 1]} : vector<8x76928xf32> to vector<8x128xf32>
    %einshape_lo3A_393 = vector.extract_strided_slice %get3A_1 {offsets = [0, 50176], sizes = [8, 128], strides = [1, 1]} : vector<8x76928xf32> to vector<8x128xf32>
    %einshape_lo3A_394 = vector.extract_strided_slice %get3A_1 {offsets = [0, 50304], sizes = [8, 128], strides = [1, 1]} : vector<8x76928xf32> to vector<8x128xf32>
    %einshape_lo3A_395 = vector.extract_strided_slice %get3A_1 {offsets = [0, 50432], sizes = [8, 128], strides = [1, 1]} : vector<8x76928xf32> to vector<8x128xf32>
    %einshape_lo3A_396 = vector.extract_strided_slice %get3A_1 {offsets = [0, 50560], sizes = [8, 128], strides = [1, 1]} : vector<8x76928xf32> to vector<8x128xf32>
    %einshape_lo3A_397 = vector.extract_strided_slice %get3A_1 {offsets = [0, 50688], sizes = [8, 128], strides = [1, 1]} : vector<8x76928xf32> to vector<8x128xf32>
    %einshape_lo3A_398 = vector.extract_strided_slice %get3A_1 {offsets = [0, 50816], sizes = [8, 128], strides = [1, 1]} : vector<8x76928xf32> to vector<8x128xf32>
    %einshape_lo3A_399 = vector.extract_strided_slice %get3A_1 {offsets = [0, 50944], sizes = [8, 128], strides = [1, 1]} : vector<8x76928xf32> to vector<8x128xf32>
    %einshape_lo3A_400 = vector.extract_strided_slice %get3A_1 {offsets = [0, 51072], sizes = [8, 128], strides = [1, 1]} : vector<8x76928xf32> to vector<8x128xf32>
    %einshape_lo3A_401 = vector.extract_strided_slice %get3A_1 {offsets = [0, 51200], sizes = [8, 128], strides = [1, 1]} : vector<8x76928xf32> to vector<8x128xf32>
    %einshape_lo3A_402 = vector.extract_strided_slice %get3A_1 {offsets = [0, 51328], sizes = [8, 128], strides = [1, 1]} : vector<8x76928xf32> to vector<8x128xf32>
    %einshape_lo3A_403 = vector.extract_strided_slice %get3A_1 {offsets = [0, 51456], sizes = [8, 128], strides = [1, 1]} : vector<8x76928xf32> to vector<8x128xf32>
    %einshape_lo3A_404 = vector.extract_strided_slice %get3A_1 {offsets = [0, 51584], sizes = [8, 128], strides = [1, 1]} : vector<8x76928xf32> to vector<8x128xf32>
    %einshape_lo3A_405 = vector.extract_strided_slice %get3A_1 {offsets = [0, 51712], sizes = [8, 128], strides = [1, 1]} : vector<8x76928xf32> to vector<8x128xf32>
    %einshape_lo3A_406 = vector.extract_strided_slice %get3A_1 {offsets = [0, 51840], sizes = [8, 128], strides = [1, 1]} : vector<8x76928xf32> to vector<8x128xf32>
    %einshape_lo3A_407 = vector.extract_strided_slice %get3A_1 {offsets = [0, 51968], sizes = [8, 128], strides = [1, 1]} : vector<8x76928xf32> to vector<8x128xf32>
    %einshape_lo3A_408 = vector.extract_strided_slice %get3A_1 {offsets = [0, 52096], sizes = [8, 128], strides = [1, 1]} : vector<8x76928xf32> to vector<8x128xf32>
    %einshape_lo3A_409 = vector.extract_strided_slice %get3A_1 {offsets = [0, 52224], sizes = [8, 128], strides = [1, 1]} : vector<8x76928xf32> to vector<8x128xf32>
    %einshape_lo3A_410 = vector.extract_strided_slice %get3A_1 {offsets = [0, 52352], sizes = [8, 128], strides = [1, 1]} : vector<8x76928xf32> to vector<8x128xf32>
    %einshape_lo3A_411 = vector.extract_strided_slice %get3A_1 {offsets = [0, 52480], sizes = [8, 128], strides = [1, 1]} : vector<8x76928xf32> to vector<8x128xf32>
    %einshape_lo3A_412 = vector.extract_strided_slice %get3A_1 {offsets = [0, 52608], sizes = [8, 128], strides = [1, 1]} : vector<8x76928xf32> to vector<8x128xf32>
    %einshape_lo3A_413 = vector.extract_strided_slice %get3A_1 {offsets = [0, 52736], sizes = [8, 128], strides = [1, 1]} : vector<8x76928xf32> to vector<8x128xf32>
    %einshape_lo3A_414 = vector.extract_strided_slice %get3A_1 {offsets = [0, 52864], sizes = [8, 128], strides = [1, 1]} : vector<8x76928xf32> to vector<8x128xf32>
    %einshape_lo3A_415 = vector.extract_strided_slice %get3A_1 {offsets = [0, 52992], sizes = [8, 128], strides = [1, 1]} : vector<8x76928xf32> to vector<8x128xf32>
    %einshape_lo3A_416 = vector.extract_strided_slice %get3A_1 {offsets = [0, 53120], sizes = [8, 128], strides = [1, 1]} : vector<8x76928xf32> to vector<8x128xf32>
    %einshape_lo3A_417 = vector.extract_strided_slice %get3A_1 {offsets = [0, 53248], sizes = [8, 128], strides = [1, 1]} : vector<8x76928xf32> to vector<8x128xf32>
    %einshape_lo3A_418 = vector.extract_strided_slice %get3A_1 {offsets = [0, 53376], sizes = [8, 128], strides = [1, 1]} : vector<8x76928xf32> to vector<8x128xf32>
    %einshape_lo3A_419 = vector.extract_strided_slice %get3A_1 {offsets = [0, 53504], sizes = [8, 128], strides = [1, 1]} : vector<8x76928xf32> to vector<8x128xf32>
    %einshape_lo3A_420 = vector.extract_strided_slice %get3A_1 {offsets = [0, 53632], sizes = [8, 128], strides = [1, 1]} : vector<8x76928xf32> to vector<8x128xf32>
    %einshape_lo3A_421 = vector.extract_strided_slice %get3A_1 {offsets = [0, 53760], sizes = [8, 128], strides = [1, 1]} : vector<8x76928xf32> to vector<8x128xf32>
    %einshape_lo3A_422 = vector.extract_strided_slice %get3A_1 {offsets = [0, 53888], sizes = [8, 128], strides = [1, 1]} : vector<8x76928xf32> to vector<8x128xf32>
    %einshape_lo3A_423 = vector.extract_strided_slice %get3A_1 {offsets = [0, 54016], sizes = [8, 128], strides = [1, 1]} : vector<8x76928xf32> to vector<8x128xf32>
    %einshape_lo3A_424 = vector.extract_strided_slice %get3A_1 {offsets = [0, 54144], sizes = [8, 128], strides = [1, 1]} : vector<8x76928xf32> to vector<8x128xf32>
    %einshape_lo3A_425 = vector.extract_strided_slice %get3A_1 {offsets = [0, 54272], sizes = [8, 128], strides = [1, 1]} : vector<8x76928xf32> to vector<8x128xf32>
    %einshape_lo3A_426 = vector.extract_strided_slice %get3A_1 {offsets = [0, 54400], sizes = [8, 128], strides = [1, 1]} : vector<8x76928xf32> to vector<8x128xf32>
    %einshape_lo3A_427 = vector.extract_strided_slice %get3A_1 {offsets = [0, 54528], sizes = [8, 128], strides = [1, 1]} : vector<8x76928xf32> to vector<8x128xf32>
    %einshape_lo3A_428 = vector.extract_strided_slice %get3A_1 {offsets = [0, 54656], sizes = [8, 128], strides = [1, 1]} : vector<8x76928xf32> to vector<8x128xf32>
    %einshape_lo3A_429 = vector.extract_strided_slice %get3A_1 {offsets = [0, 54784], sizes = [8, 128], strides = [1, 1]} : vector<8x76928xf32> to vector<8x128xf32>
    %einshape_lo3A_430 = vector.extract_strided_slice %get3A_1 {offsets = [0, 54912], sizes = [8, 128], strides = [1, 1]} : vector<8x76928xf32> to vector<8x128xf32>
    %einshape_lo3A_431 = vector.extract_strided_slice %get3A_1 {offsets = [0, 55040], sizes = [8, 128], strides = [1, 1]} : vector<8x76928xf32> to vector<8x128xf32>
    %einshape_lo3A_432 = vector.extract_strided_slice %get3A_1 {offsets = [0, 55168], sizes = [8, 128], strides = [1, 1]} : vector<8x76928xf32> to vector<8x128xf32>
    %einshape_lo3A_433 = vector.extract_strided_slice %get3A_1 {offsets = [0, 55296], sizes = [8, 128], strides = [1, 1]} : vector<8x76928xf32> to vector<8x128xf32>
    %einshape_lo3A_434 = vector.extract_strided_slice %get3A_1 {offsets = [0, 55424], sizes = [8, 128], strides = [1, 1]} : vector<8x76928xf32> to vector<8x128xf32>
    %einshape_lo3A_435 = vector.extract_strided_slice %get3A_1 {offsets = [0, 55552], sizes = [8, 128], strides = [1, 1]} : vector<8x76928xf32> to vector<8x128xf32>
    %einshape_lo3A_436 = vector.extract_strided_slice %get3A_1 {offsets = [0, 55680], sizes = [8, 128], strides = [1, 1]} : vector<8x76928xf32> to vector<8x128xf32>
    %einshape_lo3A_437 = vector.extract_strided_slice %get3A_1 {offsets = [0, 55808], sizes = [8, 128], strides = [1, 1]} : vector<8x76928xf32> to vector<8x128xf32>
    %einshape_lo3A_438 = vector.extract_strided_slice %get3A_1 {offsets = [0, 55936], sizes = [8, 128], strides = [1, 1]} : vector<8x76928xf32> to vector<8x128xf32>
    %einshape_lo3A_439 = vector.extract_strided_slice %get3A_1 {offsets = [0, 56064], sizes = [8, 128], strides = [1, 1]} : vector<8x76928xf32> to vector<8x128xf32>
    %einshape_lo3A_440 = vector.extract_strided_slice %get3A_1 {offsets = [0, 56192], sizes = [8, 128], strides = [1, 1]} : vector<8x76928xf32> to vector<8x128xf32>
    %einshape_lo3A_441 = vector.extract_strided_slice %get3A_1 {offsets = [0, 56320], sizes = [8, 128], strides = [1, 1]} : vector<8x76928xf32> to vector<8x128xf32>
    %einshape_lo3A_442 = vector.extract_strided_slice %get3A_1 {offsets = [0, 56448], sizes = [8, 128], strides = [1, 1]} : vector<8x76928xf32> to vector<8x128xf32>
    %einshape_lo3A_443 = vector.extract_strided_slice %get3A_1 {offsets = [0, 56576], sizes = [8, 128], strides = [1, 1]} : vector<8x76928xf32> to vector<8x128xf32>
    %einshape_lo3A_444 = vector.extract_strided_slice %get3A_1 {offsets = [0, 56704], sizes = [8, 128], strides = [1, 1]} : vector<8x76928xf32> to vector<8x128xf32>
    %einshape_lo3A_445 = vector.extract_strided_slice %get3A_1 {offsets = [0, 56832], sizes = [8, 128], strides = [1, 1]} : vector<8x76928xf32> to vector<8x128xf32>
    %einshape_lo3A_446 = vector.extract_strided_slice %get3A_1 {offsets = [0, 56960], sizes = [8, 128], strides = [1, 1]} : vector<8x76928xf32> to vector<8x128xf32>
    %einshape_lo3A_447 = vector.extract_strided_slice %get3A_1 {offsets = [0, 57088], sizes = [8, 128], strides = [1, 1]} : vector<8x76928xf32> to vector<8x128xf32>
    %einshape_lo3A_448 = vector.extract_strided_slice %get3A_1 {offsets = [0, 57216], sizes = [8, 128], strides = [1, 1]} : vector<8x76928xf32> to vector<8x128xf32>
    %einshape_lo3A_449 = vector.extract_strided_slice %get3A_1 {offsets = [0, 57344], sizes = [8, 128], strides = [1, 1]} : vector<8x76928xf32> to vector<8x128xf32>
    %einshape_lo3A_450 = vector.extract_strided_slice %get3A_1 {offsets = [0, 57472], sizes = [8, 128], strides = [1, 1]} : vector<8x76928xf32> to vector<8x128xf32>
    %einshape_lo3A_451 = vector.extract_strided_slice %get3A_1 {offsets = [0, 57600], sizes = [8, 128], strides = [1, 1]} : vector<8x76928xf32> to vector<8x128xf32>
    %einshape_lo3A_452 = vector.extract_strided_slice %get3A_1 {offsets = [0, 57728], sizes = [8, 128], strides = [1, 1]} : vector<8x76928xf32> to vector<8x128xf32>
    %einshape_lo3A_453 = vector.extract_strided_slice %get3A_1 {offsets = [0, 57856], sizes = [8, 128], strides = [1, 1]} : vector<8x76928xf32> to vector<8x128xf32>
    %einshape_lo3A_454 = vector.extract_strided_slice %get3A_1 {offsets = [0, 57984], sizes = [8, 128], strides = [1, 1]} : vector<8x76928xf32> to vector<8x128xf32>
    %einshape_lo3A_455 = vector.extract_strided_slice %get3A_1 {offsets = [0, 58112], sizes = [8, 128], strides = [1, 1]} : vector<8x76928xf32> to vector<8x128xf32>
    %einshape_lo3A_456 = vector.extract_strided_slice %get3A_1 {offsets = [0, 58240], sizes = [8, 128], strides = [1, 1]} : vector<8x76928xf32> to vector<8x128xf32>
    %einshape_lo3A_457 = vector.extract_strided_slice %get3A_1 {offsets = [0, 58368], sizes = [8, 128], strides = [1, 1]} : vector<8x76928xf32> to vector<8x128xf32>
    %einshape_lo3A_458 = vector.extract_strided_slice %get3A_1 {offsets = [0, 58496], sizes = [8, 128], strides = [1, 1]} : vector<8x76928xf32> to vector<8x128xf32>
    %einshape_lo3A_459 = vector.extract_strided_slice %get3A_1 {offsets = [0, 58624], sizes = [8, 128], strides = [1, 1]} : vector<8x76928xf32> to vector<8x128xf32>
    %einshape_lo3A_460 = vector.extract_strided_slice %get3A_1 {offsets = [0, 58752], sizes = [8, 128], strides = [1, 1]} : vector<8x76928xf32> to vector<8x128xf32>
    %einshape_lo3A_461 = vector.extract_strided_slice %get3A_1 {offsets = [0, 58880], sizes = [8, 128], strides = [1, 1]} : vector<8x76928xf32> to vector<8x128xf32>
    %einshape_lo3A_462 = vector.extract_strided_slice %get3A_1 {offsets = [0, 59008], sizes = [8, 128], strides = [1, 1]} : vector<8x76928xf32> to vector<8x128xf32>
    %einshape_lo3A_463 = vector.extract_strided_slice %get3A_1 {offsets = [0, 59136], sizes = [8, 128], strides = [1, 1]} : vector<8x76928xf32> to vector<8x128xf32>
    %einshape_lo3A_464 = vector.extract_strided_slice %get3A_1 {offsets = [0, 59264], sizes = [8, 128], strides = [1, 1]} : vector<8x76928xf32> to vector<8x128xf32>
    %einshape_lo3A_465 = vector.extract_strided_slice %get3A_1 {offsets = [0, 59392], sizes = [8, 128], strides = [1, 1]} : vector<8x76928xf32> to vector<8x128xf32>
    %einshape_lo3A_466 = vector.extract_strided_slice %get3A_1 {offsets = [0, 59520], sizes = [8, 128], strides = [1, 1]} : vector<8x76928xf32> to vector<8x128xf32>
    %einshape_lo3A_467 = vector.extract_strided_slice %get3A_1 {offsets = [0, 59648], sizes = [8, 128], strides = [1, 1]} : vector<8x76928xf32> to vector<8x128xf32>
    %einshape_lo3A_468 = vector.extract_strided_slice %get3A_1 {offsets = [0, 59776], sizes = [8, 128], strides = [1, 1]} : vector<8x76928xf32> to vector<8x128xf32>
    %einshape_lo3A_469 = vector.extract_strided_slice %get3A_1 {offsets = [0, 59904], sizes = [8, 128], strides = [1, 1]} : vector<8x76928xf32> to vector<8x128xf32>
    %einshape_lo3A_470 = vector.extract_strided_slice %get3A_1 {offsets = [0, 60032], sizes = [8, 128], strides = [1, 1]} : vector<8x76928xf32> to vector<8x128xf32>
    %einshape_lo3A_471 = vector.extract_strided_slice %get3A_1 {offsets = [0, 60160], sizes = [8, 128], strides = [1, 1]} : vector<8x76928xf32> to vector<8x128xf32>
    %einshape_lo3A_472 = vector.extract_strided_slice %get3A_1 {offsets = [0, 60288], sizes = [8, 128], strides = [1, 1]} : vector<8x76928xf32> to vector<8x128xf32>
    %einshape_lo3A_473 = vector.extract_strided_slice %get3A_1 {offsets = [0, 60416], sizes = [8, 128], strides = [1, 1]} : vector<8x76928xf32> to vector<8x128xf32>
    %einshape_lo3A_474 = vector.extract_strided_slice %get3A_1 {offsets = [0, 60544], sizes = [8, 128], strides = [1, 1]} : vector<8x76928xf32> to vector<8x128xf32>
    %einshape_lo3A_475 = vector.extract_strided_slice %get3A_1 {offsets = [0, 60672], sizes = [8, 128], strides = [1, 1]} : vector<8x76928xf32> to vector<8x128xf32>
    %einshape_lo3A_476 = vector.extract_strided_slice %get3A_1 {offsets = [0, 60800], sizes = [8, 128], strides = [1, 1]} : vector<8x76928xf32> to vector<8x128xf32>
    %einshape_lo3A_477 = vector.extract_strided_slice %get3A_1 {offsets = [0, 60928], sizes = [8, 128], strides = [1, 1]} : vector<8x76928xf32> to vector<8x128xf32>
    %einshape_lo3A_478 = vector.extract_strided_slice %get3A_1 {offsets = [0, 61056], sizes = [8, 128], strides = [1, 1]} : vector<8x76928xf32> to vector<8x128xf32>
    %einshape_lo3A_479 = vector.extract_strided_slice %get3A_1 {offsets = [0, 61184], sizes = [8, 128], strides = [1, 1]} : vector<8x76928xf32> to vector<8x128xf32>
    %einshape_lo3A_480 = vector.extract_strided_slice %get3A_1 {offsets = [0, 61312], sizes = [8, 128], strides = [1, 1]} : vector<8x76928xf32> to vector<8x128xf32>
    %einshape_lo3A_481 = vector.extract_strided_slice %get3A_1 {offsets = [0, 61440], sizes = [8, 128], strides = [1, 1]} : vector<8x76928xf32> to vector<8x128xf32>
    %einshape_lo3A_482 = vector.extract_strided_slice %get3A_1 {offsets = [0, 61568], sizes = [8, 128], strides = [1, 1]} : vector<8x76928xf32> to vector<8x128xf32>
    %einshape_lo3A_483 = vector.extract_strided_slice %get3A_1 {offsets = [0, 61696], sizes = [8, 128], strides = [1, 1]} : vector<8x76928xf32> to vector<8x128xf32>
    %einshape_lo3A_484 = vector.extract_strided_slice %get3A_1 {offsets = [0, 61824], sizes = [8, 128], strides = [1, 1]} : vector<8x76928xf32> to vector<8x128xf32>
    %einshape_lo3A_485 = vector.extract_strided_slice %get3A_1 {offsets = [0, 61952], sizes = [8, 128], strides = [1, 1]} : vector<8x76928xf32> to vector<8x128xf32>
    %einshape_lo3A_486 = vector.extract_strided_slice %get3A_1 {offsets = [0, 62080], sizes = [8, 128], strides = [1, 1]} : vector<8x76928xf32> to vector<8x128xf32>
    %einshape_lo3A_487 = vector.extract_strided_slice %get3A_1 {offsets = [0, 62208], sizes = [8, 128], strides = [1, 1]} : vector<8x76928xf32> to vector<8x128xf32>
    %einshape_lo3A_488 = vector.extract_strided_slice %get3A_1 {offsets = [0, 62336], sizes = [8, 128], strides = [1, 1]} : vector<8x76928xf32> to vector<8x128xf32>
    %einshape_lo3A_489 = vector.extract_strided_slice %get3A_1 {offsets = [0, 62464], sizes = [8, 128], strides = [1, 1]} : vector<8x76928xf32> to vector<8x128xf32>
    %einshape_lo3A_490 = vector.extract_strided_slice %get3A_1 {offsets = [0, 62592], sizes = [8, 128], strides = [1, 1]} : vector<8x76928xf32> to vector<8x128xf32>
    %einshape_lo3A_491 = vector.extract_strided_slice %get3A_1 {offsets = [0, 62720], sizes = [8, 128], strides = [1, 1]} : vector<8x76928xf32> to vector<8x128xf32>
    %einshape_lo3A_492 = vector.extract_strided_slice %get3A_1 {offsets = [0, 62848], sizes = [8, 128], strides = [1, 1]} : vector<8x76928xf32> to vector<8x128xf32>
    %einshape_lo3A_493 = vector.extract_strided_slice %get3A_1 {offsets = [0, 62976], sizes = [8, 128], strides = [1, 1]} : vector<8x76928xf32> to vector<8x128xf32>
    %einshape_lo3A_494 = vector.extract_strided_slice %get3A_1 {offsets = [0, 63104], sizes = [8, 128], strides = [1, 1]} : vector<8x76928xf32> to vector<8x128xf32>
    %einshape_lo3A_495 = vector.extract_strided_slice %get3A_1 {offsets = [0, 63232], sizes = [8, 128], strides = [1, 1]} : vector<8x76928xf32> to vector<8x128xf32>
    %einshape_lo3A_496 = vector.extract_strided_slice %get3A_1 {offsets = [0, 63360], sizes = [8, 128], strides = [1, 1]} : vector<8x76928xf32> to vector<8x128xf32>
    %einshape_lo3A_497 = vector.extract_strided_slice %get3A_1 {offsets = [0, 63488], sizes = [8, 128], strides = [1, 1]} : vector<8x76928xf32> to vector<8x128xf32>
    %einshape_lo3A_498 = vector.extract_strided_slice %get3A_1 {offsets = [0, 63616], sizes = [8, 128], strides = [1, 1]} : vector<8x76928xf32> to vector<8x128xf32>
    %einshape_lo3A_499 = vector.extract_strided_slice %get3A_1 {offsets = [0, 63744], sizes = [8, 128], strides = [1, 1]} : vector<8x76928xf32> to vector<8x128xf32>
    %einshape_lo3A_500 = vector.extract_strided_slice %get3A_1 {offsets = [0, 63872], sizes = [8, 128], strides = [1, 1]} : vector<8x76928xf32> to vector<8x128xf32>
    %einshape_lo3A_501 = vector.extract_strided_slice %get3A_1 {offsets = [0, 64000], sizes = [8, 128], strides = [1, 1]} : vector<8x76928xf32> to vector<8x128xf32>
    %einshape_lo3A_502 = vector.extract_strided_slice %get3A_1 {offsets = [0, 64128], sizes = [8, 128], strides = [1, 1]} : vector<8x76928xf32> to vector<8x128xf32>
    %einshape_lo3A_503 = vector.extract_strided_slice %get3A_1 {offsets = [0, 64256], sizes = [8, 128], strides = [1, 1]} : vector<8x76928xf32> to vector<8x128xf32>
    %einshape_lo3A_504 = vector.extract_strided_slice %get3A_1 {offsets = [0, 64384], sizes = [8, 128], strides = [1, 1]} : vector<8x76928xf32> to vector<8x128xf32>
    %einshape_lo3A_505 = vector.extract_strided_slice %get3A_1 {offsets = [0, 64512], sizes = [8, 128], strides = [1, 1]} : vector<8x76928xf32> to vector<8x128xf32>
    %einshape_lo3A_506 = vector.extract_strided_slice %get3A_1 {offsets = [0, 64640], sizes = [8, 128], strides = [1, 1]} : vector<8x76928xf32> to vector<8x128xf32>
    %einshape_lo3A_507 = vector.extract_strided_slice %get3A_1 {offsets = [0, 64768], sizes = [8, 128], strides = [1, 1]} : vector<8x76928xf32> to vector<8x128xf32>
    %einshape_lo3A_508 = vector.extract_strided_slice %get3A_1 {offsets = [0, 64896], sizes = [8, 128], strides = [1, 1]} : vector<8x76928xf32> to vector<8x128xf32>
    %einshape_lo3A_509 = vector.extract_strided_slice %get3A_1 {offsets = [0, 65024], sizes = [8, 128], strides = [1, 1]} : vector<8x76928xf32> to vector<8x128xf32>
    %einshape_lo3A_510 = vector.extract_strided_slice %get3A_1 {offsets = [0, 65152], sizes = [8, 128], strides = [1, 1]} : vector<8x76928xf32> to vector<8x128xf32>
    %einshape_lo3A_511 = vector.extract_strided_slice %get3A_1 {offsets = [0, 65280], sizes = [8, 128], strides = [1, 1]} : vector<8x76928xf32> to vector<8x128xf32>
    %einshape_lo3A_512 = vector.extract_strided_slice %get3A_1 {offsets = [0, 65408], sizes = [8, 128], strides = [1, 1]} : vector<8x76928xf32> to vector<8x128xf32>
    %einshape_lo3A_513 = vector.extract_strided_slice %get3A_1 {offsets = [0, 65536], sizes = [8, 128], strides = [1, 1]} : vector<8x76928xf32> to vector<8x128xf32>
    %einshape_lo3A_514 = vector.extract_strided_slice %get3A_1 {offsets = [0, 65664], sizes = [8, 128], strides = [1, 1]} : vector<8x76928xf32> to vector<8x128xf32>
    %einshape_lo3A_515 = vector.extract_strided_slice %get3A_1 {offsets = [0, 65792], sizes = [8, 128], strides = [1, 1]} : vector<8x76928xf32> to vector<8x128xf32>
    %einshape_lo3A_516 = vector.extract_strided_slice %get3A_1 {offsets = [0, 65920], sizes = [8, 128], strides = [1, 1]} : vector<8x76928xf32> to vector<8x128xf32>
    %einshape_lo3A_517 = vector.extract_strided_slice %get3A_1 {offsets = [0, 66048], sizes = [8, 128], strides = [1, 1]} : vector<8x76928xf32> to vector<8x128xf32>
    %einshape_lo3A_518 = vector.extract_strided_slice %get3A_1 {offsets = [0, 66176], sizes = [8, 128], strides = [1, 1]} : vector<8x76928xf32> to vector<8x128xf32>
    %einshape_lo3A_519 = vector.extract_strided_slice %get3A_1 {offsets = [0, 66304], sizes = [8, 128], strides = [1, 1]} : vector<8x76928xf32> to vector<8x128xf32>
    %einshape_lo3A_520 = vector.extract_strided_slice %get3A_1 {offsets = [0, 66432], sizes = [8, 128], strides = [1, 1]} : vector<8x76928xf32> to vector<8x128xf32>
    %einshape_lo3A_521 = vector.extract_strided_slice %get3A_1 {offsets = [0, 66560], sizes = [8, 128], strides = [1, 1]} : vector<8x76928xf32> to vector<8x128xf32>
    %einshape_lo3A_522 = vector.extract_strided_slice %get3A_1 {offsets = [0, 66688], sizes = [8, 128], strides = [1, 1]} : vector<8x76928xf32> to vector<8x128xf32>
    %einshape_lo3A_523 = vector.extract_strided_slice %get3A_1 {offsets = [0, 66816], sizes = [8, 128], strides = [1, 1]} : vector<8x76928xf32> to vector<8x128xf32>
    %einshape_lo3A_524 = vector.extract_strided_slice %get3A_1 {offsets = [0, 66944], sizes = [8, 128], strides = [1, 1]} : vector<8x76928xf32> to vector<8x128xf32>
    %einshape_lo3A_525 = vector.extract_strided_slice %get3A_1 {offsets = [0, 67072], sizes = [8, 128], strides = [1, 1]} : vector<8x76928xf32> to vector<8x128xf32>
    %einshape_lo3A_526 = vector.extract_strided_slice %get3A_1 {offsets = [0, 67200], sizes = [8, 128], strides = [1, 1]} : vector<8x76928xf32> to vector<8x128xf32>
    %einshape_lo3A_527 = vector.extract_strided_slice %get3A_1 {offsets = [0, 67328], sizes = [8, 128], strides = [1, 1]} : vector<8x76928xf32> to vector<8x128xf32>
    %einshape_lo3A_528 = vector.extract_strided_slice %get3A_1 {offsets = [0, 67456], sizes = [8, 128], strides = [1, 1]} : vector<8x76928xf32> to vector<8x128xf32>
    %einshape_lo3A_529 = vector.extract_strided_slice %get3A_1 {offsets = [0, 67584], sizes = [8, 128], strides = [1, 1]} : vector<8x76928xf32> to vector<8x128xf32>
    %einshape_lo3A_530 = vector.extract_strided_slice %get3A_1 {offsets = [0, 67712], sizes = [8, 128], strides = [1, 1]} : vector<8x76928xf32> to vector<8x128xf32>
    %einshape_lo3A_531 = vector.extract_strided_slice %get3A_1 {offsets = [0, 67840], sizes = [8, 128], strides = [1, 1]} : vector<8x76928xf32> to vector<8x128xf32>
    %einshape_lo3A_532 = vector.extract_strided_slice %get3A_1 {offsets = [0, 67968], sizes = [8, 128], strides = [1, 1]} : vector<8x76928xf32> to vector<8x128xf32>
    %einshape_lo3A_533 = vector.extract_strided_slice %get3A_1 {offsets = [0, 68096], sizes = [8, 128], strides = [1, 1]} : vector<8x76928xf32> to vector<8x128xf32>
    %einshape_lo3A_534 = vector.extract_strided_slice %get3A_1 {offsets = [0, 68224], sizes = [8, 128], strides = [1, 1]} : vector<8x76928xf32> to vector<8x128xf32>
    %einshape_lo3A_535 = vector.extract_strided_slice %get3A_1 {offsets = [0, 68352], sizes = [8, 128], strides = [1, 1]} : vector<8x76928xf32> to vector<8x128xf32>
    %einshape_lo3A_536 = vector.extract_strided_slice %get3A_1 {offsets = [0, 68480], sizes = [8, 128], strides = [1, 1]} : vector<8x76928xf32> to vector<8x128xf32>
    %einshape_lo3A_537 = vector.extract_strided_slice %get3A_1 {offsets = [0, 68608], sizes = [8, 128], strides = [1, 1]} : vector<8x76928xf32> to vector<8x128xf32>
    %einshape_lo3A_538 = vector.extract_strided_slice %get3A_1 {offsets = [0, 68736], sizes = [8, 128], strides = [1, 1]} : vector<8x76928xf32> to vector<8x128xf32>
    %einshape_lo3A_539 = vector.extract_strided_slice %get3A_1 {offsets = [0, 68864], sizes = [8, 128], strides = [1, 1]} : vector<8x76928xf32> to vector<8x128xf32>
    %einshape_lo3A_540 = vector.extract_strided_slice %get3A_1 {offsets = [0, 68992], sizes = [8, 128], strides = [1, 1]} : vector<8x76928xf32> to vector<8x128xf32>
    %einshape_lo3A_541 = vector.extract_strided_slice %get3A_1 {offsets = [0, 69120], sizes = [8, 128], strides = [1, 1]} : vector<8x76928xf32> to vector<8x128xf32>
    %einshape_lo3A_542 = vector.extract_strided_slice %get3A_1 {offsets = [0, 69248], sizes = [8, 128], strides = [1, 1]} : vector<8x76928xf32> to vector<8x128xf32>
    %einshape_lo3A_543 = vector.extract_strided_slice %get3A_1 {offsets = [0, 69376], sizes = [8, 128], strides = [1, 1]} : vector<8x76928xf32> to vector<8x128xf32>
    %einshape_lo3A_544 = vector.extract_strided_slice %get3A_1 {offsets = [0, 69504], sizes = [8, 128], strides = [1, 1]} : vector<8x76928xf32> to vector<8x128xf32>
    %einshape_lo3A_545 = vector.extract_strided_slice %get3A_1 {offsets = [0, 69632], sizes = [8, 128], strides = [1, 1]} : vector<8x76928xf32> to vector<8x128xf32>
    %einshape_lo3A_546 = vector.extract_strided_slice %get3A_1 {offsets = [0, 69760], sizes = [8, 128], strides = [1, 1]} : vector<8x76928xf32> to vector<8x128xf32>
    %einshape_lo3A_547 = vector.extract_strided_slice %get3A_1 {offsets = [0, 69888], sizes = [8, 128], strides = [1, 1]} : vector<8x76928xf32> to vector<8x128xf32>
    %einshape_lo3A_548 = vector.extract_strided_slice %get3A_1 {offsets = [0, 70016], sizes = [8, 128], strides = [1, 1]} : vector<8x76928xf32> to vector<8x128xf32>
    %einshape_lo3A_549 = vector.extract_strided_slice %get3A_1 {offsets = [0, 70144], sizes = [8, 128], strides = [1, 1]} : vector<8x76928xf32> to vector<8x128xf32>
    %einshape_lo3A_550 = vector.extract_strided_slice %get3A_1 {offsets = [0, 70272], sizes = [8, 128], strides = [1, 1]} : vector<8x76928xf32> to vector<8x128xf32>
    %einshape_lo3A_551 = vector.extract_strided_slice %get3A_1 {offsets = [0, 70400], sizes = [8, 128], strides = [1, 1]} : vector<8x76928xf32> to vector<8x128xf32>
    %einshape_lo3A_552 = vector.extract_strided_slice %get3A_1 {offsets = [0, 70528], sizes = [8, 128], strides = [1, 1]} : vector<8x76928xf32> to vector<8x128xf32>
    %einshape_lo3A_553 = vector.extract_strided_slice %get3A_1 {offsets = [0, 70656], sizes = [8, 128], strides = [1, 1]} : vector<8x76928xf32> to vector<8x128xf32>
    %einshape_lo3A_554 = vector.extract_strided_slice %get3A_1 {offsets = [0, 70784], sizes = [8, 128], strides = [1, 1]} : vector<8x76928xf32> to vector<8x128xf32>
    %einshape_lo3A_555 = vector.extract_strided_slice %get3A_1 {offsets = [0, 70912], sizes = [8, 128], strides = [1, 1]} : vector<8x76928xf32> to vector<8x128xf32>
    %einshape_lo3A_556 = vector.extract_strided_slice %get3A_1 {offsets = [0, 71040], sizes = [8, 128], strides = [1, 1]} : vector<8x76928xf32> to vector<8x128xf32>
    %einshape_lo3A_557 = vector.extract_strided_slice %get3A_1 {offsets = [0, 71168], sizes = [8, 128], strides = [1, 1]} : vector<8x76928xf32> to vector<8x128xf32>
    %einshape_lo3A_558 = vector.extract_strided_slice %get3A_1 {offsets = [0, 71296], sizes = [8, 128], strides = [1, 1]} : vector<8x76928xf32> to vector<8x128xf32>
    %einshape_lo3A_559 = vector.extract_strided_slice %get3A_1 {offsets = [0, 71424], sizes = [8, 128], strides = [1, 1]} : vector<8x76928xf32> to vector<8x128xf32>
    %einshape_lo3A_560 = vector.extract_strided_slice %get3A_1 {offsets = [0, 71552], sizes = [8, 128], strides = [1, 1]} : vector<8x76928xf32> to vector<8x128xf32>
    %einshape_lo3A_561 = vector.extract_strided_slice %get3A_1 {offsets = [0, 71680], sizes = [8, 128], strides = [1, 1]} : vector<8x76928xf32> to vector<8x128xf32>
    %einshape_lo3A_562 = vector.extract_strided_slice %get3A_1 {offsets = [0, 71808], sizes = [8, 128], strides = [1, 1]} : vector<8x76928xf32> to vector<8x128xf32>
    %einshape_lo3A_563 = vector.extract_strided_slice %get3A_1 {offsets = [0, 71936], sizes = [8, 128], strides = [1, 1]} : vector<8x76928xf32> to vector<8x128xf32>
    %einshape_lo3A_564 = vector.extract_strided_slice %get3A_1 {offsets = [0, 72064], sizes = [8, 128], strides = [1, 1]} : vector<8x76928xf32> to vector<8x128xf32>
    %einshape_lo3A_565 = vector.extract_strided_slice %get3A_1 {offsets = [0, 72192], sizes = [8, 128], strides = [1, 1]} : vector<8x76928xf32> to vector<8x128xf32>
    %einshape_lo3A_566 = vector.extract_strided_slice %get3A_1 {offsets = [0, 72320], sizes = [8, 128], strides = [1, 1]} : vector<8x76928xf32> to vector<8x128xf32>
    %einshape_lo3A_567 = vector.extract_strided_slice %get3A_1 {offsets = [0, 72448], sizes = [8, 128], strides = [1, 1]} : vector<8x76928xf32> to vector<8x128xf32>
    %einshape_lo3A_568 = vector.extract_strided_slice %get3A_1 {offsets = [0, 72576], sizes = [8, 128], strides = [1, 1]} : vector<8x76928xf32> to vector<8x128xf32>
    %einshape_lo3A_569 = vector.extract_strided_slice %get3A_1 {offsets = [0, 72704], sizes = [8, 128], strides = [1, 1]} : vector<8x76928xf32> to vector<8x128xf32>
    %einshape_lo3A_570 = vector.extract_strided_slice %get3A_1 {offsets = [0, 72832], sizes = [8, 128], strides = [1, 1]} : vector<8x76928xf32> to vector<8x128xf32>
    %einshape_lo3A_571 = vector.extract_strided_slice %get3A_1 {offsets = [0, 72960], sizes = [8, 128], strides = [1, 1]} : vector<8x76928xf32> to vector<8x128xf32>
    %einshape_lo3A_572 = vector.extract_strided_slice %get3A_1 {offsets = [0, 73088], sizes = [8, 128], strides = [1, 1]} : vector<8x76928xf32> to vector<8x128xf32>
    %einshape_lo3A_573 = vector.extract_strided_slice %get3A_1 {offsets = [0, 73216], sizes = [8, 128], strides = [1, 1]} : vector<8x76928xf32> to vector<8x128xf32>
    %einshape_lo3A_574 = vector.extract_strided_slice %get3A_1 {offsets = [0, 73344], sizes = [8, 128], strides = [1, 1]} : vector<8x76928xf32> to vector<8x128xf32>
    %einshape_lo3A_575 = vector.extract_strided_slice %get3A_1 {offsets = [0, 73472], sizes = [8, 128], strides = [1, 1]} : vector<8x76928xf32> to vector<8x128xf32>
    %einshape_lo3A_576 = vector.extract_strided_slice %get3A_1 {offsets = [0, 73600], sizes = [8, 128], strides = [1, 1]} : vector<8x76928xf32> to vector<8x128xf32>
    %einshape_lo3A_577 = vector.extract_strided_slice %get3A_1 {offsets = [0, 73728], sizes = [8, 128], strides = [1, 1]} : vector<8x76928xf32> to vector<8x128xf32>
    %einshape_lo3A_578 = vector.extract_strided_slice %get3A_1 {offsets = [0, 73856], sizes = [8, 128], strides = [1, 1]} : vector<8x76928xf32> to vector<8x128xf32>
    %einshape_lo3A_579 = vector.extract_strided_slice %get3A_1 {offsets = [0, 73984], sizes = [8, 128], strides = [1, 1]} : vector<8x76928xf32> to vector<8x128xf32>
    %einshape_lo3A_580 = vector.extract_strided_slice %get3A_1 {offsets = [0, 74112], sizes = [8, 128], strides = [1, 1]} : vector<8x76928xf32> to vector<8x128xf32>
    %einshape_lo3A_581 = vector.extract_strided_slice %get3A_1 {offsets = [0, 74240], sizes = [8, 128], strides = [1, 1]} : vector<8x76928xf32> to vector<8x128xf32>
    %einshape_lo3A_582 = vector.extract_strided_slice %get3A_1 {offsets = [0, 74368], sizes = [8, 128], strides = [1, 1]} : vector<8x76928xf32> to vector<8x128xf32>
    %einshape_lo3A_583 = vector.extract_strided_slice %get3A_1 {offsets = [0, 74496], sizes = [8, 128], strides = [1, 1]} : vector<8x76928xf32> to vector<8x128xf32>
    %einshape_lo3A_584 = vector.extract_strided_slice %get3A_1 {offsets = [0, 74624], sizes = [8, 128], strides = [1, 1]} : vector<8x76928xf32> to vector<8x128xf32>
    %einshape_lo3A_585 = vector.extract_strided_slice %get3A_1 {offsets = [0, 74752], sizes = [8, 128], strides = [1, 1]} : vector<8x76928xf32> to vector<8x128xf32>
    %einshape_lo3A_586 = vector.extract_strided_slice %get3A_1 {offsets = [0, 74880], sizes = [8, 128], strides = [1, 1]} : vector<8x76928xf32> to vector<8x128xf32>
    %einshape_lo3A_587 = vector.extract_strided_slice %get3A_1 {offsets = [0, 75008], sizes = [8, 128], strides = [1, 1]} : vector<8x76928xf32> to vector<8x128xf32>
    %einshape_lo3A_588 = vector.extract_strided_slice %get3A_1 {offsets = [0, 75136], sizes = [8, 128], strides = [1, 1]} : vector<8x76928xf32> to vector<8x128xf32>
    %einshape_lo3A_589 = vector.extract_strided_slice %get3A_1 {offsets = [0, 75264], sizes = [8, 128], strides = [1, 1]} : vector<8x76928xf32> to vector<8x128xf32>
    %einshape_lo3A_590 = vector.extract_strided_slice %get3A_1 {offsets = [0, 75392], sizes = [8, 128], strides = [1, 1]} : vector<8x76928xf32> to vector<8x128xf32>
    %einshape_lo3A_591 = vector.extract_strided_slice %get3A_1 {offsets = [0, 75520], sizes = [8, 128], strides = [1, 1]} : vector<8x76928xf32> to vector<8x128xf32>
    %einshape_lo3A_592 = vector.extract_strided_slice %get3A_1 {offsets = [0, 75648], sizes = [8, 128], strides = [1, 1]} : vector<8x76928xf32> to vector<8x128xf32>
    %einshape_lo3A_593 = vector.extract_strided_slice %get3A_1 {offsets = [0, 75776], sizes = [8, 128], strides = [1, 1]} : vector<8x76928xf32> to vector<8x128xf32>
    %einshape_lo3A_594 = vector.extract_strided_slice %get3A_1 {offsets = [0, 75904], sizes = [8, 128], strides = [1, 1]} : vector<8x76928xf32> to vector<8x128xf32>
    %einshape_lo3A_595 = vector.extract_strided_slice %get3A_1 {offsets = [0, 76032], sizes = [8, 128], strides = [1, 1]} : vector<8x76928xf32> to vector<8x128xf32>
    %einshape_lo3A_596 = vector.extract_strided_slice %get3A_1 {offsets = [0, 76160], sizes = [8, 128], strides = [1, 1]} : vector<8x76928xf32> to vector<8x128xf32>
    %einshape_lo3A_597 = vector.extract_strided_slice %get3A_1 {offsets = [0, 76288], sizes = [8, 128], strides = [1, 1]} : vector<8x76928xf32> to vector<8x128xf32>
    %einshape_lo3A_598 = vector.extract_strided_slice %get3A_1 {offsets = [0, 76416], sizes = [8, 128], strides = [1, 1]} : vector<8x76928xf32> to vector<8x128xf32>
    %einshape_lo3A_599 = vector.extract_strided_slice %get3A_1 {offsets = [0, 76544], sizes = [8, 128], strides = [1, 1]} : vector<8x76928xf32> to vector<8x128xf32>
    %einshape_lo3A_600 = vector.extract_strided_slice %get3A_1 {offsets = [0, 76672], sizes = [8, 128], strides = [1, 1]} : vector<8x76928xf32> to vector<8x128xf32>
    %einshape_lo3A_601 = vector.extract_strided_slice %get3A_1 {offsets = [0, 76800], sizes = [8, 128], strides = [1, 1]} : vector<8x76928xf32> to vector<8x128xf32>
    %einshape_lo3A_602 = tpu.concatenate %einshape_lo3A, %einshape_lo3A_2, %einshape_lo3A_3, %einshape_lo3A_4, %einshape_lo3A_5, %einshape_lo3A_6, %einshape_lo3A_7, %einshape_lo3A_8, %einshape_lo3A_9, %einshape_lo3A_10, %einshape_lo3A_11, %einshape_lo3A_12, %einshape_lo3A_13, %einshape_lo3A_14, %einshape_lo3A_15, %einshape_lo3A_16, %einshape_lo3A_17, %einshape_lo3A_18, %einshape_lo3A_19, %einshape_lo3A_20, %einshape_lo3A_21, %einshape_lo3A_22, %einshape_lo3A_23, %einshape_lo3A_24, %einshape_lo3A_25, %einshape_lo3A_26, %einshape_lo3A_27, %einshape_lo3A_28, %einshape_lo3A_29, %einshape_lo3A_30, %einshape_lo3A_31, %einshape_lo3A_32, %einshape_lo3A_33, %einshape_lo3A_34, %einshape_lo3A_35, %einshape_lo3A_36, %einshape_lo3A_37, %einshape_lo3A_38, %einshape_lo3A_39, %einshape_lo3A_40, %einshape_lo3A_41, %einshape_lo3A_42, %einshape_lo3A_43, %einshape_lo3A_44, %einshape_lo3A_45, %einshape_lo3A_46, %einshape_lo3A_47, %einshape_lo3A_48, %einshape_lo3A_49, %einshape_lo3A_50, %einshape_lo3A_51, %einshape_lo3A_52, %einshape_lo3A_53, %einshape_lo3A_54, %einshape_lo3A_55, %einshape_lo3A_56, %einshape_lo3A_57, %einshape_lo3A_58, %einshape_lo3A_59, %einshape_lo3A_60, %einshape_lo3A_61, %einshape_lo3A_62, %einshape_lo3A_63, %einshape_lo3A_64, %einshape_lo3A_65, %einshape_lo3A_66, %einshape_lo3A_67, %einshape_lo3A_68, %einshape_lo3A_69, %einshape_lo3A_70, %einshape_lo3A_71, %einshape_lo3A_72, %einshape_lo3A_73, %einshape_lo3A_74, %einshape_lo3A_75, %einshape_lo3A_76, %einshape_lo3A_77, %einshape_lo3A_78, %einshape_lo3A_79, %einshape_lo3A_80, %einshape_lo3A_81, %einshape_lo3A_82, %einshape_lo3A_83, %einshape_lo3A_84, %einshape_lo3A_85, %einshape_lo3A_86, %einshape_lo3A_87, %einshape_lo3A_88, %einshape_lo3A_89, %einshape_lo3A_90, %einshape_lo3A_91, %einshape_lo3A_92, %einshape_lo3A_93, %einshape_lo3A_94, %einshape_lo3A_95, %einshape_lo3A_96, %einshape_lo3A_97, %einshape_lo3A_98, %einshape_lo3A_99, %einshape_lo3A_100, %einshape_lo3A_101, %einshape_lo3A_102, %einshape_lo3A_103, %einshape_lo3A_104, %einshape_lo3A_105, %einshape_lo3A_106, %einshape_lo3A_107, %einshape_lo3A_108, %einshape_lo3A_109, %einshape_lo3A_110, %einshape_lo3A_111, %einshape_lo3A_112, %einshape_lo3A_113, %einshape_lo3A_114, %einshape_lo3A_115, %einshape_lo3A_116, %einshape_lo3A_117, %einshape_lo3A_118, %einshape_lo3A_119, %einshape_lo3A_120, %einshape_lo3A_121, %einshape_lo3A_122, %einshape_lo3A_123, %einshape_lo3A_124, %einshape_lo3A_125, %einshape_lo3A_126, %einshape_lo3A_127, %einshape_lo3A_128, %einshape_lo3A_129, %einshape_lo3A_130, %einshape_lo3A_131, %einshape_lo3A_132, %einshape_lo3A_133, %einshape_lo3A_134, %einshape_lo3A_135, %einshape_lo3A_136, %einshape_lo3A_137, %einshape_lo3A_138, %einshape_lo3A_139, %einshape_lo3A_140, %einshape_lo3A_141, %einshape_lo3A_142, %einshape_lo3A_143, %einshape_lo3A_144, %einshape_lo3A_145, %einshape_lo3A_146, %einshape_lo3A_147, %einshape_lo3A_148, %einshape_lo3A_149, %einshape_lo3A_150, %einshape_lo3A_151, %einshape_lo3A_152, %einshape_lo3A_153, %einshape_lo3A_154, %einshape_lo3A_155, %einshape_lo3A_156, %einshape_lo3A_157, %einshape_lo3A_158, %einshape_lo3A_159, %einshape_lo3A_160, %einshape_lo3A_161, %einshape_lo3A_162, %einshape_lo3A_163, %einshape_lo3A_164, %einshape_lo3A_165, %einshape_lo3A_166, %einshape_lo3A_167, %einshape_lo3A_168, %einshape_lo3A_169, %einshape_lo3A_170, %einshape_lo3A_171, %einshape_lo3A_172, %einshape_lo3A_173, %einshape_lo3A_174, %einshape_lo3A_175, %einshape_lo3A_176, %einshape_lo3A_177, %einshape_lo3A_178, %einshape_lo3A_179, %einshape_lo3A_180, %einshape_lo3A_181, %einshape_lo3A_182, %einshape_lo3A_183, %einshape_lo3A_184, %einshape_lo3A_185, %einshape_lo3A_186, %einshape_lo3A_187, %einshape_lo3A_188, %einshape_lo3A_189, %einshape_lo3A_190, %einshape_lo3A_191, %einshape_lo3A_192, %einshape_lo3A_193, %einshape_lo3A_194, %einshape_lo3A_195, %einshape_lo3A_196, %einshape_lo3A_197, %einshape_lo3A_198, %einshape_lo3A_199, %einshape_lo3A_200, %einshape_lo3A_201, %einshape_lo3A_202, %einshape_lo3A_203, %einshape_lo3A_204, %einshape_lo3A_205, %einshape_lo3A_206, %einshape_lo3A_207, %einshape_lo3A_208, %einshape_lo3A_209, %einshape_lo3A_210, %einshape_lo3A_211, %einshape_lo3A_212, %einshape_lo3A_213, %einshape_lo3A_214, %einshape_lo3A_215, %einshape_lo3A_216, %einshape_lo3A_217, %einshape_lo3A_218, %einshape_lo3A_219, %einshape_lo3A_220, %einshape_lo3A_221, %einshape_lo3A_222, %einshape_lo3A_223, %einshape_lo3A_224, %einshape_lo3A_225, %einshape_lo3A_226, %einshape_lo3A_227, %einshape_lo3A_228, %einshape_lo3A_229, %einshape_lo3A_230, %einshape_lo3A_231, %einshape_lo3A_232, %einshape_lo3A_233, %einshape_lo3A_234, %einshape_lo3A_235, %einshape_lo3A_236, %einshape_lo3A_237, %einshape_lo3A_238, %einshape_lo3A_239, %einshape_lo3A_240, %einshape_lo3A_241, %einshape_lo3A_242, %einshape_lo3A_243, %einshape_lo3A_244, %einshape_lo3A_245, %einshape_lo3A_246, %einshape_lo3A_247, %einshape_lo3A_248, %einshape_lo3A_249, %einshape_lo3A_250, %einshape_lo3A_251, %einshape_lo3A_252, %einshape_lo3A_253, %einshape_lo3A_254, %einshape_lo3A_255, %einshape_lo3A_256, %einshape_lo3A_257, %einshape_lo3A_258, %einshape_lo3A_259, %einshape_lo3A_260, %einshape_lo3A_261, %einshape_lo3A_262, %einshape_lo3A_263, %einshape_lo3A_264, %einshape_lo3A_265, %einshape_lo3A_266, %einshape_lo3A_267, %einshape_lo3A_268, %einshape_lo3A_269, %einshape_lo3A_270, %einshape_lo3A_271, %einshape_lo3A_272, %einshape_lo3A_273, %einshape_lo3A_274, %einshape_lo3A_275, %einshape_lo3A_276, %einshape_lo3A_277, %einshape_lo3A_278, %einshape_lo3A_279, %einshape_lo3A_280, %einshape_lo3A_281, %einshape_lo3A_282, %einshape_lo3A_283, %einshape_lo3A_284, %einshape_lo3A_285, %einshape_lo3A_286, %einshape_lo3A_287, %einshape_lo3A_288, %einshape_lo3A_289, %einshape_lo3A_290, %einshape_lo3A_291, %einshape_lo3A_292, %einshape_lo3A_293, %einshape_lo3A_294, %einshape_lo3A_295, %einshape_lo3A_296, %einshape_lo3A_297, %einshape_lo3A_298, %einshape_lo3A_299, %einshape_lo3A_300, %einshape_lo3A_301, %einshape_lo3A_302, %einshape_lo3A_303, %einshape_lo3A_304, %einshape_lo3A_305, %einshape_lo3A_306, %einshape_lo3A_307, %einshape_lo3A_308, %einshape_lo3A_309, %einshape_lo3A_310, %einshape_lo3A_311, %einshape_lo3A_312, %einshape_lo3A_313, %einshape_lo3A_314, %einshape_lo3A_315, %einshape_lo3A_316, %einshape_lo3A_317, %einshape_lo3A_318, %einshape_lo3A_319, %einshape_lo3A_320, %einshape_lo3A_321, %einshape_lo3A_322, %einshape_lo3A_323, %einshape_lo3A_324, %einshape_lo3A_325, %einshape_lo3A_326, %einshape_lo3A_327, %einshape_lo3A_328, %einshape_lo3A_329, %einshape_lo3A_330, %einshape_lo3A_331, %einshape_lo3A_332, %einshape_lo3A_333, %einshape_lo3A_334, %einshape_lo3A_335, %einshape_lo3A_336, %einshape_lo3A_337, %einshape_lo3A_338, %einshape_lo3A_339, %einshape_lo3A_340, %einshape_lo3A_341, %einshape_lo3A_342, %einshape_lo3A_343, %einshape_lo3A_344, %einshape_lo3A_345, %einshape_lo3A_346, %einshape_lo3A_347, %einshape_lo3A_348, %einshape_lo3A_349, %einshape_lo3A_350, %einshape_lo3A_351, %einshape_lo3A_352, %einshape_lo3A_353, %einshape_lo3A_354, %einshape_lo3A_355, %einshape_lo3A_356, %einshape_lo3A_357, %einshape_lo3A_358, %einshape_lo3A_359, %einshape_lo3A_360, %einshape_lo3A_361, %einshape_lo3A_362, %einshape_lo3A_363, %einshape_lo3A_364, %einshape_lo3A_365, %einshape_lo3A_366, %einshape_lo3A_367, %einshape_lo3A_368, %einshape_lo3A_369, %einshape_lo3A_370, %einshape_lo3A_371, %einshape_lo3A_372, %einshape_lo3A_373, %einshape_lo3A_374, %einshape_lo3A_375, %einshape_lo3A_376, %einshape_lo3A_377, %einshape_lo3A_378, %einshape_lo3A_379, %einshape_lo3A_380, %einshape_lo3A_381, %einshape_lo3A_382, %einshape_lo3A_383, %einshape_lo3A_384, %einshape_lo3A_385, %einshape_lo3A_386, %einshape_lo3A_387, %einshape_lo3A_388, %einshape_lo3A_389, %einshape_lo3A_390, %einshape_lo3A_391, %einshape_lo3A_392, %einshape_lo3A_393, %einshape_lo3A_394, %einshape_lo3A_395, %einshape_lo3A_396, %einshape_lo3A_397, %einshape_lo3A_398, %einshape_lo3A_399, %einshape_lo3A_400, %einshape_lo3A_401, %einshape_lo3A_402, %einshape_lo3A_403, %einshape_lo3A_404, %einshape_lo3A_405, %einshape_lo3A_406, %einshape_lo3A_407, %einshape_lo3A_408, %einshape_lo3A_409, %einshape_lo3A_410, %einshape_lo3A_411, %einshape_lo3A_412, %einshape_lo3A_413, %einshape_lo3A_414, %einshape_lo3A_415, %einshape_lo3A_416, %einshape_lo3A_417, %einshape_lo3A_418, %einshape_lo3A_419, %einshape_lo3A_420, %einshape_lo3A_421, %einshape_lo3A_422, %einshape_lo3A_423, %einshape_lo3A_424, %einshape_lo3A_425, %einshape_lo3A_426, %einshape_lo3A_427, %einshape_lo3A_428, %einshape_lo3A_429, %einshape_lo3A_430, %einshape_lo3A_431, %einshape_lo3A_432, %einshape_lo3A_433, %einshape_lo3A_434, %einshape_lo3A_435, %einshape_lo3A_436, %einshape_lo3A_437, %einshape_lo3A_438, %einshape_lo3A_439, %einshape_lo3A_440, %einshape_lo3A_441, %einshape_lo3A_442, %einshape_lo3A_443, %einshape_lo3A_444, %einshape_lo3A_445, %einshape_lo3A_446, %einshape_lo3A_447, %einshape_lo3A_448, %einshape_lo3A_449, %einshape_lo3A_450, %einshape_lo3A_451, %einshape_lo3A_452, %einshape_lo3A_453, %einshape_lo3A_454, %einshape_lo3A_455, %einshape_lo3A_456, %einshape_lo3A_457, %einshape_lo3A_458, %einshape_lo3A_459, %einshape_lo3A_460, %einshape_lo3A_461, %einshape_lo3A_462, %einshape_lo3A_463, %einshape_lo3A_464, %einshape_lo3A_465, %einshape_lo3A_466, %einshape_lo3A_467, %einshape_lo3A_468, %einshape_lo3A_469, %einshape_lo3A_470, %einshape_lo3A_471, %einshape_lo3A_472, %einshape_lo3A_473, %einshape_lo3A_474, %einshape_lo3A_475, %einshape_lo3A_476, %einshape_lo3A_477, %einshape_lo3A_478, %einshape_lo3A_479, %einshape_lo3A_480, %einshape_lo3A_481, %einshape_lo3A_482, %einshape_lo3A_483, %einshape_lo3A_484, %einshape_lo3A_485, %einshape_lo3A_486, %einshape_lo3A_487, %einshape_lo3A_488, %einshape_lo3A_489, %einshape_lo3A_490, %einshape_lo3A_491, %einshape_lo3A_492, %einshape_lo3A_493, %einshape_lo3A_494, %einshape_lo3A_495, %einshape_lo3A_496, %einshape_lo3A_497, %einshape_lo3A_498, %einshape_lo3A_499, %einshape_lo3A_500, %einshape_lo3A_501, %einshape_lo3A_502, %einshape_lo3A_503, %einshape_lo3A_504, %einshape_lo3A_505, %einshape_lo3A_506, %einshape_lo3A_507, %einshape_lo3A_508, %einshape_lo3A_509, %einshape_lo3A_510, %einshape_lo3A_511, %einshape_lo3A_512, %einshape_lo3A_513, %einshape_lo3A_514, %einshape_lo3A_515, %einshape_lo3A_516, %einshape_lo3A_517, %einshape_lo3A_518, %einshape_lo3A_519, %einshape_lo3A_520, %einshape_lo3A_521, %einshape_lo3A_522, %einshape_lo3A_523, %einshape_lo3A_524, %einshape_lo3A_525, %einshape_lo3A_526, %einshape_lo3A_527, %einshape_lo3A_528, %einshape_lo3A_529, %einshape_lo3A_530, %einshape_lo3A_531, %einshape_lo3A_532, %einshape_lo3A_533, %einshape_lo3A_534, %einshape_lo3A_535, %einshape_lo3A_536, %einshape_lo3A_537, %einshape_lo3A_538, %einshape_lo3A_539, %einshape_lo3A_540, %einshape_lo3A_541, %einshape_lo3A_542, %einshape_lo3A_543, %einshape_lo3A_544, %einshape_lo3A_545, %einshape_lo3A_546, %einshape_lo3A_547, %einshape_lo3A_548, %einshape_lo3A_549, %einshape_lo3A_550, %einshape_lo3A_551, %einshape_lo3A_552, %einshape_lo3A_553, %einshape_lo3A_554, %einshape_lo3A_555, %einshape_lo3A_556, %einshape_lo3A_557, %einshape_lo3A_558, %einshape_lo3A_559, %einshape_lo3A_560, %einshape_lo3A_561, %einshape_lo3A_562, %einshape_lo3A_563, %einshape_lo3A_564, %einshape_lo3A_565, %einshape_lo3A_566, %einshape_lo3A_567, %einshape_lo3A_568, %einshape_lo3A_569, %einshape_lo3A_570, %einshape_lo3A_571, %einshape_lo3A_572, %einshape_lo3A_573, %einshape_lo3A_574, %einshape_lo3A_575, %einshape_lo3A_576, %einshape_lo3A_577, %einshape_lo3A_578, %einshape_lo3A_579, %einshape_lo3A_580, %einshape_lo3A_581, %einshape_lo3A_582, %einshape_lo3A_583, %einshape_lo3A_584, %einshape_lo3A_585, %einshape_lo3A_586, %einshape_lo3A_587, %einshape_lo3A_588, %einshape_lo3A_589, %einshape_lo3A_590, %einshape_lo3A_591, %einshape_lo3A_592, %einshape_lo3A_593, %einshape_lo3A_594, %einshape_lo3A_595, %einshape_lo3A_596, %einshape_lo3A_597, %einshape_lo3A_598, %einshape_lo3A_599, %einshape_lo3A_600, %einshape_lo3A_601 in 0 : vector<8x128xf32>, vector<8x128xf32>, vector<8x128xf32>, vector<8x128xf32>, vector<8x128xf32>, vector<8x128xf32>, vector<8x128xf32>, vector<8x128xf32>, vector<8x128xf32>, vector<8x128xf32>, vector<8x128xf32>, vector<8x128xf32>, vector<8x128xf32>, vector<8x128xf32>, vector<8x128xf32>, vector<8x128xf32>, vector<8x128xf32>, vector<8x128xf32>, vector<8x128xf32>, vector<8x128xf32>, vector<8x128xf32>, vector<8x128xf32>, vector<8x128xf32>, vector<8x128xf32>, vector<8x128xf32>, vector<8x128xf32>, vector<8x128xf32>, vector<8x128xf32>, vector<8x128xf32>, vector<8x128xf32>, vector<8x128xf32>, vector<8x128xf32>, vector<8x128xf32>, vector<8x128xf32>, vector<8x128xf32>, vector<8x128xf32>, vector<8x128xf32>, vector<8x128xf32>, vector<8x128xf32>, vector<8x128xf32>, vector<8x128xf32>, vector<8x128xf32>, vector<8x128xf32>, vector<8x128xf32>, vector<8x128xf32>, vector<8x128xf32>, vector<8x128xf32>, vector<8x128xf32>, vector<8x128xf32>, vector<8x128xf32>, vector<8x128xf32>, vector<8x128xf32>, vector<8x128xf32>, vector<8x128xf32>, vector<8x128xf32>, vector<8x128xf32>, vector<8x128xf32>, vector<8x128xf32>, vector<8x128xf32>, vector<8x128xf32>, vector<8x128xf32>, vector<8x128xf32>, vector<8x128xf32>, vector<8x128xf32>, vector<8x128xf32>, vector<8x128xf32>, vector<8x128xf32>, vector<8x128xf32>, vector<8x128xf32>, vector<8x128xf32>, vector<8x128xf32>, vector<8x128xf32>, vector<8x128xf32>, vector<8x128xf32>, vector<8x128xf32>, vector<8x128xf32>, vector<8x128xf32>, vector<8x128xf32>, vector<8x128xf32>, vector<8x128xf32>, vector<8x128xf32>, vector<8x128xf32>, vector<8x128xf32>, vector<8x128xf32>, vector<8x128xf32>, vector<8x128xf32>, vector<8x128xf32>, vector<8x128xf32>, vector<8x128xf32>, vector<8x128xf32>, vector<8x128xf32>, vector<8x128xf32>, vector<8x128xf32>, vector<8x128xf32>, vector<8x128xf32>, vector<8x128xf32>, vector<8x128xf32>, vector<8x128xf32>, vector<8x128xf32>, vector<8x128xf32>, vector<8x128xf32>, vector<8x128xf32>, vector<8x128xf32>, vector<8x128xf32>, vector<8x128xf32>, vector<8x128xf32>, vector<8x128xf32>, vector<8x128xf32>, vector<8x128xf32>, vector<8x128xf32>, vector<8x128xf32>, vector<8x128xf32>, vector<8x128xf32>, vector<8x128xf32>, vector<8x128xf32>, vector<8x128xf32>, vector<8x128xf32>, vector<8x128xf32>, vector<8x128xf32>, vector<8x128xf32>, vector<8x128xf32>, vector<8x128xf32>, vector<8x128xf32>, vector<8x128xf32>, vector<8x128xf32>, vector<8x128xf32>, vector<8x128xf32>, vector<8x128xf32>, vector<8x128xf32>, vector<8x128xf32>, vector<8x128xf32>, vector<8x128xf32>, vector<8x128xf32>, vector<8x128xf32>, vector<8x128xf32>, vector<8x128xf32>, vector<8x128xf32>, vector<8x128xf32>, vector<8x128xf32>, vector<8x128xf32>, vector<8x128xf32>, vector<8x128xf32>, vector<8x128xf32>, vector<8x128xf32>, vector<8x128xf32>, vector<8x128xf32>, vector<8x128xf32>, vector<8x128xf32>, vector<8x128xf32>, vector<8x128xf32>, vector<8x128xf32>, vector<8x128xf32>, vector<8x128xf32>, vector<8x128xf32>, vector<8x128xf32>, vector<8x128xf32>, vector<8x128xf32>, vector<8x128xf32>, vector<8x128xf32>, vector<8x128xf32>, vector<8x128xf32>, vector<8x128xf32>, vector<8x128xf32>, vector<8x128xf32>, vector<8x128xf32>, vector<8x128xf32>, vector<8x128xf32>, vector<8x128xf32>, vector<8x128xf32>, vector<8x128xf32>, vector<8x128xf32>, vector<8x128xf32>, vector<8x128xf32>, vector<8x128xf32>, vector<8x128xf32>, vector<8x128xf32>, vector<8x128xf32>, vector<8x128xf32>, vector<8x128xf32>, vector<8x128xf32>, vector<8x128xf32>, vector<8x128xf32>, vector<8x128xf32>, vector<8x128xf32>, vector<8x128xf32>, vector<8x128xf32>, vector<8x128xf32>, vector<8x128xf32>, vector<8x128xf32>, vector<8x128xf32>, vector<8x128xf32>, vector<8x128xf32>, vector<8x128xf32>, vector<8x128xf32>, vector<8x128xf32>, vector<8x128xf32>, vector<8x128xf32>, vector<8x128xf32>, vector<8x128xf32>, vector<8x128xf32>, vector<8x128xf32>, vector<8x128xf32>, vector<8x128xf32>, vector<8x128xf32>, vector<8x128xf32>, vector<8x128xf32>, vector<8x128xf32>, vector<8x128xf32>, vector<8x128xf32>, vector<8x128xf32>, vector<8x128xf32>, vector<8x128xf32>, vector<8x128xf32>, vector<8x128xf32>, vector<8x128xf32>, vector<8x128xf32>, vector<8x128xf32>, vector<8x128xf32>, vector<8x128xf32>, vector<8x128xf32>, vector<8x128xf32>, vector<8x128xf32>, vector<8x128xf32>, vector<8x128xf32>, vector<8x128xf32>, vector<8x128xf32>, vector<8x128xf32>, vector<8x128xf32>, vector<8x128xf32>, vector<8x128xf32>, vector<8x128xf32>, vector<8x128xf32>, vector<8x128xf32>, vector<8x128xf32>, vector<8x128xf32>, vector<8x128xf32>, vector<8x128xf32>, vector<8x128xf32>, vector<8x128xf32>, vector<8x128xf32>, vector<8x128xf32>, vector<8x128xf32>, vector<8x128xf32>, vector<8x128xf32>, vector<8x128xf32>, vector<8x128xf32>, vector<8x128xf32>, vector<8x128xf32>, vector<8x128xf32>, vector<8x128xf32>, vector<8x128xf32>, vector<8x128xf32>, vector<8x128xf32>, vector<8x128xf32>, vector<8x128xf32>, vector<8x128xf32>, vector<8x128xf32>, vector<8x128xf32>, vector<8x128xf32>, vector<8x128xf32>, vector<8x128xf32>, vector<8x128xf32>, vector<8x128xf32>, vector<8x128xf32>, vector<8x128xf32>, vector<8x128xf32>, vector<8x128xf32>, vector<8x128xf32>, vector<8x128xf32>, vector<8x128xf32>, vector<8x128xf32>, vector<8x128xf32>, vector<8x128xf32>, vector<8x128xf32>, vector<8x128xf32>, vector<8x128xf32>, vector<8x128xf32>, vector<8x128xf32>, vector<8x128xf32>, vector<8x128xf32>, vector<8x128xf32>, vector<8x128xf32>, vector<8x128xf32>, vector<8x128xf32>, vector<8x128xf32>, vector<8x128xf32>, vector<8x128xf32>, vector<8x128xf32>, vector<8x128xf32>, vector<8x128xf32>, vector<8x128xf32>, vector<8x128xf32>, vector<8x128xf32>, vector<8x128xf32>, vector<8x128xf32>, vector<8x128xf32>, vector<8x128xf32>, vector<8x128xf32>, vector<8x128xf32>, vector<8x128xf32>, vector<8x128xf32>, vector<8x128xf32>, vector<8x128xf32>, vector<8x128xf32>, vector<8x128xf32>, vector<8x128xf32>, vector<8x128xf32>, vector<8x128xf32>, vector<8x128xf32>, vector<8x128xf32>, vector<8x128xf32>, vector<8x128xf32>, vector<8x128xf32>, vector<8x128xf32>, vector<8x128xf32>, vector<8x128xf32>, vector<8x128xf32>, vector<8x128xf32>, vector<8x128xf32>, vector<8x128xf32>, vector<8x128xf32>, vector<8x128xf32>, vector<8x128xf32>, vector<8x128xf32>, vector<8x128xf32>, vector<8x128xf32>, vector<8x128xf32>, vector<8x128xf32>, vector<8x128xf32>, vector<8x128xf32>, vector<8x128xf32>, vector<8x128xf32>, vector<8x128xf32>, vector<8x128xf32>, vector<8x128xf32>, vector<8x128xf32>, vector<8x128xf32>, vector<8x128xf32>, vector<8x128xf32>, vector<8x128xf32>, vector<8x128xf32>, vector<8x128xf32>, vector<8x128xf32>, vector<8x128xf32>, vector<8x128xf32>, vector<8x128xf32>, vector<8x128xf32>, vector<8x128xf32>, vector<8x128xf32>, vector<8x128xf32>, vector<8x128xf32>, vector<8x128xf32>, vector<8x128xf32>, vector<8x128xf32>, vector<8x128xf32>, vector<8x128xf32>, vector<8x128xf32>, vector<8x128xf32>, vector<8x128xf32>, vector<8x128xf32>, vector<8x128xf32>, vector<8x128xf32>, vector<8x128xf32>, vector<8x128xf32>, vector<8x128xf32>, vector<8x128xf32>, vector<8x128xf32>, vector<8x128xf32>, vector<8x128xf32>, vector<8x128xf32>, vector<8x128xf32>, vector<8x128xf32>, vector<8x128xf32>, vector<8x128xf32>, vector<8x128xf32>, vector<8x128xf32>, vector<8x128xf32>, vector<8x128xf32>, vector<8x128xf32>, vector<8x128xf32>, vector<8x128xf32>, vector<8x128xf32>, vector<8x128xf32>, vector<8x128xf32>, vector<8x128xf32>, vector<8x128xf32>, vector<8x128xf32>, vector<8x128xf32>, vector<8x128xf32>, vector<8x128xf32>, vector<8x128xf32>, vector<8x128xf32>, vector<8x128xf32>, vector<8x128xf32>, vector<8x128xf32>, vector<8x128xf32>, vector<8x128xf32>, vector<8x128xf32>, vector<8x128xf32>, vector<8x128xf32>, vector<8x128xf32>, vector<8x128xf32>, vector<8x128xf32>, vector<8x128xf32>, vector<8x128xf32>, vector<8x128xf32>, vector<8x128xf32>, vector<8x128xf32>, vector<8x128xf32>, vector<8x128xf32>, vector<8x128xf32>, vector<8x128xf32>, vector<8x128xf32>, vector<8x128xf32>, vector<8x128xf32>, vector<8x128xf32>, vector<8x128xf32>, vector<8x128xf32>, vector<8x128xf32>, vector<8x128xf32>, vector<8x128xf32>, vector<8x128xf32>, vector<8x128xf32>, vector<8x128xf32>, vector<8x128xf32>, vector<8x128xf32>, vector<8x128xf32>, vector<8x128xf32>, vector<8x128xf32>, vector<8x128xf32>, vector<8x128xf32>, vector<8x128xf32>, vector<8x128xf32>, vector<8x128xf32>, vector<8x128xf32>, vector<8x128xf32>, vector<8x128xf32>, vector<8x128xf32>, vector<8x128xf32>, vector<8x128xf32>, vector<8x128xf32>, vector<8x128xf32>, vector<8x128xf32>, vector<8x128xf32>, vector<8x128xf32>, vector<8x128xf32>, vector<8x128xf32>, vector<8x128xf32>, vector<8x128xf32>, vector<8x128xf32>, vector<8x128xf32>, vector<8x128xf32>, vector<8x128xf32>, vector<8x128xf32>, vector<8x128xf32>, vector<8x128xf32>, vector<8x128xf32>, vector<8x128xf32>, vector<8x128xf32>, vector<8x128xf32>, vector<8x128xf32>, vector<8x128xf32>, vector<8x128xf32>, vector<8x128xf32>, vector<8x128xf32>, vector<8x128xf32>, vector<8x128xf32>, vector<8x128xf32>, vector<8x128xf32>, vector<8x128xf32>, vector<8x128xf32>, vector<8x128xf32>, vector<8x128xf32>, vector<8x128xf32>, vector<8x128xf32>, vector<8x128xf32>, vector<8x128xf32>, vector<8x128xf32>, vector<8x128xf32>, vector<8x128xf32>, vector<8x128xf32>, vector<8x128xf32>, vector<8x128xf32>, vector<8x128xf32>, vector<8x128xf32>, vector<8x128xf32>, vector<8x128xf32>, vector<8x128xf32>, vector<8x128xf32>, vector<8x128xf32>, vector<8x128xf32>, vector<8x128xf32>, vector<8x128xf32>, vector<8x128xf32>, vector<8x128xf32>, vector<8x128xf32>, vector<8x128xf32>, vector<8x128xf32>, vector<8x128xf32>, vector<8x128xf32>, vector<8x128xf32>, vector<8x128xf32>, vector<8x128xf32>, vector<8x128xf32>, vector<8x128xf32>, vector<8x128xf32>, vector<8x128xf32>, vector<8x128xf32>, vector<8x128xf32>, vector<8x128xf32>, vector<8x128xf32>, vector<8x128xf32>, vector<8x128xf32>, vector<8x128xf32>, vector<8x128xf32>, vector<8x128xf32>, vector<8x128xf32>, vector<8x128xf32>, vector<8x128xf32>, vector<8x128xf32>, vector<8x128xf32>, vector<8x128xf32>, vector<8x128xf32>, vector<8x128xf32>, vector<8x128xf32>, vector<8x128xf32>, vector<8x128xf32>, vector<8x128xf32>, vector<8x128xf32>, vector<8x128xf32>, vector<8x128xf32>, vector<8x128xf32>, vector<8x128xf32>, vector<8x128xf32>, vector<8x128xf32>, vector<8x128xf32>, vector<8x128xf32>, vector<8x128xf32>, vector<8x128xf32>, vector<8x128xf32>, vector<8x128xf32>, vector<8x128xf32>, vector<8x128xf32>, vector<8x128xf32>, vector<8x128xf32>, vector<8x128xf32>, vector<8x128xf32>, vector<8x128xf32>, vector<8x128xf32>, vector<8x128xf32>, vector<8x128xf32>, vector<8x128xf32>, vector<8x128xf32>, vector<8x128xf32>, vector<8x128xf32>, vector<8x128xf32>, vector<8x128xf32>, vector<8x128xf32>, vector<8x128xf32>, vector<8x128xf32>, vector<8x128xf32>, vector<8x128xf32>, vector<8x128xf32>, vector<8x128xf32>, vector<8x128xf32>, vector<8x128xf32>, vector<8x128xf32>, vector<8x128xf32>, vector<8x128xf32>, vector<8x128xf32>, vector<8x128xf32>, vector<8x128xf32>, vector<8x128xf32>, vector<8x128xf32>, vector<8x128xf32>, vector<8x128xf32>, vector<8x128xf32>, vector<8x128xf32>, vector<8x128xf32>, vector<8x128xf32>, vector<8x128xf32>, vector<8x128xf32>, vector<8x128xf32>, vector<8x128xf32>, vector<8x128xf32>, vector<8x128xf32>, vector<8x128xf32>, vector<8x128xf32>, vector<8x128xf32>, vector<8x128xf32>, vector<8x128xf32>, vector<8x128xf32>, vector<8x128xf32>, vector<8x128xf32>, vector<8x128xf32>, vector<8x128xf32>, vector<8x128xf32>, vector<8x128xf32>, vector<8x128xf32>, vector<8x128xf32>, vector<8x128xf32> -> vector<4808x128xf32>
    %swap3A = arith.constant 0 : index
    %swap3A_603 = arith.constant 0 : index
    %swap3A_604 = vector.load %arg4[%swap3A, %swap3A_603] : memref<4808x128xf32, #tpu.memory_space<vmem>>, vector<4808x128xf32>
    tpu.vector_store %arg4[%swap3A, %swap3A_603], %einshape_lo3A_602 {strides = array<i32>} : memref<4808x128xf32, #tpu.memory_space<vmem>>, vector<4808x128xf32>,
    %get3A_605 = arith.constant 0 : index
    %get3A_606 = arith.constant 0 : index
    %get3A_607 = vector.load %arg3[%get3A_605, %get3A_606] : memref<8x76928xf32, #tpu.memory_space<vmem>>, vector<8x76928xf32>
    %einshape_lo3A_608 = vector.extract_strided_slice %get3A_607 {offsets = [0, 0], sizes = [8, 128], strides = [1, 1]} : vector<8x76928xf32> to vector<8x128xf32>
    %einshape_lo3A_609 = vector.extract_strided_slice %get3A_607 {offsets = [0, 128], sizes = [8, 128], strides = [1, 1]} : vector<8x76928xf32> to vector<8x128xf32>
    %einshape_lo3A_610 = vector.extract_strided_slice %get3A_607 {offsets = [0, 256], sizes = [8, 128], strides = [1, 1]} : vector<8x76928xf32> to vector<8x128xf32>
    %einshape_lo3A_611 = vector.extract_strided_slice %get3A_607 {offsets = [0, 384], sizes = [8, 128], strides = [1, 1]} : vector<8x76928xf32> to vector<8x128xf32>
    %einshape_lo3A_612 = vector.extract_strided_slice %get3A_607 {offsets = [0, 512], sizes = [8, 128], strides = [1, 1]} : vector<8x76928xf32> to vector<8x128xf32>
    %einshape_lo3A_613 = vector.extract_strided_slice %get3A_607 {offsets = [0, 640], sizes = [8, 128], strides = [1, 1]} : vector<8x76928xf32> to vector<8x128xf32>
    %einshape_lo3A_614 = vector.extract_strided_slice %get3A_607 {offsets = [0, 768], sizes = [8, 128], strides = [1, 1]} : vector<8x76928xf32> to vector<8x128xf32>
    %einshape_lo3A_615 = vector.extract_strided_slice %get3A_607 {offsets = [0, 896], sizes = [8, 128], strides = [1, 1]} : vector<8x76928xf32> to vector<8x128xf32>
    %einshape_lo3A_616 = vector.extract_strided_slice %get3A_607 {offsets = [0, 1024], sizes = [8, 128], strides = [1, 1]} : vector<8x76928xf32> to vector<8x128xf32>
    %einshape_lo3A_617 = vector.extract_strided_slice %get3A_607 {offsets = [0, 1152], sizes = [8, 128], strides = [1, 1]} : vector<8x76928xf32> to vector<8x128xf32>
    %einshape_lo3A_618 = vector.extract_strided_slice %get3A_607 {offsets = [0, 1280], sizes = [8, 128], strides = [1, 1]} : vector<8x76928xf32> to vector<8x128xf32>
    %einshape_lo3A_619 = vector.extract_strided_slice %get3A_607 {offsets = [0, 1408], sizes = [8, 128], strides = [1, 1]} : vector<8x76928xf32> to vector<8x128xf32>
    %einshape_lo3A_620 = vector.extract_strided_slice %get3A_607 {offsets = [0, 1536], sizes = [8, 128], strides = [1, 1]} : vector<8x76928xf32> to vector<8x128xf32>
    %einshape_lo3A_621 = vector.extract_strided_slice %get3A_607 {offsets = [0, 1664], sizes = [8, 128], strides = [1, 1]} : vector<8x76928xf32> to vector<8x128xf32>
    %einshape_lo3A_622 = vector.extract_strided_slice %get3A_607 {offsets = [0, 1792], sizes = [8, 128], strides = [1, 1]} : vector<8x76928xf32> to vector<8x128xf32>
    %einshape_lo3A_623 = vector.extract_strided_slice %get3A_607 {offsets = [0, 1920], sizes = [8, 128], strides = [1, 1]} : vector<8x76928xf32> to vector<8x128xf32>
    %einshape_lo3A_624 = vector.extract_strided_slice %get3A_607 {offsets = [0, 2048], sizes = [8, 128], strides = [1, 1]} : vector<8x76928xf32> to vector<8x128xf32>
    %einshape_lo3A_625 = vector.extract_strided_slice %get3A_607 {offsets = [0, 2176], sizes = [8, 128], strides = [1, 1]} : vector<8x76928xf32> to vector<8x128xf32>
    %einshape_lo3A_626 = vector.extract_strided_slice %get3A_607 {offsets = [0, 2304], sizes = [8, 128], strides = [1, 1]} : vector<8x76928xf32> to vector<8x128xf32>
    %einshape_lo3A_627 = vector.extract_strided_slice %get3A_607 {offsets = [0, 2432], sizes = [8, 128], strides = [1, 1]} : vector<8x76928xf32> to vector<8x128xf32>
    %einshape_lo3A_628 = vector.extract_strided_slice %get3A_607 {offsets = [0, 2560], sizes = [8, 128], strides = [1, 1]} : vector<8x76928xf32> to vector<8x128xf32>
    %einshape_lo3A_629 = vector.extract_strided_slice %get3A_607 {offsets = [0, 2688], sizes = [8, 128], strides = [1, 1]} : vector<8x76928xf32> to vector<8x128xf32>
    %einshape_lo3A_630 = vector.extract_strided_slice %get3A_607 {offsets = [0, 2816], sizes = [8, 128], strides = [1, 1]} : vector<8x76928xf32> to vector<8x128xf32>
    %einshape_lo3A_631 = vector.extract_strided_slice %get3A_607 {offsets = [0, 2944], sizes = [8, 128], strides = [1, 1]} : vector<8x76928xf32> to vector<8x128xf32>
    %einshape_lo3A_632 = vector.extract_strided_slice %get3A_607 {offsets = [0, 3072], sizes = [8, 128], strides = [1, 1]} : vector<8x76928xf32> to vector<8x128xf32>
    %einshape_lo3A_633 = vector.extract_strided_slice %get3A_607 {offsets = [0, 3200], sizes = [8, 128], strides = [1, 1]} : vector<8x76928xf32> to vector<8x128xf32>
    %einshape_lo3A_634 = vector.extract_strided_slice %get3A_607 {offsets = [0, 3328], sizes = [8, 128], strides = [1, 1]} : vector<8x76928xf32> to vector<8x128xf32>
    %einshape_lo3A_635 = vector.extract_strided_slice %get3A_607 {offsets = [0, 3456], sizes = [8, 128], strides = [1, 1]} : vector<8x76928xf32> to vector<8x128xf32>
    %einshape_lo3A_636 = vector.extract_strided_slice %get3A_607 {offsets = [0, 3584], sizes = [8, 128], strides = [1, 1]} : vector<8x76928xf32> to vector<8x128xf32>
    %einshape_lo3A_637 = vector.extract_strided_slice %get3A_607 {offsets = [0, 3712], sizes = [8, 128], strides = [1, 1]} : vector<8x76928xf32> to vector<8x128xf32>
    %einshape_lo3A_638 = vector.extract_strided_slice %get3A_607 {offsets = [0, 3840], sizes = [8, 128], strides = [1, 1]} : vector<8x76928xf32> to vector<8x128xf32>
    %einshape_lo3A_639 = vector.extract_strided_slice %get3A_607 {offsets = [0, 3968], sizes = [8, 128], strides = [1, 1]} : vector<8x76928xf32> to vector<8x128xf32>
    %einshape_lo3A_640 = vector.extract_strided_slice %get3A_607 {offsets = [0, 4096], sizes = [8, 128], strides = [1, 1]} : vector<8x76928xf32> to vector<8x128xf32>
    %einshape_lo3A_641 = vector.extract_strided_slice %get3A_607 {offsets = [0, 4224], sizes = [8, 128], strides = [1, 1]} : vector<8x76928xf32> to vector<8x128xf32>
    %einshape_lo3A_642 = vector.extract_strided_slice %get3A_607 {offsets = [0, 4352], sizes = [8, 128], strides = [1, 1]} : vector<8x76928xf32> to vector<8x128xf32>
    %einshape_lo3A_643 = vector.extract_strided_slice %get3A_607 {offsets = [0, 4480], sizes = [8, 128], strides = [1, 1]} : vector<8x76928xf32> to vector<8x128xf32>
    %einshape_lo3A_644 = vector.extract_strided_slice %get3A_607 {offsets = [0, 4608], sizes = [8, 128], strides = [1, 1]} : vector<8x76928xf32> to vector<8x128xf32>
    %einshape_lo3A_645 = vector.extract_strided_slice %get3A_607 {offsets = [0, 4736], sizes = [8, 128], strides = [1, 1]} : vector<8x76928xf32> to vector<8x128xf32>
    %einshape_lo3A_646 = vector.extract_strided_slice %get3A_607 {offsets = [0, 4864], sizes = [8, 128], strides = [1, 1]} : vector<8x76928xf32> to vector<8x128xf32>
    %einshape_lo3A_647 = vector.extract_strided_slice %get3A_607 {offsets = [0, 4992], sizes = [8, 128], strides = [1, 1]} : vector<8x76928xf32> to vector<8x128xf32>
    %einshape_lo3A_648 = vector.extract_strided_slice %get3A_607 {offsets = [0, 5120], sizes = [8, 128], strides = [1, 1]} : vector<8x76928xf32> to vector<8x128xf32>
    %einshape_lo3A_649 = vector.extract_strided_slice %get3A_607 {offsets = [0, 5248], sizes = [8, 128], strides = [1, 1]} : vector<8x76928xf32> to vector<8x128xf32>
    %einshape_lo3A_650 = vector.extract_strided_slice %get3A_607 {offsets = [0, 5376], sizes = [8, 128], strides = [1, 1]} : vector<8x76928xf32> to vector<8x128xf32>
    %einshape_lo3A_651 = vector.extract_strided_slice %get3A_607 {offsets = [0, 5504], sizes = [8, 128], strides = [1, 1]} : vector<8x76928xf32> to vector<8x128xf32>
    %einshape_lo3A_652 = vector.extract_strided_slice %get3A_607 {offsets = [0, 5632], sizes = [8, 128], strides = [1, 1]} : vector<8x76928xf32> to vector<8x128xf32>
    %einshape_lo3A_653 = vector.extract_strided_slice %get3A_607 {offsets = [0, 5760], sizes = [8, 128], strides = [1, 1]} : vector<8x76928xf32> to vector<8x128xf32>
    %einshape_lo3A_654 = vector.extract_strided_slice %get3A_607 {offsets = [0, 5888], sizes = [8, 128], strides = [1, 1]} : vector<8x76928xf32> to vector<8x128xf32>
    %einshape_lo3A_655 = vector.extract_strided_slice %get3A_607 {offsets = [0, 6016], sizes = [8, 128], strides = [1, 1]} : vector<8x76928xf32> to vector<8x128xf32>
    %einshape_lo3A_656 = vector.extract_strided_slice %get3A_607 {offsets = [0, 6144], sizes = [8, 128], strides = [1, 1]} : vector<8x76928xf32> to vector<8x128xf32>
    %einshape_lo3A_657 = vector.extract_strided_slice %get3A_607 {offsets = [0, 6272], sizes = [8, 128], strides = [1, 1]} : vector<8x76928xf32> to vector<8x128xf32>
    %einshape_lo3A_658 = vector.extract_strided_slice %get3A_607 {offsets = [0, 6400], sizes = [8, 128], strides = [1, 1]} : vector<8x76928xf32> to vector<8x128xf32>
    %einshape_lo3A_659 = vector.extract_strided_slice %get3A_607 {offsets = [0, 6528], sizes = [8, 128], strides = [1, 1]} : vector<8x76928xf32> to vector<8x128xf32>
    %einshape_lo3A_660 = vector.extract_strided_slice %get3A_607 {offsets = [0, 6656], sizes = [8, 128], strides = [1, 1]} : vector<8x76928xf32> to vector<8x128xf32>
    %einshape_lo3A_661 = vector.extract_strided_slice %get3A_607 {offsets = [0, 6784], sizes = [8, 128], strides = [1, 1]} : vector<8x76928xf32> to vector<8x128xf32>
    %einshape_lo3A_662 = vector.extract_strided_slice %get3A_607 {offsets = [0, 6912], sizes = [8, 128], strides = [1, 1]} : vector<8x76928xf32> to vector<8x128xf32>
    %einshape_lo3A_663 = vector.extract_strided_slice %get3A_607 {offsets = [0, 7040], sizes = [8, 128], strides = [1, 1]} : vector<8x76928xf32> to vector<8x128xf32>
    %einshape_lo3A_664 = vector.extract_strided_slice %get3A_607 {offsets = [0, 7168], sizes = [8, 128], strides = [1, 1]} : vector<8x76928xf32> to vector<8x128xf32>
    %einshape_lo3A_665 = vector.extract_strided_slice %get3A_607 {offsets = [0, 7296], sizes = [8, 128], strides = [1, 1]} : vector<8x76928xf32> to vector<8x128xf32>
    %einshape_lo3A_666 = vector.extract_strided_slice %get3A_607 {offsets = [0, 7424], sizes = [8, 128], strides = [1, 1]} : vector<8x76928xf32> to vector<8x128xf32>
    %einshape_lo3A_667 = vector.extract_strided_slice %get3A_607 {offsets = [0, 7552], sizes = [8, 128], strides = [1, 1]} : vector<8x76928xf32> to vector<8x128xf32>
    %einshape_lo3A_668 = vector.extract_strided_slice %get3A_607 {offsets = [0, 7680], sizes = [8, 128], strides = [1, 1]} : vector<8x76928xf32> to vector<8x128xf32>
    %einshape_lo3A_669 = vector.extract_strided_slice %get3A_607 {offsets = [0, 7808], sizes = [8, 128], strides = [1, 1]} : vector<8x76928xf32> to vector<8x128xf32>
    %einshape_lo3A_670 = vector.extract_strided_slice %get3A_607 {offsets = [0, 7936], sizes = [8, 128], strides = [1, 1]} : vector<8x76928xf32> to vector<8x128xf32>
    %einshape_lo3A_671 = vector.extract_strided_slice %get3A_607 {offsets = [0, 8064], sizes = [8, 128], strides = [1, 1]} : vector<8x76928xf32> to vector<8x128xf32>
    %einshape_lo3A_672 = vector.extract_strided_slice %get3A_607 {offsets = [0, 8192], sizes = [8, 128], strides = [1, 1]} : vector<8x76928xf32> to vector<8x128xf32>
    %einshape_lo3A_673 = vector.extract_strided_slice %get3A_607 {offsets = [0, 8320], sizes = [8, 128], strides = [1, 1]} : vector<8x76928xf32> to vector<8x128xf32>
    %einshape_lo3A_674 = vector.extract_strided_slice %get3A_607 {offsets = [0, 8448], sizes = [8, 128], strides = [1, 1]} : vector<8x76928xf32> to vector<8x128xf32>
    %einshape_lo3A_675 = vector.extract_strided_slice %get3A_607 {offsets = [0, 8576], sizes = [8, 128], strides = [1, 1]} : vector<8x76928xf32> to vector<8x128xf32>
    %einshape_lo3A_676 = vector.extract_strided_slice %get3A_607 {offsets = [0, 8704], sizes = [8, 128], strides = [1, 1]} : vector<8x76928xf32> to vector<8x128xf32>
    %einshape_lo3A_677 = vector.extract_strided_slice %get3A_607 {offsets = [0, 8832], sizes = [8, 128], strides = [1, 1]} : vector<8x76928xf32> to vector<8x128xf32>
    %einshape_lo3A_678 = vector.extract_strided_slice %get3A_607 {offsets = [0, 8960], sizes = [8, 128], strides = [1, 1]} : vector<8x76928xf32> to vector<8x128xf32>
    %einshape_lo3A_679 = vector.extract_strided_slice %get3A_607 {offsets = [0, 9088], sizes = [8, 128], strides = [1, 1]} : vector<8x76928xf32> to vector<8x128xf32>
    %einshape_lo3A_680 = vector.extract_strided_slice %get3A_607 {offsets = [0, 9216], sizes = [8, 128], strides = [1, 1]} : vector<8x76928xf32> to vector<8x128xf32>
    %einshape_lo3A_681 = vector.extract_strided_slice %get3A_607 {offsets = [0, 9344], sizes = [8, 128], strides = [1, 1]} : vector<8x76928xf32> to vector<8x128xf32>
    %einshape_lo3A_682 = vector.extract_strided_slice %get3A_607 {offsets = [0, 9472], sizes = [8, 128], strides = [1, 1]} : vector<8x76928xf32> to vector<8x128xf32>
    %einshape_lo3A_683 = vector.extract_strided_slice %get3A_607 {offsets = [0, 9600], sizes = [8, 128], strides = [1, 1]} : vector<8x76928xf32> to vector<8x128xf32>
    %einshape_lo3A_684 = vector.extract_strided_slice %get3A_607 {offsets = [0, 9728], sizes = [8, 128], strides = [1, 1]} : vector<8x76928xf32> to vector<8x128xf32>
    %einshape_lo3A_685 = vector.extract_strided_slice %get3A_607 {offsets = [0, 9856], sizes = [8, 128], strides = [1, 1]} : vector<8x76928xf32> to vector<8x128xf32>
    %einshape_lo3A_686 = vector.extract_strided_slice %get3A_607 {offsets = [0, 9984], sizes = [8, 128], strides = [1, 1]} : vector<8x76928xf32> to vector<8x128xf32>
    %einshape_lo3A_687 = vector.extract_strided_slice %get3A_607 {offsets = [0, 10112], sizes = [8, 128], strides = [1, 1]} : vector<8x76928xf32> to vector<8x128xf32>
    %einshape_lo3A_688 = vector.extract_strided_slice %get3A_607 {offsets = [0, 10240], sizes = [8, 128], strides = [1, 1]} : vector<8x76928xf32> to vector<8x128xf32>
    %einshape_lo3A_689 = vector.extract_strided_slice %get3A_607 {offsets = [0, 10368], sizes = [8, 128], strides = [1, 1]} : vector<8x76928xf32> to vector<8x128xf32>
    %einshape_lo3A_690 = vector.extract_strided_slice %get3A_607 {offsets = [0, 10496], sizes = [8, 128], strides = [1, 1]} : vector<8x76928xf32> to vector<8x128xf32>
    %einshape_lo3A_691 = vector.extract_strided_slice %get3A_607 {offsets = [0, 10624], sizes = [8, 128], strides = [1, 1]} : vector<8x76928xf32> to vector<8x128xf32>
    %einshape_lo3A_692 = vector.extract_strided_slice %get3A_607 {offsets = [0, 10752], sizes = [8, 128], strides = [1, 1]} : vector<8x76928xf32> to vector<8x128xf32>
    %einshape_lo3A_693 = vector.extract_strided_slice %get3A_607 {offsets = [0, 10880], sizes = [8, 128], strides = [1, 1]} : vector<8x76928xf32> to vector<8x128xf32>
    %einshape_lo3A_694 = vector.extract_strided_slice %get3A_607 {offsets = [0, 11008], sizes = [8, 128], strides = [1, 1]} : vector<8x76928xf32> to vector<8x128xf32>
    %einshape_lo3A_695 = vector.extract_strided_slice %get3A_607 {offsets = [0, 11136], sizes = [8, 128], strides = [1, 1]} : vector<8x76928xf32> to vector<8x128xf32>
    %einshape_lo3A_696 = vector.extract_strided_slice %get3A_607 {offsets = [0, 11264], sizes = [8, 128], strides = [1, 1]} : vector<8x76928xf32> to vector<8x128xf32>
    %einshape_lo3A_697 = vector.extract_strided_slice %get3A_607 {offsets = [0, 11392], sizes = [8, 128], strides = [1, 1]} : vector<8x76928xf32> to vector<8x128xf32>
    %einshape_lo3A_698 = vector.extract_strided_slice %get3A_607 {offsets = [0, 11520], sizes = [8, 128], strides = [1, 1]} : vector<8x76928xf32> to vector<8x128xf32>
    %einshape_lo3A_699 = vector.extract_strided_slice %get3A_607 {offsets = [0, 11648], sizes = [8, 128], strides = [1, 1]} : vector<8x76928xf32> to vector<8x128xf32>
    %einshape_lo3A_700 = vector.extract_strided_slice %get3A_607 {offsets = [0, 11776], sizes = [8, 128], strides = [1, 1]} : vector<8x76928xf32> to vector<8x128xf32>
    %einshape_lo3A_701 = vector.extract_strided_slice %get3A_607 {offsets = [0, 11904], sizes = [8, 128], strides = [1, 1]} : vector<8x76928xf32> to vector<8x128xf32>
    %einshape_lo3A_702 = vector.extract_strided_slice %get3A_607 {offsets = [0, 12032], sizes = [8, 128], strides = [1, 1]} : vector<8x76928xf32> to vector<8x128xf32>
    %einshape_lo3A_703 = vector.extract_strided_slice %get3A_607 {offsets = [0, 12160], sizes = [8, 128], strides = [1, 1]} : vector<8x76928xf32> to vector<8x128xf32>
    %einshape_lo3A_704 = vector.extract_strided_slice %get3A_607 {offsets = [0, 12288], sizes = [8, 128], strides = [1, 1]} : vector<8x76928xf32> to vector<8x128xf32>
    %einshape_lo3A_705 = vector.extract_strided_slice %get3A_607 {offsets = [0, 12416], sizes = [8, 128], strides = [1, 1]} : vector<8x76928xf32> to vector<8x128xf32>
    %einshape_lo3A_706 = vector.extract_strided_slice %get3A_607 {offsets = [0, 12544], sizes = [8, 128], strides = [1, 1]} : vector<8x76928xf32> to vector<8x128xf32>
    %einshape_lo3A_707 = vector.extract_strided_slice %get3A_607 {offsets = [0, 12672], sizes = [8, 128], strides = [1, 1]} : vector<8x76928xf32> to vector<8x128xf32>
    %einshape_lo3A_708 = vector.extract_strided_slice %get3A_607 {offsets = [0, 12800], sizes = [8, 128], strides = [1, 1]} : vector<8x76928xf32> to vector<8x128xf32>
    %einshape_lo3A_709 = vector.extract_strided_slice %get3A_607 {offsets = [0, 12928], sizes = [8, 128], strides = [1, 1]} : vector<8x76928xf32> to vector<8x128xf32>
    %einshape_lo3A_710 = vector.extract_strided_slice %get3A_607 {offsets = [0, 13056], sizes = [8, 128], strides = [1, 1]} : vector<8x76928xf32> to vector<8x128xf32>
    %einshape_lo3A_711 = vector.extract_strided_slice %get3A_607 {offsets = [0, 13184], sizes = [8, 128], strides = [1, 1]} : vector<8x76928xf32> to vector<8x128xf32>
    %einshape_lo3A_712 = vector.extract_strided_slice %get3A_607 {offsets = [0, 13312], sizes = [8, 128], strides = [1, 1]} : vector<8x76928xf32> to vector<8x128xf32>
    %einshape_lo3A_713 = vector.extract_strided_slice %get3A_607 {offsets = [0, 13440], sizes = [8, 128], strides = [1, 1]} : vector<8x76928xf32> to vector<8x128xf32>
    %einshape_lo3A_714 = vector.extract_strided_slice %get3A_607 {offsets = [0, 13568], sizes = [8, 128], strides = [1, 1]} : vector<8x76928xf32> to vector<8x128xf32>
    %einshape_lo3A_715 = vector.extract_strided_slice %get3A_607 {offsets = [0, 13696], sizes = [8, 128], strides = [1, 1]} : vector<8x76928xf32> to vector<8x128xf32>
    %einshape_lo3A_716 = vector.extract_strided_slice %get3A_607 {offsets = [0, 13824], sizes = [8, 128], strides = [1, 1]} : vector<8x76928xf32> to vector<8x128xf32>
    %einshape_lo3A_717 = vector.extract_strided_slice %get3A_607 {offsets = [0, 13952], sizes = [8, 128], strides = [1, 1]} : vector<8x76928xf32> to vector<8x128xf32>
    %einshape_lo3A_718 = vector.extract_strided_slice %get3A_607 {offsets = [0, 14080], sizes = [8, 128], strides = [1, 1]} : vector<8x76928xf32> to vector<8x128xf32>
    %einshape_lo3A_719 = vector.extract_strided_slice %get3A_607 {offsets = [0, 14208], sizes = [8, 128], strides = [1, 1]} : vector<8x76928xf32> to vector<8x128xf32>
    %einshape_lo3A_720 = vector.extract_strided_slice %get3A_607 {offsets = [0, 14336], sizes = [8, 128], strides = [1, 1]} : vector<8x76928xf32> to vector<8x128xf32>
    %einshape_lo3A_721 = vector.extract_strided_slice %get3A_607 {offsets = [0, 14464], sizes = [8, 128], strides = [1, 1]} : vector<8x76928xf32> to vector<8x128xf32>
    %einshape_lo3A_722 = vector.extract_strided_slice %get3A_607 {offsets = [0, 14592], sizes = [8, 128], strides = [1, 1]} : vector<8x76928xf32> to vector<8x128xf32>
    %einshape_lo3A_723 = vector.extract_strided_slice %get3A_607 {offsets = [0, 14720], sizes = [8, 128], strides = [1, 1]} : vector<8x76928xf32> to vector<8x128xf32>
    %einshape_lo3A_724 = vector.extract_strided_slice %get3A_607 {offsets = [0, 14848], sizes = [8, 128], strides = [1, 1]} : vector<8x76928xf32> to vector<8x128xf32>
    %einshape_lo3A_725 = vector.extract_strided_slice %get3A_607 {offsets = [0, 14976], sizes = [8, 128], strides = [1, 1]} : vector<8x76928xf32> to vector<8x128xf32>
    %einshape_lo3A_726 = vector.extract_strided_slice %get3A_607 {offsets = [0, 15104], sizes = [8, 128], strides = [1, 1]} : vector<8x76928xf32> to vector<8x128xf32>
    %einshape_lo3A_727 = vector.extract_strided_slice %get3A_607 {offsets = [0, 15232], sizes = [8, 128], strides = [1, 1]} : vector<8x76928xf32> to vector<8x128xf32>
    %einshape_lo3A_728 = vector.extract_strided_slice %get3A_607 {offsets = [0, 15360], sizes = [8, 128], strides = [1, 1]} : vector<8x76928xf32> to vector<8x128xf32>
    %einshape_lo3A_729 = vector.extract_strided_slice %get3A_607 {offsets = [0, 15488], sizes = [8, 128], strides = [1, 1]} : vector<8x76928xf32> to vector<8x128xf32>
    %einshape_lo3A_730 = vector.extract_strided_slice %get3A_607 {offsets = [0, 15616], sizes = [8, 128], strides = [1, 1]} : vector<8x76928xf32> to vector<8x128xf32>
    %einshape_lo3A_731 = vector.extract_strided_slice %get3A_607 {offsets = [0, 15744], sizes = [8, 128], strides = [1, 1]} : vector<8x76928xf32> to vector<8x128xf32>
    %einshape_lo3A_732 = vector.extract_strided_slice %get3A_607 {offsets = [0, 15872], sizes = [8, 128], strides = [1, 1]} : vector<8x76928xf32> to vector<8x128xf32>
    %einshape_lo3A_733 = vector.extract_strided_slice %get3A_607 {offsets = [0, 16000], sizes = [8, 128], strides = [1, 1]} : vector<8x76928xf32> to vector<8x128xf32>
    %einshape_lo3A_734 = vector.extract_strided_slice %get3A_607 {offsets = [0, 16128], sizes = [8, 128], strides = [1, 1]} : vector<8x76928xf32> to vector<8x128xf32>
    %einshape_lo3A_735 = vector.extract_strided_slice %get3A_607 {offsets = [0, 16256], sizes = [8, 128], strides = [1, 1]} : vector<8x76928xf32> to vector<8x128xf32>
    %einshape_lo3A_736 = vector.extract_strided_slice %get3A_607 {offsets = [0, 16384], sizes = [8, 128], strides = [1, 1]} : vector<8x76928xf32> to vector<8x128xf32>
    %einshape_lo3A_737 = vector.extract_strided_slice %get3A_607 {offsets = [0, 16512], sizes = [8, 128], strides = [1, 1]} : vector<8x76928xf32> to vector<8x128xf32>
    %einshape_lo3A_738 = vector.extract_strided_slice %get3A_607 {offsets = [0, 16640], sizes = [8, 128], strides = [1, 1]} : vector<8x76928xf32> to vector<8x128xf32>
    %einshape_lo3A_739 = vector.extract_strided_slice %get3A_607 {offsets = [0, 16768], sizes = [8, 128], strides = [1, 1]} : vector<8x76928xf32> to vector<8x128xf32>
    %einshape_lo3A_740 = vector.extract_strided_slice %get3A_607 {offsets = [0, 16896], sizes = [8, 128], strides = [1, 1]} : vector<8x76928xf32> to vector<8x128xf32>
    %einshape_lo3A_741 = vector.extract_strided_slice %get3A_607 {offsets = [0, 17024], sizes = [8, 128], strides = [1, 1]} : vector<8x76928xf32> to vector<8x128xf32>
    %einshape_lo3A_742 = vector.extract_strided_slice %get3A_607 {offsets = [0, 17152], sizes = [8, 128], strides = [1, 1]} : vector<8x76928xf32> to vector<8x128xf32>
    %einshape_lo3A_743 = vector.extract_strided_slice %get3A_607 {offsets = [0, 17280], sizes = [8, 128], strides = [1, 1]} : vector<8x76928xf32> to vector<8x128xf32>
    %einshape_lo3A_744 = vector.extract_strided_slice %get3A_607 {offsets = [0, 17408], sizes = [8, 128], strides = [1, 1]} : vector<8x76928xf32> to vector<8x128xf32>
    %einshape_lo3A_745 = vector.extract_strided_slice %get3A_607 {offsets = [0, 17536], sizes = [8, 128], strides = [1, 1]} : vector<8x76928xf32> to vector<8x128xf32>
    %einshape_lo3A_746 = vector.extract_strided_slice %get3A_607 {offsets = [0, 17664], sizes = [8, 128], strides = [1, 1]} : vector<8x76928xf32> to vector<8x128xf32>
    %einshape_lo3A_747 = vector.extract_strided_slice %get3A_607 {offsets = [0, 17792], sizes = [8, 128], strides = [1, 1]} : vector<8x76928xf32> to vector<8x128xf32>
    %einshape_lo3A_748 = vector.extract_strided_slice %get3A_607 {offsets = [0, 17920], sizes = [8, 128], strides = [1, 1]} : vector<8x76928xf32> to vector<8x128xf32>
    %einshape_lo3A_749 = vector.extract_strided_slice %get3A_607 {offsets = [0, 18048], sizes = [8, 128], strides = [1, 1]} : vector<8x76928xf32> to vector<8x128xf32>
    %einshape_lo3A_750 = vector.extract_strided_slice %get3A_607 {offsets = [0, 18176], sizes = [8, 128], strides = [1, 1]} : vector<8x76928xf32> to vector<8x128xf32>
    %einshape_lo3A_751 = vector.extract_strided_slice %get3A_607 {offsets = [0, 18304], sizes = [8, 128], strides = [1, 1]} : vector<8x76928xf32> to vector<8x128xf32>
    %einshape_lo3A_752 = vector.extract_strided_slice %get3A_607 {offsets = [0, 18432], sizes = [8, 128], strides = [1, 1]} : vector<8x76928xf32> to vector<8x128xf32>
    %einshape_lo3A_753 = vector.extract_strided_slice %get3A_607 {offsets = [0, 18560], sizes = [8, 128], strides = [1, 1]} : vector<8x76928xf32> to vector<8x128xf32>
    %einshape_lo3A_754 = vector.extract_strided_slice %get3A_607 {offsets = [0, 18688], sizes = [8, 128], strides = [1, 1]} : vector<8x76928xf32> to vector<8x128xf32>
    %einshape_lo3A_755 = vector.extract_strided_slice %get3A_607 {offsets = [0, 18816], sizes = [8, 128], strides = [1, 1]} : vector<8x76928xf32> to vector<8x128xf32>
    %einshape_lo3A_756 = vector.extract_strided_slice %get3A_607 {offsets = [0, 18944], sizes = [8, 128], strides = [1, 1]} : vector<8x76928xf32> to vector<8x128xf32>
    %einshape_lo3A_757 = vector.extract_strided_slice %get3A_607 {offsets = [0, 19072], sizes = [8, 128], strides = [1, 1]} : vector<8x76928xf32> to vector<8x128xf32>
    %einshape_lo3A_758 = vector.extract_strided_slice %get3A_607 {offsets = [0, 19200], sizes = [8, 128], strides = [1, 1]} : vector<8x76928xf32> to vector<8x128xf32>
    %einshape_lo3A_759 = vector.extract_strided_slice %get3A_607 {offsets = [0, 19328], sizes = [8, 128], strides = [1, 1]} : vector<8x76928xf32> to vector<8x128xf32>
    %einshape_lo3A_760 = vector.extract_strided_slice %get3A_607 {offsets = [0, 19456], sizes = [8, 128], strides = [1, 1]} : vector<8x76928xf32> to vector<8x128xf32>
    %einshape_lo3A_761 = vector.extract_strided_slice %get3A_607 {offsets = [0, 19584], sizes = [8, 128], strides = [1, 1]} : vector<8x76928xf32> to vector<8x128xf32>
    %einshape_lo3A_762 = vector.extract_strided_slice %get3A_607 {offsets = [0, 19712], sizes = [8, 128], strides = [1, 1]} : vector<8x76928xf32> to vector<8x128xf32>
    %einshape_lo3A_763 = vector.extract_strided_slice %get3A_607 {offsets = [0, 19840], sizes = [8, 128], strides = [1, 1]} : vector<8x76928xf32> to vector<8x128xf32>
    %einshape_lo3A_764 = vector.extract_strided_slice %get3A_607 {offsets = [0, 19968], sizes = [8, 128], strides = [1, 1]} : vector<8x76928xf32> to vector<8x128xf32>
    %einshape_lo3A_765 = vector.extract_strided_slice %get3A_607 {offsets = [0, 20096], sizes = [8, 128], strides = [1, 1]} : vector<8x76928xf32> to vector<8x128xf32>
    %einshape_lo3A_766 = vector.extract_strided_slice %get3A_607 {offsets = [0, 20224], sizes = [8, 128], strides = [1, 1]} : vector<8x76928xf32> to vector<8x128xf32>
    %einshape_lo3A_767 = vector.extract_strided_slice %get3A_607 {offsets = [0, 20352], sizes = [8, 128], strides = [1, 1]} : vector<8x76928xf32> to vector<8x128xf32>
    %einshape_lo3A_768 = vector.extract_strided_slice %get3A_607 {offsets = [0, 20480], sizes = [8, 128], strides = [1, 1]} : vector<8x76928xf32> to vector<8x128xf32>
    %einshape_lo3A_769 = vector.extract_strided_slice %get3A_607 {offsets = [0, 20608], sizes = [8, 128], strides = [1, 1]} : vector<8x76928xf32> to vector<8x128xf32>
    %einshape_lo3A_770 = vector.extract_strided_slice %get3A_607 {offsets = [0, 20736], sizes = [8, 128], strides = [1, 1]} : vector<8x76928xf32> to vector<8x128xf32>
    %einshape_lo3A_771 = vector.extract_strided_slice %get3A_607 {offsets = [0, 20864], sizes = [8, 128], strides = [1, 1]} : vector<8x76928xf32> to vector<8x128xf32>
    %einshape_lo3A_772 = vector.extract_strided_slice %get3A_607 {offsets = [0, 20992], sizes = [8, 128], strides = [1, 1]} : vector<8x76928xf32> to vector<8x128xf32>
    %einshape_lo3A_773 = vector.extract_strided_slice %get3A_607 {offsets = [0, 21120], sizes = [8, 128], strides = [1, 1]} : vector<8x76928xf32> to vector<8x128xf32>
    %einshape_lo3A_774 = vector.extract_strided_slice %get3A_607 {offsets = [0, 21248], sizes = [8, 128], strides = [1, 1]} : vector<8x76928xf32> to vector<8x128xf32>
    %einshape_lo3A_775 = vector.extract_strided_slice %get3A_607 {offsets = [0, 21376], sizes = [8, 128], strides = [1, 1]} : vector<8x76928xf32> to vector<8x128xf32>
    %einshape_lo3A_776 = vector.extract_strided_slice %get3A_607 {offsets = [0, 21504], sizes = [8, 128], strides = [1, 1]} : vector<8x76928xf32> to vector<8x128xf32>
    %einshape_lo3A_777 = vector.extract_strided_slice %get3A_607 {offsets = [0, 21632], sizes = [8, 128], strides = [1, 1]} : vector<8x76928xf32> to vector<8x128xf32>
    %einshape_lo3A_778 = vector.extract_strided_slice %get3A_607 {offsets = [0, 21760], sizes = [8, 128], strides = [1, 1]} : vector<8x76928xf32> to vector<8x128xf32>
    %einshape_lo3A_779 = vector.extract_strided_slice %get3A_607 {offsets = [0, 21888], sizes = [8, 128], strides = [1, 1]} : vector<8x76928xf32> to vector<8x128xf32>
    %einshape_lo3A_780 = vector.extract_strided_slice %get3A_607 {offsets = [0, 22016], sizes = [8, 128], strides = [1, 1]} : vector<8x76928xf32> to vector<8x128xf32>
    %einshape_lo3A_781 = vector.extract_strided_slice %get3A_607 {offsets = [0, 22144], sizes = [8, 128], strides = [1, 1]} : vector<8x76928xf32> to vector<8x128xf32>
    %einshape_lo3A_782 = vector.extract_strided_slice %get3A_607 {offsets = [0, 22272], sizes = [8, 128], strides = [1, 1]} : vector<8x76928xf32> to vector<8x128xf32>
    %einshape_lo3A_783 = vector.extract_strided_slice %get3A_607 {offsets = [0, 22400], sizes = [8, 128], strides = [1, 1]} : vector<8x76928xf32> to vector<8x128xf32>
    %einshape_lo3A_784 = vector.extract_strided_slice %get3A_607 {offsets = [0, 22528], sizes = [8, 128], strides = [1, 1]} : vector<8x76928xf32> to vector<8x128xf32>
    %einshape_lo3A_785 = vector.extract_strided_slice %get3A_607 {offsets = [0, 22656], sizes = [8, 128], strides = [1, 1]} : vector<8x76928xf32> to vector<8x128xf32>
    %einshape_lo3A_786 = vector.extract_strided_slice %get3A_607 {offsets = [0, 22784], sizes = [8, 128], strides = [1, 1]} : vector<8x76928xf32> to vector<8x128xf32>
    %einshape_lo3A_787 = vector.extract_strided_slice %get3A_607 {offsets = [0, 22912], sizes = [8, 128], strides = [1, 1]} : vector<8x76928xf32> to vector<8x128xf32>
    %einshape_lo3A_788 = vector.extract_strided_slice %get3A_607 {offsets = [0, 23040], sizes = [8, 128], strides = [1, 1]} : vector<8x76928xf32> to vector<8x128xf32>
    %einshape_lo3A_789 = vector.extract_strided_slice %get3A_607 {offsets = [0, 23168], sizes = [8, 128], strides = [1, 1]} : vector<8x76928xf32> to vector<8x128xf32>
    %einshape_lo3A_790 = vector.extract_strided_slice %get3A_607 {offsets = [0, 23296], sizes = [8, 128], strides = [1, 1]} : vector<8x76928xf32> to vector<8x128xf32>
    %einshape_lo3A_791 = vector.extract_strided_slice %get3A_607 {offsets = [0, 23424], sizes = [8, 128], strides = [1, 1]} : vector<8x76928xf32> to vector<8x128xf32>
    %einshape_lo3A_792 = vector.extract_strided_slice %get3A_607 {offsets = [0, 23552], sizes = [8, 128], strides = [1, 1]} : vector<8x76928xf32> to vector<8x128xf32>
    %einshape_lo3A_793 = vector.extract_strided_slice %get3A_607 {offsets = [0, 23680], sizes = [8, 128], strides = [1, 1]} : vector<8x76928xf32> to vector<8x128xf32>
    %einshape_lo3A_794 = vector.extract_strided_slice %get3A_607 {offsets = [0, 23808], sizes = [8, 128], strides = [1, 1]} : vector<8x76928xf32> to vector<8x128xf32>
    %einshape_lo3A_795 = vector.extract_strided_slice %get3A_607 {offsets = [0, 23936], sizes = [8, 128], strides = [1, 1]} : vector<8x76928xf32> to vector<8x128xf32>
    %einshape_lo3A_796 = vector.extract_strided_slice %get3A_607 {offsets = [0, 24064], sizes = [8, 128], strides = [1, 1]} : vector<8x76928xf32> to vector<8x128xf32>
    %einshape_lo3A_797 = vector.extract_strided_slice %get3A_607 {offsets = [0, 24192], sizes = [8, 128], strides = [1, 1]} : vector<8x76928xf32> to vector<8x128xf32>
    %einshape_lo3A_798 = vector.extract_strided_slice %get3A_607 {offsets = [0, 24320], sizes = [8, 128], strides = [1, 1]} : vector<8x76928xf32> to vector<8x128xf32>
    %einshape_lo3A_799 = vector.extract_strided_slice %get3A_607 {offsets = [0, 24448], sizes = [8, 128], strides = [1, 1]} : vector<8x76928xf32> to vector<8x128xf32>
    %einshape_lo3A_800 = vector.extract_strided_slice %get3A_607 {offsets = [0, 24576], sizes = [8, 128], strides = [1, 1]} : vector<8x76928xf32> to vector<8x128xf32>
    %einshape_lo3A_801 = vector.extract_strided_slice %get3A_607 {offsets = [0, 24704], sizes = [8, 128], strides = [1, 1]} : vector<8x76928xf32> to vector<8x128xf32>
    %einshape_lo3A_802 = vector.extract_strided_slice %get3A_607 {offsets = [0, 24832], sizes = [8, 128], strides = [1, 1]} : vector<8x76928xf32> to vector<8x128xf32>
    %einshape_lo3A_803 = vector.extract_strided_slice %get3A_607 {offsets = [0, 24960], sizes = [8, 128], strides = [1, 1]} : vector<8x76928xf32> to vector<8x128xf32>
    %einshape_lo3A_804 = vector.extract_strided_slice %get3A_607 {offsets = [0, 25088], sizes = [8, 128], strides = [1, 1]} : vector<8x76928xf32> to vector<8x128xf32>
    %einshape_lo3A_805 = vector.extract_strided_slice %get3A_607 {offsets = [0, 25216], sizes = [8, 128], strides = [1, 1]} : vector<8x76928xf32> to vector<8x128xf32>
    %einshape_lo3A_806 = vector.extract_strided_slice %get3A_607 {offsets = [0, 25344], sizes = [8, 128], strides = [1, 1]} : vector<8x76928xf32> to vector<8x128xf32>
    %einshape_lo3A_807 = vector.extract_strided_slice %get3A_607 {offsets = [0, 25472], sizes = [8, 128], strides = [1, 1]} : vector<8x76928xf32> to vector<8x128xf32>
    %einshape_lo3A_808 = vector.extract_strided_slice %get3A_607 {offsets = [0, 25600], sizes = [8, 128], strides = [1, 1]} : vector<8x76928xf32> to vector<8x128xf32>
    %einshape_lo3A_809 = vector.extract_strided_slice %get3A_607 {offsets = [0, 25728], sizes = [8, 128], strides = [1, 1]} : vector<8x76928xf32> to vector<8x128xf32>
    %einshape_lo3A_810 = vector.extract_strided_slice %get3A_607 {offsets = [0, 25856], sizes = [8, 128], strides = [1, 1]} : vector<8x76928xf32> to vector<8x128xf32>
    %einshape_lo3A_811 = vector.extract_strided_slice %get3A_607 {offsets = [0, 25984], sizes = [8, 128], strides = [1, 1]} : vector<8x76928xf32> to vector<8x128xf32>
    %einshape_lo3A_812 = vector.extract_strided_slice %get3A_607 {offsets = [0, 26112], sizes = [8, 128], strides = [1, 1]} : vector<8x76928xf32> to vector<8x128xf32>
    %einshape_lo3A_813 = vector.extract_strided_slice %get3A_607 {offsets = [0, 26240], sizes = [8, 128], strides = [1, 1]} : vector<8x76928xf32> to vector<8x128xf32>
    %einshape_lo3A_814 = vector.extract_strided_slice %get3A_607 {offsets = [0, 26368], sizes = [8, 128], strides = [1, 1]} : vector<8x76928xf32> to vector<8x128xf32>
    %einshape_lo3A_815 = vector.extract_strided_slice %get3A_607 {offsets = [0, 26496], sizes = [8, 128], strides = [1, 1]} : vector<8x76928xf32> to vector<8x128xf32>
    %einshape_lo3A_816 = vector.extract_strided_slice %get3A_607 {offsets = [0, 26624], sizes = [8, 128], strides = [1, 1]} : vector<8x76928xf32> to vector<8x128xf32>
    %einshape_lo3A_817 = vector.extract_strided_slice %get3A_607 {offsets = [0, 26752], sizes = [8, 128], strides = [1, 1]} : vector<8x76928xf32> to vector<8x128xf32>
    %einshape_lo3A_818 = vector.extract_strided_slice %get3A_607 {offsets = [0, 26880], sizes = [8, 128], strides = [1, 1]} : vector<8x76928xf32> to vector<8x128xf32>
    %einshape_lo3A_819 = vector.extract_strided_slice %get3A_607 {offsets = [0, 27008], sizes = [8, 128], strides = [1, 1]} : vector<8x76928xf32> to vector<8x128xf32>
    %einshape_lo3A_820 = vector.extract_strided_slice %get3A_607 {offsets = [0, 27136], sizes = [8, 128], strides = [1, 1]} : vector<8x76928xf32> to vector<8x128xf32>
    %einshape_lo3A_821 = vector.extract_strided_slice %get3A_607 {offsets = [0, 27264], sizes = [8, 128], strides = [1, 1]} : vector<8x76928xf32> to vector<8x128xf32>
    %einshape_lo3A_822 = vector.extract_strided_slice %get3A_607 {offsets = [0, 27392], sizes = [8, 128], strides = [1, 1]} : vector<8x76928xf32> to vector<8x128xf32>
    %einshape_lo3A_823 = vector.extract_strided_slice %get3A_607 {offsets = [0, 27520], sizes = [8, 128], strides = [1, 1]} : vector<8x76928xf32> to vector<8x128xf32>
    %einshape_lo3A_824 = vector.extract_strided_slice %get3A_607 {offsets = [0, 27648], sizes = [8, 128], strides = [1, 1]} : vector<8x76928xf32> to vector<8x128xf32>
    %einshape_lo3A_825 = vector.extract_strided_slice %get3A_607 {offsets = [0, 27776], sizes = [8, 128], strides = [1, 1]} : vector<8x76928xf32> to vector<8x128xf32>
    %einshape_lo3A_826 = vector.extract_strided_slice %get3A_607 {offsets = [0, 27904], sizes = [8, 128], strides = [1, 1]} : vector<8x76928xf32> to vector<8x128xf32>
    %einshape_lo3A_827 = vector.extract_strided_slice %get3A_607 {offsets = [0, 28032], sizes = [8, 128], strides = [1, 1]} : vector<8x76928xf32> to vector<8x128xf32>
    %einshape_lo3A_828 = vector.extract_strided_slice %get3A_607 {offsets = [0, 28160], sizes = [8, 128], strides = [1, 1]} : vector<8x76928xf32> to vector<8x128xf32>
    %einshape_lo3A_829 = vector.extract_strided_slice %get3A_607 {offsets = [0, 28288], sizes = [8, 128], strides = [1, 1]} : vector<8x76928xf32> to vector<8x128xf32>
    %einshape_lo3A_830 = vector.extract_strided_slice %get3A_607 {offsets = [0, 28416], sizes = [8, 128], strides = [1, 1]} : vector<8x76928xf32> to vector<8x128xf32>
    %einshape_lo3A_831 = vector.extract_strided_slice %get3A_607 {offsets = [0, 28544], sizes = [8, 128], strides = [1, 1]} : vector<8x76928xf32> to vector<8x128xf32>
    %einshape_lo3A_832 = vector.extract_strided_slice %get3A_607 {offsets = [0, 28672], sizes = [8, 128], strides = [1, 1]} : vector<8x76928xf32> to vector<8x128xf32>
    %einshape_lo3A_833 = vector.extract_strided_slice %get3A_607 {offsets = [0, 28800], sizes = [8, 128], strides = [1, 1]} : vector<8x76928xf32> to vector<8x128xf32>
    %einshape_lo3A_834 = vector.extract_strided_slice %get3A_607 {offsets = [0, 28928], sizes = [8, 128], strides = [1, 1]} : vector<8x76928xf32> to vector<8x128xf32>
    %einshape_lo3A_835 = vector.extract_strided_slice %get3A_607 {offsets = [0, 29056], sizes = [8, 128], strides = [1, 1]} : vector<8x76928xf32> to vector<8x128xf32>
    %einshape_lo3A_836 = vector.extract_strided_slice %get3A_607 {offsets = [0, 29184], sizes = [8, 128], strides = [1, 1]} : vector<8x76928xf32> to vector<8x128xf32>
    %einshape_lo3A_837 = vector.extract_strided_slice %get3A_607 {offsets = [0, 29312], sizes = [8, 128], strides = [1, 1]} : vector<8x76928xf32> to vector<8x128xf32>
    %einshape_lo3A_838 = vector.extract_strided_slice %get3A_607 {offsets = [0, 29440], sizes = [8, 128], strides = [1, 1]} : vector<8x76928xf32> to vector<8x128xf32>
    %einshape_lo3A_839 = vector.extract_strided_slice %get3A_607 {offsets = [0, 29568], sizes = [8, 128], strides = [1, 1]} : vector<8x76928xf32> to vector<8x128xf32>
    %einshape_lo3A_840 = vector.extract_strided_slice %get3A_607 {offsets = [0, 29696], sizes = [8, 128], strides = [1, 1]} : vector<8x76928xf32> to vector<8x128xf32>
    %einshape_lo3A_841 = vector.extract_strided_slice %get3A_607 {offsets = [0, 29824], sizes = [8, 128], strides = [1, 1]} : vector<8x76928xf32> to vector<8x128xf32>
    %einshape_lo3A_842 = vector.extract_strided_slice %get3A_607 {offsets = [0, 29952], sizes = [8, 128], strides = [1, 1]} : vector<8x76928xf32> to vector<8x128xf32>
    %einshape_lo3A_843 = vector.extract_strided_slice %get3A_607 {offsets = [0, 30080], sizes = [8, 128], strides = [1, 1]} : vector<8x76928xf32> to vector<8x128xf32>
    %einshape_lo3A_844 = vector.extract_strided_slice %get3A_607 {offsets = [0, 30208], sizes = [8, 128], strides = [1, 1]} : vector<8x76928xf32> to vector<8x128xf32>
    %einshape_lo3A_845 = vector.extract_strided_slice %get3A_607 {offsets = [0, 30336], sizes = [8, 128], strides = [1, 1]} : vector<8x76928xf32> to vector<8x128xf32>
    %einshape_lo3A_846 = vector.extract_strided_slice %get3A_607 {offsets = [0, 30464], sizes = [8, 128], strides = [1, 1]} : vector<8x76928xf32> to vector<8x128xf32>
    %einshape_lo3A_847 = vector.extract_strided_slice %get3A_607 {offsets = [0, 30592], sizes = [8, 128], strides = [1, 1]} : vector<8x76928xf32> to vector<8x128xf32>
    %einshape_lo3A_848 = vector.extract_strided_slice %get3A_607 {offsets = [0, 30720], sizes = [8, 128], strides = [1, 1]} : vector<8x76928xf32> to vector<8x128xf32>
    %einshape_lo3A_849 = vector.extract_strided_slice %get3A_607 {offsets = [0, 30848], sizes = [8, 128], strides = [1, 1]} : vector<8x76928xf32> to vector<8x128xf32>
    %einshape_lo3A_850 = vector.extract_strided_slice %get3A_607 {offsets = [0, 30976], sizes = [8, 128], strides = [1, 1]} : vector<8x76928xf32> to vector<8x128xf32>
    %einshape_lo3A_851 = vector.extract_strided_slice %get3A_607 {offsets = [0, 31104], sizes = [8, 128], strides = [1, 1]} : vector<8x76928xf32> to vector<8x128xf32>
    %einshape_lo3A_852 = vector.extract_strided_slice %get3A_607 {offsets = [0, 31232], sizes = [8, 128], strides = [1, 1]} : vector<8x76928xf32> to vector<8x128xf32>
    %einshape_lo3A_853 = vector.extract_strided_slice %get3A_607 {offsets = [0, 31360], sizes = [8, 128], strides = [1, 1]} : vector<8x76928xf32> to vector<8x128xf32>
    %einshape_lo3A_854 = vector.extract_strided_slice %get3A_607 {offsets = [0, 31488], sizes = [8, 128], strides = [1, 1]} : vector<8x76928xf32> to vector<8x128xf32>
    %einshape_lo3A_855 = vector.extract_strided_slice %get3A_607 {offsets = [0, 31616], sizes = [8, 128], strides = [1, 1]} : vector<8x76928xf32> to vector<8x128xf32>
    %einshape_lo3A_856 = vector.extract_strided_slice %get3A_607 {offsets = [0, 31744], sizes = [8, 128], strides = [1, 1]} : vector<8x76928xf32> to vector<8x128xf32>
    %einshape_lo3A_857 = vector.extract_strided_slice %get3A_607 {offsets = [0, 31872], sizes = [8, 128], strides = [1, 1]} : vector<8x76928xf32> to vector<8x128xf32>
    %einshape_lo3A_858 = vector.extract_strided_slice %get3A_607 {offsets = [0, 32000], sizes = [8, 128], strides = [1, 1]} : vector<8x76928xf32> to vector<8x128xf32>
    %einshape_lo3A_859 = vector.extract_strided_slice %get3A_607 {offsets = [0, 32128], sizes = [8, 128], strides = [1, 1]} : vector<8x76928xf32> to vector<8x128xf32>
    %einshape_lo3A_860 = vector.extract_strided_slice %get3A_607 {offsets = [0, 32256], sizes = [8, 128], strides = [1, 1]} : vector<8x76928xf32> to vector<8x128xf32>
    %einshape_lo3A_861 = vector.extract_strided_slice %get3A_607 {offsets = [0, 32384], sizes = [8, 128], strides = [1, 1]} : vector<8x76928xf32> to vector<8x128xf32>
    %einshape_lo3A_862 = vector.extract_strided_slice %get3A_607 {offsets = [0, 32512], sizes = [8, 128], strides = [1, 1]} : vector<8x76928xf32> to vector<8x128xf32>
    %einshape_lo3A_863 = vector.extract_strided_slice %get3A_607 {offsets = [0, 32640], sizes = [8, 128], strides = [1, 1]} : vector<8x76928xf32> to vector<8x128xf32>
    %einshape_lo3A_864 = vector.extract_strided_slice %get3A_607 {offsets = [0, 32768], sizes = [8, 128], strides = [1, 1]} : vector<8x76928xf32> to vector<8x128xf32>
    %einshape_lo3A_865 = vector.extract_strided_slice %get3A_607 {offsets = [0, 32896], sizes = [8, 128], strides = [1, 1]} : vector<8x76928xf32> to vector<8x128xf32>
    %einshape_lo3A_866 = vector.extract_strided_slice %get3A_607 {offsets = [0, 33024], sizes = [8, 128], strides = [1, 1]} : vector<8x76928xf32> to vector<8x128xf32>
    %einshape_lo3A_867 = vector.extract_strided_slice %get3A_607 {offsets = [0, 33152], sizes = [8, 128], strides = [1, 1]} : vector<8x76928xf32> to vector<8x128xf32>
    %einshape_lo3A_868 = vector.extract_strided_slice %get3A_607 {offsets = [0, 33280], sizes = [8, 128], strides = [1, 1]} : vector<8x76928xf32> to vector<8x128xf32>
    %einshape_lo3A_869 = vector.extract_strided_slice %get3A_607 {offsets = [0, 33408], sizes = [8, 128], strides = [1, 1]} : vector<8x76928xf32> to vector<8x128xf32>
    %einshape_lo3A_870 = vector.extract_strided_slice %get3A_607 {offsets = [0, 33536], sizes = [8, 128], strides = [1, 1]} : vector<8x76928xf32> to vector<8x128xf32>
    %einshape_lo3A_871 = vector.extract_strided_slice %get3A_607 {offsets = [0, 33664], sizes = [8, 128], strides = [1, 1]} : vector<8x76928xf32> to vector<8x128xf32>
    %einshape_lo3A_872 = vector.extract_strided_slice %get3A_607 {offsets = [0, 33792], sizes = [8, 128], strides = [1, 1]} : vector<8x76928xf32> to vector<8x128xf32>
    %einshape_lo3A_873 = vector.extract_strided_slice %get3A_607 {offsets = [0, 33920], sizes = [8, 128], strides = [1, 1]} : vector<8x76928xf32> to vector<8x128xf32>
    %einshape_lo3A_874 = vector.extract_strided_slice %get3A_607 {offsets = [0, 34048], sizes = [8, 128], strides = [1, 1]} : vector<8x76928xf32> to vector<8x128xf32>
    %einshape_lo3A_875 = vector.extract_strided_slice %get3A_607 {offsets = [0, 34176], sizes = [8, 128], strides = [1, 1]} : vector<8x76928xf32> to vector<8x128xf32>
    %einshape_lo3A_876 = vector.extract_strided_slice %get3A_607 {offsets = [0, 34304], sizes = [8, 128], strides = [1, 1]} : vector<8x76928xf32> to vector<8x128xf32>
    %einshape_lo3A_877 = vector.extract_strided_slice %get3A_607 {offsets = [0, 34432], sizes = [8, 128], strides = [1, 1]} : vector<8x76928xf32> to vector<8x128xf32>
    %einshape_lo3A_878 = vector.extract_strided_slice %get3A_607 {offsets = [0, 34560], sizes = [8, 128], strides = [1, 1]} : vector<8x76928xf32> to vector<8x128xf32>
    %einshape_lo3A_879 = vector.extract_strided_slice %get3A_607 {offsets = [0, 34688], sizes = [8, 128], strides = [1, 1]} : vector<8x76928xf32> to vector<8x128xf32>
    %einshape_lo3A_880 = vector.extract_strided_slice %get3A_607 {offsets = [0, 34816], sizes = [8, 128], strides = [1, 1]} : vector<8x76928xf32> to vector<8x128xf32>
    %einshape_lo3A_881 = vector.extract_strided_slice %get3A_607 {offsets = [0, 34944], sizes = [8, 128], strides = [1, 1]} : vector<8x76928xf32> to vector<8x128xf32>
    %einshape_lo3A_882 = vector.extract_strided_slice %get3A_607 {offsets = [0, 35072], sizes = [8, 128], strides = [1, 1]} : vector<8x76928xf32> to vector<8x128xf32>
    %einshape_lo3A_883 = vector.extract_strided_slice %get3A_607 {offsets = [0, 35200], sizes = [8, 128], strides = [1, 1]} : vector<8x76928xf32> to vector<8x128xf32>
    %einshape_lo3A_884 = vector.extract_strided_slice %get3A_607 {offsets = [0, 35328], sizes = [8, 128], strides = [1, 1]} : vector<8x76928xf32> to vector<8x128xf32>
    %einshape_lo3A_885 = vector.extract_strided_slice %get3A_607 {offsets = [0, 35456], sizes = [8, 128], strides = [1, 1]} : vector<8x76928xf32> to vector<8x128xf32>
    %einshape_lo3A_886 = vector.extract_strided_slice %get3A_607 {offsets = [0, 35584], sizes = [8, 128], strides = [1, 1]} : vector<8x76928xf32> to vector<8x128xf32>
    %einshape_lo3A_887 = vector.extract_strided_slice %get3A_607 {offsets = [0, 35712], sizes = [8, 128], strides = [1, 1]} : vector<8x76928xf32> to vector<8x128xf32>
    %einshape_lo3A_888 = vector.extract_strided_slice %get3A_607 {offsets = [0, 35840], sizes = [8, 128], strides = [1, 1]} : vector<8x76928xf32> to vector<8x128xf32>
    %einshape_lo3A_889 = vector.extract_strided_slice %get3A_607 {offsets = [0, 35968], sizes = [8, 128], strides = [1, 1]} : vector<8x76928xf32> to vector<8x128xf32>
    %einshape_lo3A_890 = vector.extract_strided_slice %get3A_607 {offsets = [0, 36096], sizes = [8, 128], strides = [1, 1]} : vector<8x76928xf32> to vector<8x128xf32>
    %einshape_lo3A_891 = vector.extract_strided_slice %get3A_607 {offsets = [0, 36224], sizes = [8, 128], strides = [1, 1]} : vector<8x76928xf32> to vector<8x128xf32>
    %einshape_lo3A_892 = vector.extract_strided_slice %get3A_607 {offsets = [0, 36352], sizes = [8, 128], strides = [1, 1]} : vector<8x76928xf32> to vector<8x128xf32>
    %einshape_lo3A_893 = vector.extract_strided_slice %get3A_607 {offsets = [0, 36480], sizes = [8, 128], strides = [1, 1]} : vector<8x76928xf32> to vector<8x128xf32>
    %einshape_lo3A_894 = vector.extract_strided_slice %get3A_607 {offsets = [0, 36608], sizes = [8, 128], strides = [1, 1]} : vector<8x76928xf32> to vector<8x128xf32>
    %einshape_lo3A_895 = vector.extract_strided_slice %get3A_607 {offsets = [0, 36736], sizes = [8, 128], strides = [1, 1]} : vector<8x76928xf32> to vector<8x128xf32>
    %einshape_lo3A_896 = vector.extract_strided_slice %get3A_607 {offsets = [0, 36864], sizes = [8, 128], strides = [1, 1]} : vector<8x76928xf32> to vector<8x128xf32>
    %einshape_lo3A_897 = vector.extract_strided_slice %get3A_607 {offsets = [0, 36992], sizes = [8, 128], strides = [1, 1]} : vector<8x76928xf32> to vector<8x128xf32>
    %einshape_lo3A_898 = vector.extract_strided_slice %get3A_607 {offsets = [0, 37120], sizes = [8, 128], strides = [1, 1]} : vector<8x76928xf32> to vector<8x128xf32>
    %einshape_lo3A_899 = vector.extract_strided_slice %get3A_607 {offsets = [0, 37248], sizes = [8, 128], strides = [1, 1]} : vector<8x76928xf32> to vector<8x128xf32>
    %einshape_lo3A_900 = vector.extract_strided_slice %get3A_607 {offsets = [0, 37376], sizes = [8, 128], strides = [1, 1]} : vector<8x76928xf32> to vector<8x128xf32>
    %einshape_lo3A_901 = vector.extract_strided_slice %get3A_607 {offsets = [0, 37504], sizes = [8, 128], strides = [1, 1]} : vector<8x76928xf32> to vector<8x128xf32>
    %einshape_lo3A_902 = vector.extract_strided_slice %get3A_607 {offsets = [0, 37632], sizes = [8, 128], strides = [1, 1]} : vector<8x76928xf32> to vector<8x128xf32>
    %einshape_lo3A_903 = vector.extract_strided_slice %get3A_607 {offsets = [0, 37760], sizes = [8, 128], strides = [1, 1]} : vector<8x76928xf32> to vector<8x128xf32>
    %einshape_lo3A_904 = vector.extract_strided_slice %get3A_607 {offsets = [0, 37888], sizes = [8, 128], strides = [1, 1]} : vector<8x76928xf32> to vector<8x128xf32>
    %einshape_lo3A_905 = vector.extract_strided_slice %get3A_607 {offsets = [0, 38016], sizes = [8, 128], strides = [1, 1]} : vector<8x76928xf32> to vector<8x128xf32>
    %einshape_lo3A_906 = vector.extract_strided_slice %get3A_607 {offsets = [0, 38144], sizes = [8, 128], strides = [1, 1]} : vector<8x76928xf32> to vector<8x128xf32>
    %einshape_lo3A_907 = vector.extract_strided_slice %get3A_607 {offsets = [0, 38272], sizes = [8, 128], strides = [1, 1]} : vector<8x76928xf32> to vector<8x128xf32>
    %einshape_lo3A_908 = vector.extract_strided_slice %get3A_607 {offsets = [0, 38400], sizes = [8, 128], strides = [1, 1]} : vector<8x76928xf32> to vector<8x128xf32>
    %einshape_lo3A_909 = vector.extract_strided_slice %get3A_607 {offsets = [0, 38528], sizes = [8, 128], strides = [1, 1]} : vector<8x76928xf32> to vector<8x128xf32>
    %einshape_lo3A_910 = vector.extract_strided_slice %get3A_607 {offsets = [0, 38656], sizes = [8, 128], strides = [1, 1]} : vector<8x76928xf32> to vector<8x128xf32>
    %einshape_lo3A_911 = vector.extract_strided_slice %get3A_607 {offsets = [0, 38784], sizes = [8, 128], strides = [1, 1]} : vector<8x76928xf32> to vector<8x128xf32>
    %einshape_lo3A_912 = vector.extract_strided_slice %get3A_607 {offsets = [0, 38912], sizes = [8, 128], strides = [1, 1]} : vector<8x76928xf32> to vector<8x128xf32>
    %einshape_lo3A_913 = vector.extract_strided_slice %get3A_607 {offsets = [0, 39040], sizes = [8, 128], strides = [1, 1]} : vector<8x76928xf32> to vector<8x128xf32>
    %einshape_lo3A_914 = vector.extract_strided_slice %get3A_607 {offsets = [0, 39168], sizes = [8, 128], strides = [1, 1]} : vector<8x76928xf32> to vector<8x128xf32>
    %einshape_lo3A_915 = vector.extract_strided_slice %get3A_607 {offsets = [0, 39296], sizes = [8, 128], strides = [1, 1]} : vector<8x76928xf32> to vector<8x128xf32>
    %einshape_lo3A_916 = vector.extract_strided_slice %get3A_607 {offsets = [0, 39424], sizes = [8, 128], strides = [1, 1]} : vector<8x76928xf32> to vector<8x128xf32>
    %einshape_lo3A_917 = vector.extract_strided_slice %get3A_607 {offsets = [0, 39552], sizes = [8, 128], strides = [1, 1]} : vector<8x76928xf32> to vector<8x128xf32>
    %einshape_lo3A_918 = vector.extract_strided_slice %get3A_607 {offsets = [0, 39680], sizes = [8, 128], strides = [1, 1]} : vector<8x76928xf32> to vector<8x128xf32>
    %einshape_lo3A_919 = vector.extract_strided_slice %get3A_607 {offsets = [0, 39808], sizes = [8, 128], strides = [1, 1]} : vector<8x76928xf32> to vector<8x128xf32>
    %einshape_lo3A_920 = vector.extract_strided_slice %get3A_607 {offsets = [0, 39936], sizes = [8, 128], strides = [1, 1]} : vector<8x76928xf32> to vector<8x128xf32>
    %einshape_lo3A_921 = vector.extract_strided_slice %get3A_607 {offsets = [0, 40064], sizes = [8, 128], strides = [1, 1]} : vector<8x76928xf32> to vector<8x128xf32>
    %einshape_lo3A_922 = vector.extract_strided_slice %get3A_607 {offsets = [0, 40192], sizes = [8, 128], strides = [1, 1]} : vector<8x76928xf32> to vector<8x128xf32>
    %einshape_lo3A_923 = vector.extract_strided_slice %get3A_607 {offsets = [0, 40320], sizes = [8, 128], strides = [1, 1]} : vector<8x76928xf32> to vector<8x128xf32>
    %einshape_lo3A_924 = vector.extract_strided_slice %get3A_607 {offsets = [0, 40448], sizes = [8, 128], strides = [1, 1]} : vector<8x76928xf32> to vector<8x128xf32>
    %einshape_lo3A_925 = vector.extract_strided_slice %get3A_607 {offsets = [0, 40576], sizes = [8, 128], strides = [1, 1]} : vector<8x76928xf32> to vector<8x128xf32>
    %einshape_lo3A_926 = vector.extract_strided_slice %get3A_607 {offsets = [0, 40704], sizes = [8, 128], strides = [1, 1]} : vector<8x76928xf32> to vector<8x128xf32>
    %einshape_lo3A_927 = vector.extract_strided_slice %get3A_607 {offsets = [0, 40832], sizes = [8, 128], strides = [1, 1]} : vector<8x76928xf32> to vector<8x128xf32>
    %einshape_lo3A_928 = vector.extract_strided_slice %get3A_607 {offsets = [0, 40960], sizes = [8, 128], strides = [1, 1]} : vector<8x76928xf32> to vector<8x128xf32>
    %einshape_lo3A_929 = vector.extract_strided_slice %get3A_607 {offsets = [0, 41088], sizes = [8, 128], strides = [1, 1]} : vector<8x76928xf32> to vector<8x128xf32>
    %einshape_lo3A_930 = vector.extract_strided_slice %get3A_607 {offsets = [0, 41216], sizes = [8, 128], strides = [1, 1]} : vector<8x76928xf32> to vector<8x128xf32>
    %einshape_lo3A_931 = vector.extract_strided_slice %get3A_607 {offsets = [0, 41344], sizes = [8, 128], strides = [1, 1]} : vector<8x76928xf32> to vector<8x128xf32>
    %einshape_lo3A_932 = vector.extract_strided_slice %get3A_607 {offsets = [0, 41472], sizes = [8, 128], strides = [1, 1]} : vector<8x76928xf32> to vector<8x128xf32>
    %einshape_lo3A_933 = vector.extract_strided_slice %get3A_607 {offsets = [0, 41600], sizes = [8, 128], strides = [1, 1]} : vector<8x76928xf32> to vector<8x128xf32>
    %einshape_lo3A_934 = vector.extract_strided_slice %get3A_607 {offsets = [0, 41728], sizes = [8, 128], strides = [1, 1]} : vector<8x76928xf32> to vector<8x128xf32>
    %einshape_lo3A_935 = vector.extract_strided_slice %get3A_607 {offsets = [0, 41856], sizes = [8, 128], strides = [1, 1]} : vector<8x76928xf32> to vector<8x128xf32>
    %einshape_lo3A_936 = vector.extract_strided_slice %get3A_607 {offsets = [0, 41984], sizes = [8, 128], strides = [1, 1]} : vector<8x76928xf32> to vector<8x128xf32>
    %einshape_lo3A_937 = vector.extract_strided_slice %get3A_607 {offsets = [0, 42112], sizes = [8, 128], strides = [1, 1]} : vector<8x76928xf32> to vector<8x128xf32>
    %einshape_lo3A_938 = vector.extract_strided_slice %get3A_607 {offsets = [0, 42240], sizes = [8, 128], strides = [1, 1]} : vector<8x76928xf32> to vector<8x128xf32>
    %einshape_lo3A_939 = vector.extract_strided_slice %get3A_607 {offsets = [0, 42368], sizes = [8, 128], strides = [1, 1]} : vector<8x76928xf32> to vector<8x128xf32>
    %einshape_lo3A_940 = vector.extract_strided_slice %get3A_607 {offsets = [0, 42496], sizes = [8, 128], strides = [1, 1]} : vector<8x76928xf32> to vector<8x128xf32>
    %einshape_lo3A_941 = vector.extract_strided_slice %get3A_607 {offsets = [0, 42624], sizes = [8, 128], strides = [1, 1]} : vector<8x76928xf32> to vector<8x128xf32>
    %einshape_lo3A_942 = vector.extract_strided_slice %get3A_607 {offsets = [0, 42752], sizes = [8, 128], strides = [1, 1]} : vector<8x76928xf32> to vector<8x128xf32>
    %einshape_lo3A_943 = vector.extract_strided_slice %get3A_607 {offsets = [0, 42880], sizes = [8, 128], strides = [1, 1]} : vector<8x76928xf32> to vector<8x128xf32>
    %einshape_lo3A_944 = vector.extract_strided_slice %get3A_607 {offsets = [0, 43008], sizes = [8, 128], strides = [1, 1]} : vector<8x76928xf32> to vector<8x128xf32>
    %einshape_lo3A_945 = vector.extract_strided_slice %get3A_607 {offsets = [0, 43136], sizes = [8, 128], strides = [1, 1]} : vector<8x76928xf32> to vector<8x128xf32>
    %einshape_lo3A_946 = vector.extract_strided_slice %get3A_607 {offsets = [0, 43264], sizes = [8, 128], strides = [1, 1]} : vector<8x76928xf32> to vector<8x128xf32>
    %einshape_lo3A_947 = vector.extract_strided_slice %get3A_607 {offsets = [0, 43392], sizes = [8, 128], strides = [1, 1]} : vector<8x76928xf32> to vector<8x128xf32>
    %einshape_lo3A_948 = vector.extract_strided_slice %get3A_607 {offsets = [0, 43520], sizes = [8, 128], strides = [1, 1]} : vector<8x76928xf32> to vector<8x128xf32>
    %einshape_lo3A_949 = vector.extract_strided_slice %get3A_607 {offsets = [0, 43648], sizes = [8, 128], strides = [1, 1]} : vector<8x76928xf32> to vector<8x128xf32>
    %einshape_lo3A_950 = vector.extract_strided_slice %get3A_607 {offsets = [0, 43776], sizes = [8, 128], strides = [1, 1]} : vector<8x76928xf32> to vector<8x128xf32>
    %einshape_lo3A_951 = vector.extract_strided_slice %get3A_607 {offsets = [0, 43904], sizes = [8, 128], strides = [1, 1]} : vector<8x76928xf32> to vector<8x128xf32>
    %einshape_lo3A_952 = vector.extract_strided_slice %get3A_607 {offsets = [0, 44032], sizes = [8, 128], strides = [1, 1]} : vector<8x76928xf32> to vector<8x128xf32>
    %einshape_lo3A_953 = vector.extract_strided_slice %get3A_607 {offsets = [0, 44160], sizes = [8, 128], strides = [1, 1]} : vector<8x76928xf32> to vector<8x128xf32>
    %einshape_lo3A_954 = vector.extract_strided_slice %get3A_607 {offsets = [0, 44288], sizes = [8, 128], strides = [1, 1]} : vector<8x76928xf32> to vector<8x128xf32>
    %einshape_lo3A_955 = vector.extract_strided_slice %get3A_607 {offsets = [0, 44416], sizes = [8, 128], strides = [1, 1]} : vector<8x76928xf32> to vector<8x128xf32>
    %einshape_lo3A_956 = vector.extract_strided_slice %get3A_607 {offsets = [0, 44544], sizes = [8, 128], strides = [1, 1]} : vector<8x76928xf32> to vector<8x128xf32>
    %einshape_lo3A_957 = vector.extract_strided_slice %get3A_607 {offsets = [0, 44672], sizes = [8, 128], strides = [1, 1]} : vector<8x76928xf32> to vector<8x128xf32>
    %einshape_lo3A_958 = vector.extract_strided_slice %get3A_607 {offsets = [0, 44800], sizes = [8, 128], strides = [1, 1]} : vector<8x76928xf32> to vector<8x128xf32>
    %einshape_lo3A_959 = vector.extract_strided_slice %get3A_607 {offsets = [0, 44928], sizes = [8, 128], strides = [1, 1]} : vector<8x76928xf32> to vector<8x128xf32>
    %einshape_lo3A_960 = vector.extract_strided_slice %get3A_607 {offsets = [0, 45056], sizes = [8, 128], strides = [1, 1]} : vector<8x76928xf32> to vector<8x128xf32>
    %einshape_lo3A_961 = vector.extract_strided_slice %get3A_607 {offsets = [0, 45184], sizes = [8, 128], strides = [1, 1]} : vector<8x76928xf32> to vector<8x128xf32>
    %einshape_lo3A_962 = vector.extract_strided_slice %get3A_607 {offsets = [0, 45312], sizes = [8, 128], strides = [1, 1]} : vector<8x76928xf32> to vector<8x128xf32>
    %einshape_lo3A_963 = vector.extract_strided_slice %get3A_607 {offsets = [0, 45440], sizes = [8, 128], strides = [1, 1]} : vector<8x76928xf32> to vector<8x128xf32>
    %einshape_lo3A_964 = vector.extract_strided_slice %get3A_607 {offsets = [0, 45568], sizes = [8, 128], strides = [1, 1]} : vector<8x76928xf32> to vector<8x128xf32>
    %einshape_lo3A_965 = vector.extract_strided_slice %get3A_607 {offsets = [0, 45696], sizes = [8, 128], strides = [1, 1]} : vector<8x76928xf32> to vector<8x128xf32>
    %einshape_lo3A_966 = vector.extract_strided_slice %get3A_607 {offsets = [0, 45824], sizes = [8, 128], strides = [1, 1]} : vector<8x76928xf32> to vector<8x128xf32>
    %einshape_lo3A_967 = vector.extract_strided_slice %get3A_607 {offsets = [0, 45952], sizes = [8, 128], strides = [1, 1]} : vector<8x76928xf32> to vector<8x128xf32>
    %einshape_lo3A_968 = vector.extract_strided_slice %get3A_607 {offsets = [0, 46080], sizes = [8, 128], strides = [1, 1]} : vector<8x76928xf32> to vector<8x128xf32>
    %einshape_lo3A_969 = vector.extract_strided_slice %get3A_607 {offsets = [0, 46208], sizes = [8, 128], strides = [1, 1]} : vector<8x76928xf32> to vector<8x128xf32>
    %einshape_lo3A_970 = vector.extract_strided_slice %get3A_607 {offsets = [0, 46336], sizes = [8, 128], strides = [1, 1]} : vector<8x76928xf32> to vector<8x128xf32>
    %einshape_lo3A_971 = vector.extract_strided_slice %get3A_607 {offsets = [0, 46464], sizes = [8, 128], strides = [1, 1]} : vector<8x76928xf32> to vector<8x128xf32>
    %einshape_lo3A_972 = vector.extract_strided_slice %get3A_607 {offsets = [0, 46592], sizes = [8, 128], strides = [1, 1]} : vector<8x76928xf32> to vector<8x128xf32>
    %einshape_lo3A_973 = vector.extract_strided_slice %get3A_607 {offsets = [0, 46720], sizes = [8, 128], strides = [1, 1]} : vector<8x76928xf32> to vector<8x128xf32>
    %einshape_lo3A_974 = vector.extract_strided_slice %get3A_607 {offsets = [0, 46848], sizes = [8, 128], strides = [1, 1]} : vector<8x76928xf32> to vector<8x128xf32>
    %einshape_lo3A_975 = vector.extract_strided_slice %get3A_607 {offsets = [0, 46976], sizes = [8, 128], strides = [1, 1]} : vector<8x76928xf32> to vector<8x128xf32>
    %einshape_lo3A_976 = vector.extract_strided_slice %get3A_607 {offsets = [0, 47104], sizes = [8, 128], strides = [1, 1]} : vector<8x76928xf32> to vector<8x128xf32>
    %einshape_lo3A_977 = vector.extract_strided_slice %get3A_607 {offsets = [0, 47232], sizes = [8, 128], strides = [1, 1]} : vector<8x76928xf32> to vector<8x128xf32>
    %einshape_lo3A_978 = vector.extract_strided_slice %get3A_607 {offsets = [0, 47360], sizes = [8, 128], strides = [1, 1]} : vector<8x76928xf32> to vector<8x128xf32>
    %einshape_lo3A_979 = vector.extract_strided_slice %get3A_607 {offsets = [0, 47488], sizes = [8, 128], strides = [1, 1]} : vector<8x76928xf32> to vector<8x128xf32>
    %einshape_lo3A_980 = vector.extract_strided_slice %get3A_607 {offsets = [0, 47616], sizes = [8, 128], strides = [1, 1]} : vector<8x76928xf32> to vector<8x128xf32>
    %einshape_lo3A_981 = vector.extract_strided_slice %get3A_607 {offsets = [0, 47744], sizes = [8, 128], strides = [1, 1]} : vector<8x76928xf32> to vector<8x128xf32>
    %einshape_lo3A_982 = vector.extract_strided_slice %get3A_607 {offsets = [0, 47872], sizes = [8, 128], strides = [1, 1]} : vector<8x76928xf32> to vector<8x128xf32>
    %einshape_lo3A_983 = vector.extract_strided_slice %get3A_607 {offsets = [0, 48000], sizes = [8, 128], strides = [1, 1]} : vector<8x76928xf32> to vector<8x128xf32>
    %einshape_lo3A_984 = vector.extract_strided_slice %get3A_607 {offsets = [0, 48128], sizes = [8, 128], strides = [1, 1]} : vector<8x76928xf32> to vector<8x128xf32>
    %einshape_lo3A_985 = vector.extract_strided_slice %get3A_607 {offsets = [0, 48256], sizes = [8, 128], strides = [1, 1]} : vector<8x76928xf32> to vector<8x128xf32>
    %einshape_lo3A_986 = vector.extract_strided_slice %get3A_607 {offsets = [0, 48384], sizes = [8, 128], strides = [1, 1]} : vector<8x76928xf32> to vector<8x128xf32>
    %einshape_lo3A_987 = vector.extract_strided_slice %get3A_607 {offsets = [0, 48512], sizes = [8, 128], strides = [1, 1]} : vector<8x76928xf32> to vector<8x128xf32>
    %einshape_lo3A_988 = vector.extract_strided_slice %get3A_607 {offsets = [0, 48640], sizes = [8, 128], strides = [1, 1]} : vector<8x76928xf32> to vector<8x128xf32>
    %einshape_lo3A_989 = vector.extract_strided_slice %get3A_607 {offsets = [0, 48768], sizes = [8, 128], strides = [1, 1]} : vector<8x76928xf32> to vector<8x128xf32>
    %einshape_lo3A_990 = vector.extract_strided_slice %get3A_607 {offsets = [0, 48896], sizes = [8, 128], strides = [1, 1]} : vector<8x76928xf32> to vector<8x128xf32>
    %einshape_lo3A_991 = vector.extract_strided_slice %get3A_607 {offsets = [0, 49024], sizes = [8, 128], strides = [1, 1]} : vector<8x76928xf32> to vector<8x128xf32>
    %einshape_lo3A_992 = vector.extract_strided_slice %get3A_607 {offsets = [0, 49152], sizes = [8, 128], strides = [1, 1]} : vector<8x76928xf32> to vector<8x128xf32>
    %einshape_lo3A_993 = vector.extract_strided_slice %get3A_607 {offsets = [0, 49280], sizes = [8, 128], strides = [1, 1]} : vector<8x76928xf32> to vector<8x128xf32>
    %einshape_lo3A_994 = vector.extract_strided_slice %get3A_607 {offsets = [0, 49408], sizes = [8, 128], strides = [1, 1]} : vector<8x76928xf32> to vector<8x128xf32>
    %einshape_lo3A_995 = vector.extract_strided_slice %get3A_607 {offsets = [0, 49536], sizes = [8, 128], strides = [1, 1]} : vector<8x76928xf32> to vector<8x128xf32>
    %einshape_lo3A_996 = vector.extract_strided_slice %get3A_607 {offsets = [0, 49664], sizes = [8, 128], strides = [1, 1]} : vector<8x76928xf32> to vector<8x128xf32>
    %einshape_lo3A_997 = vector.extract_strided_slice %get3A_607 {offsets = [0, 49792], sizes = [8, 128], strides = [1, 1]} : vector<8x76928xf32> to vector<8x128xf32>
    %einshape_lo3A_998 = vector.extract_strided_slice %get3A_607 {offsets = [0, 49920], sizes = [8, 128], strides = [1, 1]} : vector<8x76928xf32> to vector<8x128xf32>
    %einshape_lo3A_999 = vector.extract_strided_slice %get3A_607 {offsets = [0, 50048], sizes = [8, 128], strides = [1, 1]} : vector<8x76928xf32> to vector<8x128xf32>
    %einshape_lo3A_1000 = vector.extract_strided_slice %get3A_607 {offsets = [0, 50176], sizes = [8, 128], strides = [1, 1]} : vector<8x76928xf32> to vector<8x128xf32>
    %einshape_lo3A_1001 = vector.extract_strided_slice %get3A_607 {offsets = [0, 50304], sizes = [8, 128], strides = [1, 1]} : vector<8x76928xf32> to vector<8x128xf32>
    %einshape_lo3A_1002 = vector.extract_strided_slice %get3A_607 {offsets = [0, 50432], sizes = [8, 128], strides = [1, 1]} : vector<8x76928xf32> to vector<8x128xf32>
    %einshape_lo3A_1003 = vector.extract_strided_slice %get3A_607 {offsets = [0, 50560], sizes = [8, 128], strides = [1, 1]} : vector<8x76928xf32> to vector<8x128xf32>
    %einshape_lo3A_1004 = vector.extract_strided_slice %get3A_607 {offsets = [0, 50688], sizes = [8, 128], strides = [1, 1]} : vector<8x76928xf32> to vector<8x128xf32>
    %einshape_lo3A_1005 = vector.extract_strided_slice %get3A_607 {offsets = [0, 50816], sizes = [8, 128], strides = [1, 1]} : vector<8x76928xf32> to vector<8x128xf32>
    %einshape_lo3A_1006 = vector.extract_strided_slice %get3A_607 {offsets = [0, 50944], sizes = [8, 128], strides = [1, 1]} : vector<8x76928xf32> to vector<8x128xf32>
    %einshape_lo3A_1007 = vector.extract_strided_slice %get3A_607 {offsets = [0, 51072], sizes = [8, 128], strides = [1, 1]} : vector<8x76928xf32> to vector<8x128xf32>
    %einshape_lo3A_1008 = vector.extract_strided_slice %get3A_607 {offsets = [0, 51200], sizes = [8, 128], strides = [1, 1]} : vector<8x76928xf32> to vector<8x128xf32>
    %einshape_lo3A_1009 = vector.extract_strided_slice %get3A_607 {offsets = [0, 51328], sizes = [8, 128], strides = [1, 1]} : vector<8x76928xf32> to vector<8x128xf32>
    %einshape_lo3A_1010 = vector.extract_strided_slice %get3A_607 {offsets = [0, 51456], sizes = [8, 128], strides = [1, 1]} : vector<8x76928xf32> to vector<8x128xf32>
    %einshape_lo3A_1011 = vector.extract_strided_slice %get3A_607 {offsets = [0, 51584], sizes = [8, 128], strides = [1, 1]} : vector<8x76928xf32> to vector<8x128xf32>
    %einshape_lo3A_1012 = vector.extract_strided_slice %get3A_607 {offsets = [0, 51712], sizes = [8, 128], strides = [1, 1]} : vector<8x76928xf32> to vector<8x128xf32>
    %einshape_lo3A_1013 = vector.extract_strided_slice %get3A_607 {offsets = [0, 51840], sizes = [8, 128], strides = [1, 1]} : vector<8x76928xf32> to vector<8x128xf32>
    %einshape_lo3A_1014 = vector.extract_strided_slice %get3A_607 {offsets = [0, 51968], sizes = [8, 128], strides = [1, 1]} : vector<8x76928xf32> to vector<8x128xf32>
    %einshape_lo3A_1015 = vector.extract_strided_slice %get3A_607 {offsets = [0, 52096], sizes = [8, 128], strides = [1, 1]} : vector<8x76928xf32> to vector<8x128xf32>
    %einshape_lo3A_1016 = vector.extract_strided_slice %get3A_607 {offsets = [0, 52224], sizes = [8, 128], strides = [1, 1]} : vector<8x76928xf32> to vector<8x128xf32>
    %einshape_lo3A_1017 = vector.extract_strided_slice %get3A_607 {offsets = [0, 52352], sizes = [8, 128], strides = [1, 1]} : vector<8x76928xf32> to vector<8x128xf32>
    %einshape_lo3A_1018 = vector.extract_strided_slice %get3A_607 {offsets = [0, 52480], sizes = [8, 128], strides = [1, 1]} : vector<8x76928xf32> to vector<8x128xf32>
    %einshape_lo3A_1019 = vector.extract_strided_slice %get3A_607 {offsets = [0, 52608], sizes = [8, 128], strides = [1, 1]} : vector<8x76928xf32> to vector<8x128xf32>
    %einshape_lo3A_1020 = vector.extract_strided_slice %get3A_607 {offsets = [0, 52736], sizes = [8, 128], strides = [1, 1]} : vector<8x76928xf32> to vector<8x128xf32>
    %einshape_lo3A_1021 = vector.extract_strided_slice %get3A_607 {offsets = [0, 52864], sizes = [8, 128], strides = [1, 1]} : vector<8x76928xf32> to vector<8x128xf32>
    %einshape_lo3A_1022 = vector.extract_strided_slice %get3A_607 {offsets = [0, 52992], sizes = [8, 128], strides = [1, 1]} : vector<8x76928xf32> to vector<8x128xf32>
    %einshape_lo3A_1023 = vector.extract_strided_slice %get3A_607 {offsets = [0, 53120], sizes = [8, 128], strides = [1, 1]} : vector<8x76928xf32> to vector<8x128xf32>
    %einshape_lo3A_1024 = vector.extract_strided_slice %get3A_607 {offsets = [0, 53248], sizes = [8, 128], strides = [1, 1]} : vector<8x76928xf32> to vector<8x128xf32>
    %einshape_lo3A_1025 = vector.extract_strided_slice %get3A_607 {offsets = [0, 53376], sizes = [8, 128], strides = [1, 1]} : vector<8x76928xf32> to vector<8x128xf32>
    %einshape_lo3A_1026 = vector.extract_strided_slice %get3A_607 {offsets = [0, 53504], sizes = [8, 128], strides = [1, 1]} : vector<8x76928xf32> to vector<8x128xf32>
    %einshape_lo3A_1027 = vector.extract_strided_slice %get3A_607 {offsets = [0, 53632], sizes = [8, 128], strides = [1, 1]} : vector<8x76928xf32> to vector<8x128xf32>
    %einshape_lo3A_1028 = vector.extract_strided_slice %get3A_607 {offsets = [0, 53760], sizes = [8, 128], strides = [1, 1]} : vector<8x76928xf32> to vector<8x128xf32>
    %einshape_lo3A_1029 = vector.extract_strided_slice %get3A_607 {offsets = [0, 53888], sizes = [8, 128], strides = [1, 1]} : vector<8x76928xf32> to vector<8x128xf32>
    %einshape_lo3A_1030 = vector.extract_strided_slice %get3A_607 {offsets = [0, 54016], sizes = [8, 128], strides = [1, 1]} : vector<8x76928xf32> to vector<8x128xf32>
    %einshape_lo3A_1031 = vector.extract_strided_slice %get3A_607 {offsets = [0, 54144], sizes = [8, 128], strides = [1, 1]} : vector<8x76928xf32> to vector<8x128xf32>
    %einshape_lo3A_1032 = vector.extract_strided_slice %get3A_607 {offsets = [0, 54272], sizes = [8, 128], strides = [1, 1]} : vector<8x76928xf32> to vector<8x128xf32>
    %einshape_lo3A_1033 = vector.extract_strided_slice %get3A_607 {offsets = [0, 54400], sizes = [8, 128], strides = [1, 1]} : vector<8x76928xf32> to vector<8x128xf32>
    %einshape_lo3A_1034 = vector.extract_strided_slice %get3A_607 {offsets = [0, 54528], sizes = [8, 128], strides = [1, 1]} : vector<8x76928xf32> to vector<8x128xf32>
    %einshape_lo3A_1035 = vector.extract_strided_slice %get3A_607 {offsets = [0, 54656], sizes = [8, 128], strides = [1, 1]} : vector<8x76928xf32> to vector<8x128xf32>
    %einshape_lo3A_1036 = vector.extract_strided_slice %get3A_607 {offsets = [0, 54784], sizes = [8, 128], strides = [1, 1]} : vector<8x76928xf32> to vector<8x128xf32>
    %einshape_lo3A_1037 = vector.extract_strided_slice %get3A_607 {offsets = [0, 54912], sizes = [8, 128], strides = [1, 1]} : vector<8x76928xf32> to vector<8x128xf32>
    %einshape_lo3A_1038 = vector.extract_strided_slice %get3A_607 {offsets = [0, 55040], sizes = [8, 128], strides = [1, 1]} : vector<8x76928xf32> to vector<8x128xf32>
    %einshape_lo3A_1039 = vector.extract_strided_slice %get3A_607 {offsets = [0, 55168], sizes = [8, 128], strides = [1, 1]} : vector<8x76928xf32> to vector<8x128xf32>
    %einshape_lo3A_1040 = vector.extract_strided_slice %get3A_607 {offsets = [0, 55296], sizes = [8, 128], strides = [1, 1]} : vector<8x76928xf32> to vector<8x128xf32>
    %einshape_lo3A_1041 = vector.extract_strided_slice %get3A_607 {offsets = [0, 55424], sizes = [8, 128], strides = [1, 1]} : vector<8x76928xf32> to vector<8x128xf32>
    %einshape_lo3A_1042 = vector.extract_strided_slice %get3A_607 {offsets = [0, 55552], sizes = [8, 128], strides = [1, 1]} : vector<8x76928xf32> to vector<8x128xf32>
    %einshape_lo3A_1043 = vector.extract_strided_slice %get3A_607 {offsets = [0, 55680], sizes = [8, 128], strides = [1, 1]} : vector<8x76928xf32> to vector<8x128xf32>
    %einshape_lo3A_1044 = vector.extract_strided_slice %get3A_607 {offsets = [0, 55808], sizes = [8, 128], strides = [1, 1]} : vector<8x76928xf32> to vector<8x128xf32>
    %einshape_lo3A_1045 = vector.extract_strided_slice %get3A_607 {offsets = [0, 55936], sizes = [8, 128], strides = [1, 1]} : vector<8x76928xf32> to vector<8x128xf32>
    %einshape_lo3A_1046 = vector.extract_strided_slice %get3A_607 {offsets = [0, 56064], sizes = [8, 128], strides = [1, 1]} : vector<8x76928xf32> to vector<8x128xf32>
    %einshape_lo3A_1047 = vector.extract_strided_slice %get3A_607 {offsets = [0, 56192], sizes = [8, 128], strides = [1, 1]} : vector<8x76928xf32> to vector<8x128xf32>
    %einshape_lo3A_1048 = vector.extract_strided_slice %get3A_607 {offsets = [0, 56320], sizes = [8, 128], strides = [1, 1]} : vector<8x76928xf32> to vector<8x128xf32>
    %einshape_lo3A_1049 = vector.extract_strided_slice %get3A_607 {offsets = [0, 56448], sizes = [8, 128], strides = [1, 1]} : vector<8x76928xf32> to vector<8x128xf32>
    %einshape_lo3A_1050 = vector.extract_strided_slice %get3A_607 {offsets = [0, 56576], sizes = [8, 128], strides = [1, 1]} : vector<8x76928xf32> to vector<8x128xf32>
    %einshape_lo3A_1051 = vector.extract_strided_slice %get3A_607 {offsets = [0, 56704], sizes = [8, 128], strides = [1, 1]} : vector<8x76928xf32> to vector<8x128xf32>
    %einshape_lo3A_1052 = vector.extract_strided_slice %get3A_607 {offsets = [0, 56832], sizes = [8, 128], strides = [1, 1]} : vector<8x76928xf32> to vector<8x128xf32>
    %einshape_lo3A_1053 = vector.extract_strided_slice %get3A_607 {offsets = [0, 56960], sizes = [8, 128], strides = [1, 1]} : vector<8x76928xf32> to vector<8x128xf32>
    %einshape_lo3A_1054 = vector.extract_strided_slice %get3A_607 {offsets = [0, 57088], sizes = [8, 128], strides = [1, 1]} : vector<8x76928xf32> to vector<8x128xf32>
    %einshape_lo3A_1055 = vector.extract_strided_slice %get3A_607 {offsets = [0, 57216], sizes = [8, 128], strides = [1, 1]} : vector<8x76928xf32> to vector<8x128xf32>
    %einshape_lo3A_1056 = vector.extract_strided_slice %get3A_607 {offsets = [0, 57344], sizes = [8, 128], strides = [1, 1]} : vector<8x76928xf32> to vector<8x128xf32>
    %einshape_lo3A_1057 = vector.extract_strided_slice %get3A_607 {offsets = [0, 57472], sizes = [8, 128], strides = [1, 1]} : vector<8x76928xf32> to vector<8x128xf32>
    %einshape_lo3A_1058 = vector.extract_strided_slice %get3A_607 {offsets = [0, 57600], sizes = [8, 128], strides = [1, 1]} : vector<8x76928xf32> to vector<8x128xf32>
    %einshape_lo3A_1059 = vector.extract_strided_slice %get3A_607 {offsets = [0, 57728], sizes = [8, 128], strides = [1, 1]} : vector<8x76928xf32> to vector<8x128xf32>
    %einshape_lo3A_1060 = vector.extract_strided_slice %get3A_607 {offsets = [0, 57856], sizes = [8, 128], strides = [1, 1]} : vector<8x76928xf32> to vector<8x128xf32>
    %einshape_lo3A_1061 = vector.extract_strided_slice %get3A_607 {offsets = [0, 57984], sizes = [8, 128], strides = [1, 1]} : vector<8x76928xf32> to vector<8x128xf32>
    %einshape_lo3A_1062 = vector.extract_strided_slice %get3A_607 {offsets = [0, 58112], sizes = [8, 128], strides = [1, 1]} : vector<8x76928xf32> to vector<8x128xf32>
    %einshape_lo3A_1063 = vector.extract_strided_slice %get3A_607 {offsets = [0, 58240], sizes = [8, 128], strides = [1, 1]} : vector<8x76928xf32> to vector<8x128xf32>
    %einshape_lo3A_1064 = vector.extract_strided_slice %get3A_607 {offsets = [0, 58368], sizes = [8, 128], strides = [1, 1]} : vector<8x76928xf32> to vector<8x128xf32>
    %einshape_lo3A_1065 = vector.extract_strided_slice %get3A_607 {offsets = [0, 58496], sizes = [8, 128], strides = [1, 1]} : vector<8x76928xf32> to vector<8x128xf32>
    %einshape_lo3A_1066 = vector.extract_strided_slice %get3A_607 {offsets = [0, 58624], sizes = [8, 128], strides = [1, 1]} : vector<8x76928xf32> to vector<8x128xf32>
    %einshape_lo3A_1067 = vector.extract_strided_slice %get3A_607 {offsets = [0, 58752], sizes = [8, 128], strides = [1, 1]} : vector<8x76928xf32> to vector<8x128xf32>
    %einshape_lo3A_1068 = vector.extract_strided_slice %get3A_607 {offsets = [0, 58880], sizes = [8, 128], strides = [1, 1]} : vector<8x76928xf32> to vector<8x128xf32>
    %einshape_lo3A_1069 = vector.extract_strided_slice %get3A_607 {offsets = [0, 59008], sizes = [8, 128], strides = [1, 1]} : vector<8x76928xf32> to vector<8x128xf32>
    %einshape_lo3A_1070 = vector.extract_strided_slice %get3A_607 {offsets = [0, 59136], sizes = [8, 128], strides = [1, 1]} : vector<8x76928xf32> to vector<8x128xf32>
    %einshape_lo3A_1071 = vector.extract_strided_slice %get3A_607 {offsets = [0, 59264], sizes = [8, 128], strides = [1, 1]} : vector<8x76928xf32> to vector<8x128xf32>
    %einshape_lo3A_1072 = vector.extract_strided_slice %get3A_607 {offsets = [0, 59392], sizes = [8, 128], strides = [1, 1]} : vector<8x76928xf32> to vector<8x128xf32>
    %einshape_lo3A_1073 = vector.extract_strided_slice %get3A_607 {offsets = [0, 59520], sizes = [8, 128], strides = [1, 1]} : vector<8x76928xf32> to vector<8x128xf32>
    %einshape_lo3A_1074 = vector.extract_strided_slice %get3A_607 {offsets = [0, 59648], sizes = [8, 128], strides = [1, 1]} : vector<8x76928xf32> to vector<8x128xf32>
    %einshape_lo3A_1075 = vector.extract_strided_slice %get3A_607 {offsets = [0, 59776], sizes = [8, 128], strides = [1, 1]} : vector<8x76928xf32> to vector<8x128xf32>
    %einshape_lo3A_1076 = vector.extract_strided_slice %get3A_607 {offsets = [0, 59904], sizes = [8, 128], strides = [1, 1]} : vector<8x76928xf32> to vector<8x128xf32>
    %einshape_lo3A_1077 = vector.extract_strided_slice %get3A_607 {offsets = [0, 60032], sizes = [8, 128], strides = [1, 1]} : vector<8x76928xf32> to vector<8x128xf32>
    %einshape_lo3A_1078 = vector.extract_strided_slice %get3A_607 {offsets = [0, 60160], sizes = [8, 128], strides = [1, 1]} : vector<8x76928xf32> to vector<8x128xf32>
    %einshape_lo3A_1079 = vector.extract_strided_slice %get3A_607 {offsets = [0, 60288], sizes = [8, 128], strides = [1, 1]} : vector<8x76928xf32> to vector<8x128xf32>
    %einshape_lo3A_1080 = vector.extract_strided_slice %get3A_607 {offsets = [0, 60416], sizes = [8, 128], strides = [1, 1]} : vector<8x76928xf32> to vector<8x128xf32>
    %einshape_lo3A_1081 = vector.extract_strided_slice %get3A_607 {offsets = [0, 60544], sizes = [8, 128], strides = [1, 1]} : vector<8x76928xf32> to vector<8x128xf32>
    %einshape_lo3A_1082 = vector.extract_strided_slice %get3A_607 {offsets = [0, 60672], sizes = [8, 128], strides = [1, 1]} : vector<8x76928xf32> to vector<8x128xf32>
    %einshape_lo3A_1083 = vector.extract_strided_slice %get3A_607 {offsets = [0, 60800], sizes = [8, 128], strides = [1, 1]} : vector<8x76928xf32> to vector<8x128xf32>
    %einshape_lo3A_1084 = vector.extract_strided_slice %get3A_607 {offsets = [0, 60928], sizes = [8, 128], strides = [1, 1]} : vector<8x76928xf32> to vector<8x128xf32>
    %einshape_lo3A_1085 = vector.extract_strided_slice %get3A_607 {offsets = [0, 61056], sizes = [8, 128], strides = [1, 1]} : vector<8x76928xf32> to vector<8x128xf32>
    %einshape_lo3A_1086 = vector.extract_strided_slice %get3A_607 {offsets = [0, 61184], sizes = [8, 128], strides = [1, 1]} : vector<8x76928xf32> to vector<8x128xf32>
    %einshape_lo3A_1087 = vector.extract_strided_slice %get3A_607 {offsets = [0, 61312], sizes = [8, 128], strides = [1, 1]} : vector<8x76928xf32> to vector<8x128xf32>
    %einshape_lo3A_1088 = vector.extract_strided_slice %get3A_607 {offsets = [0, 61440], sizes = [8, 128], strides = [1, 1]} : vector<8x76928xf32> to vector<8x128xf32>
    %einshape_lo3A_1089 = vector.extract_strided_slice %get3A_607 {offsets = [0, 61568], sizes = [8, 128], strides = [1, 1]} : vector<8x76928xf32> to vector<8x128xf32>
    %einshape_lo3A_1090 = vector.extract_strided_slice %get3A_607 {offsets = [0, 61696], sizes = [8, 128], strides = [1, 1]} : vector<8x76928xf32> to vector<8x128xf32>
    %einshape_lo3A_1091 = vector.extract_strided_slice %get3A_607 {offsets = [0, 61824], sizes = [8, 128], strides = [1, 1]} : vector<8x76928xf32> to vector<8x128xf32>
    %einshape_lo3A_1092 = vector.extract_strided_slice %get3A_607 {offsets = [0, 61952], sizes = [8, 128], strides = [1, 1]} : vector<8x76928xf32> to vector<8x128xf32>
    %einshape_lo3A_1093 = vector.extract_strided_slice %get3A_607 {offsets = [0, 62080], sizes = [8, 128], strides = [1, 1]} : vector<8x76928xf32> to vector<8x128xf32>
    %einshape_lo3A_1094 = vector.extract_strided_slice %get3A_607 {offsets = [0, 62208], sizes = [8, 128], strides = [1, 1]} : vector<8x76928xf32> to vector<8x128xf32>
    %einshape_lo3A_1095 = vector.extract_strided_slice %get3A_607 {offsets = [0, 62336], sizes = [8, 128], strides = [1, 1]} : vector<8x76928xf32> to vector<8x128xf32>
    %einshape_lo3A_1096 = vector.extract_strided_slice %get3A_607 {offsets = [0, 62464], sizes = [8, 128], strides = [1, 1]} : vector<8x76928xf32> to vector<8x128xf32>
    %einshape_lo3A_1097 = vector.extract_strided_slice %get3A_607 {offsets = [0, 62592], sizes = [8, 128], strides = [1, 1]} : vector<8x76928xf32> to vector<8x128xf32>
    %einshape_lo3A_1098 = vector.extract_strided_slice %get3A_607 {offsets = [0, 62720], sizes = [8, 128], strides = [1, 1]} : vector<8x76928xf32> to vector<8x128xf32>
    %einshape_lo3A_1099 = vector.extract_strided_slice %get3A_607 {offsets = [0, 62848], sizes = [8, 128], strides = [1, 1]} : vector<8x76928xf32> to vector<8x128xf32>
    %einshape_lo3A_1100 = vector.extract_strided_slice %get3A_607 {offsets = [0, 62976], sizes = [8, 128], strides = [1, 1]} : vector<8x76928xf32> to vector<8x128xf32>
    %einshape_lo3A_1101 = vector.extract_strided_slice %get3A_607 {offsets = [0, 63104], sizes = [8, 128], strides = [1, 1]} : vector<8x76928xf32> to vector<8x128xf32>
    %einshape_lo3A_1102 = vector.extract_strided_slice %get3A_607 {offsets = [0, 63232], sizes = [8, 128], strides = [1, 1]} : vector<8x76928xf32> to vector<8x128xf32>
    %einshape_lo3A_1103 = vector.extract_strided_slice %get3A_607 {offsets = [0, 63360], sizes = [8, 128], strides = [1, 1]} : vector<8x76928xf32> to vector<8x128xf32>
    %einshape_lo3A_1104 = vector.extract_strided_slice %get3A_607 {offsets = [0, 63488], sizes = [8, 128], strides = [1, 1]} : vector<8x76928xf32> to vector<8x128xf32>
    %einshape_lo3A_1105 = vector.extract_strided_slice %get3A_607 {offsets = [0, 63616], sizes = [8, 128], strides = [1, 1]} : vector<8x76928xf32> to vector<8x128xf32>
    %einshape_lo3A_1106 = vector.extract_strided_slice %get3A_607 {offsets = [0, 63744], sizes = [8, 128], strides = [1, 1]} : vector<8x76928xf32> to vector<8x128xf32>
    %einshape_lo3A_1107 = vector.extract_strided_slice %get3A_607 {offsets = [0, 63872], sizes = [8, 128], strides = [1, 1]} : vector<8x76928xf32> to vector<8x128xf32>
    %einshape_lo3A_1108 = vector.extract_strided_slice %get3A_607 {offsets = [0, 64000], sizes = [8, 128], strides = [1, 1]} : vector<8x76928xf32> to vector<8x128xf32>
    %einshape_lo3A_1109 = vector.extract_strided_slice %get3A_607 {offsets = [0, 64128], sizes = [8, 128], strides = [1, 1]} : vector<8x76928xf32> to vector<8x128xf32>
    %einshape_lo3A_1110 = vector.extract_strided_slice %get3A_607 {offsets = [0, 64256], sizes = [8, 128], strides = [1, 1]} : vector<8x76928xf32> to vector<8x128xf32>
    %einshape_lo3A_1111 = vector.extract_strided_slice %get3A_607 {offsets = [0, 64384], sizes = [8, 128], strides = [1, 1]} : vector<8x76928xf32> to vector<8x128xf32>
    %einshape_lo3A_1112 = vector.extract_strided_slice %get3A_607 {offsets = [0, 64512], sizes = [8, 128], strides = [1, 1]} : vector<8x76928xf32> to vector<8x128xf32>
    %einshape_lo3A_1113 = vector.extract_strided_slice %get3A_607 {offsets = [0, 64640], sizes = [8, 128], strides = [1, 1]} : vector<8x76928xf32> to vector<8x128xf32>
    %einshape_lo3A_1114 = vector.extract_strided_slice %get3A_607 {offsets = [0, 64768], sizes = [8, 128], strides = [1, 1]} : vector<8x76928xf32> to vector<8x128xf32>
    %einshape_lo3A_1115 = vector.extract_strided_slice %get3A_607 {offsets = [0, 64896], sizes = [8, 128], strides = [1, 1]} : vector<8x76928xf32> to vector<8x128xf32>
    %einshape_lo3A_1116 = vector.extract_strided_slice %get3A_607 {offsets = [0, 65024], sizes = [8, 128], strides = [1, 1]} : vector<8x76928xf32> to vector<8x128xf32>
    %einshape_lo3A_1117 = vector.extract_strided_slice %get3A_607 {offsets = [0, 65152], sizes = [8, 128], strides = [1, 1]} : vector<8x76928xf32> to vector<8x128xf32>
    %einshape_lo3A_1118 = vector.extract_strided_slice %get3A_607 {offsets = [0, 65280], sizes = [8, 128], strides = [1, 1]} : vector<8x76928xf32> to vector<8x128xf32>
    %einshape_lo3A_1119 = vector.extract_strided_slice %get3A_607 {offsets = [0, 65408], sizes = [8, 128], strides = [1, 1]} : vector<8x76928xf32> to vector<8x128xf32>
    %einshape_lo3A_1120 = vector.extract_strided_slice %get3A_607 {offsets = [0, 65536], sizes = [8, 128], strides = [1, 1]} : vector<8x76928xf32> to vector<8x128xf32>
    %einshape_lo3A_1121 = vector.extract_strided_slice %get3A_607 {offsets = [0, 65664], sizes = [8, 128], strides = [1, 1]} : vector<8x76928xf32> to vector<8x128xf32>
    %einshape_lo3A_1122 = vector.extract_strided_slice %get3A_607 {offsets = [0, 65792], sizes = [8, 128], strides = [1, 1]} : vector<8x76928xf32> to vector<8x128xf32>
    %einshape_lo3A_1123 = vector.extract_strided_slice %get3A_607 {offsets = [0, 65920], sizes = [8, 128], strides = [1, 1]} : vector<8x76928xf32> to vector<8x128xf32>
    %einshape_lo3A_1124 = vector.extract_strided_slice %get3A_607 {offsets = [0, 66048], sizes = [8, 128], strides = [1, 1]} : vector<8x76928xf32> to vector<8x128xf32>
    %einshape_lo3A_1125 = vector.extract_strided_slice %get3A_607 {offsets = [0, 66176], sizes = [8, 128], strides = [1, 1]} : vector<8x76928xf32> to vector<8x128xf32>
    %einshape_lo3A_1126 = vector.extract_strided_slice %get3A_607 {offsets = [0, 66304], sizes = [8, 128], strides = [1, 1]} : vector<8x76928xf32> to vector<8x128xf32>
    %einshape_lo3A_1127 = vector.extract_strided_slice %get3A_607 {offsets = [0, 66432], sizes = [8, 128], strides = [1, 1]} : vector<8x76928xf32> to vector<8x128xf32>
    %einshape_lo3A_1128 = vector.extract_strided_slice %get3A_607 {offsets = [0, 66560], sizes = [8, 128], strides = [1, 1]} : vector<8x76928xf32> to vector<8x128xf32>
    %einshape_lo3A_1129 = vector.extract_strided_slice %get3A_607 {offsets = [0, 66688], sizes = [8, 128], strides = [1, 1]} : vector<8x76928xf32> to vector<8x128xf32>
    %einshape_lo3A_1130 = vector.extract_strided_slice %get3A_607 {offsets = [0, 66816], sizes = [8, 128], strides = [1, 1]} : vector<8x76928xf32> to vector<8x128xf32>
    %einshape_lo3A_1131 = vector.extract_strided_slice %get3A_607 {offsets = [0, 66944], sizes = [8, 128], strides = [1, 1]} : vector<8x76928xf32> to vector<8x128xf32>
    %einshape_lo3A_1132 = vector.extract_strided_slice %get3A_607 {offsets = [0, 67072], sizes = [8, 128], strides = [1, 1]} : vector<8x76928xf32> to vector<8x128xf32>
    %einshape_lo3A_1133 = vector.extract_strided_slice %get3A_607 {offsets = [0, 67200], sizes = [8, 128], strides = [1, 1]} : vector<8x76928xf32> to vector<8x128xf32>
    %einshape_lo3A_1134 = vector.extract_strided_slice %get3A_607 {offsets = [0, 67328], sizes = [8, 128], strides = [1, 1]} : vector<8x76928xf32> to vector<8x128xf32>
    %einshape_lo3A_1135 = vector.extract_strided_slice %get3A_607 {offsets = [0, 67456], sizes = [8, 128], strides = [1, 1]} : vector<8x76928xf32> to vector<8x128xf32>
    %einshape_lo3A_1136 = vector.extract_strided_slice %get3A_607 {offsets = [0, 67584], sizes = [8, 128], strides = [1, 1]} : vector<8x76928xf32> to vector<8x128xf32>
    %einshape_lo3A_1137 = vector.extract_strided_slice %get3A_607 {offsets = [0, 67712], sizes = [8, 128], strides = [1, 1]} : vector<8x76928xf32> to vector<8x128xf32>
    %einshape_lo3A_1138 = vector.extract_strided_slice %get3A_607 {offsets = [0, 67840], sizes = [8, 128], strides = [1, 1]} : vector<8x76928xf32> to vector<8x128xf32>
    %einshape_lo3A_1139 = vector.extract_strided_slice %get3A_607 {offsets = [0, 67968], sizes = [8, 128], strides = [1, 1]} : vector<8x76928xf32> to vector<8x128xf32>
    %einshape_lo3A_1140 = vector.extract_strided_slice %get3A_607 {offsets = [0, 68096], sizes = [8, 128], strides = [1, 1]} : vector<8x76928xf32> to vector<8x128xf32>
    %einshape_lo3A_1141 = vector.extract_strided_slice %get3A_607 {offsets = [0, 68224], sizes = [8, 128], strides = [1, 1]} : vector<8x76928xf32> to vector<8x128xf32>
    %einshape_lo3A_1142 = vector.extract_strided_slice %get3A_607 {offsets = [0, 68352], sizes = [8, 128], strides = [1, 1]} : vector<8x76928xf32> to vector<8x128xf32>
    %einshape_lo3A_1143 = vector.extract_strided_slice %get3A_607 {offsets = [0, 68480], sizes = [8, 128], strides = [1, 1]} : vector<8x76928xf32> to vector<8x128xf32>
    %einshape_lo3A_1144 = vector.extract_strided_slice %get3A_607 {offsets = [0, 68608], sizes = [8, 128], strides = [1, 1]} : vector<8x76928xf32> to vector<8x128xf32>
    %einshape_lo3A_1145 = vector.extract_strided_slice %get3A_607 {offsets = [0, 68736], sizes = [8, 128], strides = [1, 1]} : vector<8x76928xf32> to vector<8x128xf32>
    %einshape_lo3A_1146 = vector.extract_strided_slice %get3A_607 {offsets = [0, 68864], sizes = [8, 128], strides = [1, 1]} : vector<8x76928xf32> to vector<8x128xf32>
    %einshape_lo3A_1147 = vector.extract_strided_slice %get3A_607 {offsets = [0, 68992], sizes = [8, 128], strides = [1, 1]} : vector<8x76928xf32> to vector<8x128xf32>
    %einshape_lo3A_1148 = vector.extract_strided_slice %get3A_607 {offsets = [0, 69120], sizes = [8, 128], strides = [1, 1]} : vector<8x76928xf32> to vector<8x128xf32>
    %einshape_lo3A_1149 = vector.extract_strided_slice %get3A_607 {offsets = [0, 69248], sizes = [8, 128], strides = [1, 1]} : vector<8x76928xf32> to vector<8x128xf32>
    %einshape_lo3A_1150 = vector.extract_strided_slice %get3A_607 {offsets = [0, 69376], sizes = [8, 128], strides = [1, 1]} : vector<8x76928xf32> to vector<8x128xf32>
    %einshape_lo3A_1151 = vector.extract_strided_slice %get3A_607 {offsets = [0, 69504], sizes = [8, 128], strides = [1, 1]} : vector<8x76928xf32> to vector<8x128xf32>
    %einshape_lo3A_1152 = vector.extract_strided_slice %get3A_607 {offsets = [0, 69632], sizes = [8, 128], strides = [1, 1]} : vector<8x76928xf32> to vector<8x128xf32>
    %einshape_lo3A_1153 = vector.extract_strided_slice %get3A_607 {offsets = [0, 69760], sizes = [8, 128], strides = [1, 1]} : vector<8x76928xf32> to vector<8x128xf32>
    %einshape_lo3A_1154 = vector.extract_strided_slice %get3A_607 {offsets = [0, 69888], sizes = [8, 128], strides = [1, 1]} : vector<8x76928xf32> to vector<8x128xf32>
    %einshape_lo3A_1155 = vector.extract_strided_slice %get3A_607 {offsets = [0, 70016], sizes = [8, 128], strides = [1, 1]} : vector<8x76928xf32> to vector<8x128xf32>
    %einshape_lo3A_1156 = vector.extract_strided_slice %get3A_607 {offsets = [0, 70144], sizes = [8, 128], strides = [1, 1]} : vector<8x76928xf32> to vector<8x128xf32>
    %einshape_lo3A_1157 = vector.extract_strided_slice %get3A_607 {offsets = [0, 70272], sizes = [8, 128], strides = [1, 1]} : vector<8x76928xf32> to vector<8x128xf32>
    %einshape_lo3A_1158 = vector.extract_strided_slice %get3A_607 {offsets = [0, 70400], sizes = [8, 128], strides = [1, 1]} : vector<8x76928xf32> to vector<8x128xf32>
    %einshape_lo3A_1159 = vector.extract_strided_slice %get3A_607 {offsets = [0, 70528], sizes = [8, 128], strides = [1, 1]} : vector<8x76928xf32> to vector<8x128xf32>
    %einshape_lo3A_1160 = vector.extract_strided_slice %get3A_607 {offsets = [0, 70656], sizes = [8, 128], strides = [1, 1]} : vector<8x76928xf32> to vector<8x128xf32>
    %einshape_lo3A_1161 = vector.extract_strided_slice %get3A_607 {offsets = [0, 70784], sizes = [8, 128], strides = [1, 1]} : vector<8x76928xf32> to vector<8x128xf32>
    %einshape_lo3A_1162 = vector.extract_strided_slice %get3A_607 {offsets = [0, 70912], sizes = [8, 128], strides = [1, 1]} : vector<8x76928xf32> to vector<8x128xf32>
    %einshape_lo3A_1163 = vector.extract_strided_slice %get3A_607 {offsets = [0, 71040], sizes = [8, 128], strides = [1, 1]} : vector<8x76928xf32> to vector<8x128xf32>
    %einshape_lo3A_1164 = vector.extract_strided_slice %get3A_607 {offsets = [0, 71168], sizes = [8, 128], strides = [1, 1]} : vector<8x76928xf32> to vector<8x128xf32>
    %einshape_lo3A_1165 = vector.extract_strided_slice %get3A_607 {offsets = [0, 71296], sizes = [8, 128], strides = [1, 1]} : vector<8x76928xf32> to vector<8x128xf32>
    %einshape_lo3A_1166 = vector.extract_strided_slice %get3A_607 {offsets = [0, 71424], sizes = [8, 128], strides = [1, 1]} : vector<8x76928xf32> to vector<8x128xf32>
    %einshape_lo3A_1167 = vector.extract_strided_slice %get3A_607 {offsets = [0, 71552], sizes = [8, 128], strides = [1, 1]} : vector<8x76928xf32> to vector<8x128xf32>
    %einshape_lo3A_1168 = vector.extract_strided_slice %get3A_607 {offsets = [0, 71680], sizes = [8, 128], strides = [1, 1]} : vector<8x76928xf32> to vector<8x128xf32>
    %einshape_lo3A_1169 = vector.extract_strided_slice %get3A_607 {offsets = [0, 71808], sizes = [8, 128], strides = [1, 1]} : vector<8x76928xf32> to vector<8x128xf32>
    %einshape_lo3A_1170 = vector.extract_strided_slice %get3A_607 {offsets = [0, 71936], sizes = [8, 128], strides = [1, 1]} : vector<8x76928xf32> to vector<8x128xf32>
    %einshape_lo3A_1171 = vector.extract_strided_slice %get3A_607 {offsets = [0, 72064], sizes = [8, 128], strides = [1, 1]} : vector<8x76928xf32> to vector<8x128xf32>
    %einshape_lo3A_1172 = vector.extract_strided_slice %get3A_607 {offsets = [0, 72192], sizes = [8, 128], strides = [1, 1]} : vector<8x76928xf32> to vector<8x128xf32>
    %einshape_lo3A_1173 = vector.extract_strided_slice %get3A_607 {offsets = [0, 72320], sizes = [8, 128], strides = [1, 1]} : vector<8x76928xf32> to vector<8x128xf32>
    %einshape_lo3A_1174 = vector.extract_strided_slice %get3A_607 {offsets = [0, 72448], sizes = [8, 128], strides = [1, 1]} : vector<8x76928xf32> to vector<8x128xf32>
    %einshape_lo3A_1175 = vector.extract_strided_slice %get3A_607 {offsets = [0, 72576], sizes = [8, 128], strides = [1, 1]} : vector<8x76928xf32> to vector<8x128xf32>
    %einshape_lo3A_1176 = vector.extract_strided_slice %get3A_607 {offsets = [0, 72704], sizes = [8, 128], strides = [1, 1]} : vector<8x76928xf32> to vector<8x128xf32>
    %einshape_lo3A_1177 = vector.extract_strided_slice %get3A_607 {offsets = [0, 72832], sizes = [8, 128], strides = [1, 1]} : vector<8x76928xf32> to vector<8x128xf32>
    %einshape_lo3A_1178 = vector.extract_strided_slice %get3A_607 {offsets = [0, 72960], sizes = [8, 128], strides = [1, 1]} : vector<8x76928xf32> to vector<8x128xf32>
    %einshape_lo3A_1179 = vector.extract_strided_slice %get3A_607 {offsets = [0, 73088], sizes = [8, 128], strides = [1, 1]} : vector<8x76928xf32> to vector<8x128xf32>
    %einshape_lo3A_1180 = vector.extract_strided_slice %get3A_607 {offsets = [0, 73216], sizes = [8, 128], strides = [1, 1]} : vector<8x76928xf32> to vector<8x128xf32>
    %einshape_lo3A_1181 = vector.extract_strided_slice %get3A_607 {offsets = [0, 73344], sizes = [8, 128], strides = [1, 1]} : vector<8x76928xf32> to vector<8x128xf32>
    %einshape_lo3A_1182 = vector.extract_strided_slice %get3A_607 {offsets = [0, 73472], sizes = [8, 128], strides = [1, 1]} : vector<8x76928xf32> to vector<8x128xf32>
    %einshape_lo3A_1183 = vector.extract_strided_slice %get3A_607 {offsets = [0, 73600], sizes = [8, 128], strides = [1, 1]} : vector<8x76928xf32> to vector<8x128xf32>
    %einshape_lo3A_1184 = vector.extract_strided_slice %get3A_607 {offsets = [0, 73728], sizes = [8, 128], strides = [1, 1]} : vector<8x76928xf32> to vector<8x128xf32>
    %einshape_lo3A_1185 = vector.extract_strided_slice %get3A_607 {offsets = [0, 73856], sizes = [8, 128], strides = [1, 1]} : vector<8x76928xf32> to vector<8x128xf32>
    %einshape_lo3A_1186 = vector.extract_strided_slice %get3A_607 {offsets = [0, 73984], sizes = [8, 128], strides = [1, 1]} : vector<8x76928xf32> to vector<8x128xf32>
    %einshape_lo3A_1187 = vector.extract_strided_slice %get3A_607 {offsets = [0, 74112], sizes = [8, 128], strides = [1, 1]} : vector<8x76928xf32> to vector<8x128xf32>
    %einshape_lo3A_1188 = vector.extract_strided_slice %get3A_607 {offsets = [0, 74240], sizes = [8, 128], strides = [1, 1]} : vector<8x76928xf32> to vector<8x128xf32>
    %einshape_lo3A_1189 = vector.extract_strided_slice %get3A_607 {offsets = [0, 74368], sizes = [8, 128], strides = [1, 1]} : vector<8x76928xf32> to vector<8x128xf32>
    %einshape_lo3A_1190 = vector.extract_strided_slice %get3A_607 {offsets = [0, 74496], sizes = [8, 128], strides = [1, 1]} : vector<8x76928xf32> to vector<8x128xf32>
    %einshape_lo3A_1191 = vector.extract_strided_slice %get3A_607 {offsets = [0, 74624], sizes = [8, 128], strides = [1, 1]} : vector<8x76928xf32> to vector<8x128xf32>
    %einshape_lo3A_1192 = vector.extract_strided_slice %get3A_607 {offsets = [0, 74752], sizes = [8, 128], strides = [1, 1]} : vector<8x76928xf32> to vector<8x128xf32>
    %einshape_lo3A_1193 = vector.extract_strided_slice %get3A_607 {offsets = [0, 74880], sizes = [8, 128], strides = [1, 1]} : vector<8x76928xf32> to vector<8x128xf32>
    %einshape_lo3A_1194 = vector.extract_strided_slice %get3A_607 {offsets = [0, 75008], sizes = [8, 128], strides = [1, 1]} : vector<8x76928xf32> to vector<8x128xf32>
    %einshape_lo3A_1195 = vector.extract_strided_slice %get3A_607 {offsets = [0, 75136], sizes = [8, 128], strides = [1, 1]} : vector<8x76928xf32> to vector<8x128xf32>
    %einshape_lo3A_1196 = vector.extract_strided_slice %get3A_607 {offsets = [0, 75264], sizes = [8, 128], strides = [1, 1]} : vector<8x76928xf32> to vector<8x128xf32>
    %einshape_lo3A_1197 = vector.extract_strided_slice %get3A_607 {offsets = [0, 75392], sizes = [8, 128], strides = [1, 1]} : vector<8x76928xf32> to vector<8x128xf32>
    %einshape_lo3A_1198 = vector.extract_strided_slice %get3A_607 {offsets = [0, 75520], sizes = [8, 128], strides = [1, 1]} : vector<8x76928xf32> to vector<8x128xf32>
    %einshape_lo3A_1199 = vector.extract_strided_slice %get3A_607 {offsets = [0, 75648], sizes = [8, 128], strides = [1, 1]} : vector<8x76928xf32> to vector<8x128xf32>
    %einshape_lo3A_1200 = vector.extract_strided_slice %get3A_607 {offsets = [0, 75776], sizes = [8, 128], strides = [1, 1]} : vector<8x76928xf32> to vector<8x128xf32>
    %einshape_lo3A_1201 = vector.extract_strided_slice %get3A_607 {offsets = [0, 75904], sizes = [8, 128], strides = [1, 1]} : vector<8x76928xf32> to vector<8x128xf32>
    %einshape_lo3A_1202 = vector.extract_strided_slice %get3A_607 {offsets = [0, 76032], sizes = [8, 128], strides = [1, 1]} : vector<8x76928xf32> to vector<8x128xf32>
    %einshape_lo3A_1203 = vector.extract_strided_slice %get3A_607 {offsets = [0, 76160], sizes = [8, 128], strides = [1, 1]} : vector<8x76928xf32> to vector<8x128xf32>
    %einshape_lo3A_1204 = vector.extract_strided_slice %get3A_607 {offsets = [0, 76288], sizes = [8, 128], strides = [1, 1]} : vector<8x76928xf32> to vector<8x128xf32>
    %einshape_lo3A_1205 = vector.extract_strided_slice %get3A_607 {offsets = [0, 76416], sizes = [8, 128], strides = [1, 1]} : vector<8x76928xf32> to vector<8x128xf32>
    %einshape_lo3A_1206 = vector.extract_strided_slice %get3A_607 {offsets = [0, 76544], sizes = [8, 128], strides = [1, 1]} : vector<8x76928xf32> to vector<8x128xf32>
    %einshape_lo3A_1207 = vector.extract_strided_slice %get3A_607 {offsets = [0, 76672], sizes = [8, 128], strides = [1, 1]} : vector<8x76928xf32> to vector<8x128xf32>
    %einshape_lo3A_1208 = vector.extract_strided_slice %get3A_607 {offsets = [0, 76800], sizes = [8, 128], strides = [1, 1]} : vector<8x76928xf32> to vector<8x128xf32>
    %einshape_lo3A_1209 = tpu.concatenate %einshape_lo3A_608, %einshape_lo3A_609, %einshape_lo3A_610, %einshape_lo3A_611, %einshape_lo3A_612, %einshape_lo3A_613, %einshape_lo3A_614, %einshape_lo3A_615, %einshape_lo3A_616, %einshape_lo3A_617, %einshape_lo3A_618, %einshape_lo3A_619, %einshape_lo3A_620, %einshape_lo3A_621, %einshape_lo3A_622, %einshape_lo3A_623, %einshape_lo3A_624, %einshape_lo3A_625, %einshape_lo3A_626, %einshape_lo3A_627, %einshape_lo3A_628, %einshape_lo3A_629, %einshape_lo3A_630, %einshape_lo3A_631, %einshape_lo3A_632, %einshape_lo3A_633, %einshape_lo3A_634, %einshape_lo3A_635, %einshape_lo3A_636, %einshape_lo3A_637, %einshape_lo3A_638, %einshape_lo3A_639, %einshape_lo3A_640, %einshape_lo3A_641, %einshape_lo3A_642, %einshape_lo3A_643, %einshape_lo3A_644, %einshape_lo3A_645, %einshape_lo3A_646, %einshape_lo3A_647, %einshape_lo3A_648, %einshape_lo3A_649, %einshape_lo3A_650, %einshape_lo3A_651, %einshape_lo3A_652, %einshape_lo3A_653, %einshape_lo3A_654, %einshape_lo3A_655, %einshape_lo3A_656, %einshape_lo3A_657, %einshape_lo3A_658, %einshape_lo3A_659, %einshape_lo3A_660, %einshape_lo3A_661, %einshape_lo3A_662, %einshape_lo3A_663, %einshape_lo3A_664, %einshape_lo3A_665, %einshape_lo3A_666, %einshape_lo3A_667, %einshape_lo3A_668, %einshape_lo3A_669, %einshape_lo3A_670, %einshape_lo3A_671, %einshape_lo3A_672, %einshape_lo3A_673, %einshape_lo3A_674, %einshape_lo3A_675, %einshape_lo3A_676, %einshape_lo3A_677, %einshape_lo3A_678, %einshape_lo3A_679, %einshape_lo3A_680, %einshape_lo3A_681, %einshape_lo3A_682, %einshape_lo3A_683, %einshape_lo3A_684, %einshape_lo3A_685, %einshape_lo3A_686, %einshape_lo3A_687, %einshape_lo3A_688, %einshape_lo3A_689, %einshape_lo3A_690, %einshape_lo3A_691, %einshape_lo3A_692, %einshape_lo3A_693, %einshape_lo3A_694, %einshape_lo3A_695, %einshape_lo3A_696, %einshape_lo3A_697, %einshape_lo3A_698, %einshape_lo3A_699, %einshape_lo3A_700, %einshape_lo3A_701, %einshape_lo3A_702, %einshape_lo3A_703, %einshape_lo3A_704, %einshape_lo3A_705, %einshape_lo3A_706, %einshape_lo3A_707, %einshape_lo3A_708, %einshape_lo3A_709, %einshape_lo3A_710, %einshape_lo3A_711, %einshape_lo3A_712, %einshape_lo3A_713, %einshape_lo3A_714, %einshape_lo3A_715, %einshape_lo3A_716, %einshape_lo3A_717, %einshape_lo3A_718, %einshape_lo3A_719, %einshape_lo3A_720, %einshape_lo3A_721, %einshape_lo3A_722, %einshape_lo3A_723, %einshape_lo3A_724, %einshape_lo3A_725, %einshape_lo3A_726, %einshape_lo3A_727, %einshape_lo3A_728, %einshape_lo3A_729, %einshape_lo3A_730, %einshape_lo3A_731, %einshape_lo3A_732, %einshape_lo3A_733, %einshape_lo3A_734, %einshape_lo3A_735, %einshape_lo3A_736, %einshape_lo3A_737, %einshape_lo3A_738, %einshape_lo3A_739, %einshape_lo3A_740, %einshape_lo3A_741, %einshape_lo3A_742, %einshape_lo3A_743, %einshape_lo3A_744, %einshape_lo3A_745, %einshape_lo3A_746, %einshape_lo3A_747, %einshape_lo3A_748, %einshape_lo3A_749, %einshape_lo3A_750, %einshape_lo3A_751, %einshape_lo3A_752, %einshape_lo3A_753, %einshape_lo3A_754, %einshape_lo3A_755, %einshape_lo3A_756, %einshape_lo3A_757, %einshape_lo3A_758, %einshape_lo3A_759, %einshape_lo3A_760, %einshape_lo3A_761, %einshape_lo3A_762, %einshape_lo3A_763, %einshape_lo3A_764, %einshape_lo3A_765, %einshape_lo3A_766, %einshape_lo3A_767, %einshape_lo3A_768, %einshape_lo3A_769, %einshape_lo3A_770, %einshape_lo3A_771, %einshape_lo3A_772, %einshape_lo3A_773, %einshape_lo3A_774, %einshape_lo3A_775, %einshape_lo3A_776, %einshape_lo3A_777, %einshape_lo3A_778, %einshape_lo3A_779, %einshape_lo3A_780, %einshape_lo3A_781, %einshape_lo3A_782, %einshape_lo3A_783, %einshape_lo3A_784, %einshape_lo3A_785, %einshape_lo3A_786, %einshape_lo3A_787, %einshape_lo3A_788, %einshape_lo3A_789, %einshape_lo3A_790, %einshape_lo3A_791, %einshape_lo3A_792, %einshape_lo3A_793, %einshape_lo3A_794, %einshape_lo3A_795, %einshape_lo3A_796, %einshape_lo3A_797, %einshape_lo3A_798, %einshape_lo3A_799, %einshape_lo3A_800, %einshape_lo3A_801, %einshape_lo3A_802, %einshape_lo3A_803, %einshape_lo3A_804, %einshape_lo3A_805, %einshape_lo3A_806, %einshape_lo3A_807, %einshape_lo3A_808, %einshape_lo3A_809, %einshape_lo3A_810, %einshape_lo3A_811, %einshape_lo3A_812, %einshape_lo3A_813, %einshape_lo3A_814, %einshape_lo3A_815, %einshape_lo3A_816, %einshape_lo3A_817, %einshape_lo3A_818, %einshape_lo3A_819, %einshape_lo3A_820, %einshape_lo3A_821, %einshape_lo3A_822, %einshape_lo3A_823, %einshape_lo3A_824, %einshape_lo3A_825, %einshape_lo3A_826, %einshape_lo3A_827, %einshape_lo3A_828, %einshape_lo3A_829, %einshape_lo3A_830, %einshape_lo3A_831, %einshape_lo3A_832, %einshape_lo3A_833, %einshape_lo3A_834, %einshape_lo3A_835, %einshape_lo3A_836, %einshape_lo3A_837, %einshape_lo3A_838, %einshape_lo3A_839, %einshape_lo3A_840, %einshape_lo3A_841, %einshape_lo3A_842, %einshape_lo3A_843, %einshape_lo3A_844, %einshape_lo3A_845, %einshape_lo3A_846, %einshape_lo3A_847, %einshape_lo3A_848, %einshape_lo3A_849, %einshape_lo3A_850, %einshape_lo3A_851, %einshape_lo3A_852, %einshape_lo3A_853, %einshape_lo3A_854, %einshape_lo3A_855, %einshape_lo3A_856, %einshape_lo3A_857, %einshape_lo3A_858, %einshape_lo3A_859, %einshape_lo3A_860, %einshape_lo3A_861, %einshape_lo3A_862, %einshape_lo3A_863, %einshape_lo3A_864, %einshape_lo3A_865, %einshape_lo3A_866, %einshape_lo3A_867, %einshape_lo3A_868, %einshape_lo3A_869, %einshape_lo3A_870, %einshape_lo3A_871, %einshape_lo3A_872, %einshape_lo3A_873, %einshape_lo3A_874, %einshape_lo3A_875, %einshape_lo3A_876, %einshape_lo3A_877, %einshape_lo3A_878, %einshape_lo3A_879, %einshape_lo3A_880, %einshape_lo3A_881, %einshape_lo3A_882, %einshape_lo3A_883, %einshape_lo3A_884, %einshape_lo3A_885, %einshape_lo3A_886, %einshape_lo3A_887, %einshape_lo3A_888, %einshape_lo3A_889, %einshape_lo3A_890, %einshape_lo3A_891, %einshape_lo3A_892, %einshape_lo3A_893, %einshape_lo3A_894, %einshape_lo3A_895, %einshape_lo3A_896, %einshape_lo3A_897, %einshape_lo3A_898, %einshape_lo3A_899, %einshape_lo3A_900, %einshape_lo3A_901, %einshape_lo3A_902, %einshape_lo3A_903, %einshape_lo3A_904, %einshape_lo3A_905, %einshape_lo3A_906, %einshape_lo3A_907, %einshape_lo3A_908, %einshape_lo3A_909, %einshape_lo3A_910, %einshape_lo3A_911, %einshape_lo3A_912, %einshape_lo3A_913, %einshape_lo3A_914, %einshape_lo3A_915, %einshape_lo3A_916, %einshape_lo3A_917, %einshape_lo3A_918, %einshape_lo3A_919, %einshape_lo3A_920, %einshape_lo3A_921, %einshape_lo3A_922, %einshape_lo3A_923, %einshape_lo3A_924, %einshape_lo3A_925, %einshape_lo3A_926, %einshape_lo3A_927, %einshape_lo3A_928, %einshape_lo3A_929, %einshape_lo3A_930, %einshape_lo3A_931, %einshape_lo3A_932, %einshape_lo3A_933, %einshape_lo3A_934, %einshape_lo3A_935, %einshape_lo3A_936, %einshape_lo3A_937, %einshape_lo3A_938, %einshape_lo3A_939, %einshape_lo3A_940, %einshape_lo3A_941, %einshape_lo3A_942, %einshape_lo3A_943, %einshape_lo3A_944, %einshape_lo3A_945, %einshape_lo3A_946, %einshape_lo3A_947, %einshape_lo3A_948, %einshape_lo3A_949, %einshape_lo3A_950, %einshape_lo3A_951, %einshape_lo3A_952, %einshape_lo3A_953, %einshape_lo3A_954, %einshape_lo3A_955, %einshape_lo3A_956, %einshape_lo3A_957, %einshape_lo3A_958, %einshape_lo3A_959, %einshape_lo3A_960, %einshape_lo3A_961, %einshape_lo3A_962, %einshape_lo3A_963, %einshape_lo3A_964, %einshape_lo3A_965, %einshape_lo3A_966, %einshape_lo3A_967, %einshape_lo3A_968, %einshape_lo3A_969, %einshape_lo3A_970, %einshape_lo3A_971, %einshape_lo3A_972, %einshape_lo3A_973, %einshape_lo3A_974, %einshape_lo3A_975, %einshape_lo3A_976, %einshape_lo3A_977, %einshape_lo3A_978, %einshape_lo3A_979, %einshape_lo3A_980, %einshape_lo3A_981, %einshape_lo3A_982, %einshape_lo3A_983, %einshape_lo3A_984, %einshape_lo3A_985, %einshape_lo3A_986, %einshape_lo3A_987, %einshape_lo3A_988, %einshape_lo3A_989, %einshape_lo3A_990, %einshape_lo3A_991, %einshape_lo3A_992, %einshape_lo3A_993, %einshape_lo3A_994, %einshape_lo3A_995, %einshape_lo3A_996, %einshape_lo3A_997, %einshape_lo3A_998, %einshape_lo3A_999, %einshape_lo3A_1000, %einshape_lo3A_1001, %einshape_lo3A_1002, %einshape_lo3A_1003, %einshape_lo3A_1004, %einshape_lo3A_1005, %einshape_lo3A_1006, %einshape_lo3A_1007, %einshape_lo3A_1008, %einshape_lo3A_1009, %einshape_lo3A_1010, %einshape_lo3A_1011, %einshape_lo3A_1012, %einshape_lo3A_1013, %einshape_lo3A_1014, %einshape_lo3A_1015, %einshape_lo3A_1016, %einshape_lo3A_1017, %einshape_lo3A_1018, %einshape_lo3A_1019, %einshape_lo3A_1020, %einshape_lo3A_1021, %einshape_lo3A_1022, %einshape_lo3A_1023, %einshape_lo3A_1024, %einshape_lo3A_1025, %einshape_lo3A_1026, %einshape_lo3A_1027, %einshape_lo3A_1028, %einshape_lo3A_1029, %einshape_lo3A_1030, %einshape_lo3A_1031, %einshape_lo3A_1032, %einshape_lo3A_1033, %einshape_lo3A_1034, %einshape_lo3A_1035, %einshape_lo3A_1036, %einshape_lo3A_1037, %einshape_lo3A_1038, %einshape_lo3A_1039, %einshape_lo3A_1040, %einshape_lo3A_1041, %einshape_lo3A_1042, %einshape_lo3A_1043, %einshape_lo3A_1044, %einshape_lo3A_1045, %einshape_lo3A_1046, %einshape_lo3A_1047, %einshape_lo3A_1048, %einshape_lo3A_1049, %einshape_lo3A_1050, %einshape_lo3A_1051, %einshape_lo3A_1052, %einshape_lo3A_1053, %einshape_lo3A_1054, %einshape_lo3A_1055, %einshape_lo3A_1056, %einshape_lo3A_1057, %einshape_lo3A_1058, %einshape_lo3A_1059, %einshape_lo3A_1060, %einshape_lo3A_1061, %einshape_lo3A_1062, %einshape_lo3A_1063, %einshape_lo3A_1064, %einshape_lo3A_1065, %einshape_lo3A_1066, %einshape_lo3A_1067, %einshape_lo3A_1068, %einshape_lo3A_1069, %einshape_lo3A_1070, %einshape_lo3A_1071, %einshape_lo3A_1072, %einshape_lo3A_1073, %einshape_lo3A_1074, %einshape_lo3A_1075, %einshape_lo3A_1076, %einshape_lo3A_1077, %einshape_lo3A_1078, %einshape_lo3A_1079, %einshape_lo3A_1080, %einshape_lo3A_1081, %einshape_lo3A_1082, %einshape_lo3A_1083, %einshape_lo3A_1084, %einshape_lo3A_1085, %einshape_lo3A_1086, %einshape_lo3A_1087, %einshape_lo3A_1088, %einshape_lo3A_1089, %einshape_lo3A_1090, %einshape_lo3A_1091, %einshape_lo3A_1092, %einshape_lo3A_1093, %einshape_lo3A_1094, %einshape_lo3A_1095, %einshape_lo3A_1096, %einshape_lo3A_1097, %einshape_lo3A_1098, %einshape_lo3A_1099, %einshape_lo3A_1100, %einshape_lo3A_1101, %einshape_lo3A_1102, %einshape_lo3A_1103, %einshape_lo3A_1104, %einshape_lo3A_1105, %einshape_lo3A_1106, %einshape_lo3A_1107, %einshape_lo3A_1108, %einshape_lo3A_1109, %einshape_lo3A_1110, %einshape_lo3A_1111, %einshape_lo3A_1112, %einshape_lo3A_1113, %einshape_lo3A_1114, %einshape_lo3A_1115, %einshape_lo3A_1116, %einshape_lo3A_1117, %einshape_lo3A_1118, %einshape_lo3A_1119, %einshape_lo3A_1120, %einshape_lo3A_1121, %einshape_lo3A_1122, %einshape_lo3A_1123, %einshape_lo3A_1124, %einshape_lo3A_1125, %einshape_lo3A_1126, %einshape_lo3A_1127, %einshape_lo3A_1128, %einshape_lo3A_1129, %einshape_lo3A_1130, %einshape_lo3A_1131, %einshape_lo3A_1132, %einshape_lo3A_1133, %einshape_lo3A_1134, %einshape_lo3A_1135, %einshape_lo3A_1136, %einshape_lo3A_1137, %einshape_lo3A_1138, %einshape_lo3A_1139, %einshape_lo3A_1140, %einshape_lo3A_1141, %einshape_lo3A_1142, %einshape_lo3A_1143, %einshape_lo3A_1144, %einshape_lo3A_1145, %einshape_lo3A_1146, %einshape_lo3A_1147, %einshape_lo3A_1148, %einshape_lo3A_1149, %einshape_lo3A_1150, %einshape_lo3A_1151, %einshape_lo3A_1152, %einshape_lo3A_1153, %einshape_lo3A_1154, %einshape_lo3A_1155, %einshape_lo3A_1156, %einshape_lo3A_1157, %einshape_lo3A_1158, %einshape_lo3A_1159, %einshape_lo3A_1160, %einshape_lo3A_1161, %einshape_lo3A_1162, %einshape_lo3A_1163, %einshape_lo3A_1164, %einshape_lo3A_1165, %einshape_lo3A_1166, %einshape_lo3A_1167, %einshape_lo3A_1168, %einshape_lo3A_1169, %einshape_lo3A_1170, %einshape_lo3A_1171, %einshape_lo3A_1172, %einshape_lo3A_1173, %einshape_lo3A_1174, %einshape_lo3A_1175, %einshape_lo3A_1176, %einshape_lo3A_1177, %einshape_lo3A_1178, %einshape_lo3A_1179, %einshape_lo3A_1180, %einshape_lo3A_1181, %einshape_lo3A_1182, %einshape_lo3A_1183, %einshape_lo3A_1184, %einshape_lo3A_1185, %einshape_lo3A_1186, %einshape_lo3A_1187, %einshape_lo3A_1188, %einshape_lo3A_1189, %einshape_lo3A_1190, %einshape_lo3A_1191, %einshape_lo3A_1192, %einshape_lo3A_1193, %einshape_lo3A_1194, %einshape_lo3A_1195, %einshape_lo3A_1196, %einshape_lo3A_1197, %einshape_lo3A_1198, %einshape_lo3A_1199, %einshape_lo3A_1200, %einshape_lo3A_1201, %einshape_lo3A_1202, %einshape_lo3A_1203, %einshape_lo3A_1204, %einshape_lo3A_1205, %einshape_lo3A_1206, %einshape_lo3A_1207, %einshape_lo3A_1208 in 0 : vector<8x128xf32>, vector<8x128xf32>, vector<8x128xf32>, vector<8x128xf32>, vector<8x128xf32>, vector<8x128xf32>, vector<8x128xf32>, vector<8x128xf32>, vector<8x128xf32>, vector<8x128xf32>, vector<8x128xf32>, vector<8x128xf32>, vector<8x128xf32>, vector<8x128xf32>, vector<8x128xf32>, vector<8x128xf32>, vector<8x128xf32>, vector<8x128xf32>, vector<8x128xf32>, vector<8x128xf32>, vector<8x128xf32>, vector<8x128xf32>, vector<8x128xf32>, vector<8x128xf32>, vector<8x128xf32>, vector<8x128xf32>, vector<8x128xf32>, vector<8x128xf32>, vector<8x128xf32>, vector<8x128xf32>, vector<8x128xf32>, vector<8x128xf32>, vector<8x128xf32>, vector<8x128xf32>, vector<8x128xf32>, vector<8x128xf32>, vector<8x128xf32>, vector<8x128xf32>, vector<8x128xf32>, vector<8x128xf32>, vector<8x128xf32>, vector<8x128xf32>, vector<8x128xf32>, vector<8x128xf32>, vector<8x128xf32>, vector<8x128xf32>, vector<8x128xf32>, vector<8x128xf32>, vector<8x128xf32>, vector<8x128xf32>, vector<8x128xf32>, vector<8x128xf32>, vector<8x128xf32>, vector<8x128xf32>, vector<8x128xf32>, vector<8x128xf32>, vector<8x128xf32>, vector<8x128xf32>, vector<8x128xf32>, vector<8x128xf32>, vector<8x128xf32>, vector<8x128xf32>, vector<8x128xf32>, vector<8x128xf32>, vector<8x128xf32>, vector<8x128xf32>, vector<8x128xf32>, vector<8x128xf32>, vector<8x128xf32>, vector<8x128xf32>, vector<8x128xf32>, vector<8x128xf32>, vector<8x128xf32>, vector<8x128xf32>, vector<8x128xf32>, vector<8x128xf32>, vector<8x128xf32>, vector<8x128xf32>, vector<8x128xf32>, vector<8x128xf32>, vector<8x128xf32>, vector<8x128xf32>, vector<8x128xf32>, vector<8x128xf32>, vector<8x128xf32>, vector<8x128xf32>, vector<8x128xf32>, vector<8x128xf32>, vector<8x128xf32>, vector<8x128xf32>, vector<8x128xf32>, vector<8x128xf32>, vector<8x128xf32>, vector<8x128xf32>, vector<8x128xf32>, vector<8x128xf32>, vector<8x128xf32>, vector<8x128xf32>, vector<8x128xf32>, vector<8x128xf32>, vector<8x128xf32>, vector<8x128xf32>, vector<8x128xf32>, vector<8x128xf32>, vector<8x128xf32>, vector<8x128xf32>, vector<8x128xf32>, vector<8x128xf32>, vector<8x128xf32>, vector<8x128xf32>, vector<8x128xf32>, vector<8x128xf32>, vector<8x128xf32>, vector<8x128xf32>, vector<8x128xf32>, vector<8x128xf32>, vector<8x128xf32>, vector<8x128xf32>, vector<8x128xf32>, vector<8x128xf32>, vector<8x128xf32>, vector<8x128xf32>, vector<8x128xf32>, vector<8x128xf32>, vector<8x128xf32>, vector<8x128xf32>, vector<8x128xf32>, vector<8x128xf32>, vector<8x128xf32>, vector<8x128xf32>, vector<8x128xf32>, vector<8x128xf32>, vector<8x128xf32>, vector<8x128xf32>, vector<8x128xf32>, vector<8x128xf32>, vector<8x128xf32>, vector<8x128xf32>, vector<8x128xf32>, vector<8x128xf32>, vector<8x128xf32>, vector<8x128xf32>, vector<8x128xf32>, vector<8x128xf32>, vector<8x128xf32>, vector<8x128xf32>, vector<8x128xf32>, vector<8x128xf32>, vector<8x128xf32>, vector<8x128xf32>, vector<8x128xf32>, vector<8x128xf32>, vector<8x128xf32>, vector<8x128xf32>, vector<8x128xf32>, vector<8x128xf32>, vector<8x128xf32>, vector<8x128xf32>, vector<8x128xf32>, vector<8x128xf32>, vector<8x128xf32>, vector<8x128xf32>, vector<8x128xf32>, vector<8x128xf32>, vector<8x128xf32>, vector<8x128xf32>, vector<8x128xf32>, vector<8x128xf32>, vector<8x128xf32>, vector<8x128xf32>, vector<8x128xf32>, vector<8x128xf32>, vector<8x128xf32>, vector<8x128xf32>, vector<8x128xf32>, vector<8x128xf32>, vector<8x128xf32>, vector<8x128xf32>, vector<8x128xf32>, vector<8x128xf32>, vector<8x128xf32>, vector<8x128xf32>, vector<8x128xf32>, vector<8x128xf32>, vector<8x128xf32>, vector<8x128xf32>, vector<8x128xf32>, vector<8x128xf32>, vector<8x128xf32>, vector<8x128xf32>, vector<8x128xf32>, vector<8x128xf32>, vector<8x128xf32>, vector<8x128xf32>, vector<8x128xf32>, vector<8x128xf32>, vector<8x128xf32>, vector<8x128xf32>, vector<8x128xf32>, vector<8x128xf32>, vector<8x128xf32>, vector<8x128xf32>, vector<8x128xf32>, vector<8x128xf32>, vector<8x128xf32>, vector<8x128xf32>, vector<8x128xf32>, vector<8x128xf32>, vector<8x128xf32>, vector<8x128xf32>, vector<8x128xf32>, vector<8x128xf32>, vector<8x128xf32>, vector<8x128xf32>, vector<8x128xf32>, vector<8x128xf32>, vector<8x128xf32>, vector<8x128xf32>, vector<8x128xf32>, vector<8x128xf32>, vector<8x128xf32>, vector<8x128xf32>, vector<8x128xf32>, vector<8x128xf32>, vector<8x128xf32>, vector<8x128xf32>, vector<8x128xf32>, vector<8x128xf32>, vector<8x128xf32>, vector<8x128xf32>, vector<8x128xf32>, vector<8x128xf32>, vector<8x128xf32>, vector<8x128xf32>, vector<8x128xf32>, vector<8x128xf32>, vector<8x128xf32>, vector<8x128xf32>, vector<8x128xf32>, vector<8x128xf32>, vector<8x128xf32>, vector<8x128xf32>, vector<8x128xf32>, vector<8x128xf32>, vector<8x128xf32>, vector<8x128xf32>, vector<8x128xf32>, vector<8x128xf32>, vector<8x128xf32>, vector<8x128xf32>, vector<8x128xf32>, vector<8x128xf32>, vector<8x128xf32>, vector<8x128xf32>, vector<8x128xf32>, vector<8x128xf32>, vector<8x128xf32>, vector<8x128xf32>, vector<8x128xf32>, vector<8x128xf32>, vector<8x128xf32>, vector<8x128xf32>, vector<8x128xf32>, vector<8x128xf32>, vector<8x128xf32>, vector<8x128xf32>, vector<8x128xf32>, vector<8x128xf32>, vector<8x128xf32>, vector<8x128xf32>, vector<8x128xf32>, vector<8x128xf32>, vector<8x128xf32>, vector<8x128xf32>, vector<8x128xf32>, vector<8x128xf32>, vector<8x128xf32>, vector<8x128xf32>, vector<8x128xf32>, vector<8x128xf32>, vector<8x128xf32>, vector<8x128xf32>, vector<8x128xf32>, vector<8x128xf32>, vector<8x128xf32>, vector<8x128xf32>, vector<8x128xf32>, vector<8x128xf32>, vector<8x128xf32>, vector<8x128xf32>, vector<8x128xf32>, vector<8x128xf32>, vector<8x128xf32>, vector<8x128xf32>, vector<8x128xf32>, vector<8x128xf32>, vector<8x128xf32>, vector<8x128xf32>, vector<8x128xf32>, vector<8x128xf32>, vector<8x128xf32>, vector<8x128xf32>, vector<8x128xf32>, vector<8x128xf32>, vector<8x128xf32>, vector<8x128xf32>, vector<8x128xf32>, vector<8x128xf32>, vector<8x128xf32>, vector<8x128xf32>, vector<8x128xf32>, vector<8x128xf32>, vector<8x128xf32>, vector<8x128xf32>, vector<8x128xf32>, vector<8x128xf32>, vector<8x128xf32>, vector<8x128xf32>, vector<8x128xf32>, vector<8x128xf32>, vector<8x128xf32>, vector<8x128xf32>, vector<8x128xf32>, vector<8x128xf32>, vector<8x128xf32>, vector<8x128xf32>, vector<8x128xf32>, vector<8x128xf32>, vector<8x128xf32>, vector<8x128xf32>, vector<8x128xf32>, vector<8x128xf32>, vector<8x128xf32>, vector<8x128xf32>, vector<8x128xf32>, vector<8x128xf32>, vector<8x128xf32>, vector<8x128xf32>, vector<8x128xf32>, vector<8x128xf32>, vector<8x128xf32>, vector<8x128xf32>, vector<8x128xf32>, vector<8x128xf32>, vector<8x128xf32>, vector<8x128xf32>, vector<8x128xf32>, vector<8x128xf32>, vector<8x128xf32>, vector<8x128xf32>, vector<8x128xf32>, vector<8x128xf32>, vector<8x128xf32>, vector<8x128xf32>, vector<8x128xf32>, vector<8x128xf32>, vector<8x128xf32>, vector<8x128xf32>, vector<8x128xf32>, vector<8x128xf32>, vector<8x128xf32>, vector<8x128xf32>, vector<8x128xf32>, vector<8x128xf32>, vector<8x128xf32>, vector<8x128xf32>, vector<8x128xf32>, vector<8x128xf32>, vector<8x128xf32>, vector<8x128xf32>, vector<8x128xf32>, vector<8x128xf32>, vector<8x128xf32>, vector<8x128xf32>, vector<8x128xf32>, vector<8x128xf32>, vector<8x128xf32>, vector<8x128xf32>, vector<8x128xf32>, vector<8x128xf32>, vector<8x128xf32>, vector<8x128xf32>, vector<8x128xf32>, vector<8x128xf32>, vector<8x128xf32>, vector<8x128xf32>, vector<8x128xf32>, vector<8x128xf32>, vector<8x128xf32>, vector<8x128xf32>, vector<8x128xf32>, vector<8x128xf32>, vector<8x128xf32>, vector<8x128xf32>, vector<8x128xf32>, vector<8x128xf32>, vector<8x128xf32>, vector<8x128xf32>, vector<8x128xf32>, vector<8x128xf32>, vector<8x128xf32>, vector<8x128xf32>, vector<8x128xf32>, vector<8x128xf32>, vector<8x128xf32>, vector<8x128xf32>, vector<8x128xf32>, vector<8x128xf32>, vector<8x128xf32>, vector<8x128xf32>, vector<8x128xf32>, vector<8x128xf32>, vector<8x128xf32>, vector<8x128xf32>, vector<8x128xf32>, vector<8x128xf32>, vector<8x128xf32>, vector<8x128xf32>, vector<8x128xf32>, vector<8x128xf32>, vector<8x128xf32>, vector<8x128xf32>, vector<8x128xf32>, vector<8x128xf32>, vector<8x128xf32>, vector<8x128xf32>, vector<8x128xf32>, vector<8x128xf32>, vector<8x128xf32>, vector<8x128xf32>, vector<8x128xf32>, vector<8x128xf32>, vector<8x128xf32>, vector<8x128xf32>, vector<8x128xf32>, vector<8x128xf32>, vector<8x128xf32>, vector<8x128xf32>, vector<8x128xf32>, vector<8x128xf32>, vector<8x128xf32>, vector<8x128xf32>, vector<8x128xf32>, vector<8x128xf32>, vector<8x128xf32>, vector<8x128xf32>, vector<8x128xf32>, vector<8x128xf32>, vector<8x128xf32>, vector<8x128xf32>, vector<8x128xf32>, vector<8x128xf32>, vector<8x128xf32>, vector<8x128xf32>, vector<8x128xf32>, vector<8x128xf32>, vector<8x128xf32>, vector<8x128xf32>, vector<8x128xf32>, vector<8x128xf32>, vector<8x128xf32>, vector<8x128xf32>, vector<8x128xf32>, vector<8x128xf32>, vector<8x128xf32>, vector<8x128xf32>, vector<8x128xf32>, vector<8x128xf32>, vector<8x128xf32>, vector<8x128xf32>, vector<8x128xf32>, vector<8x128xf32>, vector<8x128xf32>, vector<8x128xf32>, vector<8x128xf32>, vector<8x128xf32>, vector<8x128xf32>, vector<8x128xf32>, vector<8x128xf32>, vector<8x128xf32>, vector<8x128xf32>, vector<8x128xf32>, vector<8x128xf32>, vector<8x128xf32>, vector<8x128xf32>, vector<8x128xf32>, vector<8x128xf32>, vector<8x128xf32>, vector<8x128xf32>, vector<8x128xf32>, vector<8x128xf32>, vector<8x128xf32>, vector<8x128xf32>, vector<8x128xf32>, vector<8x128xf32>, vector<8x128xf32>, vector<8x128xf32>, vector<8x128xf32>, vector<8x128xf32>, vector<8x128xf32>, vector<8x128xf32>, vector<8x128xf32>, vector<8x128xf32>, vector<8x128xf32>, vector<8x128xf32>, vector<8x128xf32>, vector<8x128xf32>, vector<8x128xf32>, vector<8x128xf32>, vector<8x128xf32>, vector<8x128xf32>, vector<8x128xf32>, vector<8x128xf32>, vector<8x128xf32>, vector<8x128xf32>, vector<8x128xf32>, vector<8x128xf32>, vector<8x128xf32>, vector<8x128xf32>, vector<8x128xf32>, vector<8x128xf32>, vector<8x128xf32>, vector<8x128xf32>, vector<8x128xf32>, vector<8x128xf32>, vector<8x128xf32>, vector<8x128xf32>, vector<8x128xf32>, vector<8x128xf32>, vector<8x128xf32>, vector<8x128xf32>, vector<8x128xf32>, vector<8x128xf32>, vector<8x128xf32>, vector<8x128xf32>, vector<8x128xf32>, vector<8x128xf32>, vector<8x128xf32>, vector<8x128xf32>, vector<8x128xf32>, vector<8x128xf32>, vector<8x128xf32>, vector<8x128xf32>, vector<8x128xf32>, vector<8x128xf32>, vector<8x128xf32>, vector<8x128xf32>, vector<8x128xf32>, vector<8x128xf32>, vector<8x128xf32>, vector<8x128xf32>, vector<8x128xf32>, vector<8x128xf32>, vector<8x128xf32>, vector<8x128xf32>, vector<8x128xf32>, vector<8x128xf32>, vector<8x128xf32>, vector<8x128xf32>, vector<8x128xf32>, vector<8x128xf32>, vector<8x128xf32>, vector<8x128xf32>, vector<8x128xf32>, vector<8x128xf32>, vector<8x128xf32>, vector<8x128xf32>, vector<8x128xf32>, vector<8x128xf32>, vector<8x128xf32>, vector<8x128xf32>, vector<8x128xf32>, vector<8x128xf32>, vector<8x128xf32>, vector<8x128xf32>, vector<8x128xf32>, vector<8x128xf32>, vector<8x128xf32>, vector<8x128xf32>, vector<8x128xf32>, vector<8x128xf32>, vector<8x128xf32>, vector<8x128xf32>, vector<8x128xf32>, vector<8x128xf32>, vector<8x128xf32>, vector<8x128xf32>, vector<8x128xf32>, vector<8x128xf32>, vector<8x128xf32>, vector<8x128xf32>, vector<8x128xf32>, vector<8x128xf32>, vector<8x128xf32>, vector<8x128xf32>, vector<8x128xf32>, vector<8x128xf32>, vector<8x128xf32>, vector<8x128xf32>, vector<8x128xf32>, vector<8x128xf32> -> vector<4808x128xf32>
    %swap3A_1210 = arith.constant 0 : index
    %swap3A_1211 = arith.constant 0 : index
    %swap3A_1212 = vector.load %arg5[%swap3A_1210, %swap3A_1211] : memref<4808x128xf32, #tpu.memory_space<vmem>>, vector<4808x128xf32>
    tpu.vector_store %arg5[%swap3A_1210, %swap3A_1211], %einshape_lo3A_1209 {strides = array<i32>} : memref<4808x128xf32, #tpu.memory_space<vmem>>, vector<4808x128xf32>,
    return
  }
  func.func @transform_0(%arg0: i32, %arg1: i32) -> (i32, i32) {
    %c0_i32 = arith.constant 0 : i32
    return %arg0, %arg1 : i32, i32
  }
  func.func @transform_1(%arg0: i32, %arg1: i32) -> (i32, i32) {
    %c0_i32 = arith.constant 0 : i32
    return %arg0, %arg1 : i32, i32
  }
  func.func @transform_2(%arg0: i32, %arg1: i32) -> (i32, i32) {
    %mul3A = arith.constant 13 : i32
    %mul3A_0 = arith.muli %arg0, %mul3A : i32
    %add3A = arith.addi %mul3A_0, %arg1 : i32
    %c0_i32 = arith.constant 0 : i32
    %c0_i32_1 = arith.constant 0 : i32
    return %add3A, %c0_i32 : i32, i32
  }
  func.func @transform_3(%arg0: i32, %arg1: i32) -> (i32, i32) {
    %mul3A = arith.constant 13 : i32
    %mul3A_0 = arith.muli %arg0, %mul3A : i32
    %add3A = arith.addi %mul3A_0, %arg1 : i32
    %c0_i32 = arith.constant 0 : i32
    %c0_i32_1 = arith.constant 0 : i32
    return %add3A, %c0_i32 : i32, i32
  }
}

</mosaic_0001>

<sc_bundles>
// kernel: kernel.4.cloned.1.call-start
scs
__scs_entry_jumppad:
0x0: {  	(pc) =	sbr.rel $0x88, $3  }
0x1: {  	(tag) =	ssettag $0x0;
	lr =	simm.s32 $0x1  }
0x2: {  	[smem:$0x3F9E] =	sst lr;
	_ =	strace $0xD0000000  }
0x3: {  	_ = 	snop  }
0x4: {  	_ = 	snop  }
0x5: {  	_ = 	snop  }
0x6: {  	_ = 	snop  }
0x7: {  	_ = 	snop  }
__scs_overlays_trampoline_lowered:
0x8: {  	[smem:$0x3FAD] =	sst s0  }
0x9: {  	[smem:$0x3FAE] =	sst s1  }
0xa: {  	[smem:$0x3FAF] =	sst s2  }
0xb: {  	[smem:$0x3FB0] =	sst s3  }
0xc: {  	[smem:$0x3FB1] =	sst s4  }
0xd: {  	[smem:$0x3FB2] =	sst s5  }
0xe: {  	[smem:$0x3FB3] =	sst s6  }
0xf: {  	[smem:$0x3FB4] =	sst s7  }
0x10: {  	[smem:$0x3FB5] =	sst s8  }
0x11: {  	[smem:$0x3FB6] =	sst s9;
	s0 =	simm.s32 @!p0 $0x0  }
0x12: {  	s1 =	sld [smem:$0x3F9C];
	s0 =	simm.s32 @p0 $0x1  }
0x13: {  	[smem:$0x3FB7] =	sst s0;
	s0 =	simm.s32 @!p1 $0x0  }
0x14: {  	s2 =	sld [smem:$0x3F9B];
	s0 =	simm.s32 @p1 $0x1  }
0x15: {  	[smem:$0x3FB8] =	sst s0;
	s0 =	simm.s32 @!p2 $0x0  }
0x16: {  	s3 =	sld [smem:$0x3FDB];
	s0 =	simm.s32 @p2 $0x1  }
0x17: {  	s4 =	simm.s32 $0x1BF5;
	[smem:$0x3FBA] =	sst s0  }
0x18: {  	s0 =	sld [smem:$0x3F9D];
	_ =	swait.ge [sflag:s4], $0x0  }
0x19: {  	s7 =	sld [smem:$0x3F9E]  }
0x1a: {  	s8 =	sadd.s32 $0xFFFFE003, lr  }
0x1b: {  	s9 =	sadd.s32 $0xFFFFFEF7, lr;
	s5 =	simm.s32 $0xFFFFFFFF;
	p2 =	slt.u32 s8, $0xFFFFF086  }
0x1c: {  	p1 =	slt.u32 s9, $0xF7A;
	s5 =	simm.s32 @!p2 $0x0  }
0x1d: {  	s5 =	simm.s32 @p1 $0x1;
	p0 =	seq.s32 s7, s2  }
0x1e: {  	s7 =	smul.u32 @!p0 $0xF7A, s2;
	p2 =	seq.s32 @!p0 s5, $0x0  }
0x1f: {  	s9 =	smul.u32 $0xF7A, s1;
	s8 =	simm.s32 @!p0 $0x1BF5;
	p2 =	por !p2, p0  }
0x20: {  	[sflag:s8] =	ssyncset.s32 @!p0 $0xFFFFF086;
	s6 =	sadd.s32 @!p0 s3, s7;
	s7 =	simm.s32 @!p0 $0x108  }
0x21: {  	s3 =	sadd.s32 s3, s9;
	s6 =	sadd.s32 @!p0 $0x88, s6;
	s7 =	simm.s32 @p2 $0x1082  }
0x22: {  	[simem:s7], [sflag:s8] =	dma.local @!p0 [hbm:s6], $0xF7A  }
0x23: {  	s9 =	sor.u32 $0xD0000000, s2;
	s6 =	simm.s32 $0x108;
	_ =	swait.ge @!p0 [sflag:s8], $0x0  }
0x24: {  	s3 =	sadd.s32 $0x88, s3;
	s6 =	simm.s32 @!p1 $0x1082;
	[sflag:s4] =	ssyncset.s32 $0xFFFFF086  }
0x25: {  	[simem:s6], [sflag:s4] =	dma.local [hbm:s3], $0xF7A  }
0x26: {  	[smem:$0x3F9E] =	sst s1;
	(tag) =	ssettag s2;
	_ =	strace s9  }
0x27: {  	s1 =	sld [smem:$0x3FAE]  }
0x28: {  	s2 =	sld [smem:$0x3FAF]  }
0x29: {  	s4 =	sld [smem:$0x3FB1]  }
0x2a: {  	p0 =	seq.s32 s5, $0x0;
	s5 =	sld [smem:$0x3FB2]  }
0x2b: {  	s6 =	sld [smem:$0x3FB3]  }
0x2c: {  	s7 =	sld [smem:$0x3FB4]  }
0x2d: {  	s3 =	simm.s32 $0x108;
	s8 =	sld [smem:$0x3FB5]  }
0x2e: {  	s3 =	simm.s32 @!p0 $0x1082;
	s9 =	sld [smem:$0x3FB6]  }
0x2f: {  	lr =	sadd.s32 s0, s3;
	s0 =	sld [smem:$0x3FAD]  }
0x30: {  	s3 =	sld [smem:$0x3FB0]  }
0x31: {  	[smem:$0x3FB9] =	sst s10  }
0x32: {  	s10 =	sld [smem:$0x3FB7];
	_ =	sdelay $0x3  }
0x33: {  	p0 =	seq.s32 s10, $0x1;
	s10 =	sld [smem:$0x3FB9];
	_ =	sdelay $0x3  }
0x34: {  	[smem:$0x3FB9] =	sst s10  }
0x35: {  	s10 =	sld [smem:$0x3FB8];
	_ =	sdelay $0x3  }
0x36: {  	p1 =	seq.s32 s10, $0x1;
	s10 =	sld [smem:$0x3FB9];
	_ =	sdelay $0x3  }
0x37: {  	[smem:$0x3FB9] =	sst s10  }
0x38: {  	s10 =	sld [smem:$0x3FBA]  }
0x39: {  	_ = 	snop;
	(pc) =	sbr.ind lr, $3  }
0x3a: {  	_ = 	snop  }
0x3b: {  	_ = 	snop  }
0x3c: {  	p2 =	seq.s32 s10, $0x1;
	s10 =	sld [smem:$0x3FB9]  }
0x3d: {  	_ =	shalt  }
0x3e: {  	_ =	shalt  }
0x3f: {  	_ =	shalt  }
0x40: {  	_ =	shalt  }
0x41: {  	_ =	shalt  }
0x42: {  	_ =	shalt  }
0x43: {  	_ =	shalt  }
0x44: {  	_ =	shalt  }
0x45: {  	_ =	shalt  }
0x46: {  	_ =	shalt  }
0x47: {  	_ =	shalt  }
0x48: {  	_ =	shalt  }
0x49: {  	_ =	shalt  }
0x4a: {  	_ =	shalt  }
0x4b: {  	_ =	shalt  }
0x4c: {  	_ =	shalt  }
0x4d: {  	_ =	shalt  }
0x4e: {  	_ =	shalt  }
0x4f: {  	_ =	shalt  }
0x50: {  	_ =	shalt  }
0x51: {  	_ =	shalt  }
0x52: {  	_ =	shalt  }
0x53: {  	_ =	shalt  }
0x54: {  	_ =	shalt  }
0x55: {  	_ =	shalt  }
0x56: {  	_ =	shalt  }
0x57: {  	_ =	shalt  }
0x58: {  	_ =	shalt  }
0x59: {  	_ =	shalt  }
0x5a: {  	_ =	shalt  }
0x5b: {  	_ =	shalt  }
0x5c: {  	_ =	shalt  }
0x5d: {  	_ =	shalt  }
0x5e: {  	_ =	shalt  }
0x5f: {  	_ =	shalt  }
0x60: {  	_ =	shalt  }
0x61: {  	_ =	shalt  }
0x62: {  	_ =	shalt  }
0x63: {  	_ =	shalt  }
0x64: {  	_ =	shalt  }
0x65: {  	_ =	shalt  }
0x66: {  	_ =	shalt  }
0x67: {  	_ =	shalt  }
0x68: {  	_ =	shalt  }
0x69: {  	_ =	shalt  }
0x6a: {  	_ =	shalt  }
0x6b: {  	_ =	shalt  }
0x6c: {  	_ =	shalt  }
0x6d: {  	_ =	shalt  }
0x6e: {  	_ =	shalt  }
0x6f: {  	_ =	shalt  }
0x70: {  	_ =	shalt  }
0x71: {  	_ =	shalt  }
0x72: {  	_ =	shalt  }
0x73: {  	_ =	shalt  }
0x74: {  	_ =	shalt  }
0x75: {  	_ =	shalt  }
0x76: {  	_ =	shalt  }
0x77: {  	_ =	shalt  }
0x78: {  	_ =	shalt  }
0x79: {  	_ =	shalt  }
0x7a: {  	_ =	shalt  }
0x7b: {  	_ =	shalt  }
0x7c: {  	_ =	shalt  }
0x7d: {  	_ =	shalt  }
0x7e: {  	_ =	shalt  }
0x7f: {  	_ =	shalt  }
0x80: {  	_ =	shalt  }
0x81: {  	_ =	shalt  }
0x82: {  	_ =	shalt  }
0x83: {  	_ =	shalt  }
0x84: {  	_ =	shalt  }
0x85: {  	_ =	shalt  }
0x86: {  	_ =	shalt  }
0x87: {  	_ =	shalt  }
.Lfunc_end0:
.L_simem_size_0:
called_computation_lowered:
.L_overlay_start_0:
0x88: {  	s2 =	sld [smem:$0x3FD9]  }
0x89: {  	s3 =	sld [smem:$0x3FFE];
	_ =	sdelay $0x1  }
0x8a: {  	s1 =	srdreg.scid  }
0x8b: {  	s0 =	sand.u32 $0x1, s1  }
0x8c: {  	s17 =	sshll.u32 s0, $0xA;
	s2 =	sadd.s32 s3, s2  }
0x8d: {  	s2 =	sadd.s32 s2, s17  }
0x8e: {  	[smem:$0x3FC5] =	sst s2  }
0x8f: {  	_ = 	snop  }
0x90: {  	s2 =	sld [smem:$0x3FD0];
	(tm) =	ssettm $0x1  }
0x91: {  	s18 =	sld [smem:$0x3FFB];
	_ =	sdelay $0x3  }
0x92: {  	_ =	strace s18  }
0x93: {  	s3 =	sld [smem:$0x3FFC];
	_ =	sdelay $0x3  }
0x94: {  	_ =	strace s3  }
0x95: {  	s3 =	sld [smem:$0x3FFD];
	_ =	sdelay $0x3  }
0x96: {  	_ =	strace s3  }
0x97: {  	_ =	strace $0x8FFFFFFF  }
0x98: {  	s19 =	sld [smem:$0x3FDB];
	_ =	sdelay $0x1  }
0x99: {  	s4 =	simm.s32 $_scs_section_size  }
0x9a: {  	s5 =	simm.s32 $_size__tile_overlayer_lowered;
	s6 =	simm.s32 $_tile_overlayer_lowered  }
0x9b: {  	s22 =	simm.s32 $0x1BFF;
	s21 =	sshll.u32 s6, $0x1;
	s3 =	sadd.s32 s4, s19  }
0x9c: {  	s7 =	simm.s32 $0x0;
	s20 =	sshll.u32 s5, $0x1;
	s5 =	sadd.s32 s21, s3  }
0x9d: {  	[timem:s7], [sflag:s22] =	dma.local [hbm:s5], s20  }
0x9e: {  	_ =	swait.ge [sflag:s22], s20  }
0x9f: {  	s4 =	ssub.s32 $0x0, s20;
	[sflag:s22] =	ssyncset.done $0x0  }
0xa0: {  	[sflag:s22] =	ssyncadd.s32 s4;
	_ =	sdelay $0x1  }
0xa1: {  	s23 =	simm.s32 $0x1B8B  }
0xa2: {  	_ =	swait.ge [sflag:s23], $0x1  }
0xa3: {  	[sflag:s23] =	ssyncset.done $0x0  }
0xa4: {  	s25 =	simm.s32 $0x1B8E;
	s24 =	sld [smem:$0x3FFE];
	[sflag:s23] =	ssyncadd.s32 $0xFFFFFFFF  }
0xa5: {  	s26 =	simm.s32 $execute0_lowered;
	[smem:$0x3FD2] =	sst s25  }
0xa6: {  	s5 =	sshll.u32 s26, $0x1;
	_ =	strace $0x80000046;
	[dreg:$0x1] =	wrdreg $0xFFFFFFFF  }
0xa7: {  	s28 =	simm.s32 $_size_execute0_lowered;
	s3 =	sadd.s32 s3, s5;
	[dreg:$0x0] =	wrdreg $0x0  }
0xa8: {  	s5 =	sshll.u32 s28, $0x1;
	[dreg:$0x2] =	wrdreg s3  }
0xa9: {  	[dreg:$0x3] =	wrdreg s5  }
0xaa: {  	[dreg:$0x4] =	wrdreg $0xC0  }
0xab: {  	_ =	task [dreg:s7], $0x5FFFF  }
0xac: {  	[dreg:$0x1] =	wrdreg $0xFFFFFFFF  }
0xad: {  	[dreg:$0x0] =	wrdreg $0x60  }
0xae: {  	[dreg:$0x2] =	wrdreg s24  }
0xaf: {  	[dreg:$0x3] =	wrdreg s2  }
0xb0: {  	[dreg:$0x4] =	wrdreg $0x9  }
0xb1: {  	_ =	task.clear_ibuf [dreg:s7], $0x5FFFF;
	_ =	strace $0x90000046  }
0xb2: {  	s29 =	simm.s32 $0x9;
	_ =	strace $0x80000048  }
0xb3: {  	_ =	swait.ge [sflag:s29], $0x1  }
0xb4: {  	[sflag:s29] =	ssyncadd.s32 $0xFFFFFFFF  }
0xb5: {  	_ =	strace $0x90000048  }
0xb6: {  	_ =	sfence  }
0xb7: {  	s30 =	sld [smem:$0x0];
	_ =	sdelay $0x2  }
0xb8: {  	s31 =	sshll.u32 s1, $0xD;
	s1 =	sshrl.u32 s1, $0x2  }
0xb9: {  	s3 =	sand.u32 $0x4000, s31;
	s1 =	sadd.s32 s1, s30  }
0xba: {  	s0 =	sor.u32 s3, s0;
	s1 =	sshll.u32 s1, $0x11  }
0xbb: {  	s0 =	sor.u32 s1, s0  }
0xbc: {  	s0 =	sadd.s32 $0x8F2B, s0  }
0xbd: {  	[sflag:s0] =	ssyncadd.remote.s32 $0x1  }
0xbe: {  	_ =	sfence.sel $0xFFFF  }
0xbf: {  	[dreg:$0x0] =	wrdreg $0xFFFFFFFF;
	(pc) =	sbr.abs _section_cstart, $3  }
0xc0: {  	[dreg:$0x1] =	wrdreg $0xFFFFFFFF  }
0xc1: {  	_ =	task.clear_ibuf [dreg:s7], $0x2FFFF;
	_ =	strace $0x9FFFFFFF  }
0xc2: {  	(tm) =	ssettm $0x7FFFFFFF  }
0xc3: {  	_ =	shalt  }
tec
execute0_lowered:
.L_overlay_start_1:
0x0: {  	(tag) =	ssettag $0x1  }
0x1: {  	s4 =	rddreg [dreg:$0x0]  }
0x2: {  	s9 =	rddreg [dreg:$0x1];
	s2 =	srdreg.scid  }
0x3: {  	s0 =	rddreg [dreg:$0x2];
	s1 =	stileid.u32;
	s12 =	simm.s32 $0x200  }
0x4: {  	s13 =	simm.s32 $0x2000;
	s14 =	simm.s32 $0x400;
	s15 =	simm.s32 $0x4400  }
0x5: {  	s16 =	simm.s32 $0x2400;
	s17 =	simm.s32 $0x6400;
	s18 =	simm.s32 $0x8400  }
0x6: {  	s19 =	simm.s32 $0x8600;
	s20 =	simm.s32 $0x1;
	s21 =	simm.s32 $0x8800  }
0x7: {  	s22 =	simm.s32 $0x0;
	s3 =	sand.u32 $0x1, s2;
	s2 =	simm.s32 $0x0  }
0x8: {  	s5 =	sshll.u32 s1, $0x7;
	s6 =	sshll.u32 s3, $0x6;
	[smem:$0x7FF] =	sst s2  }
0x9: {  	s30 =	ssub.s32 $0x2, s3;
	s3 =	sadd.s32 $0x2800, s4;
	s10 =	sor.u32 s6, s5  }
0xa: {  	_ =	strace $0x80000047;
	s31 =	sshrl.u32 s30, $0x1;
	s8 =	sadd.s32 s10, s4  }
0xb: {  	s4 =	sadd.s32 $0x1EAE00, s4;
	s11 =	ssub.s32 s30, s31;
	s9 =	sadd.s32 s9, s10  }
0xc: {  	s5 =	sadd.s32 $0x2000, s8;
	s6 =	sadd.s32 $0x1800, s8;
	s7 =	sadd.s32 $0x1000, s8  }
0xd: {  	s8 =	sadd.s32 $0x800, s8;
	s10 =	smax.u32 s11, $0x1;
	s11 =	simm.s32 $0x2  }
.LBB2_1:
0xe: {  	[tilespmem:s2], [sflag:$0x2] =	stream.linear.gather [hbm4b:s5+s2], $0x200, $0x38;
	[tilespmem:$0x8A00] =	vst v63  }
0xf: {  	_ =	swait.ge [sflag:s11], $0x200  }
0x10: {  	[sflag:s11] =	ssyncset.done $0x0  }
0x11: {  	[sflag:s11] =	ssyncadd.s32 $0xFFFFFE00  }
0x12: {  	[tilespmem:s12], [sflag:$0x2] =	stream.linear.gather [hbm4b:s6+s2], $0x200, $0x38;
	[tilespmem:$0x8A00] =	vst v63  }
0x13: {  	_ =	swait.ge [sflag:s11], $0x200  }
0x14: {  	[sflag:s11] =	ssyncset.done $0x0  }
0x15: {  	[sflag:s11] =	ssyncadd.s32 $0xFFFFFE00  }
0x16: {  	v0 =	vld [tilespmem:s2+$0x0];
	_ =	sdelay $0x4  }
0x17: {  	v1 =	vshll.u32 v0, $0x3  }
0x18: {  	v0 =	vand.u32 $0x7F, v0;
	v1 =	vand.u32 $0xFFFFFC00, v1  }
0x19: {  	v0 =	vor.u32 v0, v1  }
0x1a: {  	s24 =	sand.u32 $0x1F0, s2;
	[tilespmem:s14+$0x0] =	vst v0;
	v1 =	vor.u32 $0x100, v0  }
0x1b: {  	v2 =	vor.u32 $0x80, v0;
	[tilespmem:s24+$0x800] =	vst v1  }
0x1c: {  	v1 =	vor.u32 $0x180, v0;
	[tilespmem:s24+$0x600] =	vst v2  }
0x1d: {  	v2 =	vor.u32 $0x200, v0;
	[tilespmem:s24+$0xA00] =	vst v1  }
0x1e: {  	v1 =	vor.u32 $0x280, v0;
	[tilespmem:s24+$0xC00] =	vst v2  }
0x1f: {  	v2 =	vor.u32 $0x300, v0;
	[tilespmem:s24+$0xE00] =	vst v1  }
0x20: {  	v1 =	vor.u32 $0x380, v0;
	[tilespmem:s24+$0x1000] =	vst v2  }
0x21: {  	v2 =	vadd.s32 $0x7A1400, v0;
	[tilespmem:s24+$0x1200] =	vst v1  }
0x22: {  	v1 =	vadd.s32 $0x7A1480, v0;
	[tilespmem:s24+$0x1400] =	vst v2  }
0x23: {  	v2 =	vadd.s32 $0x7A1500, v0;
	[tilespmem:s24+$0x1600] =	vst v1  }
0x24: {  	v1 =	vadd.s32 $0x7A1580, v0;
	[tilespmem:s24+$0x1800] =	vst v2  }
0x25: {  	v2 =	vadd.s32 $0x7A1600, v0;
	[tilespmem:s24+$0x1A00] =	vst v1  }
0x26: {  	v1 =	vadd.s32 $0x7A1680, v0;
	[tilespmem:s24+$0x1C00] =	vst v2  }
0x27: {  	v2 =	vadd.s32 $0x7A1700, v0;
	[tilespmem:s24+$0x1E00] =	vst v1  }
0x28: {  	v0 =	vadd.s32 $0x7A1780, v0;
	[tilespmem:s24+$0x2000] =	vst v2  }
0x29: {  	s23 =	simm.s32 $0x10;
	[tilespmem:s24+$0x2200] =	vst v0  }
0x2a: {  	s25 =	simm.s32 $0x20;
	s26 =	simm.s32 $0x10;
	s24 =	simm.s32 $0x400;
	v0 =	vld [tilespmem:s23+$0x0]  }
.LBB2_2:
0x2b: {  	p0 =	sne.s32 s25, $0x1F0;
	_ =	sdelay $0x3  }
0x2c: {  	v1 =	vshll.u32 v0, $0x3  }
0x2d: {  	v0 =	vand.u32 $0x7F, v0;
	v1 =	vand.u32 $0xFFFFFC00, v1  }
0x2e: {  	s24 =	sadd.s32 $0x10, s24;
	v0 =	vor.u32 v0, v1  }
0x2f: {  	s28 =	sand.u32 $0x1F0, s23;
	s23 =	smov.u32 s25;
	[tilespmem:s24+$0x0] =	vst v0;
	v1 =	vor.u32 $0x80, v0;
	v2 =	vor.u32 $0x100, v0;
	v3 =	vor.u32 $0x180, v0  }
0x30: {  	v4 =	vor.u32 $0x280, v0;
	v5 =	vor.u32 $0x300, v0;
	[tilespmem:s28+$0x800] =	vst v2;
	v2 =	vor.u32 $0x200, v0  }
0x31: {  	v6 =	vadd.s32 $0x7A1400, v0;
	v7 =	vadd.s32 $0x7A1480, v0;
	[tilespmem:s28+$0x600] =	vst v1;
	v1 =	vor.u32 $0x380, v0  }
0x32: {  	v8 =	vadd.s32 $0x7A1580, v0;
	[tilespmem:s28+$0xA00] =	vst v3;
	v3 =	vadd.s32 $0x7A1500, v0  }
0x33: {  	v9 =	vadd.s32 $0x7A1680, v0;
	[tilespmem:s28+$0xC00] =	vst v2;
	v2 =	vadd.s32 $0x7A1600, v0  }
0x34: {  	[tilespmem:s28+$0xE00] =	vst v4;
	v4 =	vadd.s32 $0x7A1700, v0;
	v0 =	vadd.s32 $0x7A1780, v0  }
0x35: {  	[tilespmem:s28+$0x1000] =	vst v5  }
0x36: {  	[tilespmem:s28+$0x1200] =	vst v1  }
0x37: {  	[tilespmem:s28+$0x1400] =	vst v6  }
0x38: {  	[tilespmem:s28+$0x1600] =	vst v7  }
0x39: {  	[tilespmem:s28+$0x1800] =	vst v3  }
0x3a: {  	[tilespmem:s28+$0x1A00] =	vst v8  }
.Ltmp0:
0x3b: {  	[tilespmem:s28+$0x1C00] =	vst v2;
	(pc) =	sbr.rel @p0 .LBB2_2-.Ltmp0, $4  }
0x3c: {  	[tilespmem:s28+$0x1E00] =	vst v9  }
0x3d: {  	[tilespmem:s28+$0x2000] =	vst v4  }
0x3e: {  	s26 =	sadd.s32 $0x10, s26;
	[tilespmem:s28+$0x2200] =	vst v0  }
0x3f: {  	s25 =	sadd.s32 $0x10, s25;
	v0 =	vld [tilespmem:s26+$0x0]  }
0x40: {  	_ =	sdelay $0x3  }
0x41: {  	v1 =	vshll.u32 v0, $0x3  }
0x42: {  	v0 =	vand.u32 $0x7F, v0;
	v1 =	vand.u32 $0xFFFFFC00, v1  }
0x43: {  	s24 =	sadd.s32 $0x10, s24;
	v0 =	vor.u32 v0, v1  }
0x44: {  	s23 =	sand.u32 $0x1F0, s23;
	[tilespmem:s24+$0x0] =	vst v0;
	v1 =	vor.u32 $0x100, v0  }
0x45: {  	v2 =	vor.u32 $0x80, v0;
	[tilespmem:s23+$0x800] =	vst v1  }
0x46: {  	v1 =	vor.u32 $0x180, v0;
	[tilespmem:s23+$0x600] =	vst v2  }
0x47: {  	v2 =	vor.u32 $0x200, v0;
	[tilespmem:s23+$0xA00] =	vst v1  }
0x48: {  	v1 =	vor.u32 $0x280, v0;
	[tilespmem:s23+$0xC00] =	vst v2  }
0x49: {  	v2 =	vor.u32 $0x300, v0;
	[tilespmem:s23+$0xE00] =	vst v1  }
0x4a: {  	v1 =	vor.u32 $0x380, v0;
	[tilespmem:s23+$0x1000] =	vst v2  }
0x4b: {  	v2 =	vadd.s32 $0x7A1400, v0;
	[tilespmem:s23+$0x1200] =	vst v1  }
0x4c: {  	v1 =	vadd.s32 $0x7A1480, v0;
	[tilespmem:s23+$0x1400] =	vst v2  }
0x4d: {  	v2 =	vadd.s32 $0x7A1500, v0;
	[tilespmem:s23+$0x1600] =	vst v1  }
0x4e: {  	v1 =	vadd.s32 $0x7A1580, v0;
	[tilespmem:s23+$0x1800] =	vst v2  }
0x4f: {  	v2 =	vadd.s32 $0x7A1600, v0;
	[tilespmem:s23+$0x1A00] =	vst v1  }
0x50: {  	v1 =	vadd.s32 $0x7A1680, v0;
	[tilespmem:s23+$0x1C00] =	vst v2  }
0x51: {  	v2 =	vadd.s32 $0x7A1700, v0;
	[tilespmem:s23+$0x1E00] =	vst v1  }
0x52: {  	v0 =	vadd.s32 $0x7A1780, v0;
	[tilespmem:s23+$0x2000] =	vst v2  }
0x53: {  	s30 =	simm.s32 $0x200;
	[tilespmem:s23+$0x2200] =	vst v0  }
0x54: {  	[tilespmem:s15], [sflag:$0x1] =	stream.indirect.gather [hbm4b:s3+s13], $0x1, s14, s13, $0xb8;
	[tilespmem:$0x8A00] =	vst v63  }
0x55: {  	v0 =	vld [tilespmem:s30+$0x0];
	_ =	sdelay $0x4  }
0x56: {  	v1 =	vshll.u32 v0, $0x3  }
0x57: {  	v0 =	vand.u32 $0x7F, v0;
	v1 =	vand.u32 $0xFFFFFC00, v1  }
0x58: {  	s31 =	simm.s32 $0x0;
	s23 =	simm.s32 $0x2400;
	v0 =	vor.u32 v0, v1  }
0x59: {  	s24 =	sand.u32 $0x1F0, s31;
	[tilespmem:s23+$0x0] =	vst v0;
	v1 =	vor.u32 $0x100, v0  }
0x5a: {  	v2 =	vor.u32 $0x80, v0;
	[tilespmem:s24+$0x2800] =	vst v1  }
0x5b: {  	v1 =	vor.u32 $0x180, v0;
	[tilespmem:s24+$0x2600] =	vst v2  }
0x5c: {  	v2 =	vor.u32 $0x200, v0;
	[tilespmem:s24+$0x2A00] =	vst v1  }
0x5d: {  	v1 =	vor.u32 $0x280, v0;
	[tilespmem:s24+$0x2C00] =	vst v2  }
0x5e: {  	v2 =	vor.u32 $0x300, v0;
	[tilespmem:s24+$0x2E00] =	vst v1  }
0x5f: {  	v1 =	vor.u32 $0x380, v0;
	[tilespmem:s24+$0x3000] =	vst v2  }
0x60: {  	v2 =	vadd.s32 $0x7A1400, v0;
	[tilespmem:s24+$0x3200] =	vst v1  }
0x61: {  	v1 =	vadd.s32 $0x7A1480, v0;
	[tilespmem:s24+$0x3400] =	vst v2  }
0x62: {  	v2 =	vadd.s32 $0x7A1500, v0;
	[tilespmem:s24+$0x3600] =	vst v1  }
0x63: {  	v1 =	vadd.s32 $0x7A1580, v0;
	[tilespmem:s24+$0x3800] =	vst v2  }
0x64: {  	v2 =	vadd.s32 $0x7A1600, v0;
	[tilespmem:s24+$0x3A00] =	vst v1  }
0x65: {  	v1 =	vadd.s32 $0x7A1680, v0;
	[tilespmem:s24+$0x3C00] =	vst v2  }
0x66: {  	v2 =	vadd.s32 $0x7A1700, v0;
	[tilespmem:s24+$0x3E00] =	vst v1  }
0x67: {  	v0 =	vadd.s32 $0x7A1780, v0;
	[tilespmem:s24+$0x4000] =	vst v2  }
0x68: {  	s25 =	simm.s32 $0x210;
	[tilespmem:s24+$0x4200] =	vst v0  }
0x69: {  	s26 =	simm.s32 $0x20;
	s24 =	simm.s32 $0x10;
	v0 =	vld [tilespmem:s25+$0x0]  }
.LBB2_4:
0x6a: {  	p0 =	sne.s32 s26, $0x1F0;
	_ =	sdelay $0x3  }
0x6b: {  	v1 =	vshll.u32 v0, $0x3  }
0x6c: {  	v0 =	vand.u32 $0x7F, v0;
	v1 =	vand.u32 $0xFFFFFC00, v1  }
0x6d: {  	s23 =	sadd.s32 $0x10, s23;
	v0 =	vor.u32 v0, v1  }
0x6e: {  	s28 =	sand.u32 $0x1F0, s24;
	s24 =	smov.u32 s26;
	[tilespmem:s23+$0x0] =	vst v0;
	v1 =	vor.u32 $0x80, v0;
	v2 =	vor.u32 $0x100, v0;
	v3 =	vor.u32 $0x180, v0  }
0x6f: {  	v4 =	vor.u32 $0x280, v0;
	v5 =	vor.u32 $0x300, v0;
	[tilespmem:s28+$0x2800] =	vst v2;
	v2 =	vor.u32 $0x200, v0  }
0x70: {  	v6 =	vadd.s32 $0x7A1400, v0;
	v7 =	vadd.s32 $0x7A1480, v0;
	[tilespmem:s28+$0x2600] =	vst v1;
	v1 =	vor.u32 $0x380, v0  }
0x71: {  	v8 =	vadd.s32 $0x7A1580, v0;
	[tilespmem:s28+$0x2A00] =	vst v3;
	v3 =	vadd.s32 $0x7A1500, v0  }
0x72: {  	v9 =	vadd.s32 $0x7A1680, v0;
	[tilespmem:s28+$0x2C00] =	vst v2;
	v2 =	vadd.s32 $0x7A1600, v0  }
0x73: {  	[tilespmem:s28+$0x2E00] =	vst v4;
	v4 =	vadd.s32 $0x7A1700, v0;
	v0 =	vadd.s32 $0x7A1780, v0  }
0x74: {  	[tilespmem:s28+$0x3000] =	vst v5  }
0x75: {  	[tilespmem:s28+$0x3200] =	vst v1  }
0x76: {  	[tilespmem:s28+$0x3400] =	vst v6  }
0x77: {  	[tilespmem:s28+$0x3600] =	vst v7  }
0x78: {  	[tilespmem:s28+$0x3800] =	vst v3  }
0x79: {  	[tilespmem:s28+$0x3A00] =	vst v8  }
.Ltmp1:
0x7a: {  	[tilespmem:s28+$0x3C00] =	vst v2;
	(pc) =	sbr.rel @p0 .LBB2_4-.Ltmp1, $4  }
0x7b: {  	[tilespmem:s28+$0x3E00] =	vst v9  }
0x7c: {  	[tilespmem:s28+$0x4000] =	vst v4  }
0x7d: {  	s25 =	sadd.s32 $0x10, s25;
	[tilespmem:s28+$0x4200] =	vst v0  }
0x7e: {  	s26 =	sadd.s32 $0x10, s26;
	v0 =	vld [tilespmem:s25+$0x0]  }
0x7f: {  	_ =	sdelay $0x3  }
0x80: {  	v1 =	vshll.u32 v0, $0x3  }
0x81: {  	v0 =	vand.u32 $0x7F, v0;
	v1 =	vand.u32 $0xFFFFFC00, v1  }
0x82: {  	s23 =	sadd.s32 $0x10, s23;
	v0 =	vor.u32 v0, v1  }
0x83: {  	s30 =	sand.u32 $0x1F0, s24;
	[tilespmem:s23+$0x0] =	vst v0;
	v1 =	vor.u32 $0x100, v0  }
0x84: {  	v2 =	vor.u32 $0x80, v0;
	[tilespmem:s30+$0x2800] =	vst v1  }
0x85: {  	v1 =	vor.u32 $0x180, v0;
	[tilespmem:s30+$0x2600] =	vst v2  }
0x86: {  	v2 =	vor.u32 $0x200, v0;
	[tilespmem:s30+$0x2A00] =	vst v1  }
0x87: {  	v1 =	vor.u32 $0x280, v0;
	[tilespmem:s30+$0x2C00] =	vst v2  }
0x88: {  	v2 =	vor.u32 $0x300, v0;
	[tilespmem:s30+$0x2E00] =	vst v1  }
0x89: {  	v1 =	vor.u32 $0x380, v0;
	[tilespmem:s30+$0x3000] =	vst v2  }
0x8a: {  	v2 =	vadd.s32 $0x7A1400, v0;
	[tilespmem:s30+$0x3200] =	vst v1  }
0x8b: {  	v1 =	vadd.s32 $0x7A1480, v0;
	[tilespmem:s30+$0x3400] =	vst v2  }
0x8c: {  	v2 =	vadd.s32 $0x7A1500, v0;
	[tilespmem:s30+$0x3600] =	vst v1  }
0x8d: {  	v1 =	vadd.s32 $0x7A1580, v0;
	[tilespmem:s30+$0x3800] =	vst v2  }
0x8e: {  	v2 =	vadd.s32 $0x7A1600, v0;
	[tilespmem:s30+$0x3A00] =	vst v1  }
0x8f: {  	v1 =	vadd.s32 $0x7A1680, v0;
	[tilespmem:s30+$0x3C00] =	vst v2  }
0x90: {  	v2 =	vadd.s32 $0x7A1700, v0;
	[tilespmem:s30+$0x3E00] =	vst v1  }
0x91: {  	v0 =	vadd.s32 $0x7A1780, v0;
	[tilespmem:s30+$0x4000] =	vst v2  }
0x92: {  	[tilespmem:s30+$0x4200] =	vst v0  }
0x93: {  	[tilespmem:s17], [sflag:$0x1] =	stream.indirect.gather [hbm4b:s4+s13], $0x1, s16, s13, $0xb8;
	[tilespmem:$0x8A00] =	vst v63  }
0x94: {  	s31 =	simm.s32 $0x0  }
0x95: {  	[tilespmem:s18], [sflag:$0x2] =	stream.linear.gather [hbm4b:s7+s31], $0x200, $0x38;
	[tilespmem:$0x8A00] =	vst v63  }
0x96: {  	_ =	swait.ge [sflag:s11], $0x200  }
0x97: {  	[sflag:s11] =	ssyncset.done $0x0  }
0x98: {  	[sflag:s11] =	ssyncadd.s32 $0xFFFFFE00  }
0x99: {  	[tilespmem:s19], [sflag:$0x2] =	stream.linear.gather [hbm4b:s8+s31], $0x200, $0x38;
	[tilespmem:$0x8A00] =	vst v63  }
0x9a: {  	_ =	swait.ge [sflag:s11], $0x200  }
0x9b: {  	[sflag:s11] =	ssyncset.done $0x0  }
0x9c: {  	[sflag:s11] =	ssyncadd.s32 $0xFFFFFE00  }
0x9d: {  	_ =	swait.ge [sflag:s20], $0x2000  }
0x9e: {  	[sflag:s20] =	ssyncset.done $0x0  }
0x9f: {  	[sflag:s20] =	ssyncadd.s32 $0xFFFFE000  }
0xa0: {  	_ =	swait.ge [sflag:s20], $0x2000  }
0xa1: {  	[sflag:s20] =	ssyncset.done $0x0  }
0xa2: {  	s23 =	simm.s32 $0x0;
	[sflag:s20] =	ssyncadd.s32 $0xFFFFE000  }
0xa3: {  	v0 =	vld [tilespmem:s23+$0x8400]  }
0xa4: {  	v1 =	vld [tilespmem:s23+$0x8600]  }
0xa5: {  	v2 =	vld [tilespmem:s23+$0x4400]  }
0xa6: {  	v3 =	vld [tilespmem:s23+$0x6400]  }
0xa7: {  	v4 =	vld [tilespmem:s23+$0x4600]  }
0xa8: {  	v5 =	vld [tilespmem:s23+$0x6600]  }
0xa9: {  	v6 =	vld [tilespmem:s23+$0x4800];
	v1 =	vadd.f32 v1, v1  }
0xaa: {  	v7 =	vld [tilespmem:s23+$0x6800]  }
0xab: {  	v0 =	vadd.f32 v1, v0;
	v1 =	vmul.f32 v3, v2;
	v2 =	vld [tilespmem:s23+$0x4A00]  }
0xac: {  	v3 =	vld [tilespmem:s23+$0x6A00]  }
0xad: {  	v0 =	vadd.f32 v1, v0;
	v1 =	vmul.f32 v5, v4;
	v4 =	vld [tilespmem:s23+$0x4C00]  }
0xae: {  	v5 =	vld [tilespmem:s23+$0x6C00]  }
0xaf: {  	v0 =	vadd.f32 v1, v0;
	v1 =	vmul.f32 v7, v6;
	v6 =	vld [tilespmem:s23+$0x4E00]  }
0xb0: {  	v7 =	vld [tilespmem:s23+$0x6E00]  }
0xb1: {  	v0 =	vadd.f32 v1, v0;
	v1 =	vmul.f32 v3, v2;
	v2 =	vld [tilespmem:s23+$0x5000]  }
0xb2: {  	v3 =	vld [tilespmem:s23+$0x7000]  }
0xb3: {  	v0 =	vadd.f32 v1, v0;
	v1 =	vmul.f32 v5, v4;
	v4 =	vld [tilespmem:s23+$0x5200]  }
0xb4: {  	v5 =	vld [tilespmem:s23+$0x7200]  }
0xb5: {  	v0 =	vadd.f32 v1, v0;
	v1 =	vmul.f32 v7, v6;
	v6 =	vld [tilespmem:s23+$0x5400]  }
0xb6: {  	v7 =	vld [tilespmem:s23+$0x7400]  }
0xb7: {  	v0 =	vadd.f32 v1, v0;
	v1 =	vmul.f32 v3, v2;
	v2 =	vld [tilespmem:s23+$0x5600]  }
0xb8: {  	v3 =	vld [tilespmem:s23+$0x7600]  }
0xb9: {  	v0 =	vadd.f32 v1, v0;
	v1 =	vmul.f32 v5, v4;
	v4 =	vld [tilespmem:s23+$0x5800]  }
0xba: {  	v5 =	vld [tilespmem:s23+$0x7800]  }
0xbb: {  	v0 =	vadd.f32 v1, v0;
	v1 =	vmul.f32 v7, v6;
	v6 =	vld [tilespmem:s23+$0x5A00]  }
0xbc: {  	v7 =	vld [tilespmem:s23+$0x7A00]  }
0xbd: {  	v8 =	vld [tilespmem:s23+$0x7C00];
	v0 =	vadd.f32 v1, v0;
	v1 =	vmul.f32 v3, v2  }
0xbe: {  	v2 =	vld [tilespmem:s23+$0x5C00]  }
0xbf: {  	v9 =	vld [tilespmem:s23+$0x5E00];
	v0 =	vadd.f32 v1, v0;
	v1 =	vmul.f32 v5, v4  }
0xc0: {  	v10 =	vld [tilespmem:s23+$0x7E00]  }
0xc1: {  	v3 =	vld [tilespmem:s23+$0x8000];
	v4 =	vmul.f32 v7, v6;
	v0 =	vadd.f32 v1, v0  }
0xc2: {  	v1 =	vld [tilespmem:s23+$0x6000]  }
0xc3: {  	v6 =	vmul.f32 v8, v2;
	v2 =	vld [tilespmem:s23+$0x6200];
	v5 =	vadd.f32 v4, v0  }
0xc4: {  	s24 =	simm.s32 $0x10;
	v4 =	vld [tilespmem:s23+$0x8200]  }
0xc5: {  	s25 =	simm.s32 $0x80;
	v0 =	vld [tilespmem:s24+$0x8400];
	v5 =	vadd.f32 v6, v5;
	v6 =	vmul.f32 v10, v9  }
.LBB2_6:
0xc6: {  	p0 =	sne.s32 s25, $0x7C0;
	v7 =	vld [tilespmem:s24+$0x8600]  }
0xc7: {  	v8 =	vld [tilespmem:s24+$0x4400];
	v5 =	vadd.f32 v6, v5;
	v1 =	vmul.f32 v3, v1  }
0xc8: {  	v3 =	vld [tilespmem:s24+$0x6400]  }
0xc9: {  	v6 =	vld [tilespmem:s24+$0x4600];
	v1 =	vadd.f32 v1, v5;
	v2 =	vmul.f32 v4, v2  }
0xca: {  	v4 =	vld [tilespmem:s24+$0x6600]  }
0xcb: {  	v5 =	vadd.f32 v7, v7;
	v7 =	vld [tilespmem:s24+$0x4800];
	v1 =	vadd.f32 v2, v1  }
0xcc: {  	v2 =	vld [tilespmem:s24+$0x6800]  }
0xcd: {  	v0 =	vadd.f32 v5, v0;
	v3 =	vmul.f32 v3, v8;
	v5 =	vld [tilespmem:s24+$0x4A00];
	[tilespmem:s23+$0x8800] =	vst v1;
	s23 =	smov.u32 s24  }
0xce: {  	v1 =	vld [tilespmem:s23+$0x6A00]  }
0xcf: {  	v0 =	vadd.f32 v3, v0;
	v3 =	vmul.f32 v4, v6;
	v4 =	vld [tilespmem:s23+$0x4C00]  }
0xd0: {  	v6 =	vld [tilespmem:s23+$0x6C00]  }
0xd1: {  	v0 =	vadd.f32 v3, v0;
	v2 =	vmul.f32 v2, v7;
	v3 =	vld [tilespmem:s23+$0x4E00]  }
0xd2: {  	v7 =	vld [tilespmem:s23+$0x6E00]  }
0xd3: {  	v0 =	vadd.f32 v2, v0;
	v1 =	vmul.f32 v1, v5;
	v2 =	vld [tilespmem:s23+$0x5000]  }
0xd4: {  	v5 =	vld [tilespmem:s23+$0x7000]  }
0xd5: {  	v0 =	vadd.f32 v1, v0;
	v1 =	vmul.f32 v6, v4;
	v4 =	vld [tilespmem:s23+$0x5200]  }
0xd6: {  	v6 =	vld [tilespmem:s23+$0x7200]  }
0xd7: {  	v0 =	vadd.f32 v1, v0;
	v1 =	vmul.f32 v7, v3;
	v3 =	vld [tilespmem:s23+$0x5400]  }
0xd8: {  	v7 =	vld [tilespmem:s23+$0x7400]  }
0xd9: {  	v0 =	vadd.f32 v1, v0;
	v1 =	vmul.f32 v5, v2;
	v2 =	vld [tilespmem:s23+$0x5600]  }
0xda: {  	v5 =	vld [tilespmem:s23+$0x7600]  }
0xdb: {  	v0 =	vadd.f32 v1, v0;
	v1 =	vmul.f32 v6, v4;
	v4 =	vld [tilespmem:s23+$0x5800]  }
0xdc: {  	v6 =	vld [tilespmem:s23+$0x7800]  }
0xdd: {  	v0 =	vadd.f32 v1, v0;
	v1 =	vmul.f32 v7, v3;
	v3 =	vld [tilespmem:s23+$0x5A00]  }
0xde: {  	v7 =	vld [tilespmem:s23+$0x7A00]  }
0xdf: {  	v0 =	vadd.f32 v1, v0;
	v1 =	vmul.f32 v5, v2;
	v2 =	vld [tilespmem:s23+$0x5C00]  }
0xe0: {  	v5 =	vld [tilespmem:s23+$0x7C00]  }
0xe1: {  	v0 =	vadd.f32 v1, v0;
	v1 =	vmul.f32 v6, v4;
	v6 =	vld [tilespmem:s23+$0x5E00]  }
0xe2: {  	v8 =	vld [tilespmem:s23+$0x7E00]  }
.Ltmp2:
0xe3: {  	v0 =	vadd.f32 v1, v0;
	v4 =	vmul.f32 v7, v3;
	v1 =	vld [tilespmem:s23+$0x6000];
	(pc) =	sbr.rel @p0 .LBB2_6-.Ltmp2, $4  }
0xe4: {  	v3 =	vld [tilespmem:s23+$0x8000]  }
0xe5: {  	v7 =	vadd.f32 v4, v0;
	v5 =	vmul.f32 v5, v2;
	v2 =	vld [tilespmem:s23+$0x6200]  }
0xe6: {  	s24 =	sshra.s32 s25, $0x2;
	v4 =	vld [tilespmem:s23+$0x8200]  }
0xe7: {  	s25 =	sadd.s32 $0x40, s25;
	v0 =	vld [tilespmem:s24+$0x8400];
	v5 =	vadd.f32 v5, v7;
	v6 =	vmul.f32 v8, v6  }
0xe8: {  	v7 =	vld [tilespmem:s24+$0x8600]  }
0xe9: {  	v8 =	vld [tilespmem:s24+$0x4400];
	v5 =	vadd.f32 v6, v5;
	v1 =	vmul.f32 v3, v1  }
0xea: {  	v22 =	vld [tilespmem:s24+$0x6400]  }
0xeb: {  	v23 =	vld [tilespmem:s24+$0x4600];
	v1 =	vadd.f32 v1, v5;
	v2 =	vmul.f32 v4, v2  }
0xec: {  	v24 =	vld [tilespmem:s24+$0x6600]  }
0xed: {  	v25 =	vld [tilespmem:s24+$0x4800];
	v7 =	vadd.f32 v7, v7;
	v1 =	vadd.f32 v2, v1  }
0xee: {  	v26 =	vld [tilespmem:s24+$0x6800]  }
0xef: {  	v9 =	vld [tilespmem:s24+$0x4A00];
	v3 =	vmul.f32 v22, v8;
	v0 =	vadd.f32 v7, v0;
	[tilespmem:s23+$0x8800] =	vst v1  }
0xf0: {  	v1 =	vld [tilespmem:s24+$0x6A00]  }
0xf1: {  	v27 =	vmul.f32 v24, v23;
	v28 =	vld [tilespmem:s24+$0x4C00];
	v0 =	vadd.f32 v3, v0  }
0xf2: {  	v29 =	vld [tilespmem:s24+$0x6C00]  }
0xf3: {  	v2 =	vmul.f32 v26, v25;
	v30 =	vld [tilespmem:s24+$0x4E00];
	v0 =	vadd.f32 v27, v0  }
0xf4: {  	v31 =	vld [tilespmem:s24+$0x6E00]  }
0xf5: {  	v32 =	vld [tilespmem:s24+$0x5000];
	v0 =	vadd.f32 v2, v0;
	v1 =	vmul.f32 v1, v9  }
0xf6: {  	v33 =	vld [tilespmem:s24+$0x7000]  }
0xf7: {  	v35 =	vld [tilespmem:s24+$0x5200];
	v34 =	vmul.f32 v29, v28;
	v0 =	vadd.f32 v1, v0  }
0xf8: {  	v36 =	vld [tilespmem:s24+$0x7200]  }
0xf9: {  	v38 =	vld [tilespmem:s24+$0x5400];
	v37 =	vmul.f32 v31, v30;
	v0 =	vadd.f32 v34, v0  }
0xfa: {  	v39 =	vld [tilespmem:s24+$0x7400]  }
0xfb: {  	v41 =	vld [tilespmem:s24+$0x5600];
	v40 =	vmul.f32 v33, v32;
	v0 =	vadd.f32 v37, v0  }
0xfc: {  	v42 =	vld [tilespmem:s24+$0x7600]  }
0xfd: {  	v44 =	vld [tilespmem:s24+$0x5800];
	v43 =	vmul.f32 v36, v35;
	v0 =	vadd.f32 v40, v0  }
0xfe: {  	v45 =	vld [tilespmem:s24+$0x7800]  }
0xff: {  	v47 =	vld [tilespmem:s24+$0x5A00];
	v46 =	vmul.f32 v39, v38;
	v0 =	vadd.f32 v43, v0  }
0x100: {  	v48 =	vld [tilespmem:s24+$0x7A00]  }
0x101: {  	v50 =	vld [tilespmem:s24+$0x5C00];
	v49 =	vmul.f32 v42, v41;
	v0 =	vadd.f32 v46, v0  }
0x102: {  	v51 =	vld [tilespmem:s24+$0x7C00]  }
0x103: {  	v53 =	vld [tilespmem:s24+$0x5E00];
	v52 =	vmul.f32 v45, v44;
	v0 =	vadd.f32 v49, v0  }
0x104: {  	v54 =	vld [tilespmem:s24+$0x7E00]  }
0x105: {  	v56 =	vld [tilespmem:s24+$0x6000];
	v55 =	vmul.f32 v48, v47;
	v0 =	vadd.f32 v52, v0  }
0x106: {  	v57 =	vld [tilespmem:s24+$0x8000]  }
0x107: {  	v59 =	vld [tilespmem:s24+$0x6200];
	v58 =	vmul.f32 v51, v50;
	v0 =	vadd.f32 v55, v0  }
0x108: {  	v60 =	vld [tilespmem:s24+$0x8200]  }
0x109: {  	v61 =	vmul.f32 v54, v53;
	v0 =	vadd.f32 v58, v0;
	_ =	sdelay $0x1  }
0x10a: {  	v62 =	vmul.f32 v57, v56;
	v0 =	vadd.f32 v61, v0;
	_ =	sdelay $0x1  }
0x10b: {  	v63 =	vmul.f32 v60, v59;
	v0 =	vadd.f32 v62, v0;
	_ =	sdelay $0x1  }
0x10c: {  	s22 =	sadd.s32 $0x1, s22;
	v0 =	vadd.f32 v63, v0  }
0x10d: {  	p0 =	sne.s32 s22, s10  }
.Ltmp3:
0x10e: {  	[tilespmem:s24+$0x8800] =	vst v0;
	(pc) =	sbr.rel @p0 .LBB2_1-.Ltmp3, $4  }
0x10f: {  	[hbm4b:s9+s2] =	stream.linear.scatter [tilespmem:s21], [sflag:$0x2], $0x200, $0x38;
	[tilespmem:$0x8A00] =	vst v63  }
0x110: {  	_ =	swait.ge [sflag:s11], $0x200  }
0x111: {  	[sflag:s11] =	ssyncset.done $0x0  }
0x112: {  	[sflag:s11] =	ssyncadd.s32 $0xFFFFFE00  }
0x113: {  	_ =	sfence.sel $0x180000  }
0x114: {  	[bflag:$0x0] =	sbarrier.arrive $0xFFFF  }
0x115: {  	p0 =	sne.s32 s1, $0x0;
	_ =	strace $0x90000047  }
0x116: {  	s0 =	sadd.s32 @!p0 $0x100000, s0;
	[bflag:$0x2] =	sbarrier.arrive $0xFFFF  }
0x117: {  	[sflag:s0] =	ssyncadd.tile.s32 @!p0 $0x1;
	_ =	shalt  }
.Lfunc_end2:
_tile_overlayer_lowered:
.L_overlay_start_2:
0x118: {  	(tag) =	ssettag $0x2  }
0x119: {  	s0 =	rddreg [dreg:$0x0];
	s2 =	stileid.u32  }
0x11a: {  	s1 =	rddreg [dreg:$0x1];
	p0 =	sne.s32 s2, $0x0  }
0x11b: {  	s3 =	rddreg [dreg:$0x2];
	[bflag:$0x3] =	sbarrier.arrive $0xFFFF;
	s2 =	simm.s32 @!p0 $0x1C02  }
0x11c: {  	[timem:s3], [sflag:s2] =	dma.local @!p0 [hbm:s0], s1  }
0x11d: {  	s0 =	simm.s32 @!p0 $0x2  }
0x11e: {  	_ =	swait.ge @!p0 [sflag:s0], s1  }
0x11f: {  	s1 =	ssub.s32 @!p0 $0x0, s1;
	[sflag:s0] =	ssyncset.done @!p0 $0x0  }
0x120: {  	[sflag:s0] =	ssyncadd.s32 @!p0 s1  }
0x121: {  	[bflag:$0x3] =	sbarrier.arrive $0xFFFF  }
0x122: {  	_ =	shalt  }

</sc_bundles>
